<compile_context>
chip_gen: v7x
topology: tpu7x:2x2x1
jax: 0.10.2.dev20260603
libtpu: 0.0.44.dev20260713+nightly
codegen_flags: <defaults>
</compile_context>

<pallas_src>
import functools

import jax
import jax.numpy as jnp
from jax import lax
from jax.experimental import pallas as pl
from jax.experimental.pallas import tpu as pltpu
from jax.experimental.pallas import tpu_sc as plsc

M_ROWS = 1_000_000
HALF = M_ROWS // 2
D = 64
B = 16384
NTILES = 16
EPT = B // NTILES
CH = 128
NCH = EPT // CH
LANES = 16

_mesh = plsc.VectorSubcoreMesh(core_axis_name="c", subcore_axis_name="s")


def _sc_body(mem_hbm, idx_hbm, val_hbm, out_hbm,
             rep_t, acc_s, idx_v, r_v, o_v, pos_v, t_v, val_v, g_v, m_v, sem):
    core = lax.axis_index("c")
    tid = lax.axis_index("s")

    @pl.when(core == 0)
    def _():
        ebase = tid * EPT

        for c in range(NCH):
            pltpu.sync_copy(idx_hbm.at[pl.ds(ebase + c * CH, CH)],
                            idx_v.at[c])

        for c in range(NCH):
            def _fill_pos(j, _):
                pos_v[c, pl.ds(j * LANES, LANES)] = (
                    lax.iota(jnp.int32, LANES) + (ebase + c * CH + j * LANES))
                return 0
            lax.fori_loop(0, CH // LANES, _fill_pos, 0)

        def _zero_row(i, _):
            for q in range(D // LANES):
                val_v[i, pl.ds(q * LANES, LANES)] = jnp.zeros(
                    (LANES,), jnp.float32)
            return 0
        lax.fori_loop(0, CH, _zero_row, 0)
        for c in range(NCH):
            pltpu.sync_copy(val_v, acc_s.at[pl.ds(ebase + c * CH, CH)])

        for h in range(2):
            base = h * HALF

            for c in range(NCH):
                def _mk_off(j, _):
                    sl = pl.ds(j * LANES, LANES)
                    iv = idx_v[c, sl]
                    ok = (iv >= base) & (iv < base + HALF)
                    o_v[c, sl] = jnp.where(ok, iv - base, HALF + tid)
                    return 0
                lax.fori_loop(0, CH // LANES, _mk_off, 0)
                pltpu.sync_copy(pos_v.at[c], rep_t.at[o_v.at[c]])
            plsc.subcore_barrier()
            for c in range(NCH):
                pltpu.sync_copy(rep_t.at[o_v.at[c]], t_v)

                def _merge(j, _):
                    sl = pl.ds(j * LANES, LANES)
                    iv = idx_v[c, sl]
                    ok = (iv >= base) & (iv < base + HALF)
                    r_v[c, sl] = jnp.where(ok, t_v[sl], r_v[c, sl])
                    return 0
                lax.fori_loop(0, CH // LANES, _merge, 0)
            plsc.subcore_barrier()

        for c in range(NCH):
            pltpu.sync_copy(val_hbm.at[pl.ds(ebase + c * CH, CH)], val_v)
            pltpu.sync_copy(val_v, acc_s.at[r_v.at[c]], add=True)
        plsc.subcore_barrier()

        for c in range(NCH):
            pltpu.async_copy(mem_hbm.at[idx_v.at[c]], m_v, sem).wait()
            pltpu.sync_copy(acc_s.at[r_v.at[c]], g_v)

            def _add_row(i, _):
                for q in range(D // LANES):
                    sl = pl.ds(q * LANES, LANES)
                    g_v[i, sl] = g_v[i, sl] + m_v[i, sl]
                return 0
            lax.fori_loop(0, CH, _add_row, 0)
            pltpu.sync_copy(g_v, out_hbm.at[pl.ds(ebase + c * CH, CH)])


_sc_call = functools.partial(
    pl.kernel,
    out_type=jax.ShapeDtypeStruct((B, D), jnp.float32),
    mesh=_mesh,
    scratch_types=[
        pltpu.VMEM_SHARED((HALF + NTILES,), jnp.int32),
        pltpu.VMEM_SHARED((B, D), jnp.float32),
        pltpu.VMEM((NCH, CH), jnp.int32),
        pltpu.VMEM((NCH, CH), jnp.int32),
        pltpu.VMEM((NCH, CH), jnp.int32),
        pltpu.VMEM((NCH, CH), jnp.int32),
        pltpu.VMEM((CH,), jnp.int32),
        pltpu.VMEM((CH, D), jnp.float32),
        pltpu.VMEM((CH, D), jnp.float32),
        pltpu.VMEM((CH, D), jnp.float32),
        pltpu.SemaphoreType.DMA,
    ],
    compiler_params=pltpu.CompilerParams(use_tc_tiling_on_sc=False),
)(_sc_body)


@jax.jit
def kernel(mem, idx, val):
    return _sc_call(mem, idx, val)

# --- scband reference (transcript-rebuilt; emitter-appended) ---
"""Pipeline reference for scband-tensor-board-42442866819802 (READ-ONLY COPY).

The authoritative reference and input builder live on the scoring server;
editing this copy changes nothing except your own understanding.
"""

import jax, jax.numpy as jnp
import numpy as np

M = 1000000
D = 64
B = 16384


def setup_inputs(seed: int = 0) -> dict:
    key = jax.random.key(seed)
    k1, k2, k3 = jax.random.split(key, 3)
    mem = jax.random.normal(k1, (M, D), dtype=jnp.float32)
    val = jax.random.normal(k2, (B, D), dtype=jnp.float32)
    idx = jax.random.randint(k3, (B,), 0, M, dtype=jnp.int32)
    return {"mem": mem, "idx": idx, "val": val}


def reference(mem, idx, val):
    # Scatter-memory update modeled on TensorBoard's state mutation pattern:
    # - scatter_add_ into per-game state tables (capture_counts / board_history writes)
    # - gather readback from the large indexed table (zobrist_stones_flat[colors, flat_idx])
    updated = mem.at[idx].add(val)            # scatter-add: routed writes into big memory
    out = jnp.take(updated, idx, axis=0)      # gather readback of the touched rows
    return out

if __name__ == "__main__":
    import jax
    _d = setup_inputs()
    print(jax.jit(kernel)(*tuple(_d.values())))

</pallas_src>

<mosaic_0001>
#map = affine_map<(d0, d1) -> (0, 0)>
#map1 = affine_map<(d0, d1) -> (0)>
module attributes {stable_mosaic.version = 14 : i64} {
  func.func @_sc_body(%arg0: i32, %arg1: i32, %arg2: memref<1000000x64xf32, #tpu.memory_space<hbm>>, %arg3: memref<16384xi32, #tpu.memory_space<hbm>>, %arg4: memref<16384x64xf32, #tpu.memory_space<hbm>>, %arg5: memref<16384x64xf32, #tpu.memory_space<hbm>>, %arg6: memref<500016xi32, #tpu.memory_space<vmem_shared>>, %arg7: memref<16384x64xf32, #tpu.memory_space<vmem_shared>>, %arg8: memref<8x128xi32, #tpu.memory_space<vmem>>, %arg9: memref<8x128xi32, #tpu.memory_space<vmem>>, %arg10: memref<8x128xi32, #tpu.memory_space<vmem>>, %arg11: memref<8x128xi32, #tpu.memory_space<vmem>>, %arg12: memref<128xi32, #tpu.memory_space<vmem>>, %arg13: memref<128x64xf32, #tpu.memory_space<vmem>>, %arg14: memref<128x64xf32, #tpu.memory_space<vmem>>, %arg15: memref<128x64xf32, #tpu.memory_space<vmem>>, %arg16: memref<!tpu.dma_semaphore, #tpu.memory_space<semaphore_mem>>) attributes {dimension_semantics = [#tpu.dimension_semantics<core_parallel>, #tpu.dimension_semantics<subcore_parallel>], iteration_bounds = array<i64: 2, 16>, scalar_prefetch = 0 : i64, scratch_operands = 11 : i64, tpu.core_type = #tpu.core_type<sc_vector_subcore>, window_params = [{transform_indices = #map}, {transform_indices = #map1}, {transform_indices = #map}, {transform_indices = #map}]} {
    %eq3A = arith.constant 0 : i32
    %eq3A_0 = arith.cmpi eq, %arg0, %eq3A : i32
    %convert_element_type3A = arith.extui %eq3A_0 : i1 to i32
    %cond3A = arith.constant 0 : i32
    %cond3A_1 = arith.cmpi ne, %convert_element_type3A, %cond3A : i32
    scf.if %cond3A_1 {
      %mul3A = arith.constant 1024 : i32
      %mul3A_2 = arith.muli %arg1, %mul3A : i32
      %add3A = arith.constant 0 : i32
      %add3A_3 = arith.addi %mul3A_2, %add3A : i32
      %run_scoped3A = arith.constant 0 : i32
      "tpu.region"() ({
        %run_scoped3A_593 = tpu.sem_alloc : memref<!tpu.dma_semaphore, #tpu.memory_space<semaphore_mem>>
        %dma_start3A_594 = arith.constant 0 : i32
        %dma_start3A_595 = tpu.memref_slice %arg8[%run_scoped3A, %dma_start3A_594] : memref<8x128xi32, #tpu.memory_space<vmem>> -> memref<1x128xi32, #tpu.memory_space<vmem>>
        %dma_start3A_596 = tpu.memref_squeeze %dma_start3A_595 : memref<1x128xi32, #tpu.memory_space<vmem>> -> memref<128xi32, #tpu.memory_space<vmem>>
        %dma_start3A_597 = tpu.memref_slice %arg3[%add3A_3] : memref<16384xi32, #tpu.memory_space<hbm>> -> memref<128xi32, #tpu.memory_space<hbm>>
        %dma_start3A_598 = arith.constant 0 : i32
        %dma_start3A_599 = tpu.memref_slice %arg8[%run_scoped3A, %dma_start3A_598] : memref<8x128xi32, #tpu.memory_space<vmem>> -> memref<1x128xi32, #tpu.memory_space<vmem>>
        %dma_start3A_600 = tpu.memref_squeeze %dma_start3A_599 : memref<1x128xi32, #tpu.memory_space<vmem>> -> memref<128xi32, #tpu.memory_space<vmem>>
        %dma_start3A_601 = tpu.memref_slice %arg3[%add3A_3] : memref<16384xi32, #tpu.memory_space<hbm>> -> memref<128xi32, #tpu.memory_space<hbm>>
        tpu.enqueue_dma source(%dma_start3A_601 : memref<128xi32, #tpu.memory_space<hbm>>) target(%dma_start3A_600 : memref<128xi32, #tpu.memory_space<vmem>>) target_semaphore(%run_scoped3A_593 : memref<!tpu.dma_semaphore, #tpu.memory_space<semaphore_mem>>)
        %dma_wait3A_602 = arith.constant 0 : i32
        %dma_wait3A_603 = tpu.memref_slice %arg8[%run_scoped3A, %dma_wait3A_602] : memref<8x128xi32, #tpu.memory_space<vmem>> -> memref<1x128xi32, #tpu.memory_space<vmem>>
        %dma_wait3A_604 = tpu.memref_squeeze %dma_wait3A_603 : memref<1x128xi32, #tpu.memory_space<vmem>> -> memref<128xi32, #tpu.memory_space<vmem>>
        %dma_wait3A_605 = tpu.memref_slice %arg3[%add3A_3] : memref<16384xi32, #tpu.memory_space<hbm>> -> memref<128xi32, #tpu.memory_space<hbm>>
        %dma_wait3A_606 = arith.constant 0 : i32
        %dma_wait3A_607 = tpu.memref_slice %arg8[%run_scoped3A, %dma_wait3A_606] : memref<8x128xi32, #tpu.memory_space<vmem>> -> memref<1x128xi32, #tpu.memory_space<vmem>>
        %dma_wait3A_608 = tpu.memref_squeeze %dma_wait3A_607 : memref<1x128xi32, #tpu.memory_space<vmem>> -> memref<128xi32, #tpu.memory_space<vmem>>
        %dma_wait3A_609 = tpu.memref_slice %arg3[%add3A_3] : memref<16384xi32, #tpu.memory_space<hbm>> -> memref<128xi32, #tpu.memory_space<hbm>>
        tpu.wait_dma2 semaphore(%run_scoped3A_593 : memref<!tpu.dma_semaphore, #tpu.memory_space<semaphore_mem>>) src(%dma_wait3A_609 : memref<128xi32, #tpu.memory_space<hbm>>) dst(%dma_wait3A_608 : memref<128xi32, #tpu.memory_space<vmem>>)
        tpu.yield
      }) : () -> ()
      %add3A_4 = arith.constant 128 : i32
      %add3A_5 = arith.addi %mul3A_2, %add3A_4 : i32
      %run_scoped3A_6 = arith.constant 1 : i32
      "tpu.region"() ({
        %run_scoped3A_593 = tpu.sem_alloc : memref<!tpu.dma_semaphore, #tpu.memory_space<semaphore_mem>>
        %dma_start3A_594 = arith.constant 0 : i32
        %dma_start3A_595 = tpu.memref_slice %arg8[%run_scoped3A_6, %dma_start3A_594] : memref<8x128xi32, #tpu.memory_space<vmem>> -> memref<1x128xi32, #tpu.memory_space<vmem>>
        %dma_start3A_596 = tpu.memref_squeeze %dma_start3A_595 : memref<1x128xi32, #tpu.memory_space<vmem>> -> memref<128xi32, #tpu.memory_space<vmem>>
        %dma_start3A_597 = tpu.memref_slice %arg3[%add3A_5] : memref<16384xi32, #tpu.memory_space<hbm>> -> memref<128xi32, #tpu.memory_space<hbm>>
        %dma_start3A_598 = arith.constant 0 : i32
        %dma_start3A_599 = tpu.memref_slice %arg8[%run_scoped3A_6, %dma_start3A_598] : memref<8x128xi32, #tpu.memory_space<vmem>> -> memref<1x128xi32, #tpu.memory_space<vmem>>
        %dma_start3A_600 = tpu.memref_squeeze %dma_start3A_599 : memref<1x128xi32, #tpu.memory_space<vmem>> -> memref<128xi32, #tpu.memory_space<vmem>>
        %dma_start3A_601 = tpu.memref_slice %arg3[%add3A_5] : memref<16384xi32, #tpu.memory_space<hbm>> -> memref<128xi32, #tpu.memory_space<hbm>>
        tpu.enqueue_dma source(%dma_start3A_601 : memref<128xi32, #tpu.memory_space<hbm>>) target(%dma_start3A_600 : memref<128xi32, #tpu.memory_space<vmem>>) target_semaphore(%run_scoped3A_593 : memref<!tpu.dma_semaphore, #tpu.memory_space<semaphore_mem>>)
        %dma_wait3A_602 = arith.constant 0 : i32
        %dma_wait3A_603 = tpu.memref_slice %arg8[%run_scoped3A_6, %dma_wait3A_602] : memref<8x128xi32, #tpu.memory_space<vmem>> -> memref<1x128xi32, #tpu.memory_space<vmem>>
        %dma_wait3A_604 = tpu.memref_squeeze %dma_wait3A_603 : memref<1x128xi32, #tpu.memory_space<vmem>> -> memref<128xi32, #tpu.memory_space<vmem>>
        %dma_wait3A_605 = tpu.memref_slice %arg3[%add3A_5] : memref<16384xi32, #tpu.memory_space<hbm>> -> memref<128xi32, #tpu.memory_space<hbm>>
        %dma_wait3A_606 = arith.constant 0 : i32
        %dma_wait3A_607 = tpu.memref_slice %arg8[%run_scoped3A_6, %dma_wait3A_606] : memref<8x128xi32, #tpu.memory_space<vmem>> -> memref<1x128xi32, #tpu.memory_space<vmem>>
        %dma_wait3A_608 = tpu.memref_squeeze %dma_wait3A_607 : memref<1x128xi32, #tpu.memory_space<vmem>> -> memref<128xi32, #tpu.memory_space<vmem>>
        %dma_wait3A_609 = tpu.memref_slice %arg3[%add3A_5] : memref<16384xi32, #tpu.memory_space<hbm>> -> memref<128xi32, #tpu.memory_space<hbm>>
        tpu.wait_dma2 semaphore(%run_scoped3A_593 : memref<!tpu.dma_semaphore, #tpu.memory_space<semaphore_mem>>) src(%dma_wait3A_609 : memref<128xi32, #tpu.memory_space<hbm>>) dst(%dma_wait3A_608 : memref<128xi32, #tpu.memory_space<vmem>>)
        tpu.yield
      }) : () -> ()
      %add3A_7 = arith.constant 256 : i32
      %add3A_8 = arith.addi %mul3A_2, %add3A_7 : i32
      %run_scoped3A_9 = arith.constant 2 : i32
      "tpu.region"() ({
        %run_scoped3A_593 = tpu.sem_alloc : memref<!tpu.dma_semaphore, #tpu.memory_space<semaphore_mem>>
        %dma_start3A_594 = arith.constant 0 : i32
        %dma_start3A_595 = tpu.memref_slice %arg8[%run_scoped3A_9, %dma_start3A_594] : memref<8x128xi32, #tpu.memory_space<vmem>> -> memref<1x128xi32, #tpu.memory_space<vmem>>
        %dma_start3A_596 = tpu.memref_squeeze %dma_start3A_595 : memref<1x128xi32, #tpu.memory_space<vmem>> -> memref<128xi32, #tpu.memory_space<vmem>>
        %dma_start3A_597 = tpu.memref_slice %arg3[%add3A_8] : memref<16384xi32, #tpu.memory_space<hbm>> -> memref<128xi32, #tpu.memory_space<hbm>>
        %dma_start3A_598 = arith.constant 0 : i32
        %dma_start3A_599 = tpu.memref_slice %arg8[%run_scoped3A_9, %dma_start3A_598] : memref<8x128xi32, #tpu.memory_space<vmem>> -> memref<1x128xi32, #tpu.memory_space<vmem>>
        %dma_start3A_600 = tpu.memref_squeeze %dma_start3A_599 : memref<1x128xi32, #tpu.memory_space<vmem>> -> memref<128xi32, #tpu.memory_space<vmem>>
        %dma_start3A_601 = tpu.memref_slice %arg3[%add3A_8] : memref<16384xi32, #tpu.memory_space<hbm>> -> memref<128xi32, #tpu.memory_space<hbm>>
        tpu.enqueue_dma source(%dma_start3A_601 : memref<128xi32, #tpu.memory_space<hbm>>) target(%dma_start3A_600 : memref<128xi32, #tpu.memory_space<vmem>>) target_semaphore(%run_scoped3A_593 : memref<!tpu.dma_semaphore, #tpu.memory_space<semaphore_mem>>)
        %dma_wait3A_602 = arith.constant 0 : i32
        %dma_wait3A_603 = tpu.memref_slice %arg8[%run_scoped3A_9, %dma_wait3A_602] : memref<8x128xi32, #tpu.memory_space<vmem>> -> memref<1x128xi32, #tpu.memory_space<vmem>>
        %dma_wait3A_604 = tpu.memref_squeeze %dma_wait3A_603 : memref<1x128xi32, #tpu.memory_space<vmem>> -> memref<128xi32, #tpu.memory_space<vmem>>
        %dma_wait3A_605 = tpu.memref_slice %arg3[%add3A_8] : memref<16384xi32, #tpu.memory_space<hbm>> -> memref<128xi32, #tpu.memory_space<hbm>>
        %dma_wait3A_606 = arith.constant 0 : i32
        %dma_wait3A_607 = tpu.memref_slice %arg8[%run_scoped3A_9, %dma_wait3A_606] : memref<8x128xi32, #tpu.memory_space<vmem>> -> memref<1x128xi32, #tpu.memory_space<vmem>>
        %dma_wait3A_608 = tpu.memref_squeeze %dma_wait3A_607 : memref<1x128xi32, #tpu.memory_space<vmem>> -> memref<128xi32, #tpu.memory_space<vmem>>
        %dma_wait3A_609 = tpu.memref_slice %arg3[%add3A_8] : memref<16384xi32, #tpu.memory_space<hbm>> -> memref<128xi32, #tpu.memory_space<hbm>>
        tpu.wait_dma2 semaphore(%run_scoped3A_593 : memref<!tpu.dma_semaphore, #tpu.memory_space<semaphore_mem>>) src(%dma_wait3A_609 : memref<128xi32, #tpu.memory_space<hbm>>) dst(%dma_wait3A_608 : memref<128xi32, #tpu.memory_space<vmem>>)
        tpu.yield
      }) : () -> ()
      %add3A_10 = arith.constant 384 : i32
      %add3A_11 = arith.addi %mul3A_2, %add3A_10 : i32
      %run_scoped3A_12 = arith.constant 3 : i32
      "tpu.region"() ({
        %run_scoped3A_593 = tpu.sem_alloc : memref<!tpu.dma_semaphore, #tpu.memory_space<semaphore_mem>>
        %dma_start3A_594 = arith.constant 0 : i32
        %dma_start3A_595 = tpu.memref_slice %arg8[%run_scoped3A_12, %dma_start3A_594] : memref<8x128xi32, #tpu.memory_space<vmem>> -> memref<1x128xi32, #tpu.memory_space<vmem>>
        %dma_start3A_596 = tpu.memref_squeeze %dma_start3A_595 : memref<1x128xi32, #tpu.memory_space<vmem>> -> memref<128xi32, #tpu.memory_space<vmem>>
        %dma_start3A_597 = tpu.memref_slice %arg3[%add3A_11] : memref<16384xi32, #tpu.memory_space<hbm>> -> memref<128xi32, #tpu.memory_space<hbm>>
        %dma_start3A_598 = arith.constant 0 : i32
        %dma_start3A_599 = tpu.memref_slice %arg8[%run_scoped3A_12, %dma_start3A_598] : memref<8x128xi32, #tpu.memory_space<vmem>> -> memref<1x128xi32, #tpu.memory_space<vmem>>
        %dma_start3A_600 = tpu.memref_squeeze %dma_start3A_599 : memref<1x128xi32, #tpu.memory_space<vmem>> -> memref<128xi32, #tpu.memory_space<vmem>>
        %dma_start3A_601 = tpu.memref_slice %arg3[%add3A_11] : memref<16384xi32, #tpu.memory_space<hbm>> -> memref<128xi32, #tpu.memory_space<hbm>>
        tpu.enqueue_dma source(%dma_start3A_601 : memref<128xi32, #tpu.memory_space<hbm>>) target(%dma_start3A_600 : memref<128xi32, #tpu.memory_space<vmem>>) target_semaphore(%run_scoped3A_593 : memref<!tpu.dma_semaphore, #tpu.memory_space<semaphore_mem>>)
        %dma_wait3A_602 = arith.constant 0 : i32
        %dma_wait3A_603 = tpu.memref_slice %arg8[%run_scoped3A_12, %dma_wait3A_602] : memref<8x128xi32, #tpu.memory_space<vmem>> -> memref<1x128xi32, #tpu.memory_space<vmem>>
        %dma_wait3A_604 = tpu.memref_squeeze %dma_wait3A_603 : memref<1x128xi32, #tpu.memory_space<vmem>> -> memref<128xi32, #tpu.memory_space<vmem>>
        %dma_wait3A_605 = tpu.memref_slice %arg3[%add3A_11] : memref<16384xi32, #tpu.memory_space<hbm>> -> memref<128xi32, #tpu.memory_space<hbm>>
        %dma_wait3A_606 = arith.constant 0 : i32
        %dma_wait3A_607 = tpu.memref_slice %arg8[%run_scoped3A_12, %dma_wait3A_606] : memref<8x128xi32, #tpu.memory_space<vmem>> -> memref<1x128xi32, #tpu.memory_space<vmem>>
        %dma_wait3A_608 = tpu.memref_squeeze %dma_wait3A_607 : memref<1x128xi32, #tpu.memory_space<vmem>> -> memref<128xi32, #tpu.memory_space<vmem>>
        %dma_wait3A_609 = tpu.memref_slice %arg3[%add3A_11] : memref<16384xi32, #tpu.memory_space<hbm>> -> memref<128xi32, #tpu.memory_space<hbm>>
        tpu.wait_dma2 semaphore(%run_scoped3A_593 : memref<!tpu.dma_semaphore, #tpu.memory_space<semaphore_mem>>) src(%dma_wait3A_609 : memref<128xi32, #tpu.memory_space<hbm>>) dst(%dma_wait3A_608 : memref<128xi32, #tpu.memory_space<vmem>>)
        tpu.yield
      }) : () -> ()
      %add3A_13 = arith.constant 512 : i32
      %add3A_14 = arith.addi %mul3A_2, %add3A_13 : i32
      %run_scoped3A_15 = arith.constant 4 : i32
      "tpu.region"() ({
        %run_scoped3A_593 = tpu.sem_alloc : memref<!tpu.dma_semaphore, #tpu.memory_space<semaphore_mem>>
        %dma_start3A_594 = arith.constant 0 : i32
        %dma_start3A_595 = tpu.memref_slice %arg8[%run_scoped3A_15, %dma_start3A_594] : memref<8x128xi32, #tpu.memory_space<vmem>> -> memref<1x128xi32, #tpu.memory_space<vmem>>
        %dma_start3A_596 = tpu.memref_squeeze %dma_start3A_595 : memref<1x128xi32, #tpu.memory_space<vmem>> -> memref<128xi32, #tpu.memory_space<vmem>>
        %dma_start3A_597 = tpu.memref_slice %arg3[%add3A_14] : memref<16384xi32, #tpu.memory_space<hbm>> -> memref<128xi32, #tpu.memory_space<hbm>>
        %dma_start3A_598 = arith.constant 0 : i32
        %dma_start3A_599 = tpu.memref_slice %arg8[%run_scoped3A_15, %dma_start3A_598] : memref<8x128xi32, #tpu.memory_space<vmem>> -> memref<1x128xi32, #tpu.memory_space<vmem>>
        %dma_start3A_600 = tpu.memref_squeeze %dma_start3A_599 : memref<1x128xi32, #tpu.memory_space<vmem>> -> memref<128xi32, #tpu.memory_space<vmem>>
        %dma_start3A_601 = tpu.memref_slice %arg3[%add3A_14] : memref<16384xi32, #tpu.memory_space<hbm>> -> memref<128xi32, #tpu.memory_space<hbm>>
        tpu.enqueue_dma source(%dma_start3A_601 : memref<128xi32, #tpu.memory_space<hbm>>) target(%dma_start3A_600 : memref<128xi32, #tpu.memory_space<vmem>>) target_semaphore(%run_scoped3A_593 : memref<!tpu.dma_semaphore, #tpu.memory_space<semaphore_mem>>)
        %dma_wait3A_602 = arith.constant 0 : i32
        %dma_wait3A_603 = tpu.memref_slice %arg8[%run_scoped3A_15, %dma_wait3A_602] : memref<8x128xi32, #tpu.memory_space<vmem>> -> memref<1x128xi32, #tpu.memory_space<vmem>>
        %dma_wait3A_604 = tpu.memref_squeeze %dma_wait3A_603 : memref<1x128xi32, #tpu.memory_space<vmem>> -> memref<128xi32, #tpu.memory_space<vmem>>
        %dma_wait3A_605 = tpu.memref_slice %arg3[%add3A_14] : memref<16384xi32, #tpu.memory_space<hbm>> -> memref<128xi32, #tpu.memory_space<hbm>>
        %dma_wait3A_606 = arith.constant 0 : i32
        %dma_wait3A_607 = tpu.memref_slice %arg8[%run_scoped3A_15, %dma_wait3A_606] : memref<8x128xi32, #tpu.memory_space<vmem>> -> memref<1x128xi32, #tpu.memory_space<vmem>>
        %dma_wait3A_608 = tpu.memref_squeeze %dma_wait3A_607 : memref<1x128xi32, #tpu.memory_space<vmem>> -> memref<128xi32, #tpu.memory_space<vmem>>
        %dma_wait3A_609 = tpu.memref_slice %arg3[%add3A_14] : memref<16384xi32, #tpu.memory_space<hbm>> -> memref<128xi32, #tpu.memory_space<hbm>>
        tpu.wait_dma2 semaphore(%run_scoped3A_593 : memref<!tpu.dma_semaphore, #tpu.memory_space<semaphore_mem>>) src(%dma_wait3A_609 : memref<128xi32, #tpu.memory_space<hbm>>) dst(%dma_wait3A_608 : memref<128xi32, #tpu.memory_space<vmem>>)
        tpu.yield
      }) : () -> ()
      %add3A_16 = arith.constant 640 : i32
      %add3A_17 = arith.addi %mul3A_2, %add3A_16 : i32
      %run_scoped3A_18 = arith.constant 5 : i32
      "tpu.region"() ({
        %run_scoped3A_593 = tpu.sem_alloc : memref<!tpu.dma_semaphore, #tpu.memory_space<semaphore_mem>>
        %dma_start3A_594 = arith.constant 0 : i32
        %dma_start3A_595 = tpu.memref_slice %arg8[%run_scoped3A_18, %dma_start3A_594] : memref<8x128xi32, #tpu.memory_space<vmem>> -> memref<1x128xi32, #tpu.memory_space<vmem>>
        %dma_start3A_596 = tpu.memref_squeeze %dma_start3A_595 : memref<1x128xi32, #tpu.memory_space<vmem>> -> memref<128xi32, #tpu.memory_space<vmem>>
        %dma_start3A_597 = tpu.memref_slice %arg3[%add3A_17] : memref<16384xi32, #tpu.memory_space<hbm>> -> memref<128xi32, #tpu.memory_space<hbm>>
        %dma_start3A_598 = arith.constant 0 : i32
        %dma_start3A_599 = tpu.memref_slice %arg8[%run_scoped3A_18, %dma_start3A_598] : memref<8x128xi32, #tpu.memory_space<vmem>> -> memref<1x128xi32, #tpu.memory_space<vmem>>
        %dma_start3A_600 = tpu.memref_squeeze %dma_start3A_599 : memref<1x128xi32, #tpu.memory_space<vmem>> -> memref<128xi32, #tpu.memory_space<vmem>>
        %dma_start3A_601 = tpu.memref_slice %arg3[%add3A_17] : memref<16384xi32, #tpu.memory_space<hbm>> -> memref<128xi32, #tpu.memory_space<hbm>>
        tpu.enqueue_dma source(%dma_start3A_601 : memref<128xi32, #tpu.memory_space<hbm>>) target(%dma_start3A_600 : memref<128xi32, #tpu.memory_space<vmem>>) target_semaphore(%run_scoped3A_593 : memref<!tpu.dma_semaphore, #tpu.memory_space<semaphore_mem>>)
        %dma_wait3A_602 = arith.constant 0 : i32
        %dma_wait3A_603 = tpu.memref_slice %arg8[%run_scoped3A_18, %dma_wait3A_602] : memref<8x128xi32, #tpu.memory_space<vmem>> -> memref<1x128xi32, #tpu.memory_space<vmem>>
        %dma_wait3A_604 = tpu.memref_squeeze %dma_wait3A_603 : memref<1x128xi32, #tpu.memory_space<vmem>> -> memref<128xi32, #tpu.memory_space<vmem>>
        %dma_wait3A_605 = tpu.memref_slice %arg3[%add3A_17] : memref<16384xi32, #tpu.memory_space<hbm>> -> memref<128xi32, #tpu.memory_space<hbm>>
        %dma_wait3A_606 = arith.constant 0 : i32
        %dma_wait3A_607 = tpu.memref_slice %arg8[%run_scoped3A_18, %dma_wait3A_606] : memref<8x128xi32, #tpu.memory_space<vmem>> -> memref<1x128xi32, #tpu.memory_space<vmem>>
        %dma_wait3A_608 = tpu.memref_squeeze %dma_wait3A_607 : memref<1x128xi32, #tpu.memory_space<vmem>> -> memref<128xi32, #tpu.memory_space<vmem>>
        %dma_wait3A_609 = tpu.memref_slice %arg3[%add3A_17] : memref<16384xi32, #tpu.memory_space<hbm>> -> memref<128xi32, #tpu.memory_space<hbm>>
        tpu.wait_dma2 semaphore(%run_scoped3A_593 : memref<!tpu.dma_semaphore, #tpu.memory_space<semaphore_mem>>) src(%dma_wait3A_609 : memref<128xi32, #tpu.memory_space<hbm>>) dst(%dma_wait3A_608 : memref<128xi32, #tpu.memory_space<vmem>>)
        tpu.yield
      }) : () -> ()
      %add3A_19 = arith.constant 768 : i32
      %add3A_20 = arith.addi %mul3A_2, %add3A_19 : i32
      %run_scoped3A_21 = arith.constant 6 : i32
      "tpu.region"() ({
        %run_scoped3A_593 = tpu.sem_alloc : memref<!tpu.dma_semaphore, #tpu.memory_space<semaphore_mem>>
        %dma_start3A_594 = arith.constant 0 : i32
        %dma_start3A_595 = tpu.memref_slice %arg8[%run_scoped3A_21, %dma_start3A_594] : memref<8x128xi32, #tpu.memory_space<vmem>> -> memref<1x128xi32, #tpu.memory_space<vmem>>
        %dma_start3A_596 = tpu.memref_squeeze %dma_start3A_595 : memref<1x128xi32, #tpu.memory_space<vmem>> -> memref<128xi32, #tpu.memory_space<vmem>>
        %dma_start3A_597 = tpu.memref_slice %arg3[%add3A_20] : memref<16384xi32, #tpu.memory_space<hbm>> -> memref<128xi32, #tpu.memory_space<hbm>>
        %dma_start3A_598 = arith.constant 0 : i32
        %dma_start3A_599 = tpu.memref_slice %arg8[%run_scoped3A_21, %dma_start3A_598] : memref<8x128xi32, #tpu.memory_space<vmem>> -> memref<1x128xi32, #tpu.memory_space<vmem>>
        %dma_start3A_600 = tpu.memref_squeeze %dma_start3A_599 : memref<1x128xi32, #tpu.memory_space<vmem>> -> memref<128xi32, #tpu.memory_space<vmem>>
        %dma_start3A_601 = tpu.memref_slice %arg3[%add3A_20] : memref<16384xi32, #tpu.memory_space<hbm>> -> memref<128xi32, #tpu.memory_space<hbm>>
        tpu.enqueue_dma source(%dma_start3A_601 : memref<128xi32, #tpu.memory_space<hbm>>) target(%dma_start3A_600 : memref<128xi32, #tpu.memory_space<vmem>>) target_semaphore(%run_scoped3A_593 : memref<!tpu.dma_semaphore, #tpu.memory_space<semaphore_mem>>)
        %dma_wait3A_602 = arith.constant 0 : i32
        %dma_wait3A_603 = tpu.memref_slice %arg8[%run_scoped3A_21, %dma_wait3A_602] : memref<8x128xi32, #tpu.memory_space<vmem>> -> memref<1x128xi32, #tpu.memory_space<vmem>>
        %dma_wait3A_604 = tpu.memref_squeeze %dma_wait3A_603 : memref<1x128xi32, #tpu.memory_space<vmem>> -> memref<128xi32, #tpu.memory_space<vmem>>
        %dma_wait3A_605 = tpu.memref_slice %arg3[%add3A_20] : memref<16384xi32, #tpu.memory_space<hbm>> -> memref<128xi32, #tpu.memory_space<hbm>>
        %dma_wait3A_606 = arith.constant 0 : i32
        %dma_wait3A_607 = tpu.memref_slice %arg8[%run_scoped3A_21, %dma_wait3A_606] : memref<8x128xi32, #tpu.memory_space<vmem>> -> memref<1x128xi32, #tpu.memory_space<vmem>>
        %dma_wait3A_608 = tpu.memref_squeeze %dma_wait3A_607 : memref<1x128xi32, #tpu.memory_space<vmem>> -> memref<128xi32, #tpu.memory_space<vmem>>
        %dma_wait3A_609 = tpu.memref_slice %arg3[%add3A_20] : memref<16384xi32, #tpu.memory_space<hbm>> -> memref<128xi32, #tpu.memory_space<hbm>>
        tpu.wait_dma2 semaphore(%run_scoped3A_593 : memref<!tpu.dma_semaphore, #tpu.memory_space<semaphore_mem>>) src(%dma_wait3A_609 : memref<128xi32, #tpu.memory_space<hbm>>) dst(%dma_wait3A_608 : memref<128xi32, #tpu.memory_space<vmem>>)
        tpu.yield
      }) : () -> ()
      %add3A_22 = arith.constant 896 : i32
      %add3A_23 = arith.addi %mul3A_2, %add3A_22 : i32
      %run_scoped3A_24 = arith.constant 7 : i32
      "tpu.region"() ({
        %run_scoped3A_593 = tpu.sem_alloc : memref<!tpu.dma_semaphore, #tpu.memory_space<semaphore_mem>>
        %dma_start3A_594 = arith.constant 0 : i32
        %dma_start3A_595 = tpu.memref_slice %arg8[%run_scoped3A_24, %dma_start3A_594] : memref<8x128xi32, #tpu.memory_space<vmem>> -> memref<1x128xi32, #tpu.memory_space<vmem>>
        %dma_start3A_596 = tpu.memref_squeeze %dma_start3A_595 : memref<1x128xi32, #tpu.memory_space<vmem>> -> memref<128xi32, #tpu.memory_space<vmem>>
        %dma_start3A_597 = tpu.memref_slice %arg3[%add3A_23] : memref<16384xi32, #tpu.memory_space<hbm>> -> memref<128xi32, #tpu.memory_space<hbm>>
        %dma_start3A_598 = arith.constant 0 : i32
        %dma_start3A_599 = tpu.memref_slice %arg8[%run_scoped3A_24, %dma_start3A_598] : memref<8x128xi32, #tpu.memory_space<vmem>> -> memref<1x128xi32, #tpu.memory_space<vmem>>
        %dma_start3A_600 = tpu.memref_squeeze %dma_start3A_599 : memref<1x128xi32, #tpu.memory_space<vmem>> -> memref<128xi32, #tpu.memory_space<vmem>>
        %dma_start3A_601 = tpu.memref_slice %arg3[%add3A_23] : memref<16384xi32, #tpu.memory_space<hbm>> -> memref<128xi32, #tpu.memory_space<hbm>>
        tpu.enqueue_dma source(%dma_start3A_601 : memref<128xi32, #tpu.memory_space<hbm>>) target(%dma_start3A_600 : memref<128xi32, #tpu.memory_space<vmem>>) target_semaphore(%run_scoped3A_593 : memref<!tpu.dma_semaphore, #tpu.memory_space<semaphore_mem>>)
        %dma_wait3A_602 = arith.constant 0 : i32
        %dma_wait3A_603 = tpu.memref_slice %arg8[%run_scoped3A_24, %dma_wait3A_602] : memref<8x128xi32, #tpu.memory_space<vmem>> -> memref<1x128xi32, #tpu.memory_space<vmem>>
        %dma_wait3A_604 = tpu.memref_squeeze %dma_wait3A_603 : memref<1x128xi32, #tpu.memory_space<vmem>> -> memref<128xi32, #tpu.memory_space<vmem>>
        %dma_wait3A_605 = tpu.memref_slice %arg3[%add3A_23] : memref<16384xi32, #tpu.memory_space<hbm>> -> memref<128xi32, #tpu.memory_space<hbm>>
        %dma_wait3A_606 = arith.constant 0 : i32
        %dma_wait3A_607 = tpu.memref_slice %arg8[%run_scoped3A_24, %dma_wait3A_606] : memref<8x128xi32, #tpu.memory_space<vmem>> -> memref<1x128xi32, #tpu.memory_space<vmem>>
        %dma_wait3A_608 = tpu.memref_squeeze %dma_wait3A_607 : memref<1x128xi32, #tpu.memory_space<vmem>> -> memref<128xi32, #tpu.memory_space<vmem>>
        %dma_wait3A_609 = tpu.memref_slice %arg3[%add3A_23] : memref<16384xi32, #tpu.memory_space<hbm>> -> memref<128xi32, #tpu.memory_space<hbm>>
        tpu.wait_dma2 semaphore(%run_scoped3A_593 : memref<!tpu.dma_semaphore, #tpu.memory_space<semaphore_mem>>) src(%dma_wait3A_609 : memref<128xi32, #tpu.memory_space<hbm>>) dst(%dma_wait3A_608 : memref<128xi32, #tpu.memory_space<vmem>>)
        tpu.yield
      }) : () -> ()
      %scan3A = arith.constant 0 : i32
      %scan3A_25 = arith.constant 0 : i32
      %scan3A_26 = arith.constant 8 : i32
      %scan3A_27 = arith.addi %scan3A_25, %scan3A_26 : i32
      %scan3A_28 = arith.constant 1 : i32
      %scan3A_29 = scf.for %scan3A_593 = %scan3A_25 to %scan3A_27 step %scan3A_28 iter_args(%scan3A_594 = %scan3A) -> (i32)  : i32 {
        %iota3A = tpu.iota {dimensions = array<i32: 0>} : vector<16xi32>
        %add3A_595 = arith.constant 0 : i32
        %add3A_596 = arith.addi %mul3A_2, %add3A_595 : i32
        %mul3A_597 = arith.constant 16 : i32
        %mul3A_598 = arith.muli %scan3A_593, %mul3A_597 : i32
        %add3A_599 = arith.addi %add3A_596, %mul3A_598 : i32
        %add3A_600 = vector.broadcast %add3A_599 : i32 to vector<16xi32>
        %add3A_601 = arith.addi %iota3A, %add3A_600 : vector<16xi32>
        %mul3A_602 = arith.constant 16 : i32
        %mul3A_603 = arith.muli %scan3A_593, %mul3A_602 : i32
        %swap3A = arith.constant 0 : i32
        %swap3A_604 = arith.index_cast %swap3A : i32 to index
        %swap3A_605 = arith.index_cast %mul3A_603 : i32 to index
        %swap3A_606 = tpu.vector_load %arg11[%swap3A_604, %swap3A_605] {strides = array<i32>} : memref<8x128xi32, #tpu.memory_space<vmem>>, vector<1x16xi32>,
        %swap3A_607 = vector.shape_cast %swap3A_606 : vector<1x16xi32> to vector<16xi32>
        %swap3A_608 = vector.shape_cast %add3A_601 : vector<16xi32> to vector<1x16xi32>
        tpu.vector_store %arg11[%swap3A_604, %swap3A_605], %swap3A_608 {strides = array<i32>} : memref<8x128xi32, #tpu.memory_space<vmem>>, vector<1x16xi32>,
        %scan3A_609 = arith.constant 0 : i32
        scf.yield %scan3A_609 : i32
      }
      %scan3A_30 = arith.constant 8 : i32
      %scan3A_31 = arith.constant 0 : i32
      %scan3A_32 = arith.constant 0 : i32
      %scan3A_33 = arith.constant 8 : i32
      %scan3A_34 = arith.addi %scan3A_32, %scan3A_33 : i32
      %scan3A_35 = arith.constant 1 : i32
      %scan3A_36 = scf.for %scan3A_593 = %scan3A_32 to %scan3A_34 step %scan3A_35 iter_args(%scan3A_594 = %scan3A_31) -> (i32)  : i32 {
        %iota3A = tpu.iota {dimensions = array<i32: 0>} : vector<16xi32>
        %add3A_595 = arith.constant 128 : i32
        %add3A_596 = arith.addi %mul3A_2, %add3A_595 : i32
        %mul3A_597 = arith.constant 16 : i32
        %mul3A_598 = arith.muli %scan3A_593, %mul3A_597 : i32
        %add3A_599 = arith.addi %add3A_596, %mul3A_598 : i32
        %add3A_600 = vector.broadcast %add3A_599 : i32 to vector<16xi32>
        %add3A_601 = arith.addi %iota3A, %add3A_600 : vector<16xi32>
        %mul3A_602 = arith.constant 16 : i32
        %mul3A_603 = arith.muli %scan3A_593, %mul3A_602 : i32
        %swap3A = arith.constant 1 : i32
        %swap3A_604 = arith.index_cast %swap3A : i32 to index
        %swap3A_605 = arith.index_cast %mul3A_603 : i32 to index
        %swap3A_606 = tpu.vector_load %arg11[%swap3A_604, %swap3A_605] {strides = array<i32>} : memref<8x128xi32, #tpu.memory_space<vmem>>, vector<1x16xi32>,
        %swap3A_607 = vector.shape_cast %swap3A_606 : vector<1x16xi32> to vector<16xi32>
        %swap3A_608 = vector.shape_cast %add3A_601 : vector<16xi32> to vector<1x16xi32>
        tpu.vector_store %arg11[%swap3A_604, %swap3A_605], %swap3A_608 {strides = array<i32>} : memref<8x128xi32, #tpu.memory_space<vmem>>, vector<1x16xi32>,
        %scan3A_609 = arith.constant 0 : i32
        scf.yield %scan3A_609 : i32
      }
      %scan3A_37 = arith.constant 8 : i32
      %scan3A_38 = arith.constant 0 : i32
      %scan3A_39 = arith.constant 0 : i32
      %scan3A_40 = arith.constant 8 : i32
      %scan3A_41 = arith.addi %scan3A_39, %scan3A_40 : i32
      %scan3A_42 = arith.constant 1 : i32
      %scan3A_43 = scf.for %scan3A_593 = %scan3A_39 to %scan3A_41 step %scan3A_42 iter_args(%scan3A_594 = %scan3A_38) -> (i32)  : i32 {
        %iota3A = tpu.iota {dimensions = array<i32: 0>} : vector<16xi32>
        %add3A_595 = arith.constant 256 : i32
        %add3A_596 = arith.addi %mul3A_2, %add3A_595 : i32
        %mul3A_597 = arith.constant 16 : i32
        %mul3A_598 = arith.muli %scan3A_593, %mul3A_597 : i32
        %add3A_599 = arith.addi %add3A_596, %mul3A_598 : i32
        %add3A_600 = vector.broadcast %add3A_599 : i32 to vector<16xi32>
        %add3A_601 = arith.addi %iota3A, %add3A_600 : vector<16xi32>
        %mul3A_602 = arith.constant 16 : i32
        %mul3A_603 = arith.muli %scan3A_593, %mul3A_602 : i32
        %swap3A = arith.constant 2 : i32
        %swap3A_604 = arith.index_cast %swap3A : i32 to index
        %swap3A_605 = arith.index_cast %mul3A_603 : i32 to index
        %swap3A_606 = tpu.vector_load %arg11[%swap3A_604, %swap3A_605] {strides = array<i32>} : memref<8x128xi32, #tpu.memory_space<vmem>>, vector<1x16xi32>,
        %swap3A_607 = vector.shape_cast %swap3A_606 : vector<1x16xi32> to vector<16xi32>
        %swap3A_608 = vector.shape_cast %add3A_601 : vector<16xi32> to vector<1x16xi32>
        tpu.vector_store %arg11[%swap3A_604, %swap3A_605], %swap3A_608 {strides = array<i32>} : memref<8x128xi32, #tpu.memory_space<vmem>>, vector<1x16xi32>,
        %scan3A_609 = arith.constant 0 : i32
        scf.yield %scan3A_609 : i32
      }
      %scan3A_44 = arith.constant 8 : i32
      %scan3A_45 = arith.constant 0 : i32
      %scan3A_46 = arith.constant 0 : i32
      %scan3A_47 = arith.constant 8 : i32
      %scan3A_48 = arith.addi %scan3A_46, %scan3A_47 : i32
      %scan3A_49 = arith.constant 1 : i32
      %scan3A_50 = scf.for %scan3A_593 = %scan3A_46 to %scan3A_48 step %scan3A_49 iter_args(%scan3A_594 = %scan3A_45) -> (i32)  : i32 {
        %iota3A = tpu.iota {dimensions = array<i32: 0>} : vector<16xi32>
        %add3A_595 = arith.constant 384 : i32
        %add3A_596 = arith.addi %mul3A_2, %add3A_595 : i32
        %mul3A_597 = arith.constant 16 : i32
        %mul3A_598 = arith.muli %scan3A_593, %mul3A_597 : i32
        %add3A_599 = arith.addi %add3A_596, %mul3A_598 : i32
        %add3A_600 = vector.broadcast %add3A_599 : i32 to vector<16xi32>
        %add3A_601 = arith.addi %iota3A, %add3A_600 : vector<16xi32>
        %mul3A_602 = arith.constant 16 : i32
        %mul3A_603 = arith.muli %scan3A_593, %mul3A_602 : i32
        %swap3A = arith.constant 3 : i32
        %swap3A_604 = arith.index_cast %swap3A : i32 to index
        %swap3A_605 = arith.index_cast %mul3A_603 : i32 to index
        %swap3A_606 = tpu.vector_load %arg11[%swap3A_604, %swap3A_605] {strides = array<i32>} : memref<8x128xi32, #tpu.memory_space<vmem>>, vector<1x16xi32>,
        %swap3A_607 = vector.shape_cast %swap3A_606 : vector<1x16xi32> to vector<16xi32>
        %swap3A_608 = vector.shape_cast %add3A_601 : vector<16xi32> to vector<1x16xi32>
        tpu.vector_store %arg11[%swap3A_604, %swap3A_605], %swap3A_608 {strides = array<i32>} : memref<8x128xi32, #tpu.memory_space<vmem>>, vector<1x16xi32>,
        %scan3A_609 = arith.constant 0 : i32
        scf.yield %scan3A_609 : i32
      }
      %scan3A_51 = arith.constant 8 : i32
      %scan3A_52 = arith.constant 0 : i32
      %scan3A_53 = arith.constant 0 : i32
      %scan3A_54 = arith.constant 8 : i32
      %scan3A_55 = arith.addi %scan3A_53, %scan3A_54 : i32
      %scan3A_56 = arith.constant 1 : i32
      %scan3A_57 = scf.for %scan3A_593 = %scan3A_53 to %scan3A_55 step %scan3A_56 iter_args(%scan3A_594 = %scan3A_52) -> (i32)  : i32 {
        %iota3A = tpu.iota {dimensions = array<i32: 0>} : vector<16xi32>
        %add3A_595 = arith.constant 512 : i32
        %add3A_596 = arith.addi %mul3A_2, %add3A_595 : i32
        %mul3A_597 = arith.constant 16 : i32
        %mul3A_598 = arith.muli %scan3A_593, %mul3A_597 : i32
        %add3A_599 = arith.addi %add3A_596, %mul3A_598 : i32
        %add3A_600 = vector.broadcast %add3A_599 : i32 to vector<16xi32>
        %add3A_601 = arith.addi %iota3A, %add3A_600 : vector<16xi32>
        %mul3A_602 = arith.constant 16 : i32
        %mul3A_603 = arith.muli %scan3A_593, %mul3A_602 : i32
        %swap3A = arith.constant 4 : i32
        %swap3A_604 = arith.index_cast %swap3A : i32 to index
        %swap3A_605 = arith.index_cast %mul3A_603 : i32 to index
        %swap3A_606 = tpu.vector_load %arg11[%swap3A_604, %swap3A_605] {strides = array<i32>} : memref<8x128xi32, #tpu.memory_space<vmem>>, vector<1x16xi32>,
        %swap3A_607 = vector.shape_cast %swap3A_606 : vector<1x16xi32> to vector<16xi32>
        %swap3A_608 = vector.shape_cast %add3A_601 : vector<16xi32> to vector<1x16xi32>
        tpu.vector_store %arg11[%swap3A_604, %swap3A_605], %swap3A_608 {strides = array<i32>} : memref<8x128xi32, #tpu.memory_space<vmem>>, vector<1x16xi32>,
        %scan3A_609 = arith.constant 0 : i32
        scf.yield %scan3A_609 : i32
      }
      %scan3A_58 = arith.constant 8 : i32
      %scan3A_59 = arith.constant 0 : i32
      %scan3A_60 = arith.constant 0 : i32
      %scan3A_61 = arith.constant 8 : i32
      %scan3A_62 = arith.addi %scan3A_60, %scan3A_61 : i32
      %scan3A_63 = arith.constant 1 : i32
      %scan3A_64 = scf.for %scan3A_593 = %scan3A_60 to %scan3A_62 step %scan3A_63 iter_args(%scan3A_594 = %scan3A_59) -> (i32)  : i32 {
        %iota3A = tpu.iota {dimensions = array<i32: 0>} : vector<16xi32>
        %add3A_595 = arith.constant 640 : i32
        %add3A_596 = arith.addi %mul3A_2, %add3A_595 : i32
        %mul3A_597 = arith.constant 16 : i32
        %mul3A_598 = arith.muli %scan3A_593, %mul3A_597 : i32
        %add3A_599 = arith.addi %add3A_596, %mul3A_598 : i32
        %add3A_600 = vector.broadcast %add3A_599 : i32 to vector<16xi32>
        %add3A_601 = arith.addi %iota3A, %add3A_600 : vector<16xi32>
        %mul3A_602 = arith.constant 16 : i32
        %mul3A_603 = arith.muli %scan3A_593, %mul3A_602 : i32
        %swap3A = arith.constant 5 : i32
        %swap3A_604 = arith.index_cast %swap3A : i32 to index
        %swap3A_605 = arith.index_cast %mul3A_603 : i32 to index
        %swap3A_606 = tpu.vector_load %arg11[%swap3A_604, %swap3A_605] {strides = array<i32>} : memref<8x128xi32, #tpu.memory_space<vmem>>, vector<1x16xi32>,
        %swap3A_607 = vector.shape_cast %swap3A_606 : vector<1x16xi32> to vector<16xi32>
        %swap3A_608 = vector.shape_cast %add3A_601 : vector<16xi32> to vector<1x16xi32>
        tpu.vector_store %arg11[%swap3A_604, %swap3A_605], %swap3A_608 {strides = array<i32>} : memref<8x128xi32, #tpu.memory_space<vmem>>, vector<1x16xi32>,
        %scan3A_609 = arith.constant 0 : i32
        scf.yield %scan3A_609 : i32
      }
      %scan3A_65 = arith.constant 8 : i32
      %scan3A_66 = arith.constant 0 : i32
      %scan3A_67 = arith.constant 0 : i32
      %scan3A_68 = arith.constant 8 : i32
      %scan3A_69 = arith.addi %scan3A_67, %scan3A_68 : i32
      %scan3A_70 = arith.constant 1 : i32
      %scan3A_71 = scf.for %scan3A_593 = %scan3A_67 to %scan3A_69 step %scan3A_70 iter_args(%scan3A_594 = %scan3A_66) -> (i32)  : i32 {
        %iota3A = tpu.iota {dimensions = array<i32: 0>} : vector<16xi32>
        %add3A_595 = arith.constant 768 : i32
        %add3A_596 = arith.addi %mul3A_2, %add3A_595 : i32
        %mul3A_597 = arith.constant 16 : i32
        %mul3A_598 = arith.muli %scan3A_593, %mul3A_597 : i32
        %add3A_599 = arith.addi %add3A_596, %mul3A_598 : i32
        %add3A_600 = vector.broadcast %add3A_599 : i32 to vector<16xi32>
        %add3A_601 = arith.addi %iota3A, %add3A_600 : vector<16xi32>
        %mul3A_602 = arith.constant 16 : i32
        %mul3A_603 = arith.muli %scan3A_593, %mul3A_602 : i32
        %swap3A = arith.constant 6 : i32
        %swap3A_604 = arith.index_cast %swap3A : i32 to index
        %swap3A_605 = arith.index_cast %mul3A_603 : i32 to index
        %swap3A_606 = tpu.vector_load %arg11[%swap3A_604, %swap3A_605] {strides = array<i32>} : memref<8x128xi32, #tpu.memory_space<vmem>>, vector<1x16xi32>,
        %swap3A_607 = vector.shape_cast %swap3A_606 : vector<1x16xi32> to vector<16xi32>
        %swap3A_608 = vector.shape_cast %add3A_601 : vector<16xi32> to vector<1x16xi32>
        tpu.vector_store %arg11[%swap3A_604, %swap3A_605], %swap3A_608 {strides = array<i32>} : memref<8x128xi32, #tpu.memory_space<vmem>>, vector<1x16xi32>,
        %scan3A_609 = arith.constant 0 : i32
        scf.yield %scan3A_609 : i32
      }
      %scan3A_72 = arith.constant 8 : i32
      %scan3A_73 = arith.constant 0 : i32
      %scan3A_74 = arith.constant 0 : i32
      %scan3A_75 = arith.constant 8 : i32
      %scan3A_76 = arith.addi %scan3A_74, %scan3A_75 : i32
      %scan3A_77 = arith.constant 1 : i32
      %scan3A_78 = scf.for %scan3A_593 = %scan3A_74 to %scan3A_76 step %scan3A_77 iter_args(%scan3A_594 = %scan3A_73) -> (i32)  : i32 {
        %iota3A = tpu.iota {dimensions = array<i32: 0>} : vector<16xi32>
        %add3A_595 = arith.constant 896 : i32
        %add3A_596 = arith.addi %mul3A_2, %add3A_595 : i32
        %mul3A_597 = arith.constant 16 : i32
        %mul3A_598 = arith.muli %scan3A_593, %mul3A_597 : i32
        %add3A_599 = arith.addi %add3A_596, %mul3A_598 : i32
        %add3A_600 = vector.broadcast %add3A_599 : i32 to vector<16xi32>
        %add3A_601 = arith.addi %iota3A, %add3A_600 : vector<16xi32>
        %mul3A_602 = arith.constant 16 : i32
        %mul3A_603 = arith.muli %scan3A_593, %mul3A_602 : i32
        %swap3A = arith.constant 7 : i32
        %swap3A_604 = arith.index_cast %swap3A : i32 to index
        %swap3A_605 = arith.index_cast %mul3A_603 : i32 to index
        %swap3A_606 = tpu.vector_load %arg11[%swap3A_604, %swap3A_605] {strides = array<i32>} : memref<8x128xi32, #tpu.memory_space<vmem>>, vector<1x16xi32>,
        %swap3A_607 = vector.shape_cast %swap3A_606 : vector<1x16xi32> to vector<16xi32>
        %swap3A_608 = vector.shape_cast %add3A_601 : vector<16xi32> to vector<1x16xi32>
        tpu.vector_store %arg11[%swap3A_604, %swap3A_605], %swap3A_608 {strides = array<i32>} : memref<8x128xi32, #tpu.memory_space<vmem>>, vector<1x16xi32>,
        %scan3A_609 = arith.constant 0 : i32
        scf.yield %scan3A_609 : i32
      }
      %scan3A_79 = arith.constant 8 : i32
      %scan3A_80 = arith.constant 0 : i32
      %scan3A_81 = arith.constant 0 : i32
      %scan3A_82 = arith.constant 128 : i32
      %scan3A_83 = arith.addi %scan3A_81, %scan3A_82 : i32
      %scan3A_84 = arith.constant 1 : i32
      %scan3A_85 = scf.for %scan3A_593 = %scan3A_81 to %scan3A_83 step %scan3A_84 iter_args(%scan3A_594 = %scan3A_80) -> (i32)  : i32 {
        %broadcast_in_dim3A = arith.constant 0.000000e+00 : f32
        %broadcast_in_dim3A_595 = vector.broadcast %broadcast_in_dim3A : f32 to vector<16xf32>
        %swap3A = arith.index_cast %scan3A_593 : i32 to index
        %swap3A_596 = arith.constant 0 : index
        %swap3A_597 = tpu.vector_load %arg13[%swap3A, %swap3A_596] {strides = array<i32>} : memref<128x64xf32, #tpu.memory_space<vmem>>, vector<1x16xf32>,
        %swap3A_598 = vector.shape_cast %swap3A_597 : vector<1x16xf32> to vector<16xf32>
        %swap3A_599 = vector.shape_cast %broadcast_in_dim3A_595 : vector<16xf32> to vector<1x16xf32>
        tpu.vector_store %arg13[%swap3A, %swap3A_596], %swap3A_599 {strides = array<i32>} : memref<128x64xf32, #tpu.memory_space<vmem>>, vector<1x16xf32>,
        %broadcast_in_dim3A_600 = arith.constant 0.000000e+00 : f32
        %broadcast_in_dim3A_601 = vector.broadcast %broadcast_in_dim3A_600 : f32 to vector<16xf32>
        %swap3A_602 = arith.index_cast %scan3A_593 : i32 to index
        %swap3A_603 = arith.constant 16 : index
        %swap3A_604 = tpu.vector_load %arg13[%swap3A_602, %swap3A_603] {strides = array<i32>} : memref<128x64xf32, #tpu.memory_space<vmem>>, vector<1x16xf32>,
        %swap3A_605 = vector.shape_cast %swap3A_604 : vector<1x16xf32> to vector<16xf32>
        %swap3A_606 = vector.shape_cast %broadcast_in_dim3A_601 : vector<16xf32> to vector<1x16xf32>
        tpu.vector_store %arg13[%swap3A_602, %swap3A_603], %swap3A_606 {strides = array<i32>} : memref<128x64xf32, #tpu.memory_space<vmem>>, vector<1x16xf32>,
        %broadcast_in_dim3A_607 = arith.constant 0.000000e+00 : f32
        %broadcast_in_dim3A_608 = vector.broadcast %broadcast_in_dim3A_607 : f32 to vector<16xf32>
        %swap3A_609 = arith.index_cast %scan3A_593 : i32 to index
        %swap3A_610 = arith.constant 32 : index
        %swap3A_611 = tpu.vector_load %arg13[%swap3A_609, %swap3A_610] {strides = array<i32>} : memref<128x64xf32, #tpu.memory_space<vmem>>, vector<1x16xf32>,
        %swap3A_612 = vector.shape_cast %swap3A_611 : vector<1x16xf32> to vector<16xf32>
        %swap3A_613 = vector.shape_cast %broadcast_in_dim3A_608 : vector<16xf32> to vector<1x16xf32>
        tpu.vector_store %arg13[%swap3A_609, %swap3A_610], %swap3A_613 {strides = array<i32>} : memref<128x64xf32, #tpu.memory_space<vmem>>, vector<1x16xf32>,
        %broadcast_in_dim3A_614 = arith.constant 0.000000e+00 : f32
        %broadcast_in_dim3A_615 = vector.broadcast %broadcast_in_dim3A_614 : f32 to vector<16xf32>
        %swap3A_616 = arith.index_cast %scan3A_593 : i32 to index
        %swap3A_617 = arith.constant 48 : index
        %swap3A_618 = tpu.vector_load %arg13[%swap3A_616, %swap3A_617] {strides = array<i32>} : memref<128x64xf32, #tpu.memory_space<vmem>>, vector<1x16xf32>,
        %swap3A_619 = vector.shape_cast %swap3A_618 : vector<1x16xf32> to vector<16xf32>
        %swap3A_620 = vector.shape_cast %broadcast_in_dim3A_615 : vector<16xf32> to vector<1x16xf32>
        tpu.vector_store %arg13[%swap3A_616, %swap3A_617], %swap3A_620 {strides = array<i32>} : memref<128x64xf32, #tpu.memory_space<vmem>>, vector<1x16xf32>,
        %scan3A_621 = arith.constant 0 : i32
        scf.yield %scan3A_621 : i32
      }
      %scan3A_86 = arith.constant 128 : i32
      %add3A_87 = arith.constant 0 : i32
      %add3A_88 = arith.addi %mul3A_2, %add3A_87 : i32
      "tpu.region"() ({
        %run_scoped3A_593 = tpu.sem_alloc : memref<!tpu.dma_semaphore, #tpu.memory_space<semaphore_mem>>
        %dma_start3A_594 = arith.constant 0 : i32
        %dma_start3A_595 = tpu.memref_slice %arg7[%add3A_88, %dma_start3A_594] : memref<16384x64xf32, #tpu.memory_space<vmem_shared>> -> memref<128x64xf32, #tpu.memory_space<vmem_shared>>
        %dma_start3A_596 = arith.constant 0 : i32
        %dma_start3A_597 = tpu.memref_slice %arg7[%add3A_88, %dma_start3A_596] : memref<16384x64xf32, #tpu.memory_space<vmem_shared>> -> memref<128x64xf32, #tpu.memory_space<vmem_shared>>
        tpu.enqueue_dma source(%arg13 : memref<128x64xf32, #tpu.memory_space<vmem>>) target(%dma_start3A_597 : memref<128x64xf32, #tpu.memory_space<vmem_shared>>) target_semaphore(%run_scoped3A_593 : memref<!tpu.dma_semaphore, #tpu.memory_space<semaphore_mem>>)
        %dma_wait3A_598 = arith.constant 0 : i32
        %dma_wait3A_599 = tpu.memref_slice %arg7[%add3A_88, %dma_wait3A_598] : memref<16384x64xf32, #tpu.memory_space<vmem_shared>> -> memref<128x64xf32, #tpu.memory_space<vmem_shared>>
        %dma_wait3A_600 = arith.constant 0 : i32
        %dma_wait3A_601 = tpu.memref_slice %arg7[%add3A_88, %dma_wait3A_600] : memref<16384x64xf32, #tpu.memory_space<vmem_shared>> -> memref<128x64xf32, #tpu.memory_space<vmem_shared>>
        tpu.wait_dma2 semaphore(%run_scoped3A_593 : memref<!tpu.dma_semaphore, #tpu.memory_space<semaphore_mem>>) src(%arg13 : memref<128x64xf32, #tpu.memory_space<vmem>>) dst(%dma_wait3A_601 : memref<128x64xf32, #tpu.memory_space<vmem_shared>>)
        tpu.yield
      }) : () -> ()
      %add3A_89 = arith.constant 128 : i32
      %add3A_90 = arith.addi %mul3A_2, %add3A_89 : i32
      "tpu.region"() ({
        %run_scoped3A_593 = tpu.sem_alloc : memref<!tpu.dma_semaphore, #tpu.memory_space<semaphore_mem>>
        %dma_start3A_594 = arith.constant 0 : i32
        %dma_start3A_595 = tpu.memref_slice %arg7[%add3A_90, %dma_start3A_594] : memref<16384x64xf32, #tpu.memory_space<vmem_shared>> -> memref<128x64xf32, #tpu.memory_space<vmem_shared>>
        %dma_start3A_596 = arith.constant 0 : i32
        %dma_start3A_597 = tpu.memref_slice %arg7[%add3A_90, %dma_start3A_596] : memref<16384x64xf32, #tpu.memory_space<vmem_shared>> -> memref<128x64xf32, #tpu.memory_space<vmem_shared>>
        tpu.enqueue_dma source(%arg13 : memref<128x64xf32, #tpu.memory_space<vmem>>) target(%dma_start3A_597 : memref<128x64xf32, #tpu.memory_space<vmem_shared>>) target_semaphore(%run_scoped3A_593 : memref<!tpu.dma_semaphore, #tpu.memory_space<semaphore_mem>>)
        %dma_wait3A_598 = arith.constant 0 : i32
        %dma_wait3A_599 = tpu.memref_slice %arg7[%add3A_90, %dma_wait3A_598] : memref<16384x64xf32, #tpu.memory_space<vmem_shared>> -> memref<128x64xf32, #tpu.memory_space<vmem_shared>>
        %dma_wait3A_600 = arith.constant 0 : i32
        %dma_wait3A_601 = tpu.memref_slice %arg7[%add3A_90, %dma_wait3A_600] : memref<16384x64xf32, #tpu.memory_space<vmem_shared>> -> memref<128x64xf32, #tpu.memory_space<vmem_shared>>
        tpu.wait_dma2 semaphore(%run_scoped3A_593 : memref<!tpu.dma_semaphore, #tpu.memory_space<semaphore_mem>>) src(%arg13 : memref<128x64xf32, #tpu.memory_space<vmem>>) dst(%dma_wait3A_601 : memref<128x64xf32, #tpu.memory_space<vmem_shared>>)
        tpu.yield
      }) : () -> ()
      %add3A_91 = arith.constant 256 : i32
      %add3A_92 = arith.addi %mul3A_2, %add3A_91 : i32
      "tpu.region"() ({
        %run_scoped3A_593 = tpu.sem_alloc : memref<!tpu.dma_semaphore, #tpu.memory_space<semaphore_mem>>
        %dma_start3A_594 = arith.constant 0 : i32
        %dma_start3A_595 = tpu.memref_slice %arg7[%add3A_92, %dma_start3A_594] : memref<16384x64xf32, #tpu.memory_space<vmem_shared>> -> memref<128x64xf32, #tpu.memory_space<vmem_shared>>
        %dma_start3A_596 = arith.constant 0 : i32
        %dma_start3A_597 = tpu.memref_slice %arg7[%add3A_92, %dma_start3A_596] : memref<16384x64xf32, #tpu.memory_space<vmem_shared>> -> memref<128x64xf32, #tpu.memory_space<vmem_shared>>
        tpu.enqueue_dma source(%arg13 : memref<128x64xf32, #tpu.memory_space<vmem>>) target(%dma_start3A_597 : memref<128x64xf32, #tpu.memory_space<vmem_shared>>) target_semaphore(%run_scoped3A_593 : memref<!tpu.dma_semaphore, #tpu.memory_space<semaphore_mem>>)
        %dma_wait3A_598 = arith.constant 0 : i32
        %dma_wait3A_599 = tpu.memref_slice %arg7[%add3A_92, %dma_wait3A_598] : memref<16384x64xf32, #tpu.memory_space<vmem_shared>> -> memref<128x64xf32, #tpu.memory_space<vmem_shared>>
        %dma_wait3A_600 = arith.constant 0 : i32
        %dma_wait3A_601 = tpu.memref_slice %arg7[%add3A_92, %dma_wait3A_600] : memref<16384x64xf32, #tpu.memory_space<vmem_shared>> -> memref<128x64xf32, #tpu.memory_space<vmem_shared>>
        tpu.wait_dma2 semaphore(%run_scoped3A_593 : memref<!tpu.dma_semaphore, #tpu.memory_space<semaphore_mem>>) src(%arg13 : memref<128x64xf32, #tpu.memory_space<vmem>>) dst(%dma_wait3A_601 : memref<128x64xf32, #tpu.memory_space<vmem_shared>>)
        tpu.yield
      }) : () -> ()
      %add3A_93 = arith.constant 384 : i32
      %add3A_94 = arith.addi %mul3A_2, %add3A_93 : i32
      "tpu.region"() ({
        %run_scoped3A_593 = tpu.sem_alloc : memref<!tpu.dma_semaphore, #tpu.memory_space<semaphore_mem>>
        %dma_start3A_594 = arith.constant 0 : i32
        %dma_start3A_595 = tpu.memref_slice %arg7[%add3A_94, %dma_start3A_594] : memref<16384x64xf32, #tpu.memory_space<vmem_shared>> -> memref<128x64xf32, #tpu.memory_space<vmem_shared>>
        %dma_start3A_596 = arith.constant 0 : i32
        %dma_start3A_597 = tpu.memref_slice %arg7[%add3A_94, %dma_start3A_596] : memref<16384x64xf32, #tpu.memory_space<vmem_shared>> -> memref<128x64xf32, #tpu.memory_space<vmem_shared>>
        tpu.enqueue_dma source(%arg13 : memref<128x64xf32, #tpu.memory_space<vmem>>) target(%dma_start3A_597 : memref<128x64xf32, #tpu.memory_space<vmem_shared>>) target_semaphore(%run_scoped3A_593 : memref<!tpu.dma_semaphore, #tpu.memory_space<semaphore_mem>>)
        %dma_wait3A_598 = arith.constant 0 : i32
        %dma_wait3A_599 = tpu.memref_slice %arg7[%add3A_94, %dma_wait3A_598] : memref<16384x64xf32, #tpu.memory_space<vmem_shared>> -> memref<128x64xf32, #tpu.memory_space<vmem_shared>>
        %dma_wait3A_600 = arith.constant 0 : i32
        %dma_wait3A_601 = tpu.memref_slice %arg7[%add3A_94, %dma_wait3A_600] : memref<16384x64xf32, #tpu.memory_space<vmem_shared>> -> memref<128x64xf32, #tpu.memory_space<vmem_shared>>
        tpu.wait_dma2 semaphore(%run_scoped3A_593 : memref<!tpu.dma_semaphore, #tpu.memory_space<semaphore_mem>>) src(%arg13 : memref<128x64xf32, #tpu.memory_space<vmem>>) dst(%dma_wait3A_601 : memref<128x64xf32, #tpu.memory_space<vmem_shared>>)
        tpu.yield
      }) : () -> ()
      %add3A_95 = arith.constant 512 : i32
      %add3A_96 = arith.addi %mul3A_2, %add3A_95 : i32
      "tpu.region"() ({
        %run_scoped3A_593 = tpu.sem_alloc : memref<!tpu.dma_semaphore, #tpu.memory_space<semaphore_mem>>
        %dma_start3A_594 = arith.constant 0 : i32
        %dma_start3A_595 = tpu.memref_slice %arg7[%add3A_96, %dma_start3A_594] : memref<16384x64xf32, #tpu.memory_space<vmem_shared>> -> memref<128x64xf32, #tpu.memory_space<vmem_shared>>
        %dma_start3A_596 = arith.constant 0 : i32
        %dma_start3A_597 = tpu.memref_slice %arg7[%add3A_96, %dma_start3A_596] : memref<16384x64xf32, #tpu.memory_space<vmem_shared>> -> memref<128x64xf32, #tpu.memory_space<vmem_shared>>
        tpu.enqueue_dma source(%arg13 : memref<128x64xf32, #tpu.memory_space<vmem>>) target(%dma_start3A_597 : memref<128x64xf32, #tpu.memory_space<vmem_shared>>) target_semaphore(%run_scoped3A_593 : memref<!tpu.dma_semaphore, #tpu.memory_space<semaphore_mem>>)
        %dma_wait3A_598 = arith.constant 0 : i32
        %dma_wait3A_599 = tpu.memref_slice %arg7[%add3A_96, %dma_wait3A_598] : memref<16384x64xf32, #tpu.memory_space<vmem_shared>> -> memref<128x64xf32, #tpu.memory_space<vmem_shared>>
        %dma_wait3A_600 = arith.constant 0 : i32
        %dma_wait3A_601 = tpu.memref_slice %arg7[%add3A_96, %dma_wait3A_600] : memref<16384x64xf32, #tpu.memory_space<vmem_shared>> -> memref<128x64xf32, #tpu.memory_space<vmem_shared>>
        tpu.wait_dma2 semaphore(%run_scoped3A_593 : memref<!tpu.dma_semaphore, #tpu.memory_space<semaphore_mem>>) src(%arg13 : memref<128x64xf32, #tpu.memory_space<vmem>>) dst(%dma_wait3A_601 : memref<128x64xf32, #tpu.memory_space<vmem_shared>>)
        tpu.yield
      }) : () -> ()
      %add3A_97 = arith.constant 640 : i32
      %add3A_98 = arith.addi %mul3A_2, %add3A_97 : i32
      "tpu.region"() ({
        %run_scoped3A_593 = tpu.sem_alloc : memref<!tpu.dma_semaphore, #tpu.memory_space<semaphore_mem>>
        %dma_start3A_594 = arith.constant 0 : i32
        %dma_start3A_595 = tpu.memref_slice %arg7[%add3A_98, %dma_start3A_594] : memref<16384x64xf32, #tpu.memory_space<vmem_shared>> -> memref<128x64xf32, #tpu.memory_space<vmem_shared>>
        %dma_start3A_596 = arith.constant 0 : i32
        %dma_start3A_597 = tpu.memref_slice %arg7[%add3A_98, %dma_start3A_596] : memref<16384x64xf32, #tpu.memory_space<vmem_shared>> -> memref<128x64xf32, #tpu.memory_space<vmem_shared>>
        tpu.enqueue_dma source(%arg13 : memref<128x64xf32, #tpu.memory_space<vmem>>) target(%dma_start3A_597 : memref<128x64xf32, #tpu.memory_space<vmem_shared>>) target_semaphore(%run_scoped3A_593 : memref<!tpu.dma_semaphore, #tpu.memory_space<semaphore_mem>>)
        %dma_wait3A_598 = arith.constant 0 : i32
        %dma_wait3A_599 = tpu.memref_slice %arg7[%add3A_98, %dma_wait3A_598] : memref<16384x64xf32, #tpu.memory_space<vmem_shared>> -> memref<128x64xf32, #tpu.memory_space<vmem_shared>>
        %dma_wait3A_600 = arith.constant 0 : i32
        %dma_wait3A_601 = tpu.memref_slice %arg7[%add3A_98, %dma_wait3A_600] : memref<16384x64xf32, #tpu.memory_space<vmem_shared>> -> memref<128x64xf32, #tpu.memory_space<vmem_shared>>
        tpu.wait_dma2 semaphore(%run_scoped3A_593 : memref<!tpu.dma_semaphore, #tpu.memory_space<semaphore_mem>>) src(%arg13 : memref<128x64xf32, #tpu.memory_space<vmem>>) dst(%dma_wait3A_601 : memref<128x64xf32, #tpu.memory_space<vmem_shared>>)
        tpu.yield
      }) : () -> ()
      %add3A_99 = arith.constant 768 : i32
      %add3A_100 = arith.addi %mul3A_2, %add3A_99 : i32
      "tpu.region"() ({
        %run_scoped3A_593 = tpu.sem_alloc : memref<!tpu.dma_semaphore, #tpu.memory_space<semaphore_mem>>
        %dma_start3A_594 = arith.constant 0 : i32
        %dma_start3A_595 = tpu.memref_slice %arg7[%add3A_100, %dma_start3A_594] : memref<16384x64xf32, #tpu.memory_space<vmem_shared>> -> memref<128x64xf32, #tpu.memory_space<vmem_shared>>
        %dma_start3A_596 = arith.constant 0 : i32
        %dma_start3A_597 = tpu.memref_slice %arg7[%add3A_100, %dma_start3A_596] : memref<16384x64xf32, #tpu.memory_space<vmem_shared>> -> memref<128x64xf32, #tpu.memory_space<vmem_shared>>
        tpu.enqueue_dma source(%arg13 : memref<128x64xf32, #tpu.memory_space<vmem>>) target(%dma_start3A_597 : memref<128x64xf32, #tpu.memory_space<vmem_shared>>) target_semaphore(%run_scoped3A_593 : memref<!tpu.dma_semaphore, #tpu.memory_space<semaphore_mem>>)
        %dma_wait3A_598 = arith.constant 0 : i32
        %dma_wait3A_599 = tpu.memref_slice %arg7[%add3A_100, %dma_wait3A_598] : memref<16384x64xf32, #tpu.memory_space<vmem_shared>> -> memref<128x64xf32, #tpu.memory_space<vmem_shared>>
        %dma_wait3A_600 = arith.constant 0 : i32
        %dma_wait3A_601 = tpu.memref_slice %arg7[%add3A_100, %dma_wait3A_600] : memref<16384x64xf32, #tpu.memory_space<vmem_shared>> -> memref<128x64xf32, #tpu.memory_space<vmem_shared>>
        tpu.wait_dma2 semaphore(%run_scoped3A_593 : memref<!tpu.dma_semaphore, #tpu.memory_space<semaphore_mem>>) src(%arg13 : memref<128x64xf32, #tpu.memory_space<vmem>>) dst(%dma_wait3A_601 : memref<128x64xf32, #tpu.memory_space<vmem_shared>>)
        tpu.yield
      }) : () -> ()
      %add3A_101 = arith.constant 896 : i32
      %add3A_102 = arith.addi %mul3A_2, %add3A_101 : i32
      "tpu.region"() ({
        %run_scoped3A_593 = tpu.sem_alloc : memref<!tpu.dma_semaphore, #tpu.memory_space<semaphore_mem>>
        %dma_start3A_594 = arith.constant 0 : i32
        %dma_start3A_595 = tpu.memref_slice %arg7[%add3A_102, %dma_start3A_594] : memref<16384x64xf32, #tpu.memory_space<vmem_shared>> -> memref<128x64xf32, #tpu.memory_space<vmem_shared>>
        %dma_start3A_596 = arith.constant 0 : i32
        %dma_start3A_597 = tpu.memref_slice %arg7[%add3A_102, %dma_start3A_596] : memref<16384x64xf32, #tpu.memory_space<vmem_shared>> -> memref<128x64xf32, #tpu.memory_space<vmem_shared>>
        tpu.enqueue_dma source(%arg13 : memref<128x64xf32, #tpu.memory_space<vmem>>) target(%dma_start3A_597 : memref<128x64xf32, #tpu.memory_space<vmem_shared>>) target_semaphore(%run_scoped3A_593 : memref<!tpu.dma_semaphore, #tpu.memory_space<semaphore_mem>>)
        %dma_wait3A_598 = arith.constant 0 : i32
        %dma_wait3A_599 = tpu.memref_slice %arg7[%add3A_102, %dma_wait3A_598] : memref<16384x64xf32, #tpu.memory_space<vmem_shared>> -> memref<128x64xf32, #tpu.memory_space<vmem_shared>>
        %dma_wait3A_600 = arith.constant 0 : i32
        %dma_wait3A_601 = tpu.memref_slice %arg7[%add3A_102, %dma_wait3A_600] : memref<16384x64xf32, #tpu.memory_space<vmem_shared>> -> memref<128x64xf32, #tpu.memory_space<vmem_shared>>
        tpu.wait_dma2 semaphore(%run_scoped3A_593 : memref<!tpu.dma_semaphore, #tpu.memory_space<semaphore_mem>>) src(%arg13 : memref<128x64xf32, #tpu.memory_space<vmem>>) dst(%dma_wait3A_601 : memref<128x64xf32, #tpu.memory_space<vmem_shared>>)
        tpu.yield
      }) : () -> ()
      %scan3A_103 = arith.constant 0 : i32
      %scan3A_104 = arith.constant 0 : i32
      %scan3A_105 = arith.constant 8 : i32
      %scan3A_106 = arith.addi %scan3A_104, %scan3A_105 : i32
      %scan3A_107 = arith.constant 1 : i32
      %scan3A_108 = scf.for %scan3A_593 = %scan3A_104 to %scan3A_106 step %scan3A_107 iter_args(%scan3A_594 = %scan3A_103) -> (i32)  : i32 {
        %mul3A_595 = arith.constant 16 : i32
        %mul3A_596 = arith.muli %scan3A_593, %mul3A_595 : i32
        %get3A = arith.constant 0 : i32
        %get3A_597 = arith.index_cast %get3A : i32 to index
        %get3A_598 = arith.index_cast %mul3A_596 : i32 to index
        %get3A_599 = tpu.vector_load %arg8[%get3A_597, %get3A_598] {strides = array<i32>} : memref<8x128xi32, #tpu.memory_space<vmem>>, vector<1x16xi32>,
        %get3A_600 = vector.shape_cast %get3A_599 : vector<1x16xi32> to vector<16xi32>
        %ge3A = arith.constant 0 : i32
        %ge3A_601 = vector.broadcast %ge3A : i32 to vector<16xi32>
        %ge3A_602 = arith.cmpi sge, %get3A_600, %ge3A_601 : vector<16xi32>
        %lt3A = arith.constant 500000 : i32
        %lt3A_603 = vector.broadcast %lt3A : i32 to vector<16xi32>
        %lt3A_604 = arith.cmpi slt, %get3A_600, %lt3A_603 : vector<16xi32>
        %and3A = arith.andi %ge3A_602, %lt3A_604 : vector<16xi1>
        %sub3A = arith.constant 0 : i32
        %sub3A_605 = vector.broadcast %sub3A : i32 to vector<16xi32>
        %sub3A_606 = arith.subi %get3A_600, %sub3A_605 : vector<16xi32>
        %add3A_607 = arith.constant 500000 : i32
        %add3A_608 = arith.addi %add3A_607, %arg1 : i32
        %broadcast_in_dim3A = vector.broadcast %add3A_608 : i32 to vector<16xi32>
        %select_n3A = arith.select %and3A, %sub3A_606, %broadcast_in_dim3A : vector<16xi1>, vector<16xi32>
        %swap3A = arith.constant 0 : i32
        %swap3A_609 = arith.index_cast %swap3A : i32 to index
        %swap3A_610 = arith.index_cast %mul3A_596 : i32 to index
        %swap3A_611 = tpu.vector_load %arg10[%swap3A_609, %swap3A_610] {strides = array<i32>} : memref<8x128xi32, #tpu.memory_space<vmem>>, vector<1x16xi32>,
        %swap3A_612 = vector.shape_cast %swap3A_611 : vector<1x16xi32> to vector<16xi32>
        %swap3A_613 = vector.shape_cast %select_n3A : vector<16xi32> to vector<1x16xi32>
        tpu.vector_store %arg10[%swap3A_609, %swap3A_610], %swap3A_613 {strides = array<i32>} : memref<8x128xi32, #tpu.memory_space<vmem>>, vector<1x16xi32>,
        %scan3A_614 = arith.constant 0 : i32
        scf.yield %scan3A_614 : i32
      }
      %scan3A_109 = arith.constant 8 : i32
      %run_scoped3A_110 = arith.constant 0 : i32
      %run_scoped3A_111 = arith.constant 0 : i32
      "tpu.region"() ({
        %run_scoped3A_593 = tpu.sem_alloc : memref<!tpu.dma_semaphore, #tpu.memory_space<semaphore_mem>>
        %dma_start3A_594 = arith.constant 0 : i32
        %dma_start3A_595 = tpu.memref_slice %arg11[%run_scoped3A_110, %dma_start3A_594] : memref<8x128xi32, #tpu.memory_space<vmem>> -> memref<1x128xi32, #tpu.memory_space<vmem>>
        %dma_start3A_596 = tpu.memref_squeeze %dma_start3A_595 : memref<1x128xi32, #tpu.memory_space<vmem>> -> memref<128xi32, #tpu.memory_space<vmem>>
        %dma_start3A_597 = arith.constant 0 : i32
        %dma_start3A_598 = tpu.memref_slice %arg10[%run_scoped3A_111, %dma_start3A_597] : memref<8x128xi32, #tpu.memory_space<vmem>> -> memref<1x128xi32, #tpu.memory_space<vmem>>
        %dma_start3A_599 = tpu.memref_squeeze %dma_start3A_598 : memref<1x128xi32, #tpu.memory_space<vmem>> -> memref<128xi32, #tpu.memory_space<vmem>>
        %dma_start3A_600 = arith.constant 0 : i32
        %dma_start3A_601 = tpu.memref_slice %arg6[%dma_start3A_600] : memref<500016xi32, #tpu.memory_space<vmem_shared>> -> memref<500016xi32, #tpu.memory_space<vmem_shared>>
        tpu.enqueue_indirect_dma source(%dma_start3A_596 : memref<128xi32, #tpu.memory_space<vmem>>) target(%dma_start3A_601 : memref<500016xi32, #tpu.memory_space<vmem_shared>>) offsets(%dma_start3A_599 : memref<128xi32, #tpu.memory_space<vmem>>) semaphore(%run_scoped3A_593 : memref<!tpu.dma_semaphore, #tpu.memory_space<semaphore_mem>>)
        %dma_wait3A_602 = arith.constant 0 : i32
        %dma_wait3A_603 = tpu.memref_slice %arg11[%run_scoped3A_110, %dma_wait3A_602] : memref<8x128xi32, #tpu.memory_space<vmem>> -> memref<1x128xi32, #tpu.memory_space<vmem>>
        %dma_wait3A_604 = tpu.memref_squeeze %dma_wait3A_603 : memref<1x128xi32, #tpu.memory_space<vmem>> -> memref<128xi32, #tpu.memory_space<vmem>>
        %dma_wait3A_605 = arith.constant 0 : i32
        %dma_wait3A_606 = tpu.memref_slice %arg10[%run_scoped3A_111, %dma_wait3A_605] : memref<8x128xi32, #tpu.memory_space<vmem>> -> memref<1x128xi32, #tpu.memory_space<vmem>>
        %dma_wait3A_607 = tpu.memref_squeeze %dma_wait3A_606 : memref<1x128xi32, #tpu.memory_space<vmem>> -> memref<128xi32, #tpu.memory_space<vmem>>
        %dma_wait3A_608 = arith.constant 0 : i32
        %dma_wait3A_609 = tpu.memref_slice %arg6[%dma_wait3A_608] : memref<500016xi32, #tpu.memory_space<vmem_shared>> -> memref<500016xi32, #tpu.memory_space<vmem_shared>>
        tpu.wait_indirect_dma semaphore(%run_scoped3A_593 : memref<!tpu.dma_semaphore, #tpu.memory_space<semaphore_mem>>) src(%dma_wait3A_604 : memref<128xi32, #tpu.memory_space<vmem>>) dst(%dma_wait3A_609 : memref<500016xi32, #tpu.memory_space<vmem_shared>>)
        tpu.yield
      }) : () -> ()
      %scan3A_112 = arith.constant 0 : i32
      %scan3A_113 = arith.constant 0 : i32
      %scan3A_114 = arith.constant 8 : i32
      %scan3A_115 = arith.addi %scan3A_113, %scan3A_114 : i32
      %scan3A_116 = arith.constant 1 : i32
      %scan3A_117 = scf.for %scan3A_593 = %scan3A_113 to %scan3A_115 step %scan3A_116 iter_args(%scan3A_594 = %scan3A_112) -> (i32)  : i32 {
        %mul3A_595 = arith.constant 16 : i32
        %mul3A_596 = arith.muli %scan3A_593, %mul3A_595 : i32
        %get3A = arith.constant 1 : i32
        %get3A_597 = arith.index_cast %get3A : i32 to index
        %get3A_598 = arith.index_cast %mul3A_596 : i32 to index
        %get3A_599 = tpu.vector_load %arg8[%get3A_597, %get3A_598] {strides = array<i32>} : memref<8x128xi32, #tpu.memory_space<vmem>>, vector<1x16xi32>,
        %get3A_600 = vector.shape_cast %get3A_599 : vector<1x16xi32> to vector<16xi32>
        %ge3A = arith.constant 0 : i32
        %ge3A_601 = vector.broadcast %ge3A : i32 to vector<16xi32>
        %ge3A_602 = arith.cmpi sge, %get3A_600, %ge3A_601 : vector<16xi32>
        %lt3A = arith.constant 500000 : i32
        %lt3A_603 = vector.broadcast %lt3A : i32 to vector<16xi32>
        %lt3A_604 = arith.cmpi slt, %get3A_600, %lt3A_603 : vector<16xi32>
        %and3A = arith.andi %ge3A_602, %lt3A_604 : vector<16xi1>
        %sub3A = arith.constant 0 : i32
        %sub3A_605 = vector.broadcast %sub3A : i32 to vector<16xi32>
        %sub3A_606 = arith.subi %get3A_600, %sub3A_605 : vector<16xi32>
        %add3A_607 = arith.constant 500000 : i32
        %add3A_608 = arith.addi %add3A_607, %arg1 : i32
        %broadcast_in_dim3A = vector.broadcast %add3A_608 : i32 to vector<16xi32>
        %select_n3A = arith.select %and3A, %sub3A_606, %broadcast_in_dim3A : vector<16xi1>, vector<16xi32>
        %swap3A = arith.constant 1 : i32
        %swap3A_609 = arith.index_cast %swap3A : i32 to index
        %swap3A_610 = arith.index_cast %mul3A_596 : i32 to index
        %swap3A_611 = tpu.vector_load %arg10[%swap3A_609, %swap3A_610] {strides = array<i32>} : memref<8x128xi32, #tpu.memory_space<vmem>>, vector<1x16xi32>,
        %swap3A_612 = vector.shape_cast %swap3A_611 : vector<1x16xi32> to vector<16xi32>
        %swap3A_613 = vector.shape_cast %select_n3A : vector<16xi32> to vector<1x16xi32>
        tpu.vector_store %arg10[%swap3A_609, %swap3A_610], %swap3A_613 {strides = array<i32>} : memref<8x128xi32, #tpu.memory_space<vmem>>, vector<1x16xi32>,
        %scan3A_614 = arith.constant 0 : i32
        scf.yield %scan3A_614 : i32
      }
      %scan3A_118 = arith.constant 8 : i32
      %run_scoped3A_119 = arith.constant 1 : i32
      %run_scoped3A_120 = arith.constant 1 : i32
      "tpu.region"() ({
        %run_scoped3A_593 = tpu.sem_alloc : memref<!tpu.dma_semaphore, #tpu.memory_space<semaphore_mem>>
        %dma_start3A_594 = arith.constant 0 : i32
        %dma_start3A_595 = tpu.memref_slice %arg11[%run_scoped3A_119, %dma_start3A_594] : memref<8x128xi32, #tpu.memory_space<vmem>> -> memref<1x128xi32, #tpu.memory_space<vmem>>
        %dma_start3A_596 = tpu.memref_squeeze %dma_start3A_595 : memref<1x128xi32, #tpu.memory_space<vmem>> -> memref<128xi32, #tpu.memory_space<vmem>>
        %dma_start3A_597 = arith.constant 0 : i32
        %dma_start3A_598 = tpu.memref_slice %arg10[%run_scoped3A_120, %dma_start3A_597] : memref<8x128xi32, #tpu.memory_space<vmem>> -> memref<1x128xi32, #tpu.memory_space<vmem>>
        %dma_start3A_599 = tpu.memref_squeeze %dma_start3A_598 : memref<1x128xi32, #tpu.memory_space<vmem>> -> memref<128xi32, #tpu.memory_space<vmem>>
        %dma_start3A_600 = arith.constant 0 : i32
        %dma_start3A_601 = tpu.memref_slice %arg6[%dma_start3A_600] : memref<500016xi32, #tpu.memory_space<vmem_shared>> -> memref<500016xi32, #tpu.memory_space<vmem_shared>>
        tpu.enqueue_indirect_dma source(%dma_start3A_596 : memref<128xi32, #tpu.memory_space<vmem>>) target(%dma_start3A_601 : memref<500016xi32, #tpu.memory_space<vmem_shared>>) offsets(%dma_start3A_599 : memref<128xi32, #tpu.memory_space<vmem>>) semaphore(%run_scoped3A_593 : memref<!tpu.dma_semaphore, #tpu.memory_space<semaphore_mem>>)
        %dma_wait3A_602 = arith.constant 0 : i32
        %dma_wait3A_603 = tpu.memref_slice %arg11[%run_scoped3A_119, %dma_wait3A_602] : memref<8x128xi32, #tpu.memory_space<vmem>> -> memref<1x128xi32, #tpu.memory_space<vmem>>
        %dma_wait3A_604 = tpu.memref_squeeze %dma_wait3A_603 : memref<1x128xi32, #tpu.memory_space<vmem>> -> memref<128xi32, #tpu.memory_space<vmem>>
        %dma_wait3A_605 = arith.constant 0 : i32
        %dma_wait3A_606 = tpu.memref_slice %arg10[%run_scoped3A_120, %dma_wait3A_605] : memref<8x128xi32, #tpu.memory_space<vmem>> -> memref<1x128xi32, #tpu.memory_space<vmem>>
        %dma_wait3A_607 = tpu.memref_squeeze %dma_wait3A_606 : memref<1x128xi32, #tpu.memory_space<vmem>> -> memref<128xi32, #tpu.memory_space<vmem>>
        %dma_wait3A_608 = arith.constant 0 : i32
        %dma_wait3A_609 = tpu.memref_slice %arg6[%dma_wait3A_608] : memref<500016xi32, #tpu.memory_space<vmem_shared>> -> memref<500016xi32, #tpu.memory_space<vmem_shared>>
        tpu.wait_indirect_dma semaphore(%run_scoped3A_593 : memref<!tpu.dma_semaphore, #tpu.memory_space<semaphore_mem>>) src(%dma_wait3A_604 : memref<128xi32, #tpu.memory_space<vmem>>) dst(%dma_wait3A_609 : memref<500016xi32, #tpu.memory_space<vmem_shared>>)
        tpu.yield
      }) : () -> ()
      %scan3A_121 = arith.constant 0 : i32
      %scan3A_122 = arith.constant 0 : i32
      %scan3A_123 = arith.constant 8 : i32
      %scan3A_124 = arith.addi %scan3A_122, %scan3A_123 : i32
      %scan3A_125 = arith.constant 1 : i32
      %scan3A_126 = scf.for %scan3A_593 = %scan3A_122 to %scan3A_124 step %scan3A_125 iter_args(%scan3A_594 = %scan3A_121) -> (i32)  : i32 {
        %mul3A_595 = arith.constant 16 : i32
        %mul3A_596 = arith.muli %scan3A_593, %mul3A_595 : i32
        %get3A = arith.constant 2 : i32
        %get3A_597 = arith.index_cast %get3A : i32 to index
        %get3A_598 = arith.index_cast %mul3A_596 : i32 to index
        %get3A_599 = tpu.vector_load %arg8[%get3A_597, %get3A_598] {strides = array<i32>} : memref<8x128xi32, #tpu.memory_space<vmem>>, vector<1x16xi32>,
        %get3A_600 = vector.shape_cast %get3A_599 : vector<1x16xi32> to vector<16xi32>
        %ge3A = arith.constant 0 : i32
        %ge3A_601 = vector.broadcast %ge3A : i32 to vector<16xi32>
        %ge3A_602 = arith.cmpi sge, %get3A_600, %ge3A_601 : vector<16xi32>
        %lt3A = arith.constant 500000 : i32
        %lt3A_603 = vector.broadcast %lt3A : i32 to vector<16xi32>
        %lt3A_604 = arith.cmpi slt, %get3A_600, %lt3A_603 : vector<16xi32>
        %and3A = arith.andi %ge3A_602, %lt3A_604 : vector<16xi1>
        %sub3A = arith.constant 0 : i32
        %sub3A_605 = vector.broadcast %sub3A : i32 to vector<16xi32>
        %sub3A_606 = arith.subi %get3A_600, %sub3A_605 : vector<16xi32>
        %add3A_607 = arith.constant 500000 : i32
        %add3A_608 = arith.addi %add3A_607, %arg1 : i32
        %broadcast_in_dim3A = vector.broadcast %add3A_608 : i32 to vector<16xi32>
        %select_n3A = arith.select %and3A, %sub3A_606, %broadcast_in_dim3A : vector<16xi1>, vector<16xi32>
        %swap3A = arith.constant 2 : i32
        %swap3A_609 = arith.index_cast %swap3A : i32 to index
        %swap3A_610 = arith.index_cast %mul3A_596 : i32 to index
        %swap3A_611 = tpu.vector_load %arg10[%swap3A_609, %swap3A_610] {strides = array<i32>} : memref<8x128xi32, #tpu.memory_space<vmem>>, vector<1x16xi32>,
        %swap3A_612 = vector.shape_cast %swap3A_611 : vector<1x16xi32> to vector<16xi32>
        %swap3A_613 = vector.shape_cast %select_n3A : vector<16xi32> to vector<1x16xi32>
        tpu.vector_store %arg10[%swap3A_609, %swap3A_610], %swap3A_613 {strides = array<i32>} : memref<8x128xi32, #tpu.memory_space<vmem>>, vector<1x16xi32>,
        %scan3A_614 = arith.constant 0 : i32
        scf.yield %scan3A_614 : i32
      }
      %scan3A_127 = arith.constant 8 : i32
      %run_scoped3A_128 = arith.constant 2 : i32
      %run_scoped3A_129 = arith.constant 2 : i32
      "tpu.region"() ({
        %run_scoped3A_593 = tpu.sem_alloc : memref<!tpu.dma_semaphore, #tpu.memory_space<semaphore_mem>>
        %dma_start3A_594 = arith.constant 0 : i32
        %dma_start3A_595 = tpu.memref_slice %arg11[%run_scoped3A_128, %dma_start3A_594] : memref<8x128xi32, #tpu.memory_space<vmem>> -> memref<1x128xi32, #tpu.memory_space<vmem>>
        %dma_start3A_596 = tpu.memref_squeeze %dma_start3A_595 : memref<1x128xi32, #tpu.memory_space<vmem>> -> memref<128xi32, #tpu.memory_space<vmem>>
        %dma_start3A_597 = arith.constant 0 : i32
        %dma_start3A_598 = tpu.memref_slice %arg10[%run_scoped3A_129, %dma_start3A_597] : memref<8x128xi32, #tpu.memory_space<vmem>> -> memref<1x128xi32, #tpu.memory_space<vmem>>
        %dma_start3A_599 = tpu.memref_squeeze %dma_start3A_598 : memref<1x128xi32, #tpu.memory_space<vmem>> -> memref<128xi32, #tpu.memory_space<vmem>>
        %dma_start3A_600 = arith.constant 0 : i32
        %dma_start3A_601 = tpu.memref_slice %arg6[%dma_start3A_600] : memref<500016xi32, #tpu.memory_space<vmem_shared>> -> memref<500016xi32, #tpu.memory_space<vmem_shared>>
        tpu.enqueue_indirect_dma source(%dma_start3A_596 : memref<128xi32, #tpu.memory_space<vmem>>) target(%dma_start3A_601 : memref<500016xi32, #tpu.memory_space<vmem_shared>>) offsets(%dma_start3A_599 : memref<128xi32, #tpu.memory_space<vmem>>) semaphore(%run_scoped3A_593 : memref<!tpu.dma_semaphore, #tpu.memory_space<semaphore_mem>>)
        %dma_wait3A_602 = arith.constant 0 : i32
        %dma_wait3A_603 = tpu.memref_slice %arg11[%run_scoped3A_128, %dma_wait3A_602] : memref<8x128xi32, #tpu.memory_space<vmem>> -> memref<1x128xi32, #tpu.memory_space<vmem>>
        %dma_wait3A_604 = tpu.memref_squeeze %dma_wait3A_603 : memref<1x128xi32, #tpu.memory_space<vmem>> -> memref<128xi32, #tpu.memory_space<vmem>>
        %dma_wait3A_605 = arith.constant 0 : i32
        %dma_wait3A_606 = tpu.memref_slice %arg10[%run_scoped3A_129, %dma_wait3A_605] : memref<8x128xi32, #tpu.memory_space<vmem>> -> memref<1x128xi32, #tpu.memory_space<vmem>>
        %dma_wait3A_607 = tpu.memref_squeeze %dma_wait3A_606 : memref<1x128xi32, #tpu.memory_space<vmem>> -> memref<128xi32, #tpu.memory_space<vmem>>
        %dma_wait3A_608 = arith.constant 0 : i32
        %dma_wait3A_609 = tpu.memref_slice %arg6[%dma_wait3A_608] : memref<500016xi32, #tpu.memory_space<vmem_shared>> -> memref<500016xi32, #tpu.memory_space<vmem_shared>>
        tpu.wait_indirect_dma semaphore(%run_scoped3A_593 : memref<!tpu.dma_semaphore, #tpu.memory_space<semaphore_mem>>) src(%dma_wait3A_604 : memref<128xi32, #tpu.memory_space<vmem>>) dst(%dma_wait3A_609 : memref<500016xi32, #tpu.memory_space<vmem_shared>>)
        tpu.yield
      }) : () -> ()
      %scan3A_130 = arith.constant 0 : i32
      %scan3A_131 = arith.constant 0 : i32
      %scan3A_132 = arith.constant 8 : i32
      %scan3A_133 = arith.addi %scan3A_131, %scan3A_132 : i32
      %scan3A_134 = arith.constant 1 : i32
      %scan3A_135 = scf.for %scan3A_593 = %scan3A_131 to %scan3A_133 step %scan3A_134 iter_args(%scan3A_594 = %scan3A_130) -> (i32)  : i32 {
        %mul3A_595 = arith.constant 16 : i32
        %mul3A_596 = arith.muli %scan3A_593, %mul3A_595 : i32
        %get3A = arith.constant 3 : i32
        %get3A_597 = arith.index_cast %get3A : i32 to index
        %get3A_598 = arith.index_cast %mul3A_596 : i32 to index
        %get3A_599 = tpu.vector_load %arg8[%get3A_597, %get3A_598] {strides = array<i32>} : memref<8x128xi32, #tpu.memory_space<vmem>>, vector<1x16xi32>,
        %get3A_600 = vector.shape_cast %get3A_599 : vector<1x16xi32> to vector<16xi32>
        %ge3A = arith.constant 0 : i32
        %ge3A_601 = vector.broadcast %ge3A : i32 to vector<16xi32>
        %ge3A_602 = arith.cmpi sge, %get3A_600, %ge3A_601 : vector<16xi32>
        %lt3A = arith.constant 500000 : i32
        %lt3A_603 = vector.broadcast %lt3A : i32 to vector<16xi32>
        %lt3A_604 = arith.cmpi slt, %get3A_600, %lt3A_603 : vector<16xi32>
        %and3A = arith.andi %ge3A_602, %lt3A_604 : vector<16xi1>
        %sub3A = arith.constant 0 : i32
        %sub3A_605 = vector.broadcast %sub3A : i32 to vector<16xi32>
        %sub3A_606 = arith.subi %get3A_600, %sub3A_605 : vector<16xi32>
        %add3A_607 = arith.constant 500000 : i32
        %add3A_608 = arith.addi %add3A_607, %arg1 : i32
        %broadcast_in_dim3A = vector.broadcast %add3A_608 : i32 to vector<16xi32>
        %select_n3A = arith.select %and3A, %sub3A_606, %broadcast_in_dim3A : vector<16xi1>, vector<16xi32>
        %swap3A = arith.constant 3 : i32
        %swap3A_609 = arith.index_cast %swap3A : i32 to index
        %swap3A_610 = arith.index_cast %mul3A_596 : i32 to index
        %swap3A_611 = tpu.vector_load %arg10[%swap3A_609, %swap3A_610] {strides = array<i32>} : memref<8x128xi32, #tpu.memory_space<vmem>>, vector<1x16xi32>,
        %swap3A_612 = vector.shape_cast %swap3A_611 : vector<1x16xi32> to vector<16xi32>
        %swap3A_613 = vector.shape_cast %select_n3A : vector<16xi32> to vector<1x16xi32>
        tpu.vector_store %arg10[%swap3A_609, %swap3A_610], %swap3A_613 {strides = array<i32>} : memref<8x128xi32, #tpu.memory_space<vmem>>, vector<1x16xi32>,
        %scan3A_614 = arith.constant 0 : i32
        scf.yield %scan3A_614 : i32
      }
      %scan3A_136 = arith.constant 8 : i32
      %run_scoped3A_137 = arith.constant 3 : i32
      %run_scoped3A_138 = arith.constant 3 : i32
      "tpu.region"() ({
        %run_scoped3A_593 = tpu.sem_alloc : memref<!tpu.dma_semaphore, #tpu.memory_space<semaphore_mem>>
        %dma_start3A_594 = arith.constant 0 : i32
        %dma_start3A_595 = tpu.memref_slice %arg11[%run_scoped3A_137, %dma_start3A_594] : memref<8x128xi32, #tpu.memory_space<vmem>> -> memref<1x128xi32, #tpu.memory_space<vmem>>
        %dma_start3A_596 = tpu.memref_squeeze %dma_start3A_595 : memref<1x128xi32, #tpu.memory_space<vmem>> -> memref<128xi32, #tpu.memory_space<vmem>>
        %dma_start3A_597 = arith.constant 0 : i32
        %dma_start3A_598 = tpu.memref_slice %arg10[%run_scoped3A_138, %dma_start3A_597] : memref<8x128xi32, #tpu.memory_space<vmem>> -> memref<1x128xi32, #tpu.memory_space<vmem>>
        %dma_start3A_599 = tpu.memref_squeeze %dma_start3A_598 : memref<1x128xi32, #tpu.memory_space<vmem>> -> memref<128xi32, #tpu.memory_space<vmem>>
        %dma_start3A_600 = arith.constant 0 : i32
        %dma_start3A_601 = tpu.memref_slice %arg6[%dma_start3A_600] : memref<500016xi32, #tpu.memory_space<vmem_shared>> -> memref<500016xi32, #tpu.memory_space<vmem_shared>>
        tpu.enqueue_indirect_dma source(%dma_start3A_596 : memref<128xi32, #tpu.memory_space<vmem>>) target(%dma_start3A_601 : memref<500016xi32, #tpu.memory_space<vmem_shared>>) offsets(%dma_start3A_599 : memref<128xi32, #tpu.memory_space<vmem>>) semaphore(%run_scoped3A_593 : memref<!tpu.dma_semaphore, #tpu.memory_space<semaphore_mem>>)
        %dma_wait3A_602 = arith.constant 0 : i32
        %dma_wait3A_603 = tpu.memref_slice %arg11[%run_scoped3A_137, %dma_wait3A_602] : memref<8x128xi32, #tpu.memory_space<vmem>> -> memref<1x128xi32, #tpu.memory_space<vmem>>
        %dma_wait3A_604 = tpu.memref_squeeze %dma_wait3A_603 : memref<1x128xi32, #tpu.memory_space<vmem>> -> memref<128xi32, #tpu.memory_space<vmem>>
        %dma_wait3A_605 = arith.constant 0 : i32
        %dma_wait3A_606 = tpu.memref_slice %arg10[%run_scoped3A_138, %dma_wait3A_605] : memref<8x128xi32, #tpu.memory_space<vmem>> -> memref<1x128xi32, #tpu.memory_space<vmem>>
        %dma_wait3A_607 = tpu.memref_squeeze %dma_wait3A_606 : memref<1x128xi32, #tpu.memory_space<vmem>> -> memref<128xi32, #tpu.memory_space<vmem>>
        %dma_wait3A_608 = arith.constant 0 : i32
        %dma_wait3A_609 = tpu.memref_slice %arg6[%dma_wait3A_608] : memref<500016xi32, #tpu.memory_space<vmem_shared>> -> memref<500016xi32, #tpu.memory_space<vmem_shared>>
        tpu.wait_indirect_dma semaphore(%run_scoped3A_593 : memref<!tpu.dma_semaphore, #tpu.memory_space<semaphore_mem>>) src(%dma_wait3A_604 : memref<128xi32, #tpu.memory_space<vmem>>) dst(%dma_wait3A_609 : memref<500016xi32, #tpu.memory_space<vmem_shared>>)
        tpu.yield
      }) : () -> ()
      %scan3A_139 = arith.constant 0 : i32
      %scan3A_140 = arith.constant 0 : i32
      %scan3A_141 = arith.constant 8 : i32
      %scan3A_142 = arith.addi %scan3A_140, %scan3A_141 : i32
      %scan3A_143 = arith.constant 1 : i32
      %scan3A_144 = scf.for %scan3A_593 = %scan3A_140 to %scan3A_142 step %scan3A_143 iter_args(%scan3A_594 = %scan3A_139) -> (i32)  : i32 {
        %mul3A_595 = arith.constant 16 : i32
        %mul3A_596 = arith.muli %scan3A_593, %mul3A_595 : i32
        %get3A = arith.constant 4 : i32
        %get3A_597 = arith.index_cast %get3A : i32 to index
        %get3A_598 = arith.index_cast %mul3A_596 : i32 to index
        %get3A_599 = tpu.vector_load %arg8[%get3A_597, %get3A_598] {strides = array<i32>} : memref<8x128xi32, #tpu.memory_space<vmem>>, vector<1x16xi32>,
        %get3A_600 = vector.shape_cast %get3A_599 : vector<1x16xi32> to vector<16xi32>
        %ge3A = arith.constant 0 : i32
        %ge3A_601 = vector.broadcast %ge3A : i32 to vector<16xi32>
        %ge3A_602 = arith.cmpi sge, %get3A_600, %ge3A_601 : vector<16xi32>
        %lt3A = arith.constant 500000 : i32
        %lt3A_603 = vector.broadcast %lt3A : i32 to vector<16xi32>
        %lt3A_604 = arith.cmpi slt, %get3A_600, %lt3A_603 : vector<16xi32>
        %and3A = arith.andi %ge3A_602, %lt3A_604 : vector<16xi1>
        %sub3A = arith.constant 0 : i32
        %sub3A_605 = vector.broadcast %sub3A : i32 to vector<16xi32>
        %sub3A_606 = arith.subi %get3A_600, %sub3A_605 : vector<16xi32>
        %add3A_607 = arith.constant 500000 : i32
        %add3A_608 = arith.addi %add3A_607, %arg1 : i32
        %broadcast_in_dim3A = vector.broadcast %add3A_608 : i32 to vector<16xi32>
        %select_n3A = arith.select %and3A, %sub3A_606, %broadcast_in_dim3A : vector<16xi1>, vector<16xi32>
        %swap3A = arith.constant 4 : i32
        %swap3A_609 = arith.index_cast %swap3A : i32 to index
        %swap3A_610 = arith.index_cast %mul3A_596 : i32 to index
        %swap3A_611 = tpu.vector_load %arg10[%swap3A_609, %swap3A_610] {strides = array<i32>} : memref<8x128xi32, #tpu.memory_space<vmem>>, vector<1x16xi32>,
        %swap3A_612 = vector.shape_cast %swap3A_611 : vector<1x16xi32> to vector<16xi32>
        %swap3A_613 = vector.shape_cast %select_n3A : vector<16xi32> to vector<1x16xi32>
        tpu.vector_store %arg10[%swap3A_609, %swap3A_610], %swap3A_613 {strides = array<i32>} : memref<8x128xi32, #tpu.memory_space<vmem>>, vector<1x16xi32>,
        %scan3A_614 = arith.constant 0 : i32
        scf.yield %scan3A_614 : i32
      }
      %scan3A_145 = arith.constant 8 : i32
      %run_scoped3A_146 = arith.constant 4 : i32
      %run_scoped3A_147 = arith.constant 4 : i32
      "tpu.region"() ({
        %run_scoped3A_593 = tpu.sem_alloc : memref<!tpu.dma_semaphore, #tpu.memory_space<semaphore_mem>>
        %dma_start3A_594 = arith.constant 0 : i32
        %dma_start3A_595 = tpu.memref_slice %arg11[%run_scoped3A_146, %dma_start3A_594] : memref<8x128xi32, #tpu.memory_space<vmem>> -> memref<1x128xi32, #tpu.memory_space<vmem>>
        %dma_start3A_596 = tpu.memref_squeeze %dma_start3A_595 : memref<1x128xi32, #tpu.memory_space<vmem>> -> memref<128xi32, #tpu.memory_space<vmem>>
        %dma_start3A_597 = arith.constant 0 : i32
        %dma_start3A_598 = tpu.memref_slice %arg10[%run_scoped3A_147, %dma_start3A_597] : memref<8x128xi32, #tpu.memory_space<vmem>> -> memref<1x128xi32, #tpu.memory_space<vmem>>
        %dma_start3A_599 = tpu.memref_squeeze %dma_start3A_598 : memref<1x128xi32, #tpu.memory_space<vmem>> -> memref<128xi32, #tpu.memory_space<vmem>>
        %dma_start3A_600 = arith.constant 0 : i32
        %dma_start3A_601 = tpu.memref_slice %arg6[%dma_start3A_600] : memref<500016xi32, #tpu.memory_space<vmem_shared>> -> memref<500016xi32, #tpu.memory_space<vmem_shared>>
        tpu.enqueue_indirect_dma source(%dma_start3A_596 : memref<128xi32, #tpu.memory_space<vmem>>) target(%dma_start3A_601 : memref<500016xi32, #tpu.memory_space<vmem_shared>>) offsets(%dma_start3A_599 : memref<128xi32, #tpu.memory_space<vmem>>) semaphore(%run_scoped3A_593 : memref<!tpu.dma_semaphore, #tpu.memory_space<semaphore_mem>>)
        %dma_wait3A_602 = arith.constant 0 : i32
        %dma_wait3A_603 = tpu.memref_slice %arg11[%run_scoped3A_146, %dma_wait3A_602] : memref<8x128xi32, #tpu.memory_space<vmem>> -> memref<1x128xi32, #tpu.memory_space<vmem>>
        %dma_wait3A_604 = tpu.memref_squeeze %dma_wait3A_603 : memref<1x128xi32, #tpu.memory_space<vmem>> -> memref<128xi32, #tpu.memory_space<vmem>>
        %dma_wait3A_605 = arith.constant 0 : i32
        %dma_wait3A_606 = tpu.memref_slice %arg10[%run_scoped3A_147, %dma_wait3A_605] : memref<8x128xi32, #tpu.memory_space<vmem>> -> memref<1x128xi32, #tpu.memory_space<vmem>>
        %dma_wait3A_607 = tpu.memref_squeeze %dma_wait3A_606 : memref<1x128xi32, #tpu.memory_space<vmem>> -> memref<128xi32, #tpu.memory_space<vmem>>
        %dma_wait3A_608 = arith.constant 0 : i32
        %dma_wait3A_609 = tpu.memref_slice %arg6[%dma_wait3A_608] : memref<500016xi32, #tpu.memory_space<vmem_shared>> -> memref<500016xi32, #tpu.memory_space<vmem_shared>>
        tpu.wait_indirect_dma semaphore(%run_scoped3A_593 : memref<!tpu.dma_semaphore, #tpu.memory_space<semaphore_mem>>) src(%dma_wait3A_604 : memref<128xi32, #tpu.memory_space<vmem>>) dst(%dma_wait3A_609 : memref<500016xi32, #tpu.memory_space<vmem_shared>>)
        tpu.yield
      }) : () -> ()
      %scan3A_148 = arith.constant 0 : i32
      %scan3A_149 = arith.constant 0 : i32
      %scan3A_150 = arith.constant 8 : i32
      %scan3A_151 = arith.addi %scan3A_149, %scan3A_150 : i32
      %scan3A_152 = arith.constant 1 : i32
      %scan3A_153 = scf.for %scan3A_593 = %scan3A_149 to %scan3A_151 step %scan3A_152 iter_args(%scan3A_594 = %scan3A_148) -> (i32)  : i32 {
        %mul3A_595 = arith.constant 16 : i32
        %mul3A_596 = arith.muli %scan3A_593, %mul3A_595 : i32
        %get3A = arith.constant 5 : i32
        %get3A_597 = arith.index_cast %get3A : i32 to index
        %get3A_598 = arith.index_cast %mul3A_596 : i32 to index
        %get3A_599 = tpu.vector_load %arg8[%get3A_597, %get3A_598] {strides = array<i32>} : memref<8x128xi32, #tpu.memory_space<vmem>>, vector<1x16xi32>,
        %get3A_600 = vector.shape_cast %get3A_599 : vector<1x16xi32> to vector<16xi32>
        %ge3A = arith.constant 0 : i32
        %ge3A_601 = vector.broadcast %ge3A : i32 to vector<16xi32>
        %ge3A_602 = arith.cmpi sge, %get3A_600, %ge3A_601 : vector<16xi32>
        %lt3A = arith.constant 500000 : i32
        %lt3A_603 = vector.broadcast %lt3A : i32 to vector<16xi32>
        %lt3A_604 = arith.cmpi slt, %get3A_600, %lt3A_603 : vector<16xi32>
        %and3A = arith.andi %ge3A_602, %lt3A_604 : vector<16xi1>
        %sub3A = arith.constant 0 : i32
        %sub3A_605 = vector.broadcast %sub3A : i32 to vector<16xi32>
        %sub3A_606 = arith.subi %get3A_600, %sub3A_605 : vector<16xi32>
        %add3A_607 = arith.constant 500000 : i32
        %add3A_608 = arith.addi %add3A_607, %arg1 : i32
        %broadcast_in_dim3A = vector.broadcast %add3A_608 : i32 to vector<16xi32>
        %select_n3A = arith.select %and3A, %sub3A_606, %broadcast_in_dim3A : vector<16xi1>, vector<16xi32>
        %swap3A = arith.constant 5 : i32
        %swap3A_609 = arith.index_cast %swap3A : i32 to index
        %swap3A_610 = arith.index_cast %mul3A_596 : i32 to index
        %swap3A_611 = tpu.vector_load %arg10[%swap3A_609, %swap3A_610] {strides = array<i32>} : memref<8x128xi32, #tpu.memory_space<vmem>>, vector<1x16xi32>,
        %swap3A_612 = vector.shape_cast %swap3A_611 : vector<1x16xi32> to vector<16xi32>
        %swap3A_613 = vector.shape_cast %select_n3A : vector<16xi32> to vector<1x16xi32>
        tpu.vector_store %arg10[%swap3A_609, %swap3A_610], %swap3A_613 {strides = array<i32>} : memref<8x128xi32, #tpu.memory_space<vmem>>, vector<1x16xi32>,
        %scan3A_614 = arith.constant 0 : i32
        scf.yield %scan3A_614 : i32
      }
      %scan3A_154 = arith.constant 8 : i32
      %run_scoped3A_155 = arith.constant 5 : i32
      %run_scoped3A_156 = arith.constant 5 : i32
      "tpu.region"() ({
        %run_scoped3A_593 = tpu.sem_alloc : memref<!tpu.dma_semaphore, #tpu.memory_space<semaphore_mem>>
        %dma_start3A_594 = arith.constant 0 : i32
        %dma_start3A_595 = tpu.memref_slice %arg11[%run_scoped3A_155, %dma_start3A_594] : memref<8x128xi32, #tpu.memory_space<vmem>> -> memref<1x128xi32, #tpu.memory_space<vmem>>
        %dma_start3A_596 = tpu.memref_squeeze %dma_start3A_595 : memref<1x128xi32, #tpu.memory_space<vmem>> -> memref<128xi32, #tpu.memory_space<vmem>>
        %dma_start3A_597 = arith.constant 0 : i32
        %dma_start3A_598 = tpu.memref_slice %arg10[%run_scoped3A_156, %dma_start3A_597] : memref<8x128xi32, #tpu.memory_space<vmem>> -> memref<1x128xi32, #tpu.memory_space<vmem>>
        %dma_start3A_599 = tpu.memref_squeeze %dma_start3A_598 : memref<1x128xi32, #tpu.memory_space<vmem>> -> memref<128xi32, #tpu.memory_space<vmem>>
        %dma_start3A_600 = arith.constant 0 : i32
        %dma_start3A_601 = tpu.memref_slice %arg6[%dma_start3A_600] : memref<500016xi32, #tpu.memory_space<vmem_shared>> -> memref<500016xi32, #tpu.memory_space<vmem_shared>>
        tpu.enqueue_indirect_dma source(%dma_start3A_596 : memref<128xi32, #tpu.memory_space<vmem>>) target(%dma_start3A_601 : memref<500016xi32, #tpu.memory_space<vmem_shared>>) offsets(%dma_start3A_599 : memref<128xi32, #tpu.memory_space<vmem>>) semaphore(%run_scoped3A_593 : memref<!tpu.dma_semaphore, #tpu.memory_space<semaphore_mem>>)
        %dma_wait3A_602 = arith.constant 0 : i32
        %dma_wait3A_603 = tpu.memref_slice %arg11[%run_scoped3A_155, %dma_wait3A_602] : memref<8x128xi32, #tpu.memory_space<vmem>> -> memref<1x128xi32, #tpu.memory_space<vmem>>
        %dma_wait3A_604 = tpu.memref_squeeze %dma_wait3A_603 : memref<1x128xi32, #tpu.memory_space<vmem>> -> memref<128xi32, #tpu.memory_space<vmem>>
        %dma_wait3A_605 = arith.constant 0 : i32
        %dma_wait3A_606 = tpu.memref_slice %arg10[%run_scoped3A_156, %dma_wait3A_605] : memref<8x128xi32, #tpu.memory_space<vmem>> -> memref<1x128xi32, #tpu.memory_space<vmem>>
        %dma_wait3A_607 = tpu.memref_squeeze %dma_wait3A_606 : memref<1x128xi32, #tpu.memory_space<vmem>> -> memref<128xi32, #tpu.memory_space<vmem>>
        %dma_wait3A_608 = arith.constant 0 : i32
        %dma_wait3A_609 = tpu.memref_slice %arg6[%dma_wait3A_608] : memref<500016xi32, #tpu.memory_space<vmem_shared>> -> memref<500016xi32, #tpu.memory_space<vmem_shared>>
        tpu.wait_indirect_dma semaphore(%run_scoped3A_593 : memref<!tpu.dma_semaphore, #tpu.memory_space<semaphore_mem>>) src(%dma_wait3A_604 : memref<128xi32, #tpu.memory_space<vmem>>) dst(%dma_wait3A_609 : memref<500016xi32, #tpu.memory_space<vmem_shared>>)
        tpu.yield
      }) : () -> ()
      %scan3A_157 = arith.constant 0 : i32
      %scan3A_158 = arith.constant 0 : i32
      %scan3A_159 = arith.constant 8 : i32
      %scan3A_160 = arith.addi %scan3A_158, %scan3A_159 : i32
      %scan3A_161 = arith.constant 1 : i32
      %scan3A_162 = scf.for %scan3A_593 = %scan3A_158 to %scan3A_160 step %scan3A_161 iter_args(%scan3A_594 = %scan3A_157) -> (i32)  : i32 {
        %mul3A_595 = arith.constant 16 : i32
        %mul3A_596 = arith.muli %scan3A_593, %mul3A_595 : i32
        %get3A = arith.constant 6 : i32
        %get3A_597 = arith.index_cast %get3A : i32 to index
        %get3A_598 = arith.index_cast %mul3A_596 : i32 to index
        %get3A_599 = tpu.vector_load %arg8[%get3A_597, %get3A_598] {strides = array<i32>} : memref<8x128xi32, #tpu.memory_space<vmem>>, vector<1x16xi32>,
        %get3A_600 = vector.shape_cast %get3A_599 : vector<1x16xi32> to vector<16xi32>
        %ge3A = arith.constant 0 : i32
        %ge3A_601 = vector.broadcast %ge3A : i32 to vector<16xi32>
        %ge3A_602 = arith.cmpi sge, %get3A_600, %ge3A_601 : vector<16xi32>
        %lt3A = arith.constant 500000 : i32
        %lt3A_603 = vector.broadcast %lt3A : i32 to vector<16xi32>
        %lt3A_604 = arith.cmpi slt, %get3A_600, %lt3A_603 : vector<16xi32>
        %and3A = arith.andi %ge3A_602, %lt3A_604 : vector<16xi1>
        %sub3A = arith.constant 0 : i32
        %sub3A_605 = vector.broadcast %sub3A : i32 to vector<16xi32>
        %sub3A_606 = arith.subi %get3A_600, %sub3A_605 : vector<16xi32>
        %add3A_607 = arith.constant 500000 : i32
        %add3A_608 = arith.addi %add3A_607, %arg1 : i32
        %broadcast_in_dim3A = vector.broadcast %add3A_608 : i32 to vector<16xi32>
        %select_n3A = arith.select %and3A, %sub3A_606, %broadcast_in_dim3A : vector<16xi1>, vector<16xi32>
        %swap3A = arith.constant 6 : i32
        %swap3A_609 = arith.index_cast %swap3A : i32 to index
        %swap3A_610 = arith.index_cast %mul3A_596 : i32 to index
        %swap3A_611 = tpu.vector_load %arg10[%swap3A_609, %swap3A_610] {strides = array<i32>} : memref<8x128xi32, #tpu.memory_space<vmem>>, vector<1x16xi32>,
        %swap3A_612 = vector.shape_cast %swap3A_611 : vector<1x16xi32> to vector<16xi32>
        %swap3A_613 = vector.shape_cast %select_n3A : vector<16xi32> to vector<1x16xi32>
        tpu.vector_store %arg10[%swap3A_609, %swap3A_610], %swap3A_613 {strides = array<i32>} : memref<8x128xi32, #tpu.memory_space<vmem>>, vector<1x16xi32>,
        %scan3A_614 = arith.constant 0 : i32
        scf.yield %scan3A_614 : i32
      }
      %scan3A_163 = arith.constant 8 : i32
      %run_scoped3A_164 = arith.constant 6 : i32
      %run_scoped3A_165 = arith.constant 6 : i32
      "tpu.region"() ({
        %run_scoped3A_593 = tpu.sem_alloc : memref<!tpu.dma_semaphore, #tpu.memory_space<semaphore_mem>>
        %dma_start3A_594 = arith.constant 0 : i32
        %dma_start3A_595 = tpu.memref_slice %arg11[%run_scoped3A_164, %dma_start3A_594] : memref<8x128xi32, #tpu.memory_space<vmem>> -> memref<1x128xi32, #tpu.memory_space<vmem>>
        %dma_start3A_596 = tpu.memref_squeeze %dma_start3A_595 : memref<1x128xi32, #tpu.memory_space<vmem>> -> memref<128xi32, #tpu.memory_space<vmem>>
        %dma_start3A_597 = arith.constant 0 : i32
        %dma_start3A_598 = tpu.memref_slice %arg10[%run_scoped3A_165, %dma_start3A_597] : memref<8x128xi32, #tpu.memory_space<vmem>> -> memref<1x128xi32, #tpu.memory_space<vmem>>
        %dma_start3A_599 = tpu.memref_squeeze %dma_start3A_598 : memref<1x128xi32, #tpu.memory_space<vmem>> -> memref<128xi32, #tpu.memory_space<vmem>>
        %dma_start3A_600 = arith.constant 0 : i32
        %dma_start3A_601 = tpu.memref_slice %arg6[%dma_start3A_600] : memref<500016xi32, #tpu.memory_space<vmem_shared>> -> memref<500016xi32, #tpu.memory_space<vmem_shared>>
        tpu.enqueue_indirect_dma source(%dma_start3A_596 : memref<128xi32, #tpu.memory_space<vmem>>) target(%dma_start3A_601 : memref<500016xi32, #tpu.memory_space<vmem_shared>>) offsets(%dma_start3A_599 : memref<128xi32, #tpu.memory_space<vmem>>) semaphore(%run_scoped3A_593 : memref<!tpu.dma_semaphore, #tpu.memory_space<semaphore_mem>>)
        %dma_wait3A_602 = arith.constant 0 : i32
        %dma_wait3A_603 = tpu.memref_slice %arg11[%run_scoped3A_164, %dma_wait3A_602] : memref<8x128xi32, #tpu.memory_space<vmem>> -> memref<1x128xi32, #tpu.memory_space<vmem>>
        %dma_wait3A_604 = tpu.memref_squeeze %dma_wait3A_603 : memref<1x128xi32, #tpu.memory_space<vmem>> -> memref<128xi32, #tpu.memory_space<vmem>>
        %dma_wait3A_605 = arith.constant 0 : i32
        %dma_wait3A_606 = tpu.memref_slice %arg10[%run_scoped3A_165, %dma_wait3A_605] : memref<8x128xi32, #tpu.memory_space<vmem>> -> memref<1x128xi32, #tpu.memory_space<vmem>>
        %dma_wait3A_607 = tpu.memref_squeeze %dma_wait3A_606 : memref<1x128xi32, #tpu.memory_space<vmem>> -> memref<128xi32, #tpu.memory_space<vmem>>
        %dma_wait3A_608 = arith.constant 0 : i32
        %dma_wait3A_609 = tpu.memref_slice %arg6[%dma_wait3A_608] : memref<500016xi32, #tpu.memory_space<vmem_shared>> -> memref<500016xi32, #tpu.memory_space<vmem_shared>>
        tpu.wait_indirect_dma semaphore(%run_scoped3A_593 : memref<!tpu.dma_semaphore, #tpu.memory_space<semaphore_mem>>) src(%dma_wait3A_604 : memref<128xi32, #tpu.memory_space<vmem>>) dst(%dma_wait3A_609 : memref<500016xi32, #tpu.memory_space<vmem_shared>>)
        tpu.yield
      }) : () -> ()
      %scan3A_166 = arith.constant 0 : i32
      %scan3A_167 = arith.constant 0 : i32
      %scan3A_168 = arith.constant 8 : i32
      %scan3A_169 = arith.addi %scan3A_167, %scan3A_168 : i32
      %scan3A_170 = arith.constant 1 : i32
      %scan3A_171 = scf.for %scan3A_593 = %scan3A_167 to %scan3A_169 step %scan3A_170 iter_args(%scan3A_594 = %scan3A_166) -> (i32)  : i32 {
        %mul3A_595 = arith.constant 16 : i32
        %mul3A_596 = arith.muli %scan3A_593, %mul3A_595 : i32
        %get3A = arith.constant 7 : i32
        %get3A_597 = arith.index_cast %get3A : i32 to index
        %get3A_598 = arith.index_cast %mul3A_596 : i32 to index
        %get3A_599 = tpu.vector_load %arg8[%get3A_597, %get3A_598] {strides = array<i32>} : memref<8x128xi32, #tpu.memory_space<vmem>>, vector<1x16xi32>,
        %get3A_600 = vector.shape_cast %get3A_599 : vector<1x16xi32> to vector<16xi32>
        %ge3A = arith.constant 0 : i32
        %ge3A_601 = vector.broadcast %ge3A : i32 to vector<16xi32>
        %ge3A_602 = arith.cmpi sge, %get3A_600, %ge3A_601 : vector<16xi32>
        %lt3A = arith.constant 500000 : i32
        %lt3A_603 = vector.broadcast %lt3A : i32 to vector<16xi32>
        %lt3A_604 = arith.cmpi slt, %get3A_600, %lt3A_603 : vector<16xi32>
        %and3A = arith.andi %ge3A_602, %lt3A_604 : vector<16xi1>
        %sub3A = arith.constant 0 : i32
        %sub3A_605 = vector.broadcast %sub3A : i32 to vector<16xi32>
        %sub3A_606 = arith.subi %get3A_600, %sub3A_605 : vector<16xi32>
        %add3A_607 = arith.constant 500000 : i32
        %add3A_608 = arith.addi %add3A_607, %arg1 : i32
        %broadcast_in_dim3A = vector.broadcast %add3A_608 : i32 to vector<16xi32>
        %select_n3A = arith.select %and3A, %sub3A_606, %broadcast_in_dim3A : vector<16xi1>, vector<16xi32>
        %swap3A = arith.constant 7 : i32
        %swap3A_609 = arith.index_cast %swap3A : i32 to index
        %swap3A_610 = arith.index_cast %mul3A_596 : i32 to index
        %swap3A_611 = tpu.vector_load %arg10[%swap3A_609, %swap3A_610] {strides = array<i32>} : memref<8x128xi32, #tpu.memory_space<vmem>>, vector<1x16xi32>,
        %swap3A_612 = vector.shape_cast %swap3A_611 : vector<1x16xi32> to vector<16xi32>
        %swap3A_613 = vector.shape_cast %select_n3A : vector<16xi32> to vector<1x16xi32>
        tpu.vector_store %arg10[%swap3A_609, %swap3A_610], %swap3A_613 {strides = array<i32>} : memref<8x128xi32, #tpu.memory_space<vmem>>, vector<1x16xi32>,
        %scan3A_614 = arith.constant 0 : i32
        scf.yield %scan3A_614 : i32
      }
      %scan3A_172 = arith.constant 8 : i32
      %run_scoped3A_173 = arith.constant 7 : i32
      %run_scoped3A_174 = arith.constant 7 : i32
      "tpu.region"() ({
        %run_scoped3A_593 = tpu.sem_alloc : memref<!tpu.dma_semaphore, #tpu.memory_space<semaphore_mem>>
        %dma_start3A_594 = arith.constant 0 : i32
        %dma_start3A_595 = tpu.memref_slice %arg11[%run_scoped3A_173, %dma_start3A_594] : memref<8x128xi32, #tpu.memory_space<vmem>> -> memref<1x128xi32, #tpu.memory_space<vmem>>
        %dma_start3A_596 = tpu.memref_squeeze %dma_start3A_595 : memref<1x128xi32, #tpu.memory_space<vmem>> -> memref<128xi32, #tpu.memory_space<vmem>>
        %dma_start3A_597 = arith.constant 0 : i32
        %dma_start3A_598 = tpu.memref_slice %arg10[%run_scoped3A_174, %dma_start3A_597] : memref<8x128xi32, #tpu.memory_space<vmem>> -> memref<1x128xi32, #tpu.memory_space<vmem>>
        %dma_start3A_599 = tpu.memref_squeeze %dma_start3A_598 : memref<1x128xi32, #tpu.memory_space<vmem>> -> memref<128xi32, #tpu.memory_space<vmem>>
        %dma_start3A_600 = arith.constant 0 : i32
        %dma_start3A_601 = tpu.memref_slice %arg6[%dma_start3A_600] : memref<500016xi32, #tpu.memory_space<vmem_shared>> -> memref<500016xi32, #tpu.memory_space<vmem_shared>>
        tpu.enqueue_indirect_dma source(%dma_start3A_596 : memref<128xi32, #tpu.memory_space<vmem>>) target(%dma_start3A_601 : memref<500016xi32, #tpu.memory_space<vmem_shared>>) offsets(%dma_start3A_599 : memref<128xi32, #tpu.memory_space<vmem>>) semaphore(%run_scoped3A_593 : memref<!tpu.dma_semaphore, #tpu.memory_space<semaphore_mem>>)
        %dma_wait3A_602 = arith.constant 0 : i32
        %dma_wait3A_603 = tpu.memref_slice %arg11[%run_scoped3A_173, %dma_wait3A_602] : memref<8x128xi32, #tpu.memory_space<vmem>> -> memref<1x128xi32, #tpu.memory_space<vmem>>
        %dma_wait3A_604 = tpu.memref_squeeze %dma_wait3A_603 : memref<1x128xi32, #tpu.memory_space<vmem>> -> memref<128xi32, #tpu.memory_space<vmem>>
        %dma_wait3A_605 = arith.constant 0 : i32
        %dma_wait3A_606 = tpu.memref_slice %arg10[%run_scoped3A_174, %dma_wait3A_605] : memref<8x128xi32, #tpu.memory_space<vmem>> -> memref<1x128xi32, #tpu.memory_space<vmem>>
        %dma_wait3A_607 = tpu.memref_squeeze %dma_wait3A_606 : memref<1x128xi32, #tpu.memory_space<vmem>> -> memref<128xi32, #tpu.memory_space<vmem>>
        %dma_wait3A_608 = arith.constant 0 : i32
        %dma_wait3A_609 = tpu.memref_slice %arg6[%dma_wait3A_608] : memref<500016xi32, #tpu.memory_space<vmem_shared>> -> memref<500016xi32, #tpu.memory_space<vmem_shared>>
        tpu.wait_indirect_dma semaphore(%run_scoped3A_593 : memref<!tpu.dma_semaphore, #tpu.memory_space<semaphore_mem>>) src(%dma_wait3A_604 : memref<128xi32, #tpu.memory_space<vmem>>) dst(%dma_wait3A_609 : memref<500016xi32, #tpu.memory_space<vmem_shared>>)
        tpu.yield
      }) : () -> ()
      %barrier3A = arith.constant 0 : index
      tpu.barrier barrier_id(%barrier3A)
      %run_scoped3A_175 = arith.constant 0 : i32
      "tpu.region"() ({
        %run_scoped3A_593 = tpu.sem_alloc : memref<!tpu.dma_semaphore, #tpu.memory_space<semaphore_mem>>
        %dma_start3A_594 = arith.constant 0 : i32
        %dma_start3A_595 = tpu.memref_slice %arg10[%run_scoped3A_175, %dma_start3A_594] : memref<8x128xi32, #tpu.memory_space<vmem>> -> memref<1x128xi32, #tpu.memory_space<vmem>>
        %dma_start3A_596 = tpu.memref_squeeze %dma_start3A_595 : memref<1x128xi32, #tpu.memory_space<vmem>> -> memref<128xi32, #tpu.memory_space<vmem>>
        %dma_start3A_597 = arith.constant 0 : i32
        %dma_start3A_598 = tpu.memref_slice %arg6[%dma_start3A_597] : memref<500016xi32, #tpu.memory_space<vmem_shared>> -> memref<500016xi32, #tpu.memory_space<vmem_shared>>
        tpu.enqueue_indirect_dma source(%dma_start3A_598 : memref<500016xi32, #tpu.memory_space<vmem_shared>>) target(%arg12 : memref<128xi32, #tpu.memory_space<vmem>>) offsets(%dma_start3A_596 : memref<128xi32, #tpu.memory_space<vmem>>) semaphore(%run_scoped3A_593 : memref<!tpu.dma_semaphore, #tpu.memory_space<semaphore_mem>>)
        %dma_wait3A_599 = arith.constant 0 : i32
        %dma_wait3A_600 = tpu.memref_slice %arg10[%run_scoped3A_175, %dma_wait3A_599] : memref<8x128xi32, #tpu.memory_space<vmem>> -> memref<1x128xi32, #tpu.memory_space<vmem>>
        %dma_wait3A_601 = tpu.memref_squeeze %dma_wait3A_600 : memref<1x128xi32, #tpu.memory_space<vmem>> -> memref<128xi32, #tpu.memory_space<vmem>>
        %dma_wait3A_602 = arith.constant 0 : i32
        %dma_wait3A_603 = tpu.memref_slice %arg6[%dma_wait3A_602] : memref<500016xi32, #tpu.memory_space<vmem_shared>> -> memref<500016xi32, #tpu.memory_space<vmem_shared>>
        tpu.wait_indirect_dma semaphore(%run_scoped3A_593 : memref<!tpu.dma_semaphore, #tpu.memory_space<semaphore_mem>>) src(%dma_wait3A_603 : memref<500016xi32, #tpu.memory_space<vmem_shared>>) dst(%arg12 : memref<128xi32, #tpu.memory_space<vmem>>)
        tpu.yield
      }) : () -> ()
      %scan3A_176 = arith.constant 0 : i32
      %scan3A_177 = arith.constant 0 : i32
      %scan3A_178 = arith.constant 8 : i32
      %scan3A_179 = arith.addi %scan3A_177, %scan3A_178 : i32
      %scan3A_180 = arith.constant 1 : i32
      %scan3A_181 = scf.for %scan3A_593 = %scan3A_177 to %scan3A_179 step %scan3A_180 iter_args(%scan3A_594 = %scan3A_176) -> (i32)  : i32 {
        %mul3A_595 = arith.constant 16 : i32
        %mul3A_596 = arith.muli %scan3A_593, %mul3A_595 : i32
        %get3A = arith.constant 0 : i32
        %get3A_597 = arith.index_cast %get3A : i32 to index
        %get3A_598 = arith.index_cast %mul3A_596 : i32 to index
        %get3A_599 = tpu.vector_load %arg8[%get3A_597, %get3A_598] {strides = array<i32>} : memref<8x128xi32, #tpu.memory_space<vmem>>, vector<1x16xi32>,
        %get3A_600 = vector.shape_cast %get3A_599 : vector<1x16xi32> to vector<16xi32>
        %ge3A = arith.constant 0 : i32
        %ge3A_601 = vector.broadcast %ge3A : i32 to vector<16xi32>
        %ge3A_602 = arith.cmpi sge, %get3A_600, %ge3A_601 : vector<16xi32>
        %lt3A = arith.constant 500000 : i32
        %lt3A_603 = vector.broadcast %lt3A : i32 to vector<16xi32>
        %lt3A_604 = arith.cmpi slt, %get3A_600, %lt3A_603 : vector<16xi32>
        %and3A = arith.andi %ge3A_602, %lt3A_604 : vector<16xi1>
        %get3A_605 = arith.index_cast %mul3A_596 : i32 to index
        %get3A_606 = tpu.vector_load %arg12[%get3A_605] {strides = array<i32>} : memref<128xi32, #tpu.memory_space<vmem>>, vector<16xi32>,
        %get3A_607 = vector.shape_cast %get3A_606 : vector<16xi32> to vector<16xi32>
        %get3A_608 = arith.constant 0 : i32
        %get3A_609 = arith.index_cast %get3A_608 : i32 to index
        %get3A_610 = arith.index_cast %mul3A_596 : i32 to index
        %get3A_611 = tpu.vector_load %arg9[%get3A_609, %get3A_610] {strides = array<i32>} : memref<8x128xi32, #tpu.memory_space<vmem>>, vector<1x16xi32>,
        %get3A_612 = vector.shape_cast %get3A_611 : vector<1x16xi32> to vector<16xi32>
        %select_n3A = arith.select %and3A, %get3A_607, %get3A_612 : vector<16xi1>, vector<16xi32>
        %swap3A = arith.constant 0 : i32
        %swap3A_613 = arith.index_cast %swap3A : i32 to index
        %swap3A_614 = arith.index_cast %mul3A_596 : i32 to index
        %swap3A_615 = tpu.vector_load %arg9[%swap3A_613, %swap3A_614] {strides = array<i32>} : memref<8x128xi32, #tpu.memory_space<vmem>>, vector<1x16xi32>,
        %swap3A_616 = vector.shape_cast %swap3A_615 : vector<1x16xi32> to vector<16xi32>
        %swap3A_617 = vector.shape_cast %select_n3A : vector<16xi32> to vector<1x16xi32>
        tpu.vector_store %arg9[%swap3A_613, %swap3A_614], %swap3A_617 {strides = array<i32>} : memref<8x128xi32, #tpu.memory_space<vmem>>, vector<1x16xi32>,
        %scan3A_618 = arith.constant 0 : i32
        scf.yield %scan3A_618 : i32
      }
      %scan3A_182 = arith.constant 8 : i32
      %run_scoped3A_183 = arith.constant 1 : i32
      "tpu.region"() ({
        %run_scoped3A_593 = tpu.sem_alloc : memref<!tpu.dma_semaphore, #tpu.memory_space<semaphore_mem>>
        %dma_start3A_594 = arith.constant 0 : i32
        %dma_start3A_595 = tpu.memref_slice %arg10[%run_scoped3A_183, %dma_start3A_594] : memref<8x128xi32, #tpu.memory_space<vmem>> -> memref<1x128xi32, #tpu.memory_space<vmem>>
        %dma_start3A_596 = tpu.memref_squeeze %dma_start3A_595 : memref<1x128xi32, #tpu.memory_space<vmem>> -> memref<128xi32, #tpu.memory_space<vmem>>
        %dma_start3A_597 = arith.constant 0 : i32
        %dma_start3A_598 = tpu.memref_slice %arg6[%dma_start3A_597] : memref<500016xi32, #tpu.memory_space<vmem_shared>> -> memref<500016xi32, #tpu.memory_space<vmem_shared>>
        tpu.enqueue_indirect_dma source(%dma_start3A_598 : memref<500016xi32, #tpu.memory_space<vmem_shared>>) target(%arg12 : memref<128xi32, #tpu.memory_space<vmem>>) offsets(%dma_start3A_596 : memref<128xi32, #tpu.memory_space<vmem>>) semaphore(%run_scoped3A_593 : memref<!tpu.dma_semaphore, #tpu.memory_space<semaphore_mem>>)
        %dma_wait3A_599 = arith.constant 0 : i32
        %dma_wait3A_600 = tpu.memref_slice %arg10[%run_scoped3A_183, %dma_wait3A_599] : memref<8x128xi32, #tpu.memory_space<vmem>> -> memref<1x128xi32, #tpu.memory_space<vmem>>
        %dma_wait3A_601 = tpu.memref_squeeze %dma_wait3A_600 : memref<1x128xi32, #tpu.memory_space<vmem>> -> memref<128xi32, #tpu.memory_space<vmem>>
        %dma_wait3A_602 = arith.constant 0 : i32
        %dma_wait3A_603 = tpu.memref_slice %arg6[%dma_wait3A_602] : memref<500016xi32, #tpu.memory_space<vmem_shared>> -> memref<500016xi32, #tpu.memory_space<vmem_shared>>
        tpu.wait_indirect_dma semaphore(%run_scoped3A_593 : memref<!tpu.dma_semaphore, #tpu.memory_space<semaphore_mem>>) src(%dma_wait3A_603 : memref<500016xi32, #tpu.memory_space<vmem_shared>>) dst(%arg12 : memref<128xi32, #tpu.memory_space<vmem>>)
        tpu.yield
      }) : () -> ()
      %scan3A_184 = arith.constant 0 : i32
      %scan3A_185 = arith.constant 0 : i32
      %scan3A_186 = arith.constant 8 : i32
      %scan3A_187 = arith.addi %scan3A_185, %scan3A_186 : i32
      %scan3A_188 = arith.constant 1 : i32
      %scan3A_189 = scf.for %scan3A_593 = %scan3A_185 to %scan3A_187 step %scan3A_188 iter_args(%scan3A_594 = %scan3A_184) -> (i32)  : i32 {
        %mul3A_595 = arith.constant 16 : i32
        %mul3A_596 = arith.muli %scan3A_593, %mul3A_595 : i32
        %get3A = arith.constant 1 : i32
        %get3A_597 = arith.index_cast %get3A : i32 to index
        %get3A_598 = arith.index_cast %mul3A_596 : i32 to index
        %get3A_599 = tpu.vector_load %arg8[%get3A_597, %get3A_598] {strides = array<i32>} : memref<8x128xi32, #tpu.memory_space<vmem>>, vector<1x16xi32>,
        %get3A_600 = vector.shape_cast %get3A_599 : vector<1x16xi32> to vector<16xi32>
        %ge3A = arith.constant 0 : i32
        %ge3A_601 = vector.broadcast %ge3A : i32 to vector<16xi32>
        %ge3A_602 = arith.cmpi sge, %get3A_600, %ge3A_601 : vector<16xi32>
        %lt3A = arith.constant 500000 : i32
        %lt3A_603 = vector.broadcast %lt3A : i32 to vector<16xi32>
        %lt3A_604 = arith.cmpi slt, %get3A_600, %lt3A_603 : vector<16xi32>
        %and3A = arith.andi %ge3A_602, %lt3A_604 : vector<16xi1>
        %get3A_605 = arith.index_cast %mul3A_596 : i32 to index
        %get3A_606 = tpu.vector_load %arg12[%get3A_605] {strides = array<i32>} : memref<128xi32, #tpu.memory_space<vmem>>, vector<16xi32>,
        %get3A_607 = vector.shape_cast %get3A_606 : vector<16xi32> to vector<16xi32>
        %get3A_608 = arith.constant 1 : i32
        %get3A_609 = arith.index_cast %get3A_608 : i32 to index
        %get3A_610 = arith.index_cast %mul3A_596 : i32 to index
        %get3A_611 = tpu.vector_load %arg9[%get3A_609, %get3A_610] {strides = array<i32>} : memref<8x128xi32, #tpu.memory_space<vmem>>, vector<1x16xi32>,
        %get3A_612 = vector.shape_cast %get3A_611 : vector<1x16xi32> to vector<16xi32>
        %select_n3A = arith.select %and3A, %get3A_607, %get3A_612 : vector<16xi1>, vector<16xi32>
        %swap3A = arith.constant 1 : i32
        %swap3A_613 = arith.index_cast %swap3A : i32 to index
        %swap3A_614 = arith.index_cast %mul3A_596 : i32 to index
        %swap3A_615 = tpu.vector_load %arg9[%swap3A_613, %swap3A_614] {strides = array<i32>} : memref<8x128xi32, #tpu.memory_space<vmem>>, vector<1x16xi32>,
        %swap3A_616 = vector.shape_cast %swap3A_615 : vector<1x16xi32> to vector<16xi32>
        %swap3A_617 = vector.shape_cast %select_n3A : vector<16xi32> to vector<1x16xi32>
        tpu.vector_store %arg9[%swap3A_613, %swap3A_614], %swap3A_617 {strides = array<i32>} : memref<8x128xi32, #tpu.memory_space<vmem>>, vector<1x16xi32>,
        %scan3A_618 = arith.constant 0 : i32
        scf.yield %scan3A_618 : i32
      }
      %scan3A_190 = arith.constant 8 : i32
      %run_scoped3A_191 = arith.constant 2 : i32
      "tpu.region"() ({
        %run_scoped3A_593 = tpu.sem_alloc : memref<!tpu.dma_semaphore, #tpu.memory_space<semaphore_mem>>
        %dma_start3A_594 = arith.constant 0 : i32
        %dma_start3A_595 = tpu.memref_slice %arg10[%run_scoped3A_191, %dma_start3A_594] : memref<8x128xi32, #tpu.memory_space<vmem>> -> memref<1x128xi32, #tpu.memory_space<vmem>>
        %dma_start3A_596 = tpu.memref_squeeze %dma_start3A_595 : memref<1x128xi32, #tpu.memory_space<vmem>> -> memref<128xi32, #tpu.memory_space<vmem>>
        %dma_start3A_597 = arith.constant 0 : i32
        %dma_start3A_598 = tpu.memref_slice %arg6[%dma_start3A_597] : memref<500016xi32, #tpu.memory_space<vmem_shared>> -> memref<500016xi32, #tpu.memory_space<vmem_shared>>
        tpu.enqueue_indirect_dma source(%dma_start3A_598 : memref<500016xi32, #tpu.memory_space<vmem_shared>>) target(%arg12 : memref<128xi32, #tpu.memory_space<vmem>>) offsets(%dma_start3A_596 : memref<128xi32, #tpu.memory_space<vmem>>) semaphore(%run_scoped3A_593 : memref<!tpu.dma_semaphore, #tpu.memory_space<semaphore_mem>>)
        %dma_wait3A_599 = arith.constant 0 : i32
        %dma_wait3A_600 = tpu.memref_slice %arg10[%run_scoped3A_191, %dma_wait3A_599] : memref<8x128xi32, #tpu.memory_space<vmem>> -> memref<1x128xi32, #tpu.memory_space<vmem>>
        %dma_wait3A_601 = tpu.memref_squeeze %dma_wait3A_600 : memref<1x128xi32, #tpu.memory_space<vmem>> -> memref<128xi32, #tpu.memory_space<vmem>>
        %dma_wait3A_602 = arith.constant 0 : i32
        %dma_wait3A_603 = tpu.memref_slice %arg6[%dma_wait3A_602] : memref<500016xi32, #tpu.memory_space<vmem_shared>> -> memref<500016xi32, #tpu.memory_space<vmem_shared>>
        tpu.wait_indirect_dma semaphore(%run_scoped3A_593 : memref<!tpu.dma_semaphore, #tpu.memory_space<semaphore_mem>>) src(%dma_wait3A_603 : memref<500016xi32, #tpu.memory_space<vmem_shared>>) dst(%arg12 : memref<128xi32, #tpu.memory_space<vmem>>)
        tpu.yield
      }) : () -> ()
      %scan3A_192 = arith.constant 0 : i32
      %scan3A_193 = arith.constant 0 : i32
      %scan3A_194 = arith.constant 8 : i32
      %scan3A_195 = arith.addi %scan3A_193, %scan3A_194 : i32
      %scan3A_196 = arith.constant 1 : i32
      %scan3A_197 = scf.for %scan3A_593 = %scan3A_193 to %scan3A_195 step %scan3A_196 iter_args(%scan3A_594 = %scan3A_192) -> (i32)  : i32 {
        %mul3A_595 = arith.constant 16 : i32
        %mul3A_596 = arith.muli %scan3A_593, %mul3A_595 : i32
        %get3A = arith.constant 2 : i32
        %get3A_597 = arith.index_cast %get3A : i32 to index
        %get3A_598 = arith.index_cast %mul3A_596 : i32 to index
        %get3A_599 = tpu.vector_load %arg8[%get3A_597, %get3A_598] {strides = array<i32>} : memref<8x128xi32, #tpu.memory_space<vmem>>, vector<1x16xi32>,
        %get3A_600 = vector.shape_cast %get3A_599 : vector<1x16xi32> to vector<16xi32>
        %ge3A = arith.constant 0 : i32
        %ge3A_601 = vector.broadcast %ge3A : i32 to vector<16xi32>
        %ge3A_602 = arith.cmpi sge, %get3A_600, %ge3A_601 : vector<16xi32>
        %lt3A = arith.constant 500000 : i32
        %lt3A_603 = vector.broadcast %lt3A : i32 to vector<16xi32>
        %lt3A_604 = arith.cmpi slt, %get3A_600, %lt3A_603 : vector<16xi32>
        %and3A = arith.andi %ge3A_602, %lt3A_604 : vector<16xi1>
        %get3A_605 = arith.index_cast %mul3A_596 : i32 to index
        %get3A_606 = tpu.vector_load %arg12[%get3A_605] {strides = array<i32>} : memref<128xi32, #tpu.memory_space<vmem>>, vector<16xi32>,
        %get3A_607 = vector.shape_cast %get3A_606 : vector<16xi32> to vector<16xi32>
        %get3A_608 = arith.constant 2 : i32
        %get3A_609 = arith.index_cast %get3A_608 : i32 to index
        %get3A_610 = arith.index_cast %mul3A_596 : i32 to index
        %get3A_611 = tpu.vector_load %arg9[%get3A_609, %get3A_610] {strides = array<i32>} : memref<8x128xi32, #tpu.memory_space<vmem>>, vector<1x16xi32>,
        %get3A_612 = vector.shape_cast %get3A_611 : vector<1x16xi32> to vector<16xi32>
        %select_n3A = arith.select %and3A, %get3A_607, %get3A_612 : vector<16xi1>, vector<16xi32>
        %swap3A = arith.constant 2 : i32
        %swap3A_613 = arith.index_cast %swap3A : i32 to index
        %swap3A_614 = arith.index_cast %mul3A_596 : i32 to index
        %swap3A_615 = tpu.vector_load %arg9[%swap3A_613, %swap3A_614] {strides = array<i32>} : memref<8x128xi32, #tpu.memory_space<vmem>>, vector<1x16xi32>,
        %swap3A_616 = vector.shape_cast %swap3A_615 : vector<1x16xi32> to vector<16xi32>
        %swap3A_617 = vector.shape_cast %select_n3A : vector<16xi32> to vector<1x16xi32>
        tpu.vector_store %arg9[%swap3A_613, %swap3A_614], %swap3A_617 {strides = array<i32>} : memref<8x128xi32, #tpu.memory_space<vmem>>, vector<1x16xi32>,
        %scan3A_618 = arith.constant 0 : i32
        scf.yield %scan3A_618 : i32
      }
      %scan3A_198 = arith.constant 8 : i32
      %run_scoped3A_199 = arith.constant 3 : i32
      "tpu.region"() ({
        %run_scoped3A_593 = tpu.sem_alloc : memref<!tpu.dma_semaphore, #tpu.memory_space<semaphore_mem>>
        %dma_start3A_594 = arith.constant 0 : i32
        %dma_start3A_595 = tpu.memref_slice %arg10[%run_scoped3A_199, %dma_start3A_594] : memref<8x128xi32, #tpu.memory_space<vmem>> -> memref<1x128xi32, #tpu.memory_space<vmem>>
        %dma_start3A_596 = tpu.memref_squeeze %dma_start3A_595 : memref<1x128xi32, #tpu.memory_space<vmem>> -> memref<128xi32, #tpu.memory_space<vmem>>
        %dma_start3A_597 = arith.constant 0 : i32
        %dma_start3A_598 = tpu.memref_slice %arg6[%dma_start3A_597] : memref<500016xi32, #tpu.memory_space<vmem_shared>> -> memref<500016xi32, #tpu.memory_space<vmem_shared>>
        tpu.enqueue_indirect_dma source(%dma_start3A_598 : memref<500016xi32, #tpu.memory_space<vmem_shared>>) target(%arg12 : memref<128xi32, #tpu.memory_space<vmem>>) offsets(%dma_start3A_596 : memref<128xi32, #tpu.memory_space<vmem>>) semaphore(%run_scoped3A_593 : memref<!tpu.dma_semaphore, #tpu.memory_space<semaphore_mem>>)
        %dma_wait3A_599 = arith.constant 0 : i32
        %dma_wait3A_600 = tpu.memref_slice %arg10[%run_scoped3A_199, %dma_wait3A_599] : memref<8x128xi32, #tpu.memory_space<vmem>> -> memref<1x128xi32, #tpu.memory_space<vmem>>
        %dma_wait3A_601 = tpu.memref_squeeze %dma_wait3A_600 : memref<1x128xi32, #tpu.memory_space<vmem>> -> memref<128xi32, #tpu.memory_space<vmem>>
        %dma_wait3A_602 = arith.constant 0 : i32
        %dma_wait3A_603 = tpu.memref_slice %arg6[%dma_wait3A_602] : memref<500016xi32, #tpu.memory_space<vmem_shared>> -> memref<500016xi32, #tpu.memory_space<vmem_shared>>
        tpu.wait_indirect_dma semaphore(%run_scoped3A_593 : memref<!tpu.dma_semaphore, #tpu.memory_space<semaphore_mem>>) src(%dma_wait3A_603 : memref<500016xi32, #tpu.memory_space<vmem_shared>>) dst(%arg12 : memref<128xi32, #tpu.memory_space<vmem>>)
        tpu.yield
      }) : () -> ()
      %scan3A_200 = arith.constant 0 : i32
      %scan3A_201 = arith.constant 0 : i32
      %scan3A_202 = arith.constant 8 : i32
      %scan3A_203 = arith.addi %scan3A_201, %scan3A_202 : i32
      %scan3A_204 = arith.constant 1 : i32
      %scan3A_205 = scf.for %scan3A_593 = %scan3A_201 to %scan3A_203 step %scan3A_204 iter_args(%scan3A_594 = %scan3A_200) -> (i32)  : i32 {
        %mul3A_595 = arith.constant 16 : i32
        %mul3A_596 = arith.muli %scan3A_593, %mul3A_595 : i32
        %get3A = arith.constant 3 : i32
        %get3A_597 = arith.index_cast %get3A : i32 to index
        %get3A_598 = arith.index_cast %mul3A_596 : i32 to index
        %get3A_599 = tpu.vector_load %arg8[%get3A_597, %get3A_598] {strides = array<i32>} : memref<8x128xi32, #tpu.memory_space<vmem>>, vector<1x16xi32>,
        %get3A_600 = vector.shape_cast %get3A_599 : vector<1x16xi32> to vector<16xi32>
        %ge3A = arith.constant 0 : i32
        %ge3A_601 = vector.broadcast %ge3A : i32 to vector<16xi32>
        %ge3A_602 = arith.cmpi sge, %get3A_600, %ge3A_601 : vector<16xi32>
        %lt3A = arith.constant 500000 : i32
        %lt3A_603 = vector.broadcast %lt3A : i32 to vector<16xi32>
        %lt3A_604 = arith.cmpi slt, %get3A_600, %lt3A_603 : vector<16xi32>
        %and3A = arith.andi %ge3A_602, %lt3A_604 : vector<16xi1>
        %get3A_605 = arith.index_cast %mul3A_596 : i32 to index
        %get3A_606 = tpu.vector_load %arg12[%get3A_605] {strides = array<i32>} : memref<128xi32, #tpu.memory_space<vmem>>, vector<16xi32>,
        %get3A_607 = vector.shape_cast %get3A_606 : vector<16xi32> to vector<16xi32>
        %get3A_608 = arith.constant 3 : i32
        %get3A_609 = arith.index_cast %get3A_608 : i32 to index
        %get3A_610 = arith.index_cast %mul3A_596 : i32 to index
        %get3A_611 = tpu.vector_load %arg9[%get3A_609, %get3A_610] {strides = array<i32>} : memref<8x128xi32, #tpu.memory_space<vmem>>, vector<1x16xi32>,
        %get3A_612 = vector.shape_cast %get3A_611 : vector<1x16xi32> to vector<16xi32>
        %select_n3A = arith.select %and3A, %get3A_607, %get3A_612 : vector<16xi1>, vector<16xi32>
        %swap3A = arith.constant 3 : i32
        %swap3A_613 = arith.index_cast %swap3A : i32 to index
        %swap3A_614 = arith.index_cast %mul3A_596 : i32 to index
        %swap3A_615 = tpu.vector_load %arg9[%swap3A_613, %swap3A_614] {strides = array<i32>} : memref<8x128xi32, #tpu.memory_space<vmem>>, vector<1x16xi32>,
        %swap3A_616 = vector.shape_cast %swap3A_615 : vector<1x16xi32> to vector<16xi32>
        %swap3A_617 = vector.shape_cast %select_n3A : vector<16xi32> to vector<1x16xi32>
        tpu.vector_store %arg9[%swap3A_613, %swap3A_614], %swap3A_617 {strides = array<i32>} : memref<8x128xi32, #tpu.memory_space<vmem>>, vector<1x16xi32>,
        %scan3A_618 = arith.constant 0 : i32
        scf.yield %scan3A_618 : i32
      }
      %scan3A_206 = arith.constant 8 : i32
      %run_scoped3A_207 = arith.constant 4 : i32
      "tpu.region"() ({
        %run_scoped3A_593 = tpu.sem_alloc : memref<!tpu.dma_semaphore, #tpu.memory_space<semaphore_mem>>
        %dma_start3A_594 = arith.constant 0 : i32
        %dma_start3A_595 = tpu.memref_slice %arg10[%run_scoped3A_207, %dma_start3A_594] : memref<8x128xi32, #tpu.memory_space<vmem>> -> memref<1x128xi32, #tpu.memory_space<vmem>>
        %dma_start3A_596 = tpu.memref_squeeze %dma_start3A_595 : memref<1x128xi32, #tpu.memory_space<vmem>> -> memref<128xi32, #tpu.memory_space<vmem>>
        %dma_start3A_597 = arith.constant 0 : i32
        %dma_start3A_598 = tpu.memref_slice %arg6[%dma_start3A_597] : memref<500016xi32, #tpu.memory_space<vmem_shared>> -> memref<500016xi32, #tpu.memory_space<vmem_shared>>
        tpu.enqueue_indirect_dma source(%dma_start3A_598 : memref<500016xi32, #tpu.memory_space<vmem_shared>>) target(%arg12 : memref<128xi32, #tpu.memory_space<vmem>>) offsets(%dma_start3A_596 : memref<128xi32, #tpu.memory_space<vmem>>) semaphore(%run_scoped3A_593 : memref<!tpu.dma_semaphore, #tpu.memory_space<semaphore_mem>>)
        %dma_wait3A_599 = arith.constant 0 : i32
        %dma_wait3A_600 = tpu.memref_slice %arg10[%run_scoped3A_207, %dma_wait3A_599] : memref<8x128xi32, #tpu.memory_space<vmem>> -> memref<1x128xi32, #tpu.memory_space<vmem>>
        %dma_wait3A_601 = tpu.memref_squeeze %dma_wait3A_600 : memref<1x128xi32, #tpu.memory_space<vmem>> -> memref<128xi32, #tpu.memory_space<vmem>>
        %dma_wait3A_602 = arith.constant 0 : i32
        %dma_wait3A_603 = tpu.memref_slice %arg6[%dma_wait3A_602] : memref<500016xi32, #tpu.memory_space<vmem_shared>> -> memref<500016xi32, #tpu.memory_space<vmem_shared>>
        tpu.wait_indirect_dma semaphore(%run_scoped3A_593 : memref<!tpu.dma_semaphore, #tpu.memory_space<semaphore_mem>>) src(%dma_wait3A_603 : memref<500016xi32, #tpu.memory_space<vmem_shared>>) dst(%arg12 : memref<128xi32, #tpu.memory_space<vmem>>)
        tpu.yield
      }) : () -> ()
      %scan3A_208 = arith.constant 0 : i32
      %scan3A_209 = arith.constant 0 : i32
      %scan3A_210 = arith.constant 8 : i32
      %scan3A_211 = arith.addi %scan3A_209, %scan3A_210 : i32
      %scan3A_212 = arith.constant 1 : i32
      %scan3A_213 = scf.for %scan3A_593 = %scan3A_209 to %scan3A_211 step %scan3A_212 iter_args(%scan3A_594 = %scan3A_208) -> (i32)  : i32 {
        %mul3A_595 = arith.constant 16 : i32
        %mul3A_596 = arith.muli %scan3A_593, %mul3A_595 : i32
        %get3A = arith.constant 4 : i32
        %get3A_597 = arith.index_cast %get3A : i32 to index
        %get3A_598 = arith.index_cast %mul3A_596 : i32 to index
        %get3A_599 = tpu.vector_load %arg8[%get3A_597, %get3A_598] {strides = array<i32>} : memref<8x128xi32, #tpu.memory_space<vmem>>, vector<1x16xi32>,
        %get3A_600 = vector.shape_cast %get3A_599 : vector<1x16xi32> to vector<16xi32>
        %ge3A = arith.constant 0 : i32
        %ge3A_601 = vector.broadcast %ge3A : i32 to vector<16xi32>
        %ge3A_602 = arith.cmpi sge, %get3A_600, %ge3A_601 : vector<16xi32>
        %lt3A = arith.constant 500000 : i32
        %lt3A_603 = vector.broadcast %lt3A : i32 to vector<16xi32>
        %lt3A_604 = arith.cmpi slt, %get3A_600, %lt3A_603 : vector<16xi32>
        %and3A = arith.andi %ge3A_602, %lt3A_604 : vector<16xi1>
        %get3A_605 = arith.index_cast %mul3A_596 : i32 to index
        %get3A_606 = tpu.vector_load %arg12[%get3A_605] {strides = array<i32>} : memref<128xi32, #tpu.memory_space<vmem>>, vector<16xi32>,
        %get3A_607 = vector.shape_cast %get3A_606 : vector<16xi32> to vector<16xi32>
        %get3A_608 = arith.constant 4 : i32
        %get3A_609 = arith.index_cast %get3A_608 : i32 to index
        %get3A_610 = arith.index_cast %mul3A_596 : i32 to index
        %get3A_611 = tpu.vector_load %arg9[%get3A_609, %get3A_610] {strides = array<i32>} : memref<8x128xi32, #tpu.memory_space<vmem>>, vector<1x16xi32>,
        %get3A_612 = vector.shape_cast %get3A_611 : vector<1x16xi32> to vector<16xi32>
        %select_n3A = arith.select %and3A, %get3A_607, %get3A_612 : vector<16xi1>, vector<16xi32>
        %swap3A = arith.constant 4 : i32
        %swap3A_613 = arith.index_cast %swap3A : i32 to index
        %swap3A_614 = arith.index_cast %mul3A_596 : i32 to index
        %swap3A_615 = tpu.vector_load %arg9[%swap3A_613, %swap3A_614] {strides = array<i32>} : memref<8x128xi32, #tpu.memory_space<vmem>>, vector<1x16xi32>,
        %swap3A_616 = vector.shape_cast %swap3A_615 : vector<1x16xi32> to vector<16xi32>
        %swap3A_617 = vector.shape_cast %select_n3A : vector<16xi32> to vector<1x16xi32>
        tpu.vector_store %arg9[%swap3A_613, %swap3A_614], %swap3A_617 {strides = array<i32>} : memref<8x128xi32, #tpu.memory_space<vmem>>, vector<1x16xi32>,
        %scan3A_618 = arith.constant 0 : i32
        scf.yield %scan3A_618 : i32
      }
      %scan3A_214 = arith.constant 8 : i32
      %run_scoped3A_215 = arith.constant 5 : i32
      "tpu.region"() ({
        %run_scoped3A_593 = tpu.sem_alloc : memref<!tpu.dma_semaphore, #tpu.memory_space<semaphore_mem>>
        %dma_start3A_594 = arith.constant 0 : i32
        %dma_start3A_595 = tpu.memref_slice %arg10[%run_scoped3A_215, %dma_start3A_594] : memref<8x128xi32, #tpu.memory_space<vmem>> -> memref<1x128xi32, #tpu.memory_space<vmem>>
        %dma_start3A_596 = tpu.memref_squeeze %dma_start3A_595 : memref<1x128xi32, #tpu.memory_space<vmem>> -> memref<128xi32, #tpu.memory_space<vmem>>
        %dma_start3A_597 = arith.constant 0 : i32
        %dma_start3A_598 = tpu.memref_slice %arg6[%dma_start3A_597] : memref<500016xi32, #tpu.memory_space<vmem_shared>> -> memref<500016xi32, #tpu.memory_space<vmem_shared>>
        tpu.enqueue_indirect_dma source(%dma_start3A_598 : memref<500016xi32, #tpu.memory_space<vmem_shared>>) target(%arg12 : memref<128xi32, #tpu.memory_space<vmem>>) offsets(%dma_start3A_596 : memref<128xi32, #tpu.memory_space<vmem>>) semaphore(%run_scoped3A_593 : memref<!tpu.dma_semaphore, #tpu.memory_space<semaphore_mem>>)
        %dma_wait3A_599 = arith.constant 0 : i32
        %dma_wait3A_600 = tpu.memref_slice %arg10[%run_scoped3A_215, %dma_wait3A_599] : memref<8x128xi32, #tpu.memory_space<vmem>> -> memref<1x128xi32, #tpu.memory_space<vmem>>
        %dma_wait3A_601 = tpu.memref_squeeze %dma_wait3A_600 : memref<1x128xi32, #tpu.memory_space<vmem>> -> memref<128xi32, #tpu.memory_space<vmem>>
        %dma_wait3A_602 = arith.constant 0 : i32
        %dma_wait3A_603 = tpu.memref_slice %arg6[%dma_wait3A_602] : memref<500016xi32, #tpu.memory_space<vmem_shared>> -> memref<500016xi32, #tpu.memory_space<vmem_shared>>
        tpu.wait_indirect_dma semaphore(%run_scoped3A_593 : memref<!tpu.dma_semaphore, #tpu.memory_space<semaphore_mem>>) src(%dma_wait3A_603 : memref<500016xi32, #tpu.memory_space<vmem_shared>>) dst(%arg12 : memref<128xi32, #tpu.memory_space<vmem>>)
        tpu.yield
      }) : () -> ()
      %scan3A_216 = arith.constant 0 : i32
      %scan3A_217 = arith.constant 0 : i32
      %scan3A_218 = arith.constant 8 : i32
      %scan3A_219 = arith.addi %scan3A_217, %scan3A_218 : i32
      %scan3A_220 = arith.constant 1 : i32
      %scan3A_221 = scf.for %scan3A_593 = %scan3A_217 to %scan3A_219 step %scan3A_220 iter_args(%scan3A_594 = %scan3A_216) -> (i32)  : i32 {
        %mul3A_595 = arith.constant 16 : i32
        %mul3A_596 = arith.muli %scan3A_593, %mul3A_595 : i32
        %get3A = arith.constant 5 : i32
        %get3A_597 = arith.index_cast %get3A : i32 to index
        %get3A_598 = arith.index_cast %mul3A_596 : i32 to index
        %get3A_599 = tpu.vector_load %arg8[%get3A_597, %get3A_598] {strides = array<i32>} : memref<8x128xi32, #tpu.memory_space<vmem>>, vector<1x16xi32>,
        %get3A_600 = vector.shape_cast %get3A_599 : vector<1x16xi32> to vector<16xi32>
        %ge3A = arith.constant 0 : i32
        %ge3A_601 = vector.broadcast %ge3A : i32 to vector<16xi32>
        %ge3A_602 = arith.cmpi sge, %get3A_600, %ge3A_601 : vector<16xi32>
        %lt3A = arith.constant 500000 : i32
        %lt3A_603 = vector.broadcast %lt3A : i32 to vector<16xi32>
        %lt3A_604 = arith.cmpi slt, %get3A_600, %lt3A_603 : vector<16xi32>
        %and3A = arith.andi %ge3A_602, %lt3A_604 : vector<16xi1>
        %get3A_605 = arith.index_cast %mul3A_596 : i32 to index
        %get3A_606 = tpu.vector_load %arg12[%get3A_605] {strides = array<i32>} : memref<128xi32, #tpu.memory_space<vmem>>, vector<16xi32>,
        %get3A_607 = vector.shape_cast %get3A_606 : vector<16xi32> to vector<16xi32>
        %get3A_608 = arith.constant 5 : i32
        %get3A_609 = arith.index_cast %get3A_608 : i32 to index
        %get3A_610 = arith.index_cast %mul3A_596 : i32 to index
        %get3A_611 = tpu.vector_load %arg9[%get3A_609, %get3A_610] {strides = array<i32>} : memref<8x128xi32, #tpu.memory_space<vmem>>, vector<1x16xi32>,
        %get3A_612 = vector.shape_cast %get3A_611 : vector<1x16xi32> to vector<16xi32>
        %select_n3A = arith.select %and3A, %get3A_607, %get3A_612 : vector<16xi1>, vector<16xi32>
        %swap3A = arith.constant 5 : i32
        %swap3A_613 = arith.index_cast %swap3A : i32 to index
        %swap3A_614 = arith.index_cast %mul3A_596 : i32 to index
        %swap3A_615 = tpu.vector_load %arg9[%swap3A_613, %swap3A_614] {strides = array<i32>} : memref<8x128xi32, #tpu.memory_space<vmem>>, vector<1x16xi32>,
        %swap3A_616 = vector.shape_cast %swap3A_615 : vector<1x16xi32> to vector<16xi32>
        %swap3A_617 = vector.shape_cast %select_n3A : vector<16xi32> to vector<1x16xi32>
        tpu.vector_store %arg9[%swap3A_613, %swap3A_614], %swap3A_617 {strides = array<i32>} : memref<8x128xi32, #tpu.memory_space<vmem>>, vector<1x16xi32>,
        %scan3A_618 = arith.constant 0 : i32
        scf.yield %scan3A_618 : i32
      }
      %scan3A_222 = arith.constant 8 : i32
      %run_scoped3A_223 = arith.constant 6 : i32
      "tpu.region"() ({
        %run_scoped3A_593 = tpu.sem_alloc : memref<!tpu.dma_semaphore, #tpu.memory_space<semaphore_mem>>
        %dma_start3A_594 = arith.constant 0 : i32
        %dma_start3A_595 = tpu.memref_slice %arg10[%run_scoped3A_223, %dma_start3A_594] : memref<8x128xi32, #tpu.memory_space<vmem>> -> memref<1x128xi32, #tpu.memory_space<vmem>>
        %dma_start3A_596 = tpu.memref_squeeze %dma_start3A_595 : memref<1x128xi32, #tpu.memory_space<vmem>> -> memref<128xi32, #tpu.memory_space<vmem>>
        %dma_start3A_597 = arith.constant 0 : i32
        %dma_start3A_598 = tpu.memref_slice %arg6[%dma_start3A_597] : memref<500016xi32, #tpu.memory_space<vmem_shared>> -> memref<500016xi32, #tpu.memory_space<vmem_shared>>
        tpu.enqueue_indirect_dma source(%dma_start3A_598 : memref<500016xi32, #tpu.memory_space<vmem_shared>>) target(%arg12 : memref<128xi32, #tpu.memory_space<vmem>>) offsets(%dma_start3A_596 : memref<128xi32, #tpu.memory_space<vmem>>) semaphore(%run_scoped3A_593 : memref<!tpu.dma_semaphore, #tpu.memory_space<semaphore_mem>>)
        %dma_wait3A_599 = arith.constant 0 : i32
        %dma_wait3A_600 = tpu.memref_slice %arg10[%run_scoped3A_223, %dma_wait3A_599] : memref<8x128xi32, #tpu.memory_space<vmem>> -> memref<1x128xi32, #tpu.memory_space<vmem>>
        %dma_wait3A_601 = tpu.memref_squeeze %dma_wait3A_600 : memref<1x128xi32, #tpu.memory_space<vmem>> -> memref<128xi32, #tpu.memory_space<vmem>>
        %dma_wait3A_602 = arith.constant 0 : i32
        %dma_wait3A_603 = tpu.memref_slice %arg6[%dma_wait3A_602] : memref<500016xi32, #tpu.memory_space<vmem_shared>> -> memref<500016xi32, #tpu.memory_space<vmem_shared>>
        tpu.wait_indirect_dma semaphore(%run_scoped3A_593 : memref<!tpu.dma_semaphore, #tpu.memory_space<semaphore_mem>>) src(%dma_wait3A_603 : memref<500016xi32, #tpu.memory_space<vmem_shared>>) dst(%arg12 : memref<128xi32, #tpu.memory_space<vmem>>)
        tpu.yield
      }) : () -> ()
      %scan3A_224 = arith.constant 0 : i32
      %scan3A_225 = arith.constant 0 : i32
      %scan3A_226 = arith.constant 8 : i32
      %scan3A_227 = arith.addi %scan3A_225, %scan3A_226 : i32
      %scan3A_228 = arith.constant 1 : i32
      %scan3A_229 = scf.for %scan3A_593 = %scan3A_225 to %scan3A_227 step %scan3A_228 iter_args(%scan3A_594 = %scan3A_224) -> (i32)  : i32 {
        %mul3A_595 = arith.constant 16 : i32
        %mul3A_596 = arith.muli %scan3A_593, %mul3A_595 : i32
        %get3A = arith.constant 6 : i32
        %get3A_597 = arith.index_cast %get3A : i32 to index
        %get3A_598 = arith.index_cast %mul3A_596 : i32 to index
        %get3A_599 = tpu.vector_load %arg8[%get3A_597, %get3A_598] {strides = array<i32>} : memref<8x128xi32, #tpu.memory_space<vmem>>, vector<1x16xi32>,
        %get3A_600 = vector.shape_cast %get3A_599 : vector<1x16xi32> to vector<16xi32>
        %ge3A = arith.constant 0 : i32
        %ge3A_601 = vector.broadcast %ge3A : i32 to vector<16xi32>
        %ge3A_602 = arith.cmpi sge, %get3A_600, %ge3A_601 : vector<16xi32>
        %lt3A = arith.constant 500000 : i32
        %lt3A_603 = vector.broadcast %lt3A : i32 to vector<16xi32>
        %lt3A_604 = arith.cmpi slt, %get3A_600, %lt3A_603 : vector<16xi32>
        %and3A = arith.andi %ge3A_602, %lt3A_604 : vector<16xi1>
        %get3A_605 = arith.index_cast %mul3A_596 : i32 to index
        %get3A_606 = tpu.vector_load %arg12[%get3A_605] {strides = array<i32>} : memref<128xi32, #tpu.memory_space<vmem>>, vector<16xi32>,
        %get3A_607 = vector.shape_cast %get3A_606 : vector<16xi32> to vector<16xi32>
        %get3A_608 = arith.constant 6 : i32
        %get3A_609 = arith.index_cast %get3A_608 : i32 to index
        %get3A_610 = arith.index_cast %mul3A_596 : i32 to index
        %get3A_611 = tpu.vector_load %arg9[%get3A_609, %get3A_610] {strides = array<i32>} : memref<8x128xi32, #tpu.memory_space<vmem>>, vector<1x16xi32>,
        %get3A_612 = vector.shape_cast %get3A_611 : vector<1x16xi32> to vector<16xi32>
        %select_n3A = arith.select %and3A, %get3A_607, %get3A_612 : vector<16xi1>, vector<16xi32>
        %swap3A = arith.constant 6 : i32
        %swap3A_613 = arith.index_cast %swap3A : i32 to index
        %swap3A_614 = arith.index_cast %mul3A_596 : i32 to index
        %swap3A_615 = tpu.vector_load %arg9[%swap3A_613, %swap3A_614] {strides = array<i32>} : memref<8x128xi32, #tpu.memory_space<vmem>>, vector<1x16xi32>,
        %swap3A_616 = vector.shape_cast %swap3A_615 : vector<1x16xi32> to vector<16xi32>
        %swap3A_617 = vector.shape_cast %select_n3A : vector<16xi32> to vector<1x16xi32>
        tpu.vector_store %arg9[%swap3A_613, %swap3A_614], %swap3A_617 {strides = array<i32>} : memref<8x128xi32, #tpu.memory_space<vmem>>, vector<1x16xi32>,
        %scan3A_618 = arith.constant 0 : i32
        scf.yield %scan3A_618 : i32
      }
      %scan3A_230 = arith.constant 8 : i32
      %run_scoped3A_231 = arith.constant 7 : i32
      "tpu.region"() ({
        %run_scoped3A_593 = tpu.sem_alloc : memref<!tpu.dma_semaphore, #tpu.memory_space<semaphore_mem>>
        %dma_start3A_594 = arith.constant 0 : i32
        %dma_start3A_595 = tpu.memref_slice %arg10[%run_scoped3A_231, %dma_start3A_594] : memref<8x128xi32, #tpu.memory_space<vmem>> -> memref<1x128xi32, #tpu.memory_space<vmem>>
        %dma_start3A_596 = tpu.memref_squeeze %dma_start3A_595 : memref<1x128xi32, #tpu.memory_space<vmem>> -> memref<128xi32, #tpu.memory_space<vmem>>
        %dma_start3A_597 = arith.constant 0 : i32
        %dma_start3A_598 = tpu.memref_slice %arg6[%dma_start3A_597] : memref<500016xi32, #tpu.memory_space<vmem_shared>> -> memref<500016xi32, #tpu.memory_space<vmem_shared>>
        tpu.enqueue_indirect_dma source(%dma_start3A_598 : memref<500016xi32, #tpu.memory_space<vmem_shared>>) target(%arg12 : memref<128xi32, #tpu.memory_space<vmem>>) offsets(%dma_start3A_596 : memref<128xi32, #tpu.memory_space<vmem>>) semaphore(%run_scoped3A_593 : memref<!tpu.dma_semaphore, #tpu.memory_space<semaphore_mem>>)
        %dma_wait3A_599 = arith.constant 0 : i32
        %dma_wait3A_600 = tpu.memref_slice %arg10[%run_scoped3A_231, %dma_wait3A_599] : memref<8x128xi32, #tpu.memory_space<vmem>> -> memref<1x128xi32, #tpu.memory_space<vmem>>
        %dma_wait3A_601 = tpu.memref_squeeze %dma_wait3A_600 : memref<1x128xi32, #tpu.memory_space<vmem>> -> memref<128xi32, #tpu.memory_space<vmem>>
        %dma_wait3A_602 = arith.constant 0 : i32
        %dma_wait3A_603 = tpu.memref_slice %arg6[%dma_wait3A_602] : memref<500016xi32, #tpu.memory_space<vmem_shared>> -> memref<500016xi32, #tpu.memory_space<vmem_shared>>
        tpu.wait_indirect_dma semaphore(%run_scoped3A_593 : memref<!tpu.dma_semaphore, #tpu.memory_space<semaphore_mem>>) src(%dma_wait3A_603 : memref<500016xi32, #tpu.memory_space<vmem_shared>>) dst(%arg12 : memref<128xi32, #tpu.memory_space<vmem>>)
        tpu.yield
      }) : () -> ()
      %scan3A_232 = arith.constant 0 : i32
      %scan3A_233 = arith.constant 0 : i32
      %scan3A_234 = arith.constant 8 : i32
      %scan3A_235 = arith.addi %scan3A_233, %scan3A_234 : i32
      %scan3A_236 = arith.constant 1 : i32
      %scan3A_237 = scf.for %scan3A_593 = %scan3A_233 to %scan3A_235 step %scan3A_236 iter_args(%scan3A_594 = %scan3A_232) -> (i32)  : i32 {
        %mul3A_595 = arith.constant 16 : i32
        %mul3A_596 = arith.muli %scan3A_593, %mul3A_595 : i32
        %get3A = arith.constant 7 : i32
        %get3A_597 = arith.index_cast %get3A : i32 to index
        %get3A_598 = arith.index_cast %mul3A_596 : i32 to index
        %get3A_599 = tpu.vector_load %arg8[%get3A_597, %get3A_598] {strides = array<i32>} : memref<8x128xi32, #tpu.memory_space<vmem>>, vector<1x16xi32>,
        %get3A_600 = vector.shape_cast %get3A_599 : vector<1x16xi32> to vector<16xi32>
        %ge3A = arith.constant 0 : i32
        %ge3A_601 = vector.broadcast %ge3A : i32 to vector<16xi32>
        %ge3A_602 = arith.cmpi sge, %get3A_600, %ge3A_601 : vector<16xi32>
        %lt3A = arith.constant 500000 : i32
        %lt3A_603 = vector.broadcast %lt3A : i32 to vector<16xi32>
        %lt3A_604 = arith.cmpi slt, %get3A_600, %lt3A_603 : vector<16xi32>
        %and3A = arith.andi %ge3A_602, %lt3A_604 : vector<16xi1>
        %get3A_605 = arith.index_cast %mul3A_596 : i32 to index
        %get3A_606 = tpu.vector_load %arg12[%get3A_605] {strides = array<i32>} : memref<128xi32, #tpu.memory_space<vmem>>, vector<16xi32>,
        %get3A_607 = vector.shape_cast %get3A_606 : vector<16xi32> to vector<16xi32>
        %get3A_608 = arith.constant 7 : i32
        %get3A_609 = arith.index_cast %get3A_608 : i32 to index
        %get3A_610 = arith.index_cast %mul3A_596 : i32 to index
        %get3A_611 = tpu.vector_load %arg9[%get3A_609, %get3A_610] {strides = array<i32>} : memref<8x128xi32, #tpu.memory_space<vmem>>, vector<1x16xi32>,
        %get3A_612 = vector.shape_cast %get3A_611 : vector<1x16xi32> to vector<16xi32>
        %select_n3A = arith.select %and3A, %get3A_607, %get3A_612 : vector<16xi1>, vector<16xi32>
        %swap3A = arith.constant 7 : i32
        %swap3A_613 = arith.index_cast %swap3A : i32 to index
        %swap3A_614 = arith.index_cast %mul3A_596 : i32 to index
        %swap3A_615 = tpu.vector_load %arg9[%swap3A_613, %swap3A_614] {strides = array<i32>} : memref<8x128xi32, #tpu.memory_space<vmem>>, vector<1x16xi32>,
        %swap3A_616 = vector.shape_cast %swap3A_615 : vector<1x16xi32> to vector<16xi32>
        %swap3A_617 = vector.shape_cast %select_n3A : vector<16xi32> to vector<1x16xi32>
        tpu.vector_store %arg9[%swap3A_613, %swap3A_614], %swap3A_617 {strides = array<i32>} : memref<8x128xi32, #tpu.memory_space<vmem>>, vector<1x16xi32>,
        %scan3A_618 = arith.constant 0 : i32
        scf.yield %scan3A_618 : i32
      }
      %scan3A_238 = arith.constant 8 : i32
      %barrier3A_239 = arith.constant 0 : index
      tpu.barrier barrier_id(%barrier3A_239)
      %scan3A_240 = arith.constant 0 : i32
      %scan3A_241 = arith.constant 0 : i32
      %scan3A_242 = arith.constant 8 : i32
      %scan3A_243 = arith.addi %scan3A_241, %scan3A_242 : i32
      %scan3A_244 = arith.constant 1 : i32
      %scan3A_245 = scf.for %scan3A_593 = %scan3A_241 to %scan3A_243 step %scan3A_244 iter_args(%scan3A_594 = %scan3A_240) -> (i32)  : i32 {
        %mul3A_595 = arith.constant 16 : i32
        %mul3A_596 = arith.muli %scan3A_593, %mul3A_595 : i32
        %get3A = arith.constant 0 : i32
        %get3A_597 = arith.index_cast %get3A : i32 to index
        %get3A_598 = arith.index_cast %mul3A_596 : i32 to index
        %get3A_599 = tpu.vector_load %arg8[%get3A_597, %get3A_598] {strides = array<i32>} : memref<8x128xi32, #tpu.memory_space<vmem>>, vector<1x16xi32>,
        %get3A_600 = vector.shape_cast %get3A_599 : vector<1x16xi32> to vector<16xi32>
        %ge3A = arith.constant 500000 : i32
        %ge3A_601 = vector.broadcast %ge3A : i32 to vector<16xi32>
        %ge3A_602 = arith.cmpi sge, %get3A_600, %ge3A_601 : vector<16xi32>
        %lt3A = arith.constant 1000000 : i32
        %lt3A_603 = vector.broadcast %lt3A : i32 to vector<16xi32>
        %lt3A_604 = arith.cmpi slt, %get3A_600, %lt3A_603 : vector<16xi32>
        %and3A = arith.andi %ge3A_602, %lt3A_604 : vector<16xi1>
        %sub3A = arith.constant 500000 : i32
        %sub3A_605 = vector.broadcast %sub3A : i32 to vector<16xi32>
        %sub3A_606 = arith.subi %get3A_600, %sub3A_605 : vector<16xi32>
        %add3A_607 = arith.constant 500000 : i32
        %add3A_608 = arith.addi %add3A_607, %arg1 : i32
        %broadcast_in_dim3A = vector.broadcast %add3A_608 : i32 to vector<16xi32>
        %select_n3A = arith.select %and3A, %sub3A_606, %broadcast_in_dim3A : vector<16xi1>, vector<16xi32>
        %swap3A = arith.constant 0 : i32
        %swap3A_609 = arith.index_cast %swap3A : i32 to index
        %swap3A_610 = arith.index_cast %mul3A_596 : i32 to index
        %swap3A_611 = tpu.vector_load %arg10[%swap3A_609, %swap3A_610] {strides = array<i32>} : memref<8x128xi32, #tpu.memory_space<vmem>>, vector<1x16xi32>,
        %swap3A_612 = vector.shape_cast %swap3A_611 : vector<1x16xi32> to vector<16xi32>
        %swap3A_613 = vector.shape_cast %select_n3A : vector<16xi32> to vector<1x16xi32>
        tpu.vector_store %arg10[%swap3A_609, %swap3A_610], %swap3A_613 {strides = array<i32>} : memref<8x128xi32, #tpu.memory_space<vmem>>, vector<1x16xi32>,
        %scan3A_614 = arith.constant 0 : i32
        scf.yield %scan3A_614 : i32
      }
      %scan3A_246 = arith.constant 8 : i32
      %run_scoped3A_247 = arith.constant 0 : i32
      %run_scoped3A_248 = arith.constant 0 : i32
      "tpu.region"() ({
        %run_scoped3A_593 = tpu.sem_alloc : memref<!tpu.dma_semaphore, #tpu.memory_space<semaphore_mem>>
        %dma_start3A_594 = arith.constant 0 : i32
        %dma_start3A_595 = tpu.memref_slice %arg11[%run_scoped3A_247, %dma_start3A_594] : memref<8x128xi32, #tpu.memory_space<vmem>> -> memref<1x128xi32, #tpu.memory_space<vmem>>
        %dma_start3A_596 = tpu.memref_squeeze %dma_start3A_595 : memref<1x128xi32, #tpu.memory_space<vmem>> -> memref<128xi32, #tpu.memory_space<vmem>>
        %dma_start3A_597 = arith.constant 0 : i32
        %dma_start3A_598 = tpu.memref_slice %arg10[%run_scoped3A_248, %dma_start3A_597] : memref<8x128xi32, #tpu.memory_space<vmem>> -> memref<1x128xi32, #tpu.memory_space<vmem>>
        %dma_start3A_599 = tpu.memref_squeeze %dma_start3A_598 : memref<1x128xi32, #tpu.memory_space<vmem>> -> memref<128xi32, #tpu.memory_space<vmem>>
        %dma_start3A_600 = arith.constant 0 : i32
        %dma_start3A_601 = tpu.memref_slice %arg6[%dma_start3A_600] : memref<500016xi32, #tpu.memory_space<vmem_shared>> -> memref<500016xi32, #tpu.memory_space<vmem_shared>>
        tpu.enqueue_indirect_dma source(%dma_start3A_596 : memref<128xi32, #tpu.memory_space<vmem>>) target(%dma_start3A_601 : memref<500016xi32, #tpu.memory_space<vmem_shared>>) offsets(%dma_start3A_599 : memref<128xi32, #tpu.memory_space<vmem>>) semaphore(%run_scoped3A_593 : memref<!tpu.dma_semaphore, #tpu.memory_space<semaphore_mem>>)
        %dma_wait3A_602 = arith.constant 0 : i32
        %dma_wait3A_603 = tpu.memref_slice %arg11[%run_scoped3A_247, %dma_wait3A_602] : memref<8x128xi32, #tpu.memory_space<vmem>> -> memref<1x128xi32, #tpu.memory_space<vmem>>
        %dma_wait3A_604 = tpu.memref_squeeze %dma_wait3A_603 : memref<1x128xi32, #tpu.memory_space<vmem>> -> memref<128xi32, #tpu.memory_space<vmem>>
        %dma_wait3A_605 = arith.constant 0 : i32
        %dma_wait3A_606 = tpu.memref_slice %arg10[%run_scoped3A_248, %dma_wait3A_605] : memref<8x128xi32, #tpu.memory_space<vmem>> -> memref<1x128xi32, #tpu.memory_space<vmem>>
        %dma_wait3A_607 = tpu.memref_squeeze %dma_wait3A_606 : memref<1x128xi32, #tpu.memory_space<vmem>> -> memref<128xi32, #tpu.memory_space<vmem>>
        %dma_wait3A_608 = arith.constant 0 : i32
        %dma_wait3A_609 = tpu.memref_slice %arg6[%dma_wait3A_608] : memref<500016xi32, #tpu.memory_space<vmem_shared>> -> memref<500016xi32, #tpu.memory_space<vmem_shared>>
        tpu.wait_indirect_dma semaphore(%run_scoped3A_593 : memref<!tpu.dma_semaphore, #tpu.memory_space<semaphore_mem>>) src(%dma_wait3A_604 : memref<128xi32, #tpu.memory_space<vmem>>) dst(%dma_wait3A_609 : memref<500016xi32, #tpu.memory_space<vmem_shared>>)
        tpu.yield
      }) : () -> ()
      %scan3A_249 = arith.constant 0 : i32
      %scan3A_250 = arith.constant 0 : i32
      %scan3A_251 = arith.constant 8 : i32
      %scan3A_252 = arith.addi %scan3A_250, %scan3A_251 : i32
      %scan3A_253 = arith.constant 1 : i32
      %scan3A_254 = scf.for %scan3A_593 = %scan3A_250 to %scan3A_252 step %scan3A_253 iter_args(%scan3A_594 = %scan3A_249) -> (i32)  : i32 {
        %mul3A_595 = arith.constant 16 : i32
        %mul3A_596 = arith.muli %scan3A_593, %mul3A_595 : i32
        %get3A = arith.constant 1 : i32
        %get3A_597 = arith.index_cast %get3A : i32 to index
        %get3A_598 = arith.index_cast %mul3A_596 : i32 to index
        %get3A_599 = tpu.vector_load %arg8[%get3A_597, %get3A_598] {strides = array<i32>} : memref<8x128xi32, #tpu.memory_space<vmem>>, vector<1x16xi32>,
        %get3A_600 = vector.shape_cast %get3A_599 : vector<1x16xi32> to vector<16xi32>
        %ge3A = arith.constant 500000 : i32
        %ge3A_601 = vector.broadcast %ge3A : i32 to vector<16xi32>
        %ge3A_602 = arith.cmpi sge, %get3A_600, %ge3A_601 : vector<16xi32>
        %lt3A = arith.constant 1000000 : i32
        %lt3A_603 = vector.broadcast %lt3A : i32 to vector<16xi32>
        %lt3A_604 = arith.cmpi slt, %get3A_600, %lt3A_603 : vector<16xi32>
        %and3A = arith.andi %ge3A_602, %lt3A_604 : vector<16xi1>
        %sub3A = arith.constant 500000 : i32
        %sub3A_605 = vector.broadcast %sub3A : i32 to vector<16xi32>
        %sub3A_606 = arith.subi %get3A_600, %sub3A_605 : vector<16xi32>
        %add3A_607 = arith.constant 500000 : i32
        %add3A_608 = arith.addi %add3A_607, %arg1 : i32
        %broadcast_in_dim3A = vector.broadcast %add3A_608 : i32 to vector<16xi32>
        %select_n3A = arith.select %and3A, %sub3A_606, %broadcast_in_dim3A : vector<16xi1>, vector<16xi32>
        %swap3A = arith.constant 1 : i32
        %swap3A_609 = arith.index_cast %swap3A : i32 to index
        %swap3A_610 = arith.index_cast %mul3A_596 : i32 to index
        %swap3A_611 = tpu.vector_load %arg10[%swap3A_609, %swap3A_610] {strides = array<i32>} : memref<8x128xi32, #tpu.memory_space<vmem>>, vector<1x16xi32>,
        %swap3A_612 = vector.shape_cast %swap3A_611 : vector<1x16xi32> to vector<16xi32>
        %swap3A_613 = vector.shape_cast %select_n3A : vector<16xi32> to vector<1x16xi32>
        tpu.vector_store %arg10[%swap3A_609, %swap3A_610], %swap3A_613 {strides = array<i32>} : memref<8x128xi32, #tpu.memory_space<vmem>>, vector<1x16xi32>,
        %scan3A_614 = arith.constant 0 : i32
        scf.yield %scan3A_614 : i32
      }
      %scan3A_255 = arith.constant 8 : i32
      %run_scoped3A_256 = arith.constant 1 : i32
      %run_scoped3A_257 = arith.constant 1 : i32
      "tpu.region"() ({
        %run_scoped3A_593 = tpu.sem_alloc : memref<!tpu.dma_semaphore, #tpu.memory_space<semaphore_mem>>
        %dma_start3A_594 = arith.constant 0 : i32
        %dma_start3A_595 = tpu.memref_slice %arg11[%run_scoped3A_256, %dma_start3A_594] : memref<8x128xi32, #tpu.memory_space<vmem>> -> memref<1x128xi32, #tpu.memory_space<vmem>>
        %dma_start3A_596 = tpu.memref_squeeze %dma_start3A_595 : memref<1x128xi32, #tpu.memory_space<vmem>> -> memref<128xi32, #tpu.memory_space<vmem>>
        %dma_start3A_597 = arith.constant 0 : i32
        %dma_start3A_598 = tpu.memref_slice %arg10[%run_scoped3A_257, %dma_start3A_597] : memref<8x128xi32, #tpu.memory_space<vmem>> -> memref<1x128xi32, #tpu.memory_space<vmem>>
        %dma_start3A_599 = tpu.memref_squeeze %dma_start3A_598 : memref<1x128xi32, #tpu.memory_space<vmem>> -> memref<128xi32, #tpu.memory_space<vmem>>
        %dma_start3A_600 = arith.constant 0 : i32
        %dma_start3A_601 = tpu.memref_slice %arg6[%dma_start3A_600] : memref<500016xi32, #tpu.memory_space<vmem_shared>> -> memref<500016xi32, #tpu.memory_space<vmem_shared>>
        tpu.enqueue_indirect_dma source(%dma_start3A_596 : memref<128xi32, #tpu.memory_space<vmem>>) target(%dma_start3A_601 : memref<500016xi32, #tpu.memory_space<vmem_shared>>) offsets(%dma_start3A_599 : memref<128xi32, #tpu.memory_space<vmem>>) semaphore(%run_scoped3A_593 : memref<!tpu.dma_semaphore, #tpu.memory_space<semaphore_mem>>)
        %dma_wait3A_602 = arith.constant 0 : i32
        %dma_wait3A_603 = tpu.memref_slice %arg11[%run_scoped3A_256, %dma_wait3A_602] : memref<8x128xi32, #tpu.memory_space<vmem>> -> memref<1x128xi32, #tpu.memory_space<vmem>>
        %dma_wait3A_604 = tpu.memref_squeeze %dma_wait3A_603 : memref<1x128xi32, #tpu.memory_space<vmem>> -> memref<128xi32, #tpu.memory_space<vmem>>
        %dma_wait3A_605 = arith.constant 0 : i32
        %dma_wait3A_606 = tpu.memref_slice %arg10[%run_scoped3A_257, %dma_wait3A_605] : memref<8x128xi32, #tpu.memory_space<vmem>> -> memref<1x128xi32, #tpu.memory_space<vmem>>
        %dma_wait3A_607 = tpu.memref_squeeze %dma_wait3A_606 : memref<1x128xi32, #tpu.memory_space<vmem>> -> memref<128xi32, #tpu.memory_space<vmem>>
        %dma_wait3A_608 = arith.constant 0 : i32
        %dma_wait3A_609 = tpu.memref_slice %arg6[%dma_wait3A_608] : memref<500016xi32, #tpu.memory_space<vmem_shared>> -> memref<500016xi32, #tpu.memory_space<vmem_shared>>
        tpu.wait_indirect_dma semaphore(%run_scoped3A_593 : memref<!tpu.dma_semaphore, #tpu.memory_space<semaphore_mem>>) src(%dma_wait3A_604 : memref<128xi32, #tpu.memory_space<vmem>>) dst(%dma_wait3A_609 : memref<500016xi32, #tpu.memory_space<vmem_shared>>)
        tpu.yield
      }) : () -> ()
      %scan3A_258 = arith.constant 0 : i32
      %scan3A_259 = arith.constant 0 : i32
      %scan3A_260 = arith.constant 8 : i32
      %scan3A_261 = arith.addi %scan3A_259, %scan3A_260 : i32
      %scan3A_262 = arith.constant 1 : i32
      %scan3A_263 = scf.for %scan3A_593 = %scan3A_259 to %scan3A_261 step %scan3A_262 iter_args(%scan3A_594 = %scan3A_258) -> (i32)  : i32 {
        %mul3A_595 = arith.constant 16 : i32
        %mul3A_596 = arith.muli %scan3A_593, %mul3A_595 : i32
        %get3A = arith.constant 2 : i32
        %get3A_597 = arith.index_cast %get3A : i32 to index
        %get3A_598 = arith.index_cast %mul3A_596 : i32 to index
        %get3A_599 = tpu.vector_load %arg8[%get3A_597, %get3A_598] {strides = array<i32>} : memref<8x128xi32, #tpu.memory_space<vmem>>, vector<1x16xi32>,
        %get3A_600 = vector.shape_cast %get3A_599 : vector<1x16xi32> to vector<16xi32>
        %ge3A = arith.constant 500000 : i32
        %ge3A_601 = vector.broadcast %ge3A : i32 to vector<16xi32>
        %ge3A_602 = arith.cmpi sge, %get3A_600, %ge3A_601 : vector<16xi32>
        %lt3A = arith.constant 1000000 : i32
        %lt3A_603 = vector.broadcast %lt3A : i32 to vector<16xi32>
        %lt3A_604 = arith.cmpi slt, %get3A_600, %lt3A_603 : vector<16xi32>
        %and3A = arith.andi %ge3A_602, %lt3A_604 : vector<16xi1>
        %sub3A = arith.constant 500000 : i32
        %sub3A_605 = vector.broadcast %sub3A : i32 to vector<16xi32>
        %sub3A_606 = arith.subi %get3A_600, %sub3A_605 : vector<16xi32>
        %add3A_607 = arith.constant 500000 : i32
        %add3A_608 = arith.addi %add3A_607, %arg1 : i32
        %broadcast_in_dim3A = vector.broadcast %add3A_608 : i32 to vector<16xi32>
        %select_n3A = arith.select %and3A, %sub3A_606, %broadcast_in_dim3A : vector<16xi1>, vector<16xi32>
        %swap3A = arith.constant 2 : i32
        %swap3A_609 = arith.index_cast %swap3A : i32 to index
        %swap3A_610 = arith.index_cast %mul3A_596 : i32 to index
        %swap3A_611 = tpu.vector_load %arg10[%swap3A_609, %swap3A_610] {strides = array<i32>} : memref<8x128xi32, #tpu.memory_space<vmem>>, vector<1x16xi32>,
        %swap3A_612 = vector.shape_cast %swap3A_611 : vector<1x16xi32> to vector<16xi32>
        %swap3A_613 = vector.shape_cast %select_n3A : vector<16xi32> to vector<1x16xi32>
        tpu.vector_store %arg10[%swap3A_609, %swap3A_610], %swap3A_613 {strides = array<i32>} : memref<8x128xi32, #tpu.memory_space<vmem>>, vector<1x16xi32>,
        %scan3A_614 = arith.constant 0 : i32
        scf.yield %scan3A_614 : i32
      }
      %scan3A_264 = arith.constant 8 : i32
      %run_scoped3A_265 = arith.constant 2 : i32
      %run_scoped3A_266 = arith.constant 2 : i32
      "tpu.region"() ({
        %run_scoped3A_593 = tpu.sem_alloc : memref<!tpu.dma_semaphore, #tpu.memory_space<semaphore_mem>>
        %dma_start3A_594 = arith.constant 0 : i32
        %dma_start3A_595 = tpu.memref_slice %arg11[%run_scoped3A_265, %dma_start3A_594] : memref<8x128xi32, #tpu.memory_space<vmem>> -> memref<1x128xi32, #tpu.memory_space<vmem>>
        %dma_start3A_596 = tpu.memref_squeeze %dma_start3A_595 : memref<1x128xi32, #tpu.memory_space<vmem>> -> memref<128xi32, #tpu.memory_space<vmem>>
        %dma_start3A_597 = arith.constant 0 : i32
        %dma_start3A_598 = tpu.memref_slice %arg10[%run_scoped3A_266, %dma_start3A_597] : memref<8x128xi32, #tpu.memory_space<vmem>> -> memref<1x128xi32, #tpu.memory_space<vmem>>
        %dma_start3A_599 = tpu.memref_squeeze %dma_start3A_598 : memref<1x128xi32, #tpu.memory_space<vmem>> -> memref<128xi32, #tpu.memory_space<vmem>>
        %dma_start3A_600 = arith.constant 0 : i32
        %dma_start3A_601 = tpu.memref_slice %arg6[%dma_start3A_600] : memref<500016xi32, #tpu.memory_space<vmem_shared>> -> memref<500016xi32, #tpu.memory_space<vmem_shared>>
        tpu.enqueue_indirect_dma source(%dma_start3A_596 : memref<128xi32, #tpu.memory_space<vmem>>) target(%dma_start3A_601 : memref<500016xi32, #tpu.memory_space<vmem_shared>>) offsets(%dma_start3A_599 : memref<128xi32, #tpu.memory_space<vmem>>) semaphore(%run_scoped3A_593 : memref<!tpu.dma_semaphore, #tpu.memory_space<semaphore_mem>>)
        %dma_wait3A_602 = arith.constant 0 : i32
        %dma_wait3A_603 = tpu.memref_slice %arg11[%run_scoped3A_265, %dma_wait3A_602] : memref<8x128xi32, #tpu.memory_space<vmem>> -> memref<1x128xi32, #tpu.memory_space<vmem>>
        %dma_wait3A_604 = tpu.memref_squeeze %dma_wait3A_603 : memref<1x128xi32, #tpu.memory_space<vmem>> -> memref<128xi32, #tpu.memory_space<vmem>>
        %dma_wait3A_605 = arith.constant 0 : i32
        %dma_wait3A_606 = tpu.memref_slice %arg10[%run_scoped3A_266, %dma_wait3A_605] : memref<8x128xi32, #tpu.memory_space<vmem>> -> memref<1x128xi32, #tpu.memory_space<vmem>>
        %dma_wait3A_607 = tpu.memref_squeeze %dma_wait3A_606 : memref<1x128xi32, #tpu.memory_space<vmem>> -> memref<128xi32, #tpu.memory_space<vmem>>
        %dma_wait3A_608 = arith.constant 0 : i32
        %dma_wait3A_609 = tpu.memref_slice %arg6[%dma_wait3A_608] : memref<500016xi32, #tpu.memory_space<vmem_shared>> -> memref<500016xi32, #tpu.memory_space<vmem_shared>>
        tpu.wait_indirect_dma semaphore(%run_scoped3A_593 : memref<!tpu.dma_semaphore, #tpu.memory_space<semaphore_mem>>) src(%dma_wait3A_604 : memref<128xi32, #tpu.memory_space<vmem>>) dst(%dma_wait3A_609 : memref<500016xi32, #tpu.memory_space<vmem_shared>>)
        tpu.yield
      }) : () -> ()
      %scan3A_267 = arith.constant 0 : i32
      %scan3A_268 = arith.constant 0 : i32
      %scan3A_269 = arith.constant 8 : i32
      %scan3A_270 = arith.addi %scan3A_268, %scan3A_269 : i32
      %scan3A_271 = arith.constant 1 : i32
      %scan3A_272 = scf.for %scan3A_593 = %scan3A_268 to %scan3A_270 step %scan3A_271 iter_args(%scan3A_594 = %scan3A_267) -> (i32)  : i32 {
        %mul3A_595 = arith.constant 16 : i32
        %mul3A_596 = arith.muli %scan3A_593, %mul3A_595 : i32
        %get3A = arith.constant 3 : i32
        %get3A_597 = arith.index_cast %get3A : i32 to index
        %get3A_598 = arith.index_cast %mul3A_596 : i32 to index
        %get3A_599 = tpu.vector_load %arg8[%get3A_597, %get3A_598] {strides = array<i32>} : memref<8x128xi32, #tpu.memory_space<vmem>>, vector<1x16xi32>,
        %get3A_600 = vector.shape_cast %get3A_599 : vector<1x16xi32> to vector<16xi32>
        %ge3A = arith.constant 500000 : i32
        %ge3A_601 = vector.broadcast %ge3A : i32 to vector<16xi32>
        %ge3A_602 = arith.cmpi sge, %get3A_600, %ge3A_601 : vector<16xi32>
        %lt3A = arith.constant 1000000 : i32
        %lt3A_603 = vector.broadcast %lt3A : i32 to vector<16xi32>
        %lt3A_604 = arith.cmpi slt, %get3A_600, %lt3A_603 : vector<16xi32>
        %and3A = arith.andi %ge3A_602, %lt3A_604 : vector<16xi1>
        %sub3A = arith.constant 500000 : i32
        %sub3A_605 = vector.broadcast %sub3A : i32 to vector<16xi32>
        %sub3A_606 = arith.subi %get3A_600, %sub3A_605 : vector<16xi32>
        %add3A_607 = arith.constant 500000 : i32
        %add3A_608 = arith.addi %add3A_607, %arg1 : i32
        %broadcast_in_dim3A = vector.broadcast %add3A_608 : i32 to vector<16xi32>
        %select_n3A = arith.select %and3A, %sub3A_606, %broadcast_in_dim3A : vector<16xi1>, vector<16xi32>
        %swap3A = arith.constant 3 : i32
        %swap3A_609 = arith.index_cast %swap3A : i32 to index
        %swap3A_610 = arith.index_cast %mul3A_596 : i32 to index
        %swap3A_611 = tpu.vector_load %arg10[%swap3A_609, %swap3A_610] {strides = array<i32>} : memref<8x128xi32, #tpu.memory_space<vmem>>, vector<1x16xi32>,
        %swap3A_612 = vector.shape_cast %swap3A_611 : vector<1x16xi32> to vector<16xi32>
        %swap3A_613 = vector.shape_cast %select_n3A : vector<16xi32> to vector<1x16xi32>
        tpu.vector_store %arg10[%swap3A_609, %swap3A_610], %swap3A_613 {strides = array<i32>} : memref<8x128xi32, #tpu.memory_space<vmem>>, vector<1x16xi32>,
        %scan3A_614 = arith.constant 0 : i32
        scf.yield %scan3A_614 : i32
      }
      %scan3A_273 = arith.constant 8 : i32
      %run_scoped3A_274 = arith.constant 3 : i32
      %run_scoped3A_275 = arith.constant 3 : i32
      "tpu.region"() ({
        %run_scoped3A_593 = tpu.sem_alloc : memref<!tpu.dma_semaphore, #tpu.memory_space<semaphore_mem>>
        %dma_start3A_594 = arith.constant 0 : i32
        %dma_start3A_595 = tpu.memref_slice %arg11[%run_scoped3A_274, %dma_start3A_594] : memref<8x128xi32, #tpu.memory_space<vmem>> -> memref<1x128xi32, #tpu.memory_space<vmem>>
        %dma_start3A_596 = tpu.memref_squeeze %dma_start3A_595 : memref<1x128xi32, #tpu.memory_space<vmem>> -> memref<128xi32, #tpu.memory_space<vmem>>
        %dma_start3A_597 = arith.constant 0 : i32
        %dma_start3A_598 = tpu.memref_slice %arg10[%run_scoped3A_275, %dma_start3A_597] : memref<8x128xi32, #tpu.memory_space<vmem>> -> memref<1x128xi32, #tpu.memory_space<vmem>>
        %dma_start3A_599 = tpu.memref_squeeze %dma_start3A_598 : memref<1x128xi32, #tpu.memory_space<vmem>> -> memref<128xi32, #tpu.memory_space<vmem>>
        %dma_start3A_600 = arith.constant 0 : i32
        %dma_start3A_601 = tpu.memref_slice %arg6[%dma_start3A_600] : memref<500016xi32, #tpu.memory_space<vmem_shared>> -> memref<500016xi32, #tpu.memory_space<vmem_shared>>
        tpu.enqueue_indirect_dma source(%dma_start3A_596 : memref<128xi32, #tpu.memory_space<vmem>>) target(%dma_start3A_601 : memref<500016xi32, #tpu.memory_space<vmem_shared>>) offsets(%dma_start3A_599 : memref<128xi32, #tpu.memory_space<vmem>>) semaphore(%run_scoped3A_593 : memref<!tpu.dma_semaphore, #tpu.memory_space<semaphore_mem>>)
        %dma_wait3A_602 = arith.constant 0 : i32
        %dma_wait3A_603 = tpu.memref_slice %arg11[%run_scoped3A_274, %dma_wait3A_602] : memref<8x128xi32, #tpu.memory_space<vmem>> -> memref<1x128xi32, #tpu.memory_space<vmem>>
        %dma_wait3A_604 = tpu.memref_squeeze %dma_wait3A_603 : memref<1x128xi32, #tpu.memory_space<vmem>> -> memref<128xi32, #tpu.memory_space<vmem>>
        %dma_wait3A_605 = arith.constant 0 : i32
        %dma_wait3A_606 = tpu.memref_slice %arg10[%run_scoped3A_275, %dma_wait3A_605] : memref<8x128xi32, #tpu.memory_space<vmem>> -> memref<1x128xi32, #tpu.memory_space<vmem>>
        %dma_wait3A_607 = tpu.memref_squeeze %dma_wait3A_606 : memref<1x128xi32, #tpu.memory_space<vmem>> -> memref<128xi32, #tpu.memory_space<vmem>>
        %dma_wait3A_608 = arith.constant 0 : i32
        %dma_wait3A_609 = tpu.memref_slice %arg6[%dma_wait3A_608] : memref<500016xi32, #tpu.memory_space<vmem_shared>> -> memref<500016xi32, #tpu.memory_space<vmem_shared>>
        tpu.wait_indirect_dma semaphore(%run_scoped3A_593 : memref<!tpu.dma_semaphore, #tpu.memory_space<semaphore_mem>>) src(%dma_wait3A_604 : memref<128xi32, #tpu.memory_space<vmem>>) dst(%dma_wait3A_609 : memref<500016xi32, #tpu.memory_space<vmem_shared>>)
        tpu.yield
      }) : () -> ()
      %scan3A_276 = arith.constant 0 : i32
      %scan3A_277 = arith.constant 0 : i32
      %scan3A_278 = arith.constant 8 : i32
      %scan3A_279 = arith.addi %scan3A_277, %scan3A_278 : i32
      %scan3A_280 = arith.constant 1 : i32
      %scan3A_281 = scf.for %scan3A_593 = %scan3A_277 to %scan3A_279 step %scan3A_280 iter_args(%scan3A_594 = %scan3A_276) -> (i32)  : i32 {
        %mul3A_595 = arith.constant 16 : i32
        %mul3A_596 = arith.muli %scan3A_593, %mul3A_595 : i32
        %get3A = arith.constant 4 : i32
        %get3A_597 = arith.index_cast %get3A : i32 to index
        %get3A_598 = arith.index_cast %mul3A_596 : i32 to index
        %get3A_599 = tpu.vector_load %arg8[%get3A_597, %get3A_598] {strides = array<i32>} : memref<8x128xi32, #tpu.memory_space<vmem>>, vector<1x16xi32>,
        %get3A_600 = vector.shape_cast %get3A_599 : vector<1x16xi32> to vector<16xi32>
        %ge3A = arith.constant 500000 : i32
        %ge3A_601 = vector.broadcast %ge3A : i32 to vector<16xi32>
        %ge3A_602 = arith.cmpi sge, %get3A_600, %ge3A_601 : vector<16xi32>
        %lt3A = arith.constant 1000000 : i32
        %lt3A_603 = vector.broadcast %lt3A : i32 to vector<16xi32>
        %lt3A_604 = arith.cmpi slt, %get3A_600, %lt3A_603 : vector<16xi32>
        %and3A = arith.andi %ge3A_602, %lt3A_604 : vector<16xi1>
        %sub3A = arith.constant 500000 : i32
        %sub3A_605 = vector.broadcast %sub3A : i32 to vector<16xi32>
        %sub3A_606 = arith.subi %get3A_600, %sub3A_605 : vector<16xi32>
        %add3A_607 = arith.constant 500000 : i32
        %add3A_608 = arith.addi %add3A_607, %arg1 : i32
        %broadcast_in_dim3A = vector.broadcast %add3A_608 : i32 to vector<16xi32>
        %select_n3A = arith.select %and3A, %sub3A_606, %broadcast_in_dim3A : vector<16xi1>, vector<16xi32>
        %swap3A = arith.constant 4 : i32
        %swap3A_609 = arith.index_cast %swap3A : i32 to index
        %swap3A_610 = arith.index_cast %mul3A_596 : i32 to index
        %swap3A_611 = tpu.vector_load %arg10[%swap3A_609, %swap3A_610] {strides = array<i32>} : memref<8x128xi32, #tpu.memory_space<vmem>>, vector<1x16xi32>,
        %swap3A_612 = vector.shape_cast %swap3A_611 : vector<1x16xi32> to vector<16xi32>
        %swap3A_613 = vector.shape_cast %select_n3A : vector<16xi32> to vector<1x16xi32>
        tpu.vector_store %arg10[%swap3A_609, %swap3A_610], %swap3A_613 {strides = array<i32>} : memref<8x128xi32, #tpu.memory_space<vmem>>, vector<1x16xi32>,
        %scan3A_614 = arith.constant 0 : i32
        scf.yield %scan3A_614 : i32
      }
      %scan3A_282 = arith.constant 8 : i32
      %run_scoped3A_283 = arith.constant 4 : i32
      %run_scoped3A_284 = arith.constant 4 : i32
      "tpu.region"() ({
        %run_scoped3A_593 = tpu.sem_alloc : memref<!tpu.dma_semaphore, #tpu.memory_space<semaphore_mem>>
        %dma_start3A_594 = arith.constant 0 : i32
        %dma_start3A_595 = tpu.memref_slice %arg11[%run_scoped3A_283, %dma_start3A_594] : memref<8x128xi32, #tpu.memory_space<vmem>> -> memref<1x128xi32, #tpu.memory_space<vmem>>
        %dma_start3A_596 = tpu.memref_squeeze %dma_start3A_595 : memref<1x128xi32, #tpu.memory_space<vmem>> -> memref<128xi32, #tpu.memory_space<vmem>>
        %dma_start3A_597 = arith.constant 0 : i32
        %dma_start3A_598 = tpu.memref_slice %arg10[%run_scoped3A_284, %dma_start3A_597] : memref<8x128xi32, #tpu.memory_space<vmem>> -> memref<1x128xi32, #tpu.memory_space<vmem>>
        %dma_start3A_599 = tpu.memref_squeeze %dma_start3A_598 : memref<1x128xi32, #tpu.memory_space<vmem>> -> memref<128xi32, #tpu.memory_space<vmem>>
        %dma_start3A_600 = arith.constant 0 : i32
        %dma_start3A_601 = tpu.memref_slice %arg6[%dma_start3A_600] : memref<500016xi32, #tpu.memory_space<vmem_shared>> -> memref<500016xi32, #tpu.memory_space<vmem_shared>>
        tpu.enqueue_indirect_dma source(%dma_start3A_596 : memref<128xi32, #tpu.memory_space<vmem>>) target(%dma_start3A_601 : memref<500016xi32, #tpu.memory_space<vmem_shared>>) offsets(%dma_start3A_599 : memref<128xi32, #tpu.memory_space<vmem>>) semaphore(%run_scoped3A_593 : memref<!tpu.dma_semaphore, #tpu.memory_space<semaphore_mem>>)
        %dma_wait3A_602 = arith.constant 0 : i32
        %dma_wait3A_603 = tpu.memref_slice %arg11[%run_scoped3A_283, %dma_wait3A_602] : memref<8x128xi32, #tpu.memory_space<vmem>> -> memref<1x128xi32, #tpu.memory_space<vmem>>
        %dma_wait3A_604 = tpu.memref_squeeze %dma_wait3A_603 : memref<1x128xi32, #tpu.memory_space<vmem>> -> memref<128xi32, #tpu.memory_space<vmem>>
        %dma_wait3A_605 = arith.constant 0 : i32
        %dma_wait3A_606 = tpu.memref_slice %arg10[%run_scoped3A_284, %dma_wait3A_605] : memref<8x128xi32, #tpu.memory_space<vmem>> -> memref<1x128xi32, #tpu.memory_space<vmem>>
        %dma_wait3A_607 = tpu.memref_squeeze %dma_wait3A_606 : memref<1x128xi32, #tpu.memory_space<vmem>> -> memref<128xi32, #tpu.memory_space<vmem>>
        %dma_wait3A_608 = arith.constant 0 : i32
        %dma_wait3A_609 = tpu.memref_slice %arg6[%dma_wait3A_608] : memref<500016xi32, #tpu.memory_space<vmem_shared>> -> memref<500016xi32, #tpu.memory_space<vmem_shared>>
        tpu.wait_indirect_dma semaphore(%run_scoped3A_593 : memref<!tpu.dma_semaphore, #tpu.memory_space<semaphore_mem>>) src(%dma_wait3A_604 : memref<128xi32, #tpu.memory_space<vmem>>) dst(%dma_wait3A_609 : memref<500016xi32, #tpu.memory_space<vmem_shared>>)
        tpu.yield
      }) : () -> ()
      %scan3A_285 = arith.constant 0 : i32
      %scan3A_286 = arith.constant 0 : i32
      %scan3A_287 = arith.constant 8 : i32
      %scan3A_288 = arith.addi %scan3A_286, %scan3A_287 : i32
      %scan3A_289 = arith.constant 1 : i32
      %scan3A_290 = scf.for %scan3A_593 = %scan3A_286 to %scan3A_288 step %scan3A_289 iter_args(%scan3A_594 = %scan3A_285) -> (i32)  : i32 {
        %mul3A_595 = arith.constant 16 : i32
        %mul3A_596 = arith.muli %scan3A_593, %mul3A_595 : i32
        %get3A = arith.constant 5 : i32
        %get3A_597 = arith.index_cast %get3A : i32 to index
        %get3A_598 = arith.index_cast %mul3A_596 : i32 to index
        %get3A_599 = tpu.vector_load %arg8[%get3A_597, %get3A_598] {strides = array<i32>} : memref<8x128xi32, #tpu.memory_space<vmem>>, vector<1x16xi32>,
        %get3A_600 = vector.shape_cast %get3A_599 : vector<1x16xi32> to vector<16xi32>
        %ge3A = arith.constant 500000 : i32
        %ge3A_601 = vector.broadcast %ge3A : i32 to vector<16xi32>
        %ge3A_602 = arith.cmpi sge, %get3A_600, %ge3A_601 : vector<16xi32>
        %lt3A = arith.constant 1000000 : i32
        %lt3A_603 = vector.broadcast %lt3A : i32 to vector<16xi32>
        %lt3A_604 = arith.cmpi slt, %get3A_600, %lt3A_603 : vector<16xi32>
        %and3A = arith.andi %ge3A_602, %lt3A_604 : vector<16xi1>
        %sub3A = arith.constant 500000 : i32
        %sub3A_605 = vector.broadcast %sub3A : i32 to vector<16xi32>
        %sub3A_606 = arith.subi %get3A_600, %sub3A_605 : vector<16xi32>
        %add3A_607 = arith.constant 500000 : i32
        %add3A_608 = arith.addi %add3A_607, %arg1 : i32
        %broadcast_in_dim3A = vector.broadcast %add3A_608 : i32 to vector<16xi32>
        %select_n3A = arith.select %and3A, %sub3A_606, %broadcast_in_dim3A : vector<16xi1>, vector<16xi32>
        %swap3A = arith.constant 5 : i32
        %swap3A_609 = arith.index_cast %swap3A : i32 to index
        %swap3A_610 = arith.index_cast %mul3A_596 : i32 to index
        %swap3A_611 = tpu.vector_load %arg10[%swap3A_609, %swap3A_610] {strides = array<i32>} : memref<8x128xi32, #tpu.memory_space<vmem>>, vector<1x16xi32>,
        %swap3A_612 = vector.shape_cast %swap3A_611 : vector<1x16xi32> to vector<16xi32>
        %swap3A_613 = vector.shape_cast %select_n3A : vector<16xi32> to vector<1x16xi32>
        tpu.vector_store %arg10[%swap3A_609, %swap3A_610], %swap3A_613 {strides = array<i32>} : memref<8x128xi32, #tpu.memory_space<vmem>>, vector<1x16xi32>,
        %scan3A_614 = arith.constant 0 : i32
        scf.yield %scan3A_614 : i32
      }
      %scan3A_291 = arith.constant 8 : i32
      %run_scoped3A_292 = arith.constant 5 : i32
      %run_scoped3A_293 = arith.constant 5 : i32
      "tpu.region"() ({
        %run_scoped3A_593 = tpu.sem_alloc : memref<!tpu.dma_semaphore, #tpu.memory_space<semaphore_mem>>
        %dma_start3A_594 = arith.constant 0 : i32
        %dma_start3A_595 = tpu.memref_slice %arg11[%run_scoped3A_292, %dma_start3A_594] : memref<8x128xi32, #tpu.memory_space<vmem>> -> memref<1x128xi32, #tpu.memory_space<vmem>>
        %dma_start3A_596 = tpu.memref_squeeze %dma_start3A_595 : memref<1x128xi32, #tpu.memory_space<vmem>> -> memref<128xi32, #tpu.memory_space<vmem>>
        %dma_start3A_597 = arith.constant 0 : i32
        %dma_start3A_598 = tpu.memref_slice %arg10[%run_scoped3A_293, %dma_start3A_597] : memref<8x128xi32, #tpu.memory_space<vmem>> -> memref<1x128xi32, #tpu.memory_space<vmem>>
        %dma_start3A_599 = tpu.memref_squeeze %dma_start3A_598 : memref<1x128xi32, #tpu.memory_space<vmem>> -> memref<128xi32, #tpu.memory_space<vmem>>
        %dma_start3A_600 = arith.constant 0 : i32
        %dma_start3A_601 = tpu.memref_slice %arg6[%dma_start3A_600] : memref<500016xi32, #tpu.memory_space<vmem_shared>> -> memref<500016xi32, #tpu.memory_space<vmem_shared>>
        tpu.enqueue_indirect_dma source(%dma_start3A_596 : memref<128xi32, #tpu.memory_space<vmem>>) target(%dma_start3A_601 : memref<500016xi32, #tpu.memory_space<vmem_shared>>) offsets(%dma_start3A_599 : memref<128xi32, #tpu.memory_space<vmem>>) semaphore(%run_scoped3A_593 : memref<!tpu.dma_semaphore, #tpu.memory_space<semaphore_mem>>)
        %dma_wait3A_602 = arith.constant 0 : i32
        %dma_wait3A_603 = tpu.memref_slice %arg11[%run_scoped3A_292, %dma_wait3A_602] : memref<8x128xi32, #tpu.memory_space<vmem>> -> memref<1x128xi32, #tpu.memory_space<vmem>>
        %dma_wait3A_604 = tpu.memref_squeeze %dma_wait3A_603 : memref<1x128xi32, #tpu.memory_space<vmem>> -> memref<128xi32, #tpu.memory_space<vmem>>
        %dma_wait3A_605 = arith.constant 0 : i32
        %dma_wait3A_606 = tpu.memref_slice %arg10[%run_scoped3A_293, %dma_wait3A_605] : memref<8x128xi32, #tpu.memory_space<vmem>> -> memref<1x128xi32, #tpu.memory_space<vmem>>
        %dma_wait3A_607 = tpu.memref_squeeze %dma_wait3A_606 : memref<1x128xi32, #tpu.memory_space<vmem>> -> memref<128xi32, #tpu.memory_space<vmem>>
        %dma_wait3A_608 = arith.constant 0 : i32
        %dma_wait3A_609 = tpu.memref_slice %arg6[%dma_wait3A_608] : memref<500016xi32, #tpu.memory_space<vmem_shared>> -> memref<500016xi32, #tpu.memory_space<vmem_shared>>
        tpu.wait_indirect_dma semaphore(%run_scoped3A_593 : memref<!tpu.dma_semaphore, #tpu.memory_space<semaphore_mem>>) src(%dma_wait3A_604 : memref<128xi32, #tpu.memory_space<vmem>>) dst(%dma_wait3A_609 : memref<500016xi32, #tpu.memory_space<vmem_shared>>)
        tpu.yield
      }) : () -> ()
      %scan3A_294 = arith.constant 0 : i32
      %scan3A_295 = arith.constant 0 : i32
      %scan3A_296 = arith.constant 8 : i32
      %scan3A_297 = arith.addi %scan3A_295, %scan3A_296 : i32
      %scan3A_298 = arith.constant 1 : i32
      %scan3A_299 = scf.for %scan3A_593 = %scan3A_295 to %scan3A_297 step %scan3A_298 iter_args(%scan3A_594 = %scan3A_294) -> (i32)  : i32 {
        %mul3A_595 = arith.constant 16 : i32
        %mul3A_596 = arith.muli %scan3A_593, %mul3A_595 : i32
        %get3A = arith.constant 6 : i32
        %get3A_597 = arith.index_cast %get3A : i32 to index
        %get3A_598 = arith.index_cast %mul3A_596 : i32 to index
        %get3A_599 = tpu.vector_load %arg8[%get3A_597, %get3A_598] {strides = array<i32>} : memref<8x128xi32, #tpu.memory_space<vmem>>, vector<1x16xi32>,
        %get3A_600 = vector.shape_cast %get3A_599 : vector<1x16xi32> to vector<16xi32>
        %ge3A = arith.constant 500000 : i32
        %ge3A_601 = vector.broadcast %ge3A : i32 to vector<16xi32>
        %ge3A_602 = arith.cmpi sge, %get3A_600, %ge3A_601 : vector<16xi32>
        %lt3A = arith.constant 1000000 : i32
        %lt3A_603 = vector.broadcast %lt3A : i32 to vector<16xi32>
        %lt3A_604 = arith.cmpi slt, %get3A_600, %lt3A_603 : vector<16xi32>
        %and3A = arith.andi %ge3A_602, %lt3A_604 : vector<16xi1>
        %sub3A = arith.constant 500000 : i32
        %sub3A_605 = vector.broadcast %sub3A : i32 to vector<16xi32>
        %sub3A_606 = arith.subi %get3A_600, %sub3A_605 : vector<16xi32>
        %add3A_607 = arith.constant 500000 : i32
        %add3A_608 = arith.addi %add3A_607, %arg1 : i32
        %broadcast_in_dim3A = vector.broadcast %add3A_608 : i32 to vector<16xi32>
        %select_n3A = arith.select %and3A, %sub3A_606, %broadcast_in_dim3A : vector<16xi1>, vector<16xi32>
        %swap3A = arith.constant 6 : i32
        %swap3A_609 = arith.index_cast %swap3A : i32 to index
        %swap3A_610 = arith.index_cast %mul3A_596 : i32 to index
        %swap3A_611 = tpu.vector_load %arg10[%swap3A_609, %swap3A_610] {strides = array<i32>} : memref<8x128xi32, #tpu.memory_space<vmem>>, vector<1x16xi32>,
        %swap3A_612 = vector.shape_cast %swap3A_611 : vector<1x16xi32> to vector<16xi32>
        %swap3A_613 = vector.shape_cast %select_n3A : vector<16xi32> to vector<1x16xi32>
        tpu.vector_store %arg10[%swap3A_609, %swap3A_610], %swap3A_613 {strides = array<i32>} : memref<8x128xi32, #tpu.memory_space<vmem>>, vector<1x16xi32>,
        %scan3A_614 = arith.constant 0 : i32
        scf.yield %scan3A_614 : i32
      }
      %scan3A_300 = arith.constant 8 : i32
      %run_scoped3A_301 = arith.constant 6 : i32
      %run_scoped3A_302 = arith.constant 6 : i32
      "tpu.region"() ({
        %run_scoped3A_593 = tpu.sem_alloc : memref<!tpu.dma_semaphore, #tpu.memory_space<semaphore_mem>>
        %dma_start3A_594 = arith.constant 0 : i32
        %dma_start3A_595 = tpu.memref_slice %arg11[%run_scoped3A_301, %dma_start3A_594] : memref<8x128xi32, #tpu.memory_space<vmem>> -> memref<1x128xi32, #tpu.memory_space<vmem>>
        %dma_start3A_596 = tpu.memref_squeeze %dma_start3A_595 : memref<1x128xi32, #tpu.memory_space<vmem>> -> memref<128xi32, #tpu.memory_space<vmem>>
        %dma_start3A_597 = arith.constant 0 : i32
        %dma_start3A_598 = tpu.memref_slice %arg10[%run_scoped3A_302, %dma_start3A_597] : memref<8x128xi32, #tpu.memory_space<vmem>> -> memref<1x128xi32, #tpu.memory_space<vmem>>
        %dma_start3A_599 = tpu.memref_squeeze %dma_start3A_598 : memref<1x128xi32, #tpu.memory_space<vmem>> -> memref<128xi32, #tpu.memory_space<vmem>>
        %dma_start3A_600 = arith.constant 0 : i32
        %dma_start3A_601 = tpu.memref_slice %arg6[%dma_start3A_600] : memref<500016xi32, #tpu.memory_space<vmem_shared>> -> memref<500016xi32, #tpu.memory_space<vmem_shared>>
        tpu.enqueue_indirect_dma source(%dma_start3A_596 : memref<128xi32, #tpu.memory_space<vmem>>) target(%dma_start3A_601 : memref<500016xi32, #tpu.memory_space<vmem_shared>>) offsets(%dma_start3A_599 : memref<128xi32, #tpu.memory_space<vmem>>) semaphore(%run_scoped3A_593 : memref<!tpu.dma_semaphore, #tpu.memory_space<semaphore_mem>>)
        %dma_wait3A_602 = arith.constant 0 : i32
        %dma_wait3A_603 = tpu.memref_slice %arg11[%run_scoped3A_301, %dma_wait3A_602] : memref<8x128xi32, #tpu.memory_space<vmem>> -> memref<1x128xi32, #tpu.memory_space<vmem>>
        %dma_wait3A_604 = tpu.memref_squeeze %dma_wait3A_603 : memref<1x128xi32, #tpu.memory_space<vmem>> -> memref<128xi32, #tpu.memory_space<vmem>>
        %dma_wait3A_605 = arith.constant 0 : i32
        %dma_wait3A_606 = tpu.memref_slice %arg10[%run_scoped3A_302, %dma_wait3A_605] : memref<8x128xi32, #tpu.memory_space<vmem>> -> memref<1x128xi32, #tpu.memory_space<vmem>>
        %dma_wait3A_607 = tpu.memref_squeeze %dma_wait3A_606 : memref<1x128xi32, #tpu.memory_space<vmem>> -> memref<128xi32, #tpu.memory_space<vmem>>
        %dma_wait3A_608 = arith.constant 0 : i32
        %dma_wait3A_609 = tpu.memref_slice %arg6[%dma_wait3A_608] : memref<500016xi32, #tpu.memory_space<vmem_shared>> -> memref<500016xi32, #tpu.memory_space<vmem_shared>>
        tpu.wait_indirect_dma semaphore(%run_scoped3A_593 : memref<!tpu.dma_semaphore, #tpu.memory_space<semaphore_mem>>) src(%dma_wait3A_604 : memref<128xi32, #tpu.memory_space<vmem>>) dst(%dma_wait3A_609 : memref<500016xi32, #tpu.memory_space<vmem_shared>>)
        tpu.yield
      }) : () -> ()
      %scan3A_303 = arith.constant 0 : i32
      %scan3A_304 = arith.constant 0 : i32
      %scan3A_305 = arith.constant 8 : i32
      %scan3A_306 = arith.addi %scan3A_304, %scan3A_305 : i32
      %scan3A_307 = arith.constant 1 : i32
      %scan3A_308 = scf.for %scan3A_593 = %scan3A_304 to %scan3A_306 step %scan3A_307 iter_args(%scan3A_594 = %scan3A_303) -> (i32)  : i32 {
        %mul3A_595 = arith.constant 16 : i32
        %mul3A_596 = arith.muli %scan3A_593, %mul3A_595 : i32
        %get3A = arith.constant 7 : i32
        %get3A_597 = arith.index_cast %get3A : i32 to index
        %get3A_598 = arith.index_cast %mul3A_596 : i32 to index
        %get3A_599 = tpu.vector_load %arg8[%get3A_597, %get3A_598] {strides = array<i32>} : memref<8x128xi32, #tpu.memory_space<vmem>>, vector<1x16xi32>,
        %get3A_600 = vector.shape_cast %get3A_599 : vector<1x16xi32> to vector<16xi32>
        %ge3A = arith.constant 500000 : i32
        %ge3A_601 = vector.broadcast %ge3A : i32 to vector<16xi32>
        %ge3A_602 = arith.cmpi sge, %get3A_600, %ge3A_601 : vector<16xi32>
        %lt3A = arith.constant 1000000 : i32
        %lt3A_603 = vector.broadcast %lt3A : i32 to vector<16xi32>
        %lt3A_604 = arith.cmpi slt, %get3A_600, %lt3A_603 : vector<16xi32>
        %and3A = arith.andi %ge3A_602, %lt3A_604 : vector<16xi1>
        %sub3A = arith.constant 500000 : i32
        %sub3A_605 = vector.broadcast %sub3A : i32 to vector<16xi32>
        %sub3A_606 = arith.subi %get3A_600, %sub3A_605 : vector<16xi32>
        %add3A_607 = arith.constant 500000 : i32
        %add3A_608 = arith.addi %add3A_607, %arg1 : i32
        %broadcast_in_dim3A = vector.broadcast %add3A_608 : i32 to vector<16xi32>
        %select_n3A = arith.select %and3A, %sub3A_606, %broadcast_in_dim3A : vector<16xi1>, vector<16xi32>
        %swap3A = arith.constant 7 : i32
        %swap3A_609 = arith.index_cast %swap3A : i32 to index
        %swap3A_610 = arith.index_cast %mul3A_596 : i32 to index
        %swap3A_611 = tpu.vector_load %arg10[%swap3A_609, %swap3A_610] {strides = array<i32>} : memref<8x128xi32, #tpu.memory_space<vmem>>, vector<1x16xi32>,
        %swap3A_612 = vector.shape_cast %swap3A_611 : vector<1x16xi32> to vector<16xi32>
        %swap3A_613 = vector.shape_cast %select_n3A : vector<16xi32> to vector<1x16xi32>
        tpu.vector_store %arg10[%swap3A_609, %swap3A_610], %swap3A_613 {strides = array<i32>} : memref<8x128xi32, #tpu.memory_space<vmem>>, vector<1x16xi32>,
        %scan3A_614 = arith.constant 0 : i32
        scf.yield %scan3A_614 : i32
      }
      %scan3A_309 = arith.constant 8 : i32
      %run_scoped3A_310 = arith.constant 7 : i32
      %run_scoped3A_311 = arith.constant 7 : i32
      "tpu.region"() ({
        %run_scoped3A_593 = tpu.sem_alloc : memref<!tpu.dma_semaphore, #tpu.memory_space<semaphore_mem>>
        %dma_start3A_594 = arith.constant 0 : i32
        %dma_start3A_595 = tpu.memref_slice %arg11[%run_scoped3A_310, %dma_start3A_594] : memref<8x128xi32, #tpu.memory_space<vmem>> -> memref<1x128xi32, #tpu.memory_space<vmem>>
        %dma_start3A_596 = tpu.memref_squeeze %dma_start3A_595 : memref<1x128xi32, #tpu.memory_space<vmem>> -> memref<128xi32, #tpu.memory_space<vmem>>
        %dma_start3A_597 = arith.constant 0 : i32
        %dma_start3A_598 = tpu.memref_slice %arg10[%run_scoped3A_311, %dma_start3A_597] : memref<8x128xi32, #tpu.memory_space<vmem>> -> memref<1x128xi32, #tpu.memory_space<vmem>>
        %dma_start3A_599 = tpu.memref_squeeze %dma_start3A_598 : memref<1x128xi32, #tpu.memory_space<vmem>> -> memref<128xi32, #tpu.memory_space<vmem>>
        %dma_start3A_600 = arith.constant 0 : i32
        %dma_start3A_601 = tpu.memref_slice %arg6[%dma_start3A_600] : memref<500016xi32, #tpu.memory_space<vmem_shared>> -> memref<500016xi32, #tpu.memory_space<vmem_shared>>
        tpu.enqueue_indirect_dma source(%dma_start3A_596 : memref<128xi32, #tpu.memory_space<vmem>>) target(%dma_start3A_601 : memref<500016xi32, #tpu.memory_space<vmem_shared>>) offsets(%dma_start3A_599 : memref<128xi32, #tpu.memory_space<vmem>>) semaphore(%run_scoped3A_593 : memref<!tpu.dma_semaphore, #tpu.memory_space<semaphore_mem>>)
        %dma_wait3A_602 = arith.constant 0 : i32
        %dma_wait3A_603 = tpu.memref_slice %arg11[%run_scoped3A_310, %dma_wait3A_602] : memref<8x128xi32, #tpu.memory_space<vmem>> -> memref<1x128xi32, #tpu.memory_space<vmem>>
        %dma_wait3A_604 = tpu.memref_squeeze %dma_wait3A_603 : memref<1x128xi32, #tpu.memory_space<vmem>> -> memref<128xi32, #tpu.memory_space<vmem>>
        %dma_wait3A_605 = arith.constant 0 : i32
        %dma_wait3A_606 = tpu.memref_slice %arg10[%run_scoped3A_311, %dma_wait3A_605] : memref<8x128xi32, #tpu.memory_space<vmem>> -> memref<1x128xi32, #tpu.memory_space<vmem>>
        %dma_wait3A_607 = tpu.memref_squeeze %dma_wait3A_606 : memref<1x128xi32, #tpu.memory_space<vmem>> -> memref<128xi32, #tpu.memory_space<vmem>>
        %dma_wait3A_608 = arith.constant 0 : i32
        %dma_wait3A_609 = tpu.memref_slice %arg6[%dma_wait3A_608] : memref<500016xi32, #tpu.memory_space<vmem_shared>> -> memref<500016xi32, #tpu.memory_space<vmem_shared>>
        tpu.wait_indirect_dma semaphore(%run_scoped3A_593 : memref<!tpu.dma_semaphore, #tpu.memory_space<semaphore_mem>>) src(%dma_wait3A_604 : memref<128xi32, #tpu.memory_space<vmem>>) dst(%dma_wait3A_609 : memref<500016xi32, #tpu.memory_space<vmem_shared>>)
        tpu.yield
      }) : () -> ()
      %barrier3A_312 = arith.constant 0 : index
      tpu.barrier barrier_id(%barrier3A_312)
      %run_scoped3A_313 = arith.constant 0 : i32
      "tpu.region"() ({
        %run_scoped3A_593 = tpu.sem_alloc : memref<!tpu.dma_semaphore, #tpu.memory_space<semaphore_mem>>
        %dma_start3A_594 = arith.constant 0 : i32
        %dma_start3A_595 = tpu.memref_slice %arg10[%run_scoped3A_313, %dma_start3A_594] : memref<8x128xi32, #tpu.memory_space<vmem>> -> memref<1x128xi32, #tpu.memory_space<vmem>>
        %dma_start3A_596 = tpu.memref_squeeze %dma_start3A_595 : memref<1x128xi32, #tpu.memory_space<vmem>> -> memref<128xi32, #tpu.memory_space<vmem>>
        %dma_start3A_597 = arith.constant 0 : i32
        %dma_start3A_598 = tpu.memref_slice %arg6[%dma_start3A_597] : memref<500016xi32, #tpu.memory_space<vmem_shared>> -> memref<500016xi32, #tpu.memory_space<vmem_shared>>
        tpu.enqueue_indirect_dma source(%dma_start3A_598 : memref<500016xi32, #tpu.memory_space<vmem_shared>>) target(%arg12 : memref<128xi32, #tpu.memory_space<vmem>>) offsets(%dma_start3A_596 : memref<128xi32, #tpu.memory_space<vmem>>) semaphore(%run_scoped3A_593 : memref<!tpu.dma_semaphore, #tpu.memory_space<semaphore_mem>>)
        %dma_wait3A_599 = arith.constant 0 : i32
        %dma_wait3A_600 = tpu.memref_slice %arg10[%run_scoped3A_313, %dma_wait3A_599] : memref<8x128xi32, #tpu.memory_space<vmem>> -> memref<1x128xi32, #tpu.memory_space<vmem>>
        %dma_wait3A_601 = tpu.memref_squeeze %dma_wait3A_600 : memref<1x128xi32, #tpu.memory_space<vmem>> -> memref<128xi32, #tpu.memory_space<vmem>>
        %dma_wait3A_602 = arith.constant 0 : i32
        %dma_wait3A_603 = tpu.memref_slice %arg6[%dma_wait3A_602] : memref<500016xi32, #tpu.memory_space<vmem_shared>> -> memref<500016xi32, #tpu.memory_space<vmem_shared>>
        tpu.wait_indirect_dma semaphore(%run_scoped3A_593 : memref<!tpu.dma_semaphore, #tpu.memory_space<semaphore_mem>>) src(%dma_wait3A_603 : memref<500016xi32, #tpu.memory_space<vmem_shared>>) dst(%arg12 : memref<128xi32, #tpu.memory_space<vmem>>)
        tpu.yield
      }) : () -> ()
      %scan3A_314 = arith.constant 0 : i32
      %scan3A_315 = arith.constant 0 : i32
      %scan3A_316 = arith.constant 8 : i32
      %scan3A_317 = arith.addi %scan3A_315, %scan3A_316 : i32
      %scan3A_318 = arith.constant 1 : i32
      %scan3A_319 = scf.for %scan3A_593 = %scan3A_315 to %scan3A_317 step %scan3A_318 iter_args(%scan3A_594 = %scan3A_314) -> (i32)  : i32 {
        %mul3A_595 = arith.constant 16 : i32
        %mul3A_596 = arith.muli %scan3A_593, %mul3A_595 : i32
        %get3A = arith.constant 0 : i32
        %get3A_597 = arith.index_cast %get3A : i32 to index
        %get3A_598 = arith.index_cast %mul3A_596 : i32 to index
        %get3A_599 = tpu.vector_load %arg8[%get3A_597, %get3A_598] {strides = array<i32>} : memref<8x128xi32, #tpu.memory_space<vmem>>, vector<1x16xi32>,
        %get3A_600 = vector.shape_cast %get3A_599 : vector<1x16xi32> to vector<16xi32>
        %ge3A = arith.constant 500000 : i32
        %ge3A_601 = vector.broadcast %ge3A : i32 to vector<16xi32>
        %ge3A_602 = arith.cmpi sge, %get3A_600, %ge3A_601 : vector<16xi32>
        %lt3A = arith.constant 1000000 : i32
        %lt3A_603 = vector.broadcast %lt3A : i32 to vector<16xi32>
        %lt3A_604 = arith.cmpi slt, %get3A_600, %lt3A_603 : vector<16xi32>
        %and3A = arith.andi %ge3A_602, %lt3A_604 : vector<16xi1>
        %get3A_605 = arith.index_cast %mul3A_596 : i32 to index
        %get3A_606 = tpu.vector_load %arg12[%get3A_605] {strides = array<i32>} : memref<128xi32, #tpu.memory_space<vmem>>, vector<16xi32>,
        %get3A_607 = vector.shape_cast %get3A_606 : vector<16xi32> to vector<16xi32>
        %get3A_608 = arith.constant 0 : i32
        %get3A_609 = arith.index_cast %get3A_608 : i32 to index
        %get3A_610 = arith.index_cast %mul3A_596 : i32 to index
        %get3A_611 = tpu.vector_load %arg9[%get3A_609, %get3A_610] {strides = array<i32>} : memref<8x128xi32, #tpu.memory_space<vmem>>, vector<1x16xi32>,
        %get3A_612 = vector.shape_cast %get3A_611 : vector<1x16xi32> to vector<16xi32>
        %select_n3A = arith.select %and3A, %get3A_607, %get3A_612 : vector<16xi1>, vector<16xi32>
        %swap3A = arith.constant 0 : i32
        %swap3A_613 = arith.index_cast %swap3A : i32 to index
        %swap3A_614 = arith.index_cast %mul3A_596 : i32 to index
        %swap3A_615 = tpu.vector_load %arg9[%swap3A_613, %swap3A_614] {strides = array<i32>} : memref<8x128xi32, #tpu.memory_space<vmem>>, vector<1x16xi32>,
        %swap3A_616 = vector.shape_cast %swap3A_615 : vector<1x16xi32> to vector<16xi32>
        %swap3A_617 = vector.shape_cast %select_n3A : vector<16xi32> to vector<1x16xi32>
        tpu.vector_store %arg9[%swap3A_613, %swap3A_614], %swap3A_617 {strides = array<i32>} : memref<8x128xi32, #tpu.memory_space<vmem>>, vector<1x16xi32>,
        %scan3A_618 = arith.constant 0 : i32
        scf.yield %scan3A_618 : i32
      }
      %scan3A_320 = arith.constant 8 : i32
      %run_scoped3A_321 = arith.constant 1 : i32
      "tpu.region"() ({
        %run_scoped3A_593 = tpu.sem_alloc : memref<!tpu.dma_semaphore, #tpu.memory_space<semaphore_mem>>
        %dma_start3A_594 = arith.constant 0 : i32
        %dma_start3A_595 = tpu.memref_slice %arg10[%run_scoped3A_321, %dma_start3A_594] : memref<8x128xi32, #tpu.memory_space<vmem>> -> memref<1x128xi32, #tpu.memory_space<vmem>>
        %dma_start3A_596 = tpu.memref_squeeze %dma_start3A_595 : memref<1x128xi32, #tpu.memory_space<vmem>> -> memref<128xi32, #tpu.memory_space<vmem>>
        %dma_start3A_597 = arith.constant 0 : i32
        %dma_start3A_598 = tpu.memref_slice %arg6[%dma_start3A_597] : memref<500016xi32, #tpu.memory_space<vmem_shared>> -> memref<500016xi32, #tpu.memory_space<vmem_shared>>
        tpu.enqueue_indirect_dma source(%dma_start3A_598 : memref<500016xi32, #tpu.memory_space<vmem_shared>>) target(%arg12 : memref<128xi32, #tpu.memory_space<vmem>>) offsets(%dma_start3A_596 : memref<128xi32, #tpu.memory_space<vmem>>) semaphore(%run_scoped3A_593 : memref<!tpu.dma_semaphore, #tpu.memory_space<semaphore_mem>>)
        %dma_wait3A_599 = arith.constant 0 : i32
        %dma_wait3A_600 = tpu.memref_slice %arg10[%run_scoped3A_321, %dma_wait3A_599] : memref<8x128xi32, #tpu.memory_space<vmem>> -> memref<1x128xi32, #tpu.memory_space<vmem>>
        %dma_wait3A_601 = tpu.memref_squeeze %dma_wait3A_600 : memref<1x128xi32, #tpu.memory_space<vmem>> -> memref<128xi32, #tpu.memory_space<vmem>>
        %dma_wait3A_602 = arith.constant 0 : i32
        %dma_wait3A_603 = tpu.memref_slice %arg6[%dma_wait3A_602] : memref<500016xi32, #tpu.memory_space<vmem_shared>> -> memref<500016xi32, #tpu.memory_space<vmem_shared>>
        tpu.wait_indirect_dma semaphore(%run_scoped3A_593 : memref<!tpu.dma_semaphore, #tpu.memory_space<semaphore_mem>>) src(%dma_wait3A_603 : memref<500016xi32, #tpu.memory_space<vmem_shared>>) dst(%arg12 : memref<128xi32, #tpu.memory_space<vmem>>)
        tpu.yield
      }) : () -> ()
      %scan3A_322 = arith.constant 0 : i32
      %scan3A_323 = arith.constant 0 : i32
      %scan3A_324 = arith.constant 8 : i32
      %scan3A_325 = arith.addi %scan3A_323, %scan3A_324 : i32
      %scan3A_326 = arith.constant 1 : i32
      %scan3A_327 = scf.for %scan3A_593 = %scan3A_323 to %scan3A_325 step %scan3A_326 iter_args(%scan3A_594 = %scan3A_322) -> (i32)  : i32 {
        %mul3A_595 = arith.constant 16 : i32
        %mul3A_596 = arith.muli %scan3A_593, %mul3A_595 : i32
        %get3A = arith.constant 1 : i32
        %get3A_597 = arith.index_cast %get3A : i32 to index
        %get3A_598 = arith.index_cast %mul3A_596 : i32 to index
        %get3A_599 = tpu.vector_load %arg8[%get3A_597, %get3A_598] {strides = array<i32>} : memref<8x128xi32, #tpu.memory_space<vmem>>, vector<1x16xi32>,
        %get3A_600 = vector.shape_cast %get3A_599 : vector<1x16xi32> to vector<16xi32>
        %ge3A = arith.constant 500000 : i32
        %ge3A_601 = vector.broadcast %ge3A : i32 to vector<16xi32>
        %ge3A_602 = arith.cmpi sge, %get3A_600, %ge3A_601 : vector<16xi32>
        %lt3A = arith.constant 1000000 : i32
        %lt3A_603 = vector.broadcast %lt3A : i32 to vector<16xi32>
        %lt3A_604 = arith.cmpi slt, %get3A_600, %lt3A_603 : vector<16xi32>
        %and3A = arith.andi %ge3A_602, %lt3A_604 : vector<16xi1>
        %get3A_605 = arith.index_cast %mul3A_596 : i32 to index
        %get3A_606 = tpu.vector_load %arg12[%get3A_605] {strides = array<i32>} : memref<128xi32, #tpu.memory_space<vmem>>, vector<16xi32>,
        %get3A_607 = vector.shape_cast %get3A_606 : vector<16xi32> to vector<16xi32>
        %get3A_608 = arith.constant 1 : i32
        %get3A_609 = arith.index_cast %get3A_608 : i32 to index
        %get3A_610 = arith.index_cast %mul3A_596 : i32 to index
        %get3A_611 = tpu.vector_load %arg9[%get3A_609, %get3A_610] {strides = array<i32>} : memref<8x128xi32, #tpu.memory_space<vmem>>, vector<1x16xi32>,
        %get3A_612 = vector.shape_cast %get3A_611 : vector<1x16xi32> to vector<16xi32>
        %select_n3A = arith.select %and3A, %get3A_607, %get3A_612 : vector<16xi1>, vector<16xi32>
        %swap3A = arith.constant 1 : i32
        %swap3A_613 = arith.index_cast %swap3A : i32 to index
        %swap3A_614 = arith.index_cast %mul3A_596 : i32 to index
        %swap3A_615 = tpu.vector_load %arg9[%swap3A_613, %swap3A_614] {strides = array<i32>} : memref<8x128xi32, #tpu.memory_space<vmem>>, vector<1x16xi32>,
        %swap3A_616 = vector.shape_cast %swap3A_615 : vector<1x16xi32> to vector<16xi32>
        %swap3A_617 = vector.shape_cast %select_n3A : vector<16xi32> to vector<1x16xi32>
        tpu.vector_store %arg9[%swap3A_613, %swap3A_614], %swap3A_617 {strides = array<i32>} : memref<8x128xi32, #tpu.memory_space<vmem>>, vector<1x16xi32>,
        %scan3A_618 = arith.constant 0 : i32
        scf.yield %scan3A_618 : i32
      }
      %scan3A_328 = arith.constant 8 : i32
      %run_scoped3A_329 = arith.constant 2 : i32
      "tpu.region"() ({
        %run_scoped3A_593 = tpu.sem_alloc : memref<!tpu.dma_semaphore, #tpu.memory_space<semaphore_mem>>
        %dma_start3A_594 = arith.constant 0 : i32
        %dma_start3A_595 = tpu.memref_slice %arg10[%run_scoped3A_329, %dma_start3A_594] : memref<8x128xi32, #tpu.memory_space<vmem>> -> memref<1x128xi32, #tpu.memory_space<vmem>>
        %dma_start3A_596 = tpu.memref_squeeze %dma_start3A_595 : memref<1x128xi32, #tpu.memory_space<vmem>> -> memref<128xi32, #tpu.memory_space<vmem>>
        %dma_start3A_597 = arith.constant 0 : i32
        %dma_start3A_598 = tpu.memref_slice %arg6[%dma_start3A_597] : memref<500016xi32, #tpu.memory_space<vmem_shared>> -> memref<500016xi32, #tpu.memory_space<vmem_shared>>
        tpu.enqueue_indirect_dma source(%dma_start3A_598 : memref<500016xi32, #tpu.memory_space<vmem_shared>>) target(%arg12 : memref<128xi32, #tpu.memory_space<vmem>>) offsets(%dma_start3A_596 : memref<128xi32, #tpu.memory_space<vmem>>) semaphore(%run_scoped3A_593 : memref<!tpu.dma_semaphore, #tpu.memory_space<semaphore_mem>>)
        %dma_wait3A_599 = arith.constant 0 : i32
        %dma_wait3A_600 = tpu.memref_slice %arg10[%run_scoped3A_329, %dma_wait3A_599] : memref<8x128xi32, #tpu.memory_space<vmem>> -> memref<1x128xi32, #tpu.memory_space<vmem>>
        %dma_wait3A_601 = tpu.memref_squeeze %dma_wait3A_600 : memref<1x128xi32, #tpu.memory_space<vmem>> -> memref<128xi32, #tpu.memory_space<vmem>>
        %dma_wait3A_602 = arith.constant 0 : i32
        %dma_wait3A_603 = tpu.memref_slice %arg6[%dma_wait3A_602] : memref<500016xi32, #tpu.memory_space<vmem_shared>> -> memref<500016xi32, #tpu.memory_space<vmem_shared>>
        tpu.wait_indirect_dma semaphore(%run_scoped3A_593 : memref<!tpu.dma_semaphore, #tpu.memory_space<semaphore_mem>>) src(%dma_wait3A_603 : memref<500016xi32, #tpu.memory_space<vmem_shared>>) dst(%arg12 : memref<128xi32, #tpu.memory_space<vmem>>)
        tpu.yield
      }) : () -> ()
      %scan3A_330 = arith.constant 0 : i32
      %scan3A_331 = arith.constant 0 : i32
      %scan3A_332 = arith.constant 8 : i32
      %scan3A_333 = arith.addi %scan3A_331, %scan3A_332 : i32
      %scan3A_334 = arith.constant 1 : i32
      %scan3A_335 = scf.for %scan3A_593 = %scan3A_331 to %scan3A_333 step %scan3A_334 iter_args(%scan3A_594 = %scan3A_330) -> (i32)  : i32 {
        %mul3A_595 = arith.constant 16 : i32
        %mul3A_596 = arith.muli %scan3A_593, %mul3A_595 : i32
        %get3A = arith.constant 2 : i32
        %get3A_597 = arith.index_cast %get3A : i32 to index
        %get3A_598 = arith.index_cast %mul3A_596 : i32 to index
        %get3A_599 = tpu.vector_load %arg8[%get3A_597, %get3A_598] {strides = array<i32>} : memref<8x128xi32, #tpu.memory_space<vmem>>, vector<1x16xi32>,
        %get3A_600 = vector.shape_cast %get3A_599 : vector<1x16xi32> to vector<16xi32>
        %ge3A = arith.constant 500000 : i32
        %ge3A_601 = vector.broadcast %ge3A : i32 to vector<16xi32>
        %ge3A_602 = arith.cmpi sge, %get3A_600, %ge3A_601 : vector<16xi32>
        %lt3A = arith.constant 1000000 : i32
        %lt3A_603 = vector.broadcast %lt3A : i32 to vector<16xi32>
        %lt3A_604 = arith.cmpi slt, %get3A_600, %lt3A_603 : vector<16xi32>
        %and3A = arith.andi %ge3A_602, %lt3A_604 : vector<16xi1>
        %get3A_605 = arith.index_cast %mul3A_596 : i32 to index
        %get3A_606 = tpu.vector_load %arg12[%get3A_605] {strides = array<i32>} : memref<128xi32, #tpu.memory_space<vmem>>, vector<16xi32>,
        %get3A_607 = vector.shape_cast %get3A_606 : vector<16xi32> to vector<16xi32>
        %get3A_608 = arith.constant 2 : i32
        %get3A_609 = arith.index_cast %get3A_608 : i32 to index
        %get3A_610 = arith.index_cast %mul3A_596 : i32 to index
        %get3A_611 = tpu.vector_load %arg9[%get3A_609, %get3A_610] {strides = array<i32>} : memref<8x128xi32, #tpu.memory_space<vmem>>, vector<1x16xi32>,
        %get3A_612 = vector.shape_cast %get3A_611 : vector<1x16xi32> to vector<16xi32>
        %select_n3A = arith.select %and3A, %get3A_607, %get3A_612 : vector<16xi1>, vector<16xi32>
        %swap3A = arith.constant 2 : i32
        %swap3A_613 = arith.index_cast %swap3A : i32 to index
        %swap3A_614 = arith.index_cast %mul3A_596 : i32 to index
        %swap3A_615 = tpu.vector_load %arg9[%swap3A_613, %swap3A_614] {strides = array<i32>} : memref<8x128xi32, #tpu.memory_space<vmem>>, vector<1x16xi32>,
        %swap3A_616 = vector.shape_cast %swap3A_615 : vector<1x16xi32> to vector<16xi32>
        %swap3A_617 = vector.shape_cast %select_n3A : vector<16xi32> to vector<1x16xi32>
        tpu.vector_store %arg9[%swap3A_613, %swap3A_614], %swap3A_617 {strides = array<i32>} : memref<8x128xi32, #tpu.memory_space<vmem>>, vector<1x16xi32>,
        %scan3A_618 = arith.constant 0 : i32
        scf.yield %scan3A_618 : i32
      }
      %scan3A_336 = arith.constant 8 : i32
      %run_scoped3A_337 = arith.constant 3 : i32
      "tpu.region"() ({
        %run_scoped3A_593 = tpu.sem_alloc : memref<!tpu.dma_semaphore, #tpu.memory_space<semaphore_mem>>
        %dma_start3A_594 = arith.constant 0 : i32
        %dma_start3A_595 = tpu.memref_slice %arg10[%run_scoped3A_337, %dma_start3A_594] : memref<8x128xi32, #tpu.memory_space<vmem>> -> memref<1x128xi32, #tpu.memory_space<vmem>>
        %dma_start3A_596 = tpu.memref_squeeze %dma_start3A_595 : memref<1x128xi32, #tpu.memory_space<vmem>> -> memref<128xi32, #tpu.memory_space<vmem>>
        %dma_start3A_597 = arith.constant 0 : i32
        %dma_start3A_598 = tpu.memref_slice %arg6[%dma_start3A_597] : memref<500016xi32, #tpu.memory_space<vmem_shared>> -> memref<500016xi32, #tpu.memory_space<vmem_shared>>
        tpu.enqueue_indirect_dma source(%dma_start3A_598 : memref<500016xi32, #tpu.memory_space<vmem_shared>>) target(%arg12 : memref<128xi32, #tpu.memory_space<vmem>>) offsets(%dma_start3A_596 : memref<128xi32, #tpu.memory_space<vmem>>) semaphore(%run_scoped3A_593 : memref<!tpu.dma_semaphore, #tpu.memory_space<semaphore_mem>>)
        %dma_wait3A_599 = arith.constant 0 : i32
        %dma_wait3A_600 = tpu.memref_slice %arg10[%run_scoped3A_337, %dma_wait3A_599] : memref<8x128xi32, #tpu.memory_space<vmem>> -> memref<1x128xi32, #tpu.memory_space<vmem>>
        %dma_wait3A_601 = tpu.memref_squeeze %dma_wait3A_600 : memref<1x128xi32, #tpu.memory_space<vmem>> -> memref<128xi32, #tpu.memory_space<vmem>>
        %dma_wait3A_602 = arith.constant 0 : i32
        %dma_wait3A_603 = tpu.memref_slice %arg6[%dma_wait3A_602] : memref<500016xi32, #tpu.memory_space<vmem_shared>> -> memref<500016xi32, #tpu.memory_space<vmem_shared>>
        tpu.wait_indirect_dma semaphore(%run_scoped3A_593 : memref<!tpu.dma_semaphore, #tpu.memory_space<semaphore_mem>>) src(%dma_wait3A_603 : memref<500016xi32, #tpu.memory_space<vmem_shared>>) dst(%arg12 : memref<128xi32, #tpu.memory_space<vmem>>)
        tpu.yield
      }) : () -> ()
      %scan3A_338 = arith.constant 0 : i32
      %scan3A_339 = arith.constant 0 : i32
      %scan3A_340 = arith.constant 8 : i32
      %scan3A_341 = arith.addi %scan3A_339, %scan3A_340 : i32
      %scan3A_342 = arith.constant 1 : i32
      %scan3A_343 = scf.for %scan3A_593 = %scan3A_339 to %scan3A_341 step %scan3A_342 iter_args(%scan3A_594 = %scan3A_338) -> (i32)  : i32 {
        %mul3A_595 = arith.constant 16 : i32
        %mul3A_596 = arith.muli %scan3A_593, %mul3A_595 : i32
        %get3A = arith.constant 3 : i32
        %get3A_597 = arith.index_cast %get3A : i32 to index
        %get3A_598 = arith.index_cast %mul3A_596 : i32 to index
        %get3A_599 = tpu.vector_load %arg8[%get3A_597, %get3A_598] {strides = array<i32>} : memref<8x128xi32, #tpu.memory_space<vmem>>, vector<1x16xi32>,
        %get3A_600 = vector.shape_cast %get3A_599 : vector<1x16xi32> to vector<16xi32>
        %ge3A = arith.constant 500000 : i32
        %ge3A_601 = vector.broadcast %ge3A : i32 to vector<16xi32>
        %ge3A_602 = arith.cmpi sge, %get3A_600, %ge3A_601 : vector<16xi32>
        %lt3A = arith.constant 1000000 : i32
        %lt3A_603 = vector.broadcast %lt3A : i32 to vector<16xi32>
        %lt3A_604 = arith.cmpi slt, %get3A_600, %lt3A_603 : vector<16xi32>
        %and3A = arith.andi %ge3A_602, %lt3A_604 : vector<16xi1>
        %get3A_605 = arith.index_cast %mul3A_596 : i32 to index
        %get3A_606 = tpu.vector_load %arg12[%get3A_605] {strides = array<i32>} : memref<128xi32, #tpu.memory_space<vmem>>, vector<16xi32>,
        %get3A_607 = vector.shape_cast %get3A_606 : vector<16xi32> to vector<16xi32>
        %get3A_608 = arith.constant 3 : i32
        %get3A_609 = arith.index_cast %get3A_608 : i32 to index
        %get3A_610 = arith.index_cast %mul3A_596 : i32 to index
        %get3A_611 = tpu.vector_load %arg9[%get3A_609, %get3A_610] {strides = array<i32>} : memref<8x128xi32, #tpu.memory_space<vmem>>, vector<1x16xi32>,
        %get3A_612 = vector.shape_cast %get3A_611 : vector<1x16xi32> to vector<16xi32>
        %select_n3A = arith.select %and3A, %get3A_607, %get3A_612 : vector<16xi1>, vector<16xi32>
        %swap3A = arith.constant 3 : i32
        %swap3A_613 = arith.index_cast %swap3A : i32 to index
        %swap3A_614 = arith.index_cast %mul3A_596 : i32 to index
        %swap3A_615 = tpu.vector_load %arg9[%swap3A_613, %swap3A_614] {strides = array<i32>} : memref<8x128xi32, #tpu.memory_space<vmem>>, vector<1x16xi32>,
        %swap3A_616 = vector.shape_cast %swap3A_615 : vector<1x16xi32> to vector<16xi32>
        %swap3A_617 = vector.shape_cast %select_n3A : vector<16xi32> to vector<1x16xi32>
        tpu.vector_store %arg9[%swap3A_613, %swap3A_614], %swap3A_617 {strides = array<i32>} : memref<8x128xi32, #tpu.memory_space<vmem>>, vector<1x16xi32>,
        %scan3A_618 = arith.constant 0 : i32
        scf.yield %scan3A_618 : i32
      }
      %scan3A_344 = arith.constant 8 : i32
      %run_scoped3A_345 = arith.constant 4 : i32
      "tpu.region"() ({
        %run_scoped3A_593 = tpu.sem_alloc : memref<!tpu.dma_semaphore, #tpu.memory_space<semaphore_mem>>
        %dma_start3A_594 = arith.constant 0 : i32
        %dma_start3A_595 = tpu.memref_slice %arg10[%run_scoped3A_345, %dma_start3A_594] : memref<8x128xi32, #tpu.memory_space<vmem>> -> memref<1x128xi32, #tpu.memory_space<vmem>>
        %dma_start3A_596 = tpu.memref_squeeze %dma_start3A_595 : memref<1x128xi32, #tpu.memory_space<vmem>> -> memref<128xi32, #tpu.memory_space<vmem>>
        %dma_start3A_597 = arith.constant 0 : i32
        %dma_start3A_598 = tpu.memref_slice %arg6[%dma_start3A_597] : memref<500016xi32, #tpu.memory_space<vmem_shared>> -> memref<500016xi32, #tpu.memory_space<vmem_shared>>
        tpu.enqueue_indirect_dma source(%dma_start3A_598 : memref<500016xi32, #tpu.memory_space<vmem_shared>>) target(%arg12 : memref<128xi32, #tpu.memory_space<vmem>>) offsets(%dma_start3A_596 : memref<128xi32, #tpu.memory_space<vmem>>) semaphore(%run_scoped3A_593 : memref<!tpu.dma_semaphore, #tpu.memory_space<semaphore_mem>>)
        %dma_wait3A_599 = arith.constant 0 : i32
        %dma_wait3A_600 = tpu.memref_slice %arg10[%run_scoped3A_345, %dma_wait3A_599] : memref<8x128xi32, #tpu.memory_space<vmem>> -> memref<1x128xi32, #tpu.memory_space<vmem>>
        %dma_wait3A_601 = tpu.memref_squeeze %dma_wait3A_600 : memref<1x128xi32, #tpu.memory_space<vmem>> -> memref<128xi32, #tpu.memory_space<vmem>>
        %dma_wait3A_602 = arith.constant 0 : i32
        %dma_wait3A_603 = tpu.memref_slice %arg6[%dma_wait3A_602] : memref<500016xi32, #tpu.memory_space<vmem_shared>> -> memref<500016xi32, #tpu.memory_space<vmem_shared>>
        tpu.wait_indirect_dma semaphore(%run_scoped3A_593 : memref<!tpu.dma_semaphore, #tpu.memory_space<semaphore_mem>>) src(%dma_wait3A_603 : memref<500016xi32, #tpu.memory_space<vmem_shared>>) dst(%arg12 : memref<128xi32, #tpu.memory_space<vmem>>)
        tpu.yield
      }) : () -> ()
      %scan3A_346 = arith.constant 0 : i32
      %scan3A_347 = arith.constant 0 : i32
      %scan3A_348 = arith.constant 8 : i32
      %scan3A_349 = arith.addi %scan3A_347, %scan3A_348 : i32
      %scan3A_350 = arith.constant 1 : i32
      %scan3A_351 = scf.for %scan3A_593 = %scan3A_347 to %scan3A_349 step %scan3A_350 iter_args(%scan3A_594 = %scan3A_346) -> (i32)  : i32 {
        %mul3A_595 = arith.constant 16 : i32
        %mul3A_596 = arith.muli %scan3A_593, %mul3A_595 : i32
        %get3A = arith.constant 4 : i32
        %get3A_597 = arith.index_cast %get3A : i32 to index
        %get3A_598 = arith.index_cast %mul3A_596 : i32 to index
        %get3A_599 = tpu.vector_load %arg8[%get3A_597, %get3A_598] {strides = array<i32>} : memref<8x128xi32, #tpu.memory_space<vmem>>, vector<1x16xi32>,
        %get3A_600 = vector.shape_cast %get3A_599 : vector<1x16xi32> to vector<16xi32>
        %ge3A = arith.constant 500000 : i32
        %ge3A_601 = vector.broadcast %ge3A : i32 to vector<16xi32>
        %ge3A_602 = arith.cmpi sge, %get3A_600, %ge3A_601 : vector<16xi32>
        %lt3A = arith.constant 1000000 : i32
        %lt3A_603 = vector.broadcast %lt3A : i32 to vector<16xi32>
        %lt3A_604 = arith.cmpi slt, %get3A_600, %lt3A_603 : vector<16xi32>
        %and3A = arith.andi %ge3A_602, %lt3A_604 : vector<16xi1>
        %get3A_605 = arith.index_cast %mul3A_596 : i32 to index
        %get3A_606 = tpu.vector_load %arg12[%get3A_605] {strides = array<i32>} : memref<128xi32, #tpu.memory_space<vmem>>, vector<16xi32>,
        %get3A_607 = vector.shape_cast %get3A_606 : vector<16xi32> to vector<16xi32>
        %get3A_608 = arith.constant 4 : i32
        %get3A_609 = arith.index_cast %get3A_608 : i32 to index
        %get3A_610 = arith.index_cast %mul3A_596 : i32 to index
        %get3A_611 = tpu.vector_load %arg9[%get3A_609, %get3A_610] {strides = array<i32>} : memref<8x128xi32, #tpu.memory_space<vmem>>, vector<1x16xi32>,
        %get3A_612 = vector.shape_cast %get3A_611 : vector<1x16xi32> to vector<16xi32>
        %select_n3A = arith.select %and3A, %get3A_607, %get3A_612 : vector<16xi1>, vector<16xi32>
        %swap3A = arith.constant 4 : i32
        %swap3A_613 = arith.index_cast %swap3A : i32 to index
        %swap3A_614 = arith.index_cast %mul3A_596 : i32 to index
        %swap3A_615 = tpu.vector_load %arg9[%swap3A_613, %swap3A_614] {strides = array<i32>} : memref<8x128xi32, #tpu.memory_space<vmem>>, vector<1x16xi32>,
        %swap3A_616 = vector.shape_cast %swap3A_615 : vector<1x16xi32> to vector<16xi32>
        %swap3A_617 = vector.shape_cast %select_n3A : vector<16xi32> to vector<1x16xi32>
        tpu.vector_store %arg9[%swap3A_613, %swap3A_614], %swap3A_617 {strides = array<i32>} : memref<8x128xi32, #tpu.memory_space<vmem>>, vector<1x16xi32>,
        %scan3A_618 = arith.constant 0 : i32
        scf.yield %scan3A_618 : i32
      }
      %scan3A_352 = arith.constant 8 : i32
      %run_scoped3A_353 = arith.constant 5 : i32
      "tpu.region"() ({
        %run_scoped3A_593 = tpu.sem_alloc : memref<!tpu.dma_semaphore, #tpu.memory_space<semaphore_mem>>
        %dma_start3A_594 = arith.constant 0 : i32
        %dma_start3A_595 = tpu.memref_slice %arg10[%run_scoped3A_353, %dma_start3A_594] : memref<8x128xi32, #tpu.memory_space<vmem>> -> memref<1x128xi32, #tpu.memory_space<vmem>>
        %dma_start3A_596 = tpu.memref_squeeze %dma_start3A_595 : memref<1x128xi32, #tpu.memory_space<vmem>> -> memref<128xi32, #tpu.memory_space<vmem>>
        %dma_start3A_597 = arith.constant 0 : i32
        %dma_start3A_598 = tpu.memref_slice %arg6[%dma_start3A_597] : memref<500016xi32, #tpu.memory_space<vmem_shared>> -> memref<500016xi32, #tpu.memory_space<vmem_shared>>
        tpu.enqueue_indirect_dma source(%dma_start3A_598 : memref<500016xi32, #tpu.memory_space<vmem_shared>>) target(%arg12 : memref<128xi32, #tpu.memory_space<vmem>>) offsets(%dma_start3A_596 : memref<128xi32, #tpu.memory_space<vmem>>) semaphore(%run_scoped3A_593 : memref<!tpu.dma_semaphore, #tpu.memory_space<semaphore_mem>>)
        %dma_wait3A_599 = arith.constant 0 : i32
        %dma_wait3A_600 = tpu.memref_slice %arg10[%run_scoped3A_353, %dma_wait3A_599] : memref<8x128xi32, #tpu.memory_space<vmem>> -> memref<1x128xi32, #tpu.memory_space<vmem>>
        %dma_wait3A_601 = tpu.memref_squeeze %dma_wait3A_600 : memref<1x128xi32, #tpu.memory_space<vmem>> -> memref<128xi32, #tpu.memory_space<vmem>>
        %dma_wait3A_602 = arith.constant 0 : i32
        %dma_wait3A_603 = tpu.memref_slice %arg6[%dma_wait3A_602] : memref<500016xi32, #tpu.memory_space<vmem_shared>> -> memref<500016xi32, #tpu.memory_space<vmem_shared>>
        tpu.wait_indirect_dma semaphore(%run_scoped3A_593 : memref<!tpu.dma_semaphore, #tpu.memory_space<semaphore_mem>>) src(%dma_wait3A_603 : memref<500016xi32, #tpu.memory_space<vmem_shared>>) dst(%arg12 : memref<128xi32, #tpu.memory_space<vmem>>)
        tpu.yield
      }) : () -> ()
      %scan3A_354 = arith.constant 0 : i32
      %scan3A_355 = arith.constant 0 : i32
      %scan3A_356 = arith.constant 8 : i32
      %scan3A_357 = arith.addi %scan3A_355, %scan3A_356 : i32
      %scan3A_358 = arith.constant 1 : i32
      %scan3A_359 = scf.for %scan3A_593 = %scan3A_355 to %scan3A_357 step %scan3A_358 iter_args(%scan3A_594 = %scan3A_354) -> (i32)  : i32 {
        %mul3A_595 = arith.constant 16 : i32
        %mul3A_596 = arith.muli %scan3A_593, %mul3A_595 : i32
        %get3A = arith.constant 5 : i32
        %get3A_597 = arith.index_cast %get3A : i32 to index
        %get3A_598 = arith.index_cast %mul3A_596 : i32 to index
        %get3A_599 = tpu.vector_load %arg8[%get3A_597, %get3A_598] {strides = array<i32>} : memref<8x128xi32, #tpu.memory_space<vmem>>, vector<1x16xi32>,
        %get3A_600 = vector.shape_cast %get3A_599 : vector<1x16xi32> to vector<16xi32>
        %ge3A = arith.constant 500000 : i32
        %ge3A_601 = vector.broadcast %ge3A : i32 to vector<16xi32>
        %ge3A_602 = arith.cmpi sge, %get3A_600, %ge3A_601 : vector<16xi32>
        %lt3A = arith.constant 1000000 : i32
        %lt3A_603 = vector.broadcast %lt3A : i32 to vector<16xi32>
        %lt3A_604 = arith.cmpi slt, %get3A_600, %lt3A_603 : vector<16xi32>
        %and3A = arith.andi %ge3A_602, %lt3A_604 : vector<16xi1>
        %get3A_605 = arith.index_cast %mul3A_596 : i32 to index
        %get3A_606 = tpu.vector_load %arg12[%get3A_605] {strides = array<i32>} : memref<128xi32, #tpu.memory_space<vmem>>, vector<16xi32>,
        %get3A_607 = vector.shape_cast %get3A_606 : vector<16xi32> to vector<16xi32>
        %get3A_608 = arith.constant 5 : i32
        %get3A_609 = arith.index_cast %get3A_608 : i32 to index
        %get3A_610 = arith.index_cast %mul3A_596 : i32 to index
        %get3A_611 = tpu.vector_load %arg9[%get3A_609, %get3A_610] {strides = array<i32>} : memref<8x128xi32, #tpu.memory_space<vmem>>, vector<1x16xi32>,
        %get3A_612 = vector.shape_cast %get3A_611 : vector<1x16xi32> to vector<16xi32>
        %select_n3A = arith.select %and3A, %get3A_607, %get3A_612 : vector<16xi1>, vector<16xi32>
        %swap3A = arith.constant 5 : i32
        %swap3A_613 = arith.index_cast %swap3A : i32 to index
        %swap3A_614 = arith.index_cast %mul3A_596 : i32 to index
        %swap3A_615 = tpu.vector_load %arg9[%swap3A_613, %swap3A_614] {strides = array<i32>} : memref<8x128xi32, #tpu.memory_space<vmem>>, vector<1x16xi32>,
        %swap3A_616 = vector.shape_cast %swap3A_615 : vector<1x16xi32> to vector<16xi32>
        %swap3A_617 = vector.shape_cast %select_n3A : vector<16xi32> to vector<1x16xi32>
        tpu.vector_store %arg9[%swap3A_613, %swap3A_614], %swap3A_617 {strides = array<i32>} : memref<8x128xi32, #tpu.memory_space<vmem>>, vector<1x16xi32>,
        %scan3A_618 = arith.constant 0 : i32
        scf.yield %scan3A_618 : i32
      }
      %scan3A_360 = arith.constant 8 : i32
      %run_scoped3A_361 = arith.constant 6 : i32
      "tpu.region"() ({
        %run_scoped3A_593 = tpu.sem_alloc : memref<!tpu.dma_semaphore, #tpu.memory_space<semaphore_mem>>
        %dma_start3A_594 = arith.constant 0 : i32
        %dma_start3A_595 = tpu.memref_slice %arg10[%run_scoped3A_361, %dma_start3A_594] : memref<8x128xi32, #tpu.memory_space<vmem>> -> memref<1x128xi32, #tpu.memory_space<vmem>>
        %dma_start3A_596 = tpu.memref_squeeze %dma_start3A_595 : memref<1x128xi32, #tpu.memory_space<vmem>> -> memref<128xi32, #tpu.memory_space<vmem>>
        %dma_start3A_597 = arith.constant 0 : i32
        %dma_start3A_598 = tpu.memref_slice %arg6[%dma_start3A_597] : memref<500016xi32, #tpu.memory_space<vmem_shared>> -> memref<500016xi32, #tpu.memory_space<vmem_shared>>
        tpu.enqueue_indirect_dma source(%dma_start3A_598 : memref<500016xi32, #tpu.memory_space<vmem_shared>>) target(%arg12 : memref<128xi32, #tpu.memory_space<vmem>>) offsets(%dma_start3A_596 : memref<128xi32, #tpu.memory_space<vmem>>) semaphore(%run_scoped3A_593 : memref<!tpu.dma_semaphore, #tpu.memory_space<semaphore_mem>>)
        %dma_wait3A_599 = arith.constant 0 : i32
        %dma_wait3A_600 = tpu.memref_slice %arg10[%run_scoped3A_361, %dma_wait3A_599] : memref<8x128xi32, #tpu.memory_space<vmem>> -> memref<1x128xi32, #tpu.memory_space<vmem>>
        %dma_wait3A_601 = tpu.memref_squeeze %dma_wait3A_600 : memref<1x128xi32, #tpu.memory_space<vmem>> -> memref<128xi32, #tpu.memory_space<vmem>>
        %dma_wait3A_602 = arith.constant 0 : i32
        %dma_wait3A_603 = tpu.memref_slice %arg6[%dma_wait3A_602] : memref<500016xi32, #tpu.memory_space<vmem_shared>> -> memref<500016xi32, #tpu.memory_space<vmem_shared>>
        tpu.wait_indirect_dma semaphore(%run_scoped3A_593 : memref<!tpu.dma_semaphore, #tpu.memory_space<semaphore_mem>>) src(%dma_wait3A_603 : memref<500016xi32, #tpu.memory_space<vmem_shared>>) dst(%arg12 : memref<128xi32, #tpu.memory_space<vmem>>)
        tpu.yield
      }) : () -> ()
      %scan3A_362 = arith.constant 0 : i32
      %scan3A_363 = arith.constant 0 : i32
      %scan3A_364 = arith.constant 8 : i32
      %scan3A_365 = arith.addi %scan3A_363, %scan3A_364 : i32
      %scan3A_366 = arith.constant 1 : i32
      %scan3A_367 = scf.for %scan3A_593 = %scan3A_363 to %scan3A_365 step %scan3A_366 iter_args(%scan3A_594 = %scan3A_362) -> (i32)  : i32 {
        %mul3A_595 = arith.constant 16 : i32
        %mul3A_596 = arith.muli %scan3A_593, %mul3A_595 : i32
        %get3A = arith.constant 6 : i32
        %get3A_597 = arith.index_cast %get3A : i32 to index
        %get3A_598 = arith.index_cast %mul3A_596 : i32 to index
        %get3A_599 = tpu.vector_load %arg8[%get3A_597, %get3A_598] {strides = array<i32>} : memref<8x128xi32, #tpu.memory_space<vmem>>, vector<1x16xi32>,
        %get3A_600 = vector.shape_cast %get3A_599 : vector<1x16xi32> to vector<16xi32>
        %ge3A = arith.constant 500000 : i32
        %ge3A_601 = vector.broadcast %ge3A : i32 to vector<16xi32>
        %ge3A_602 = arith.cmpi sge, %get3A_600, %ge3A_601 : vector<16xi32>
        %lt3A = arith.constant 1000000 : i32
        %lt3A_603 = vector.broadcast %lt3A : i32 to vector<16xi32>
        %lt3A_604 = arith.cmpi slt, %get3A_600, %lt3A_603 : vector<16xi32>
        %and3A = arith.andi %ge3A_602, %lt3A_604 : vector<16xi1>
        %get3A_605 = arith.index_cast %mul3A_596 : i32 to index
        %get3A_606 = tpu.vector_load %arg12[%get3A_605] {strides = array<i32>} : memref<128xi32, #tpu.memory_space<vmem>>, vector<16xi32>,
        %get3A_607 = vector.shape_cast %get3A_606 : vector<16xi32> to vector<16xi32>
        %get3A_608 = arith.constant 6 : i32
        %get3A_609 = arith.index_cast %get3A_608 : i32 to index
        %get3A_610 = arith.index_cast %mul3A_596 : i32 to index
        %get3A_611 = tpu.vector_load %arg9[%get3A_609, %get3A_610] {strides = array<i32>} : memref<8x128xi32, #tpu.memory_space<vmem>>, vector<1x16xi32>,
        %get3A_612 = vector.shape_cast %get3A_611 : vector<1x16xi32> to vector<16xi32>
        %select_n3A = arith.select %and3A, %get3A_607, %get3A_612 : vector<16xi1>, vector<16xi32>
        %swap3A = arith.constant 6 : i32
        %swap3A_613 = arith.index_cast %swap3A : i32 to index
        %swap3A_614 = arith.index_cast %mul3A_596 : i32 to index
        %swap3A_615 = tpu.vector_load %arg9[%swap3A_613, %swap3A_614] {strides = array<i32>} : memref<8x128xi32, #tpu.memory_space<vmem>>, vector<1x16xi32>,
        %swap3A_616 = vector.shape_cast %swap3A_615 : vector<1x16xi32> to vector<16xi32>
        %swap3A_617 = vector.shape_cast %select_n3A : vector<16xi32> to vector<1x16xi32>
        tpu.vector_store %arg9[%swap3A_613, %swap3A_614], %swap3A_617 {strides = array<i32>} : memref<8x128xi32, #tpu.memory_space<vmem>>, vector<1x16xi32>,
        %scan3A_618 = arith.constant 0 : i32
        scf.yield %scan3A_618 : i32
      }
      %scan3A_368 = arith.constant 8 : i32
      %run_scoped3A_369 = arith.constant 7 : i32
      "tpu.region"() ({
        %run_scoped3A_593 = tpu.sem_alloc : memref<!tpu.dma_semaphore, #tpu.memory_space<semaphore_mem>>
        %dma_start3A_594 = arith.constant 0 : i32
        %dma_start3A_595 = tpu.memref_slice %arg10[%run_scoped3A_369, %dma_start3A_594] : memref<8x128xi32, #tpu.memory_space<vmem>> -> memref<1x128xi32, #tpu.memory_space<vmem>>
        %dma_start3A_596 = tpu.memref_squeeze %dma_start3A_595 : memref<1x128xi32, #tpu.memory_space<vmem>> -> memref<128xi32, #tpu.memory_space<vmem>>
        %dma_start3A_597 = arith.constant 0 : i32
        %dma_start3A_598 = tpu.memref_slice %arg6[%dma_start3A_597] : memref<500016xi32, #tpu.memory_space<vmem_shared>> -> memref<500016xi32, #tpu.memory_space<vmem_shared>>
        tpu.enqueue_indirect_dma source(%dma_start3A_598 : memref<500016xi32, #tpu.memory_space<vmem_shared>>) target(%arg12 : memref<128xi32, #tpu.memory_space<vmem>>) offsets(%dma_start3A_596 : memref<128xi32, #tpu.memory_space<vmem>>) semaphore(%run_scoped3A_593 : memref<!tpu.dma_semaphore, #tpu.memory_space<semaphore_mem>>)
        %dma_wait3A_599 = arith.constant 0 : i32
        %dma_wait3A_600 = tpu.memref_slice %arg10[%run_scoped3A_369, %dma_wait3A_599] : memref<8x128xi32, #tpu.memory_space<vmem>> -> memref<1x128xi32, #tpu.memory_space<vmem>>
        %dma_wait3A_601 = tpu.memref_squeeze %dma_wait3A_600 : memref<1x128xi32, #tpu.memory_space<vmem>> -> memref<128xi32, #tpu.memory_space<vmem>>
        %dma_wait3A_602 = arith.constant 0 : i32
        %dma_wait3A_603 = tpu.memref_slice %arg6[%dma_wait3A_602] : memref<500016xi32, #tpu.memory_space<vmem_shared>> -> memref<500016xi32, #tpu.memory_space<vmem_shared>>
        tpu.wait_indirect_dma semaphore(%run_scoped3A_593 : memref<!tpu.dma_semaphore, #tpu.memory_space<semaphore_mem>>) src(%dma_wait3A_603 : memref<500016xi32, #tpu.memory_space<vmem_shared>>) dst(%arg12 : memref<128xi32, #tpu.memory_space<vmem>>)
        tpu.yield
      }) : () -> ()
      %scan3A_370 = arith.constant 0 : i32
      %scan3A_371 = arith.constant 0 : i32
      %scan3A_372 = arith.constant 8 : i32
      %scan3A_373 = arith.addi %scan3A_371, %scan3A_372 : i32
      %scan3A_374 = arith.constant 1 : i32
      %scan3A_375 = scf.for %scan3A_593 = %scan3A_371 to %scan3A_373 step %scan3A_374 iter_args(%scan3A_594 = %scan3A_370) -> (i32)  : i32 {
        %mul3A_595 = arith.constant 16 : i32
        %mul3A_596 = arith.muli %scan3A_593, %mul3A_595 : i32
        %get3A = arith.constant 7 : i32
        %get3A_597 = arith.index_cast %get3A : i32 to index
        %get3A_598 = arith.index_cast %mul3A_596 : i32 to index
        %get3A_599 = tpu.vector_load %arg8[%get3A_597, %get3A_598] {strides = array<i32>} : memref<8x128xi32, #tpu.memory_space<vmem>>, vector<1x16xi32>,
        %get3A_600 = vector.shape_cast %get3A_599 : vector<1x16xi32> to vector<16xi32>
        %ge3A = arith.constant 500000 : i32
        %ge3A_601 = vector.broadcast %ge3A : i32 to vector<16xi32>
        %ge3A_602 = arith.cmpi sge, %get3A_600, %ge3A_601 : vector<16xi32>
        %lt3A = arith.constant 1000000 : i32
        %lt3A_603 = vector.broadcast %lt3A : i32 to vector<16xi32>
        %lt3A_604 = arith.cmpi slt, %get3A_600, %lt3A_603 : vector<16xi32>
        %and3A = arith.andi %ge3A_602, %lt3A_604 : vector<16xi1>
        %get3A_605 = arith.index_cast %mul3A_596 : i32 to index
        %get3A_606 = tpu.vector_load %arg12[%get3A_605] {strides = array<i32>} : memref<128xi32, #tpu.memory_space<vmem>>, vector<16xi32>,
        %get3A_607 = vector.shape_cast %get3A_606 : vector<16xi32> to vector<16xi32>
        %get3A_608 = arith.constant 7 : i32
        %get3A_609 = arith.index_cast %get3A_608 : i32 to index
        %get3A_610 = arith.index_cast %mul3A_596 : i32 to index
        %get3A_611 = tpu.vector_load %arg9[%get3A_609, %get3A_610] {strides = array<i32>} : memref<8x128xi32, #tpu.memory_space<vmem>>, vector<1x16xi32>,
        %get3A_612 = vector.shape_cast %get3A_611 : vector<1x16xi32> to vector<16xi32>
        %select_n3A = arith.select %and3A, %get3A_607, %get3A_612 : vector<16xi1>, vector<16xi32>
        %swap3A = arith.constant 7 : i32
        %swap3A_613 = arith.index_cast %swap3A : i32 to index
        %swap3A_614 = arith.index_cast %mul3A_596 : i32 to index
        %swap3A_615 = tpu.vector_load %arg9[%swap3A_613, %swap3A_614] {strides = array<i32>} : memref<8x128xi32, #tpu.memory_space<vmem>>, vector<1x16xi32>,
        %swap3A_616 = vector.shape_cast %swap3A_615 : vector<1x16xi32> to vector<16xi32>
        %swap3A_617 = vector.shape_cast %select_n3A : vector<16xi32> to vector<1x16xi32>
        tpu.vector_store %arg9[%swap3A_613, %swap3A_614], %swap3A_617 {strides = array<i32>} : memref<8x128xi32, #tpu.memory_space<vmem>>, vector<1x16xi32>,
        %scan3A_618 = arith.constant 0 : i32
        scf.yield %scan3A_618 : i32
      }
      %scan3A_376 = arith.constant 8 : i32
      %barrier3A_377 = arith.constant 0 : index
      tpu.barrier barrier_id(%barrier3A_377)
      %add3A_378 = arith.constant 0 : i32
      %add3A_379 = arith.addi %mul3A_2, %add3A_378 : i32
      "tpu.region"() ({
        %run_scoped3A_593 = tpu.sem_alloc : memref<!tpu.dma_semaphore, #tpu.memory_space<semaphore_mem>>
        %dma_start3A_594 = arith.constant 0 : i32
        %dma_start3A_595 = tpu.memref_slice %arg4[%add3A_379, %dma_start3A_594] : memref<16384x64xf32, #tpu.memory_space<hbm>> -> memref<128x64xf32, #tpu.memory_space<hbm>>
        %dma_start3A_596 = arith.constant 0 : i32
        %dma_start3A_597 = tpu.memref_slice %arg4[%add3A_379, %dma_start3A_596] : memref<16384x64xf32, #tpu.memory_space<hbm>> -> memref<128x64xf32, #tpu.memory_space<hbm>>
        tpu.enqueue_dma source(%dma_start3A_597 : memref<128x64xf32, #tpu.memory_space<hbm>>) target(%arg13 : memref<128x64xf32, #tpu.memory_space<vmem>>) target_semaphore(%run_scoped3A_593 : memref<!tpu.dma_semaphore, #tpu.memory_space<semaphore_mem>>)
        %dma_wait3A_598 = arith.constant 0 : i32
        %dma_wait3A_599 = tpu.memref_slice %arg4[%add3A_379, %dma_wait3A_598] : memref<16384x64xf32, #tpu.memory_space<hbm>> -> memref<128x64xf32, #tpu.memory_space<hbm>>
        %dma_wait3A_600 = arith.constant 0 : i32
        %dma_wait3A_601 = tpu.memref_slice %arg4[%add3A_379, %dma_wait3A_600] : memref<16384x64xf32, #tpu.memory_space<hbm>> -> memref<128x64xf32, #tpu.memory_space<hbm>>
        tpu.wait_dma2 semaphore(%run_scoped3A_593 : memref<!tpu.dma_semaphore, #tpu.memory_space<semaphore_mem>>) src(%dma_wait3A_601 : memref<128x64xf32, #tpu.memory_space<hbm>>) dst(%arg13 : memref<128x64xf32, #tpu.memory_space<vmem>>)
        tpu.yield
      }) : () -> ()
      %run_scoped3A_380 = arith.constant 0 : i32
      "tpu.region"() ({
        %run_scoped3A_593 = tpu.sem_alloc : memref<!tpu.dma_semaphore, #tpu.memory_space<semaphore_mem>>
        %dma_start3A_594 = arith.constant 0 : i32
        %dma_start3A_595 = tpu.memref_slice %arg9[%run_scoped3A_380, %dma_start3A_594] : memref<8x128xi32, #tpu.memory_space<vmem>> -> memref<1x128xi32, #tpu.memory_space<vmem>>
        %dma_start3A_596 = tpu.memref_squeeze %dma_start3A_595 : memref<1x128xi32, #tpu.memory_space<vmem>> -> memref<128xi32, #tpu.memory_space<vmem>>
        %dma_start3A_597 = arith.constant 0 : i32
        %dma_start3A_598 = arith.constant 0 : i32
        %dma_start3A_599 = tpu.memref_slice %arg7[%dma_start3A_597, %dma_start3A_598] : memref<16384x64xf32, #tpu.memory_space<vmem_shared>> -> memref<16384x64xf32, #tpu.memory_space<vmem_shared>>
        tpu.enqueue_indirect_dma source(%arg13 : memref<128x64xf32, #tpu.memory_space<vmem>>) target(%dma_start3A_599 : memref<16384x64xf32, #tpu.memory_space<vmem_shared>>) offsets(%dma_start3A_596 : memref<128xi32, #tpu.memory_space<vmem>>) semaphore(%run_scoped3A_593 : memref<!tpu.dma_semaphore, #tpu.memory_space<semaphore_mem>>) {add = true}
        %dma_wait3A_600 = arith.constant 0 : i32
        %dma_wait3A_601 = tpu.memref_slice %arg9[%run_scoped3A_380, %dma_wait3A_600] : memref<8x128xi32, #tpu.memory_space<vmem>> -> memref<1x128xi32, #tpu.memory_space<vmem>>
        %dma_wait3A_602 = tpu.memref_squeeze %dma_wait3A_601 : memref<1x128xi32, #tpu.memory_space<vmem>> -> memref<128xi32, #tpu.memory_space<vmem>>
        %dma_wait3A_603 = arith.constant 0 : i32
        %dma_wait3A_604 = arith.constant 0 : i32
        %dma_wait3A_605 = tpu.memref_slice %arg7[%dma_wait3A_603, %dma_wait3A_604] : memref<16384x64xf32, #tpu.memory_space<vmem_shared>> -> memref<16384x64xf32, #tpu.memory_space<vmem_shared>>
        tpu.wait_indirect_dma semaphore(%run_scoped3A_593 : memref<!tpu.dma_semaphore, #tpu.memory_space<semaphore_mem>>) src(%arg13 : memref<128x64xf32, #tpu.memory_space<vmem>>) dst(%dma_wait3A_605 : memref<16384x64xf32, #tpu.memory_space<vmem_shared>>)
        tpu.yield
      }) : () -> ()
      %add3A_381 = arith.constant 128 : i32
      %add3A_382 = arith.addi %mul3A_2, %add3A_381 : i32
      "tpu.region"() ({
        %run_scoped3A_593 = tpu.sem_alloc : memref<!tpu.dma_semaphore, #tpu.memory_space<semaphore_mem>>
        %dma_start3A_594 = arith.constant 0 : i32
        %dma_start3A_595 = tpu.memref_slice %arg4[%add3A_382, %dma_start3A_594] : memref<16384x64xf32, #tpu.memory_space<hbm>> -> memref<128x64xf32, #tpu.memory_space<hbm>>
        %dma_start3A_596 = arith.constant 0 : i32
        %dma_start3A_597 = tpu.memref_slice %arg4[%add3A_382, %dma_start3A_596] : memref<16384x64xf32, #tpu.memory_space<hbm>> -> memref<128x64xf32, #tpu.memory_space<hbm>>
        tpu.enqueue_dma source(%dma_start3A_597 : memref<128x64xf32, #tpu.memory_space<hbm>>) target(%arg13 : memref<128x64xf32, #tpu.memory_space<vmem>>) target_semaphore(%run_scoped3A_593 : memref<!tpu.dma_semaphore, #tpu.memory_space<semaphore_mem>>)
        %dma_wait3A_598 = arith.constant 0 : i32
        %dma_wait3A_599 = tpu.memref_slice %arg4[%add3A_382, %dma_wait3A_598] : memref<16384x64xf32, #tpu.memory_space<hbm>> -> memref<128x64xf32, #tpu.memory_space<hbm>>
        %dma_wait3A_600 = arith.constant 0 : i32
        %dma_wait3A_601 = tpu.memref_slice %arg4[%add3A_382, %dma_wait3A_600] : memref<16384x64xf32, #tpu.memory_space<hbm>> -> memref<128x64xf32, #tpu.memory_space<hbm>>
        tpu.wait_dma2 semaphore(%run_scoped3A_593 : memref<!tpu.dma_semaphore, #tpu.memory_space<semaphore_mem>>) src(%dma_wait3A_601 : memref<128x64xf32, #tpu.memory_space<hbm>>) dst(%arg13 : memref<128x64xf32, #tpu.memory_space<vmem>>)
        tpu.yield
      }) : () -> ()
      %run_scoped3A_383 = arith.constant 1 : i32
      "tpu.region"() ({
        %run_scoped3A_593 = tpu.sem_alloc : memref<!tpu.dma_semaphore, #tpu.memory_space<semaphore_mem>>
        %dma_start3A_594 = arith.constant 0 : i32
        %dma_start3A_595 = tpu.memref_slice %arg9[%run_scoped3A_383, %dma_start3A_594] : memref<8x128xi32, #tpu.memory_space<vmem>> -> memref<1x128xi32, #tpu.memory_space<vmem>>
        %dma_start3A_596 = tpu.memref_squeeze %dma_start3A_595 : memref<1x128xi32, #tpu.memory_space<vmem>> -> memref<128xi32, #tpu.memory_space<vmem>>
        %dma_start3A_597 = arith.constant 0 : i32
        %dma_start3A_598 = arith.constant 0 : i32
        %dma_start3A_599 = tpu.memref_slice %arg7[%dma_start3A_597, %dma_start3A_598] : memref<16384x64xf32, #tpu.memory_space<vmem_shared>> -> memref<16384x64xf32, #tpu.memory_space<vmem_shared>>
        tpu.enqueue_indirect_dma source(%arg13 : memref<128x64xf32, #tpu.memory_space<vmem>>) target(%dma_start3A_599 : memref<16384x64xf32, #tpu.memory_space<vmem_shared>>) offsets(%dma_start3A_596 : memref<128xi32, #tpu.memory_space<vmem>>) semaphore(%run_scoped3A_593 : memref<!tpu.dma_semaphore, #tpu.memory_space<semaphore_mem>>) {add = true}
        %dma_wait3A_600 = arith.constant 0 : i32
        %dma_wait3A_601 = tpu.memref_slice %arg9[%run_scoped3A_383, %dma_wait3A_600] : memref<8x128xi32, #tpu.memory_space<vmem>> -> memref<1x128xi32, #tpu.memory_space<vmem>>
        %dma_wait3A_602 = tpu.memref_squeeze %dma_wait3A_601 : memref<1x128xi32, #tpu.memory_space<vmem>> -> memref<128xi32, #tpu.memory_space<vmem>>
        %dma_wait3A_603 = arith.constant 0 : i32
        %dma_wait3A_604 = arith.constant 0 : i32
        %dma_wait3A_605 = tpu.memref_slice %arg7[%dma_wait3A_603, %dma_wait3A_604] : memref<16384x64xf32, #tpu.memory_space<vmem_shared>> -> memref<16384x64xf32, #tpu.memory_space<vmem_shared>>
        tpu.wait_indirect_dma semaphore(%run_scoped3A_593 : memref<!tpu.dma_semaphore, #tpu.memory_space<semaphore_mem>>) src(%arg13 : memref<128x64xf32, #tpu.memory_space<vmem>>) dst(%dma_wait3A_605 : memref<16384x64xf32, #tpu.memory_space<vmem_shared>>)
        tpu.yield
      }) : () -> ()
      %add3A_384 = arith.constant 256 : i32
      %add3A_385 = arith.addi %mul3A_2, %add3A_384 : i32
      "tpu.region"() ({
        %run_scoped3A_593 = tpu.sem_alloc : memref<!tpu.dma_semaphore, #tpu.memory_space<semaphore_mem>>
        %dma_start3A_594 = arith.constant 0 : i32
        %dma_start3A_595 = tpu.memref_slice %arg4[%add3A_385, %dma_start3A_594] : memref<16384x64xf32, #tpu.memory_space<hbm>> -> memref<128x64xf32, #tpu.memory_space<hbm>>
        %dma_start3A_596 = arith.constant 0 : i32
        %dma_start3A_597 = tpu.memref_slice %arg4[%add3A_385, %dma_start3A_596] : memref<16384x64xf32, #tpu.memory_space<hbm>> -> memref<128x64xf32, #tpu.memory_space<hbm>>
        tpu.enqueue_dma source(%dma_start3A_597 : memref<128x64xf32, #tpu.memory_space<hbm>>) target(%arg13 : memref<128x64xf32, #tpu.memory_space<vmem>>) target_semaphore(%run_scoped3A_593 : memref<!tpu.dma_semaphore, #tpu.memory_space<semaphore_mem>>)
        %dma_wait3A_598 = arith.constant 0 : i32
        %dma_wait3A_599 = tpu.memref_slice %arg4[%add3A_385, %dma_wait3A_598] : memref<16384x64xf32, #tpu.memory_space<hbm>> -> memref<128x64xf32, #tpu.memory_space<hbm>>
        %dma_wait3A_600 = arith.constant 0 : i32
        %dma_wait3A_601 = tpu.memref_slice %arg4[%add3A_385, %dma_wait3A_600] : memref<16384x64xf32, #tpu.memory_space<hbm>> -> memref<128x64xf32, #tpu.memory_space<hbm>>
        tpu.wait_dma2 semaphore(%run_scoped3A_593 : memref<!tpu.dma_semaphore, #tpu.memory_space<semaphore_mem>>) src(%dma_wait3A_601 : memref<128x64xf32, #tpu.memory_space<hbm>>) dst(%arg13 : memref<128x64xf32, #tpu.memory_space<vmem>>)
        tpu.yield
      }) : () -> ()
      %run_scoped3A_386 = arith.constant 2 : i32
      "tpu.region"() ({
        %run_scoped3A_593 = tpu.sem_alloc : memref<!tpu.dma_semaphore, #tpu.memory_space<semaphore_mem>>
        %dma_start3A_594 = arith.constant 0 : i32
        %dma_start3A_595 = tpu.memref_slice %arg9[%run_scoped3A_386, %dma_start3A_594] : memref<8x128xi32, #tpu.memory_space<vmem>> -> memref<1x128xi32, #tpu.memory_space<vmem>>
        %dma_start3A_596 = tpu.memref_squeeze %dma_start3A_595 : memref<1x128xi32, #tpu.memory_space<vmem>> -> memref<128xi32, #tpu.memory_space<vmem>>
        %dma_start3A_597 = arith.constant 0 : i32
        %dma_start3A_598 = arith.constant 0 : i32
        %dma_start3A_599 = tpu.memref_slice %arg7[%dma_start3A_597, %dma_start3A_598] : memref<16384x64xf32, #tpu.memory_space<vmem_shared>> -> memref<16384x64xf32, #tpu.memory_space<vmem_shared>>
        tpu.enqueue_indirect_dma source(%arg13 : memref<128x64xf32, #tpu.memory_space<vmem>>) target(%dma_start3A_599 : memref<16384x64xf32, #tpu.memory_space<vmem_shared>>) offsets(%dma_start3A_596 : memref<128xi32, #tpu.memory_space<vmem>>) semaphore(%run_scoped3A_593 : memref<!tpu.dma_semaphore, #tpu.memory_space<semaphore_mem>>) {add = true}
        %dma_wait3A_600 = arith.constant 0 : i32
        %dma_wait3A_601 = tpu.memref_slice %arg9[%run_scoped3A_386, %dma_wait3A_600] : memref<8x128xi32, #tpu.memory_space<vmem>> -> memref<1x128xi32, #tpu.memory_space<vmem>>
        %dma_wait3A_602 = tpu.memref_squeeze %dma_wait3A_601 : memref<1x128xi32, #tpu.memory_space<vmem>> -> memref<128xi32, #tpu.memory_space<vmem>>
        %dma_wait3A_603 = arith.constant 0 : i32
        %dma_wait3A_604 = arith.constant 0 : i32
        %dma_wait3A_605 = tpu.memref_slice %arg7[%dma_wait3A_603, %dma_wait3A_604] : memref<16384x64xf32, #tpu.memory_space<vmem_shared>> -> memref<16384x64xf32, #tpu.memory_space<vmem_shared>>
        tpu.wait_indirect_dma semaphore(%run_scoped3A_593 : memref<!tpu.dma_semaphore, #tpu.memory_space<semaphore_mem>>) src(%arg13 : memref<128x64xf32, #tpu.memory_space<vmem>>) dst(%dma_wait3A_605 : memref<16384x64xf32, #tpu.memory_space<vmem_shared>>)
        tpu.yield
      }) : () -> ()
      %add3A_387 = arith.constant 384 : i32
      %add3A_388 = arith.addi %mul3A_2, %add3A_387 : i32
      "tpu.region"() ({
        %run_scoped3A_593 = tpu.sem_alloc : memref<!tpu.dma_semaphore, #tpu.memory_space<semaphore_mem>>
        %dma_start3A_594 = arith.constant 0 : i32
        %dma_start3A_595 = tpu.memref_slice %arg4[%add3A_388, %dma_start3A_594] : memref<16384x64xf32, #tpu.memory_space<hbm>> -> memref<128x64xf32, #tpu.memory_space<hbm>>
        %dma_start3A_596 = arith.constant 0 : i32
        %dma_start3A_597 = tpu.memref_slice %arg4[%add3A_388, %dma_start3A_596] : memref<16384x64xf32, #tpu.memory_space<hbm>> -> memref<128x64xf32, #tpu.memory_space<hbm>>
        tpu.enqueue_dma source(%dma_start3A_597 : memref<128x64xf32, #tpu.memory_space<hbm>>) target(%arg13 : memref<128x64xf32, #tpu.memory_space<vmem>>) target_semaphore(%run_scoped3A_593 : memref<!tpu.dma_semaphore, #tpu.memory_space<semaphore_mem>>)
        %dma_wait3A_598 = arith.constant 0 : i32
        %dma_wait3A_599 = tpu.memref_slice %arg4[%add3A_388, %dma_wait3A_598] : memref<16384x64xf32, #tpu.memory_space<hbm>> -> memref<128x64xf32, #tpu.memory_space<hbm>>
        %dma_wait3A_600 = arith.constant 0 : i32
        %dma_wait3A_601 = tpu.memref_slice %arg4[%add3A_388, %dma_wait3A_600] : memref<16384x64xf32, #tpu.memory_space<hbm>> -> memref<128x64xf32, #tpu.memory_space<hbm>>
        tpu.wait_dma2 semaphore(%run_scoped3A_593 : memref<!tpu.dma_semaphore, #tpu.memory_space<semaphore_mem>>) src(%dma_wait3A_601 : memref<128x64xf32, #tpu.memory_space<hbm>>) dst(%arg13 : memref<128x64xf32, #tpu.memory_space<vmem>>)
        tpu.yield
      }) : () -> ()
      %run_scoped3A_389 = arith.constant 3 : i32
      "tpu.region"() ({
        %run_scoped3A_593 = tpu.sem_alloc : memref<!tpu.dma_semaphore, #tpu.memory_space<semaphore_mem>>
        %dma_start3A_594 = arith.constant 0 : i32
        %dma_start3A_595 = tpu.memref_slice %arg9[%run_scoped3A_389, %dma_start3A_594] : memref<8x128xi32, #tpu.memory_space<vmem>> -> memref<1x128xi32, #tpu.memory_space<vmem>>
        %dma_start3A_596 = tpu.memref_squeeze %dma_start3A_595 : memref<1x128xi32, #tpu.memory_space<vmem>> -> memref<128xi32, #tpu.memory_space<vmem>>
        %dma_start3A_597 = arith.constant 0 : i32
        %dma_start3A_598 = arith.constant 0 : i32
        %dma_start3A_599 = tpu.memref_slice %arg7[%dma_start3A_597, %dma_start3A_598] : memref<16384x64xf32, #tpu.memory_space<vmem_shared>> -> memref<16384x64xf32, #tpu.memory_space<vmem_shared>>
        tpu.enqueue_indirect_dma source(%arg13 : memref<128x64xf32, #tpu.memory_space<vmem>>) target(%dma_start3A_599 : memref<16384x64xf32, #tpu.memory_space<vmem_shared>>) offsets(%dma_start3A_596 : memref<128xi32, #tpu.memory_space<vmem>>) semaphore(%run_scoped3A_593 : memref<!tpu.dma_semaphore, #tpu.memory_space<semaphore_mem>>) {add = true}
        %dma_wait3A_600 = arith.constant 0 : i32
        %dma_wait3A_601 = tpu.memref_slice %arg9[%run_scoped3A_389, %dma_wait3A_600] : memref<8x128xi32, #tpu.memory_space<vmem>> -> memref<1x128xi32, #tpu.memory_space<vmem>>
        %dma_wait3A_602 = tpu.memref_squeeze %dma_wait3A_601 : memref<1x128xi32, #tpu.memory_space<vmem>> -> memref<128xi32, #tpu.memory_space<vmem>>
        %dma_wait3A_603 = arith.constant 0 : i32
        %dma_wait3A_604 = arith.constant 0 : i32
        %dma_wait3A_605 = tpu.memref_slice %arg7[%dma_wait3A_603, %dma_wait3A_604] : memref<16384x64xf32, #tpu.memory_space<vmem_shared>> -> memref<16384x64xf32, #tpu.memory_space<vmem_shared>>
        tpu.wait_indirect_dma semaphore(%run_scoped3A_593 : memref<!tpu.dma_semaphore, #tpu.memory_space<semaphore_mem>>) src(%arg13 : memref<128x64xf32, #tpu.memory_space<vmem>>) dst(%dma_wait3A_605 : memref<16384x64xf32, #tpu.memory_space<vmem_shared>>)
        tpu.yield
      }) : () -> ()
      %add3A_390 = arith.constant 512 : i32
      %add3A_391 = arith.addi %mul3A_2, %add3A_390 : i32
      "tpu.region"() ({
        %run_scoped3A_593 = tpu.sem_alloc : memref<!tpu.dma_semaphore, #tpu.memory_space<semaphore_mem>>
        %dma_start3A_594 = arith.constant 0 : i32
        %dma_start3A_595 = tpu.memref_slice %arg4[%add3A_391, %dma_start3A_594] : memref<16384x64xf32, #tpu.memory_space<hbm>> -> memref<128x64xf32, #tpu.memory_space<hbm>>
        %dma_start3A_596 = arith.constant 0 : i32
        %dma_start3A_597 = tpu.memref_slice %arg4[%add3A_391, %dma_start3A_596] : memref<16384x64xf32, #tpu.memory_space<hbm>> -> memref<128x64xf32, #tpu.memory_space<hbm>>
        tpu.enqueue_dma source(%dma_start3A_597 : memref<128x64xf32, #tpu.memory_space<hbm>>) target(%arg13 : memref<128x64xf32, #tpu.memory_space<vmem>>) target_semaphore(%run_scoped3A_593 : memref<!tpu.dma_semaphore, #tpu.memory_space<semaphore_mem>>)
        %dma_wait3A_598 = arith.constant 0 : i32
        %dma_wait3A_599 = tpu.memref_slice %arg4[%add3A_391, %dma_wait3A_598] : memref<16384x64xf32, #tpu.memory_space<hbm>> -> memref<128x64xf32, #tpu.memory_space<hbm>>
        %dma_wait3A_600 = arith.constant 0 : i32
        %dma_wait3A_601 = tpu.memref_slice %arg4[%add3A_391, %dma_wait3A_600] : memref<16384x64xf32, #tpu.memory_space<hbm>> -> memref<128x64xf32, #tpu.memory_space<hbm>>
        tpu.wait_dma2 semaphore(%run_scoped3A_593 : memref<!tpu.dma_semaphore, #tpu.memory_space<semaphore_mem>>) src(%dma_wait3A_601 : memref<128x64xf32, #tpu.memory_space<hbm>>) dst(%arg13 : memref<128x64xf32, #tpu.memory_space<vmem>>)
        tpu.yield
      }) : () -> ()
      %run_scoped3A_392 = arith.constant 4 : i32
      "tpu.region"() ({
        %run_scoped3A_593 = tpu.sem_alloc : memref<!tpu.dma_semaphore, #tpu.memory_space<semaphore_mem>>
        %dma_start3A_594 = arith.constant 0 : i32
        %dma_start3A_595 = tpu.memref_slice %arg9[%run_scoped3A_392, %dma_start3A_594] : memref<8x128xi32, #tpu.memory_space<vmem>> -> memref<1x128xi32, #tpu.memory_space<vmem>>
        %dma_start3A_596 = tpu.memref_squeeze %dma_start3A_595 : memref<1x128xi32, #tpu.memory_space<vmem>> -> memref<128xi32, #tpu.memory_space<vmem>>
        %dma_start3A_597 = arith.constant 0 : i32
        %dma_start3A_598 = arith.constant 0 : i32
        %dma_start3A_599 = tpu.memref_slice %arg7[%dma_start3A_597, %dma_start3A_598] : memref<16384x64xf32, #tpu.memory_space<vmem_shared>> -> memref<16384x64xf32, #tpu.memory_space<vmem_shared>>
        tpu.enqueue_indirect_dma source(%arg13 : memref<128x64xf32, #tpu.memory_space<vmem>>) target(%dma_start3A_599 : memref<16384x64xf32, #tpu.memory_space<vmem_shared>>) offsets(%dma_start3A_596 : memref<128xi32, #tpu.memory_space<vmem>>) semaphore(%run_scoped3A_593 : memref<!tpu.dma_semaphore, #tpu.memory_space<semaphore_mem>>) {add = true}
        %dma_wait3A_600 = arith.constant 0 : i32
        %dma_wait3A_601 = tpu.memref_slice %arg9[%run_scoped3A_392, %dma_wait3A_600] : memref<8x128xi32, #tpu.memory_space<vmem>> -> memref<1x128xi32, #tpu.memory_space<vmem>>
        %dma_wait3A_602 = tpu.memref_squeeze %dma_wait3A_601 : memref<1x128xi32, #tpu.memory_space<vmem>> -> memref<128xi32, #tpu.memory_space<vmem>>
        %dma_wait3A_603 = arith.constant 0 : i32
        %dma_wait3A_604 = arith.constant 0 : i32
        %dma_wait3A_605 = tpu.memref_slice %arg7[%dma_wait3A_603, %dma_wait3A_604] : memref<16384x64xf32, #tpu.memory_space<vmem_shared>> -> memref<16384x64xf32, #tpu.memory_space<vmem_shared>>
        tpu.wait_indirect_dma semaphore(%run_scoped3A_593 : memref<!tpu.dma_semaphore, #tpu.memory_space<semaphore_mem>>) src(%arg13 : memref<128x64xf32, #tpu.memory_space<vmem>>) dst(%dma_wait3A_605 : memref<16384x64xf32, #tpu.memory_space<vmem_shared>>)
        tpu.yield
      }) : () -> ()
      %add3A_393 = arith.constant 640 : i32
      %add3A_394 = arith.addi %mul3A_2, %add3A_393 : i32
      "tpu.region"() ({
        %run_scoped3A_593 = tpu.sem_alloc : memref<!tpu.dma_semaphore, #tpu.memory_space<semaphore_mem>>
        %dma_start3A_594 = arith.constant 0 : i32
        %dma_start3A_595 = tpu.memref_slice %arg4[%add3A_394, %dma_start3A_594] : memref<16384x64xf32, #tpu.memory_space<hbm>> -> memref<128x64xf32, #tpu.memory_space<hbm>>
        %dma_start3A_596 = arith.constant 0 : i32
        %dma_start3A_597 = tpu.memref_slice %arg4[%add3A_394, %dma_start3A_596] : memref<16384x64xf32, #tpu.memory_space<hbm>> -> memref<128x64xf32, #tpu.memory_space<hbm>>
        tpu.enqueue_dma source(%dma_start3A_597 : memref<128x64xf32, #tpu.memory_space<hbm>>) target(%arg13 : memref<128x64xf32, #tpu.memory_space<vmem>>) target_semaphore(%run_scoped3A_593 : memref<!tpu.dma_semaphore, #tpu.memory_space<semaphore_mem>>)
        %dma_wait3A_598 = arith.constant 0 : i32
        %dma_wait3A_599 = tpu.memref_slice %arg4[%add3A_394, %dma_wait3A_598] : memref<16384x64xf32, #tpu.memory_space<hbm>> -> memref<128x64xf32, #tpu.memory_space<hbm>>
        %dma_wait3A_600 = arith.constant 0 : i32
        %dma_wait3A_601 = tpu.memref_slice %arg4[%add3A_394, %dma_wait3A_600] : memref<16384x64xf32, #tpu.memory_space<hbm>> -> memref<128x64xf32, #tpu.memory_space<hbm>>
        tpu.wait_dma2 semaphore(%run_scoped3A_593 : memref<!tpu.dma_semaphore, #tpu.memory_space<semaphore_mem>>) src(%dma_wait3A_601 : memref<128x64xf32, #tpu.memory_space<hbm>>) dst(%arg13 : memref<128x64xf32, #tpu.memory_space<vmem>>)
        tpu.yield
      }) : () -> ()
      %run_scoped3A_395 = arith.constant 5 : i32
      "tpu.region"() ({
        %run_scoped3A_593 = tpu.sem_alloc : memref<!tpu.dma_semaphore, #tpu.memory_space<semaphore_mem>>
        %dma_start3A_594 = arith.constant 0 : i32
        %dma_start3A_595 = tpu.memref_slice %arg9[%run_scoped3A_395, %dma_start3A_594] : memref<8x128xi32, #tpu.memory_space<vmem>> -> memref<1x128xi32, #tpu.memory_space<vmem>>
        %dma_start3A_596 = tpu.memref_squeeze %dma_start3A_595 : memref<1x128xi32, #tpu.memory_space<vmem>> -> memref<128xi32, #tpu.memory_space<vmem>>
        %dma_start3A_597 = arith.constant 0 : i32
        %dma_start3A_598 = arith.constant 0 : i32
        %dma_start3A_599 = tpu.memref_slice %arg7[%dma_start3A_597, %dma_start3A_598] : memref<16384x64xf32, #tpu.memory_space<vmem_shared>> -> memref<16384x64xf32, #tpu.memory_space<vmem_shared>>
        tpu.enqueue_indirect_dma source(%arg13 : memref<128x64xf32, #tpu.memory_space<vmem>>) target(%dma_start3A_599 : memref<16384x64xf32, #tpu.memory_space<vmem_shared>>) offsets(%dma_start3A_596 : memref<128xi32, #tpu.memory_space<vmem>>) semaphore(%run_scoped3A_593 : memref<!tpu.dma_semaphore, #tpu.memory_space<semaphore_mem>>) {add = true}
        %dma_wait3A_600 = arith.constant 0 : i32
        %dma_wait3A_601 = tpu.memref_slice %arg9[%run_scoped3A_395, %dma_wait3A_600] : memref<8x128xi32, #tpu.memory_space<vmem>> -> memref<1x128xi32, #tpu.memory_space<vmem>>
        %dma_wait3A_602 = tpu.memref_squeeze %dma_wait3A_601 : memref<1x128xi32, #tpu.memory_space<vmem>> -> memref<128xi32, #tpu.memory_space<vmem>>
        %dma_wait3A_603 = arith.constant 0 : i32
        %dma_wait3A_604 = arith.constant 0 : i32
        %dma_wait3A_605 = tpu.memref_slice %arg7[%dma_wait3A_603, %dma_wait3A_604] : memref<16384x64xf32, #tpu.memory_space<vmem_shared>> -> memref<16384x64xf32, #tpu.memory_space<vmem_shared>>
        tpu.wait_indirect_dma semaphore(%run_scoped3A_593 : memref<!tpu.dma_semaphore, #tpu.memory_space<semaphore_mem>>) src(%arg13 : memref<128x64xf32, #tpu.memory_space<vmem>>) dst(%dma_wait3A_605 : memref<16384x64xf32, #tpu.memory_space<vmem_shared>>)
        tpu.yield
      }) : () -> ()
      %add3A_396 = arith.constant 768 : i32
      %add3A_397 = arith.addi %mul3A_2, %add3A_396 : i32
      "tpu.region"() ({
        %run_scoped3A_593 = tpu.sem_alloc : memref<!tpu.dma_semaphore, #tpu.memory_space<semaphore_mem>>
        %dma_start3A_594 = arith.constant 0 : i32
        %dma_start3A_595 = tpu.memref_slice %arg4[%add3A_397, %dma_start3A_594] : memref<16384x64xf32, #tpu.memory_space<hbm>> -> memref<128x64xf32, #tpu.memory_space<hbm>>
        %dma_start3A_596 = arith.constant 0 : i32
        %dma_start3A_597 = tpu.memref_slice %arg4[%add3A_397, %dma_start3A_596] : memref<16384x64xf32, #tpu.memory_space<hbm>> -> memref<128x64xf32, #tpu.memory_space<hbm>>
        tpu.enqueue_dma source(%dma_start3A_597 : memref<128x64xf32, #tpu.memory_space<hbm>>) target(%arg13 : memref<128x64xf32, #tpu.memory_space<vmem>>) target_semaphore(%run_scoped3A_593 : memref<!tpu.dma_semaphore, #tpu.memory_space<semaphore_mem>>)
        %dma_wait3A_598 = arith.constant 0 : i32
        %dma_wait3A_599 = tpu.memref_slice %arg4[%add3A_397, %dma_wait3A_598] : memref<16384x64xf32, #tpu.memory_space<hbm>> -> memref<128x64xf32, #tpu.memory_space<hbm>>
        %dma_wait3A_600 = arith.constant 0 : i32
        %dma_wait3A_601 = tpu.memref_slice %arg4[%add3A_397, %dma_wait3A_600] : memref<16384x64xf32, #tpu.memory_space<hbm>> -> memref<128x64xf32, #tpu.memory_space<hbm>>
        tpu.wait_dma2 semaphore(%run_scoped3A_593 : memref<!tpu.dma_semaphore, #tpu.memory_space<semaphore_mem>>) src(%dma_wait3A_601 : memref<128x64xf32, #tpu.memory_space<hbm>>) dst(%arg13 : memref<128x64xf32, #tpu.memory_space<vmem>>)
        tpu.yield
      }) : () -> ()
      %run_scoped3A_398 = arith.constant 6 : i32
      "tpu.region"() ({
        %run_scoped3A_593 = tpu.sem_alloc : memref<!tpu.dma_semaphore, #tpu.memory_space<semaphore_mem>>
        %dma_start3A_594 = arith.constant 0 : i32
        %dma_start3A_595 = tpu.memref_slice %arg9[%run_scoped3A_398, %dma_start3A_594] : memref<8x128xi32, #tpu.memory_space<vmem>> -> memref<1x128xi32, #tpu.memory_space<vmem>>
        %dma_start3A_596 = tpu.memref_squeeze %dma_start3A_595 : memref<1x128xi32, #tpu.memory_space<vmem>> -> memref<128xi32, #tpu.memory_space<vmem>>
        %dma_start3A_597 = arith.constant 0 : i32
        %dma_start3A_598 = arith.constant 0 : i32
        %dma_start3A_599 = tpu.memref_slice %arg7[%dma_start3A_597, %dma_start3A_598] : memref<16384x64xf32, #tpu.memory_space<vmem_shared>> -> memref<16384x64xf32, #tpu.memory_space<vmem_shared>>
        tpu.enqueue_indirect_dma source(%arg13 : memref<128x64xf32, #tpu.memory_space<vmem>>) target(%dma_start3A_599 : memref<16384x64xf32, #tpu.memory_space<vmem_shared>>) offsets(%dma_start3A_596 : memref<128xi32, #tpu.memory_space<vmem>>) semaphore(%run_scoped3A_593 : memref<!tpu.dma_semaphore, #tpu.memory_space<semaphore_mem>>) {add = true}
        %dma_wait3A_600 = arith.constant 0 : i32
        %dma_wait3A_601 = tpu.memref_slice %arg9[%run_scoped3A_398, %dma_wait3A_600] : memref<8x128xi32, #tpu.memory_space<vmem>> -> memref<1x128xi32, #tpu.memory_space<vmem>>
        %dma_wait3A_602 = tpu.memref_squeeze %dma_wait3A_601 : memref<1x128xi32, #tpu.memory_space<vmem>> -> memref<128xi32, #tpu.memory_space<vmem>>
        %dma_wait3A_603 = arith.constant 0 : i32
        %dma_wait3A_604 = arith.constant 0 : i32
        %dma_wait3A_605 = tpu.memref_slice %arg7[%dma_wait3A_603, %dma_wait3A_604] : memref<16384x64xf32, #tpu.memory_space<vmem_shared>> -> memref<16384x64xf32, #tpu.memory_space<vmem_shared>>
        tpu.wait_indirect_dma semaphore(%run_scoped3A_593 : memref<!tpu.dma_semaphore, #tpu.memory_space<semaphore_mem>>) src(%arg13 : memref<128x64xf32, #tpu.memory_space<vmem>>) dst(%dma_wait3A_605 : memref<16384x64xf32, #tpu.memory_space<vmem_shared>>)
        tpu.yield
      }) : () -> ()
      %add3A_399 = arith.constant 896 : i32
      %add3A_400 = arith.addi %mul3A_2, %add3A_399 : i32
      "tpu.region"() ({
        %run_scoped3A_593 = tpu.sem_alloc : memref<!tpu.dma_semaphore, #tpu.memory_space<semaphore_mem>>
        %dma_start3A_594 = arith.constant 0 : i32
        %dma_start3A_595 = tpu.memref_slice %arg4[%add3A_400, %dma_start3A_594] : memref<16384x64xf32, #tpu.memory_space<hbm>> -> memref<128x64xf32, #tpu.memory_space<hbm>>
        %dma_start3A_596 = arith.constant 0 : i32
        %dma_start3A_597 = tpu.memref_slice %arg4[%add3A_400, %dma_start3A_596] : memref<16384x64xf32, #tpu.memory_space<hbm>> -> memref<128x64xf32, #tpu.memory_space<hbm>>
        tpu.enqueue_dma source(%dma_start3A_597 : memref<128x64xf32, #tpu.memory_space<hbm>>) target(%arg13 : memref<128x64xf32, #tpu.memory_space<vmem>>) target_semaphore(%run_scoped3A_593 : memref<!tpu.dma_semaphore, #tpu.memory_space<semaphore_mem>>)
        %dma_wait3A_598 = arith.constant 0 : i32
        %dma_wait3A_599 = tpu.memref_slice %arg4[%add3A_400, %dma_wait3A_598] : memref<16384x64xf32, #tpu.memory_space<hbm>> -> memref<128x64xf32, #tpu.memory_space<hbm>>
        %dma_wait3A_600 = arith.constant 0 : i32
        %dma_wait3A_601 = tpu.memref_slice %arg4[%add3A_400, %dma_wait3A_600] : memref<16384x64xf32, #tpu.memory_space<hbm>> -> memref<128x64xf32, #tpu.memory_space<hbm>>
        tpu.wait_dma2 semaphore(%run_scoped3A_593 : memref<!tpu.dma_semaphore, #tpu.memory_space<semaphore_mem>>) src(%dma_wait3A_601 : memref<128x64xf32, #tpu.memory_space<hbm>>) dst(%arg13 : memref<128x64xf32, #tpu.memory_space<vmem>>)
        tpu.yield
      }) : () -> ()
      %run_scoped3A_401 = arith.constant 7 : i32
      "tpu.region"() ({
        %run_scoped3A_593 = tpu.sem_alloc : memref<!tpu.dma_semaphore, #tpu.memory_space<semaphore_mem>>
        %dma_start3A_594 = arith.constant 0 : i32
        %dma_start3A_595 = tpu.memref_slice %arg9[%run_scoped3A_401, %dma_start3A_594] : memref<8x128xi32, #tpu.memory_space<vmem>> -> memref<1x128xi32, #tpu.memory_space<vmem>>
        %dma_start3A_596 = tpu.memref_squeeze %dma_start3A_595 : memref<1x128xi32, #tpu.memory_space<vmem>> -> memref<128xi32, #tpu.memory_space<vmem>>
        %dma_start3A_597 = arith.constant 0 : i32
        %dma_start3A_598 = arith.constant 0 : i32
        %dma_start3A_599 = tpu.memref_slice %arg7[%dma_start3A_597, %dma_start3A_598] : memref<16384x64xf32, #tpu.memory_space<vmem_shared>> -> memref<16384x64xf32, #tpu.memory_space<vmem_shared>>
        tpu.enqueue_indirect_dma source(%arg13 : memref<128x64xf32, #tpu.memory_space<vmem>>) target(%dma_start3A_599 : memref<16384x64xf32, #tpu.memory_space<vmem_shared>>) offsets(%dma_start3A_596 : memref<128xi32, #tpu.memory_space<vmem>>) semaphore(%run_scoped3A_593 : memref<!tpu.dma_semaphore, #tpu.memory_space<semaphore_mem>>) {add = true}
        %dma_wait3A_600 = arith.constant 0 : i32
        %dma_wait3A_601 = tpu.memref_slice %arg9[%run_scoped3A_401, %dma_wait3A_600] : memref<8x128xi32, #tpu.memory_space<vmem>> -> memref<1x128xi32, #tpu.memory_space<vmem>>
        %dma_wait3A_602 = tpu.memref_squeeze %dma_wait3A_601 : memref<1x128xi32, #tpu.memory_space<vmem>> -> memref<128xi32, #tpu.memory_space<vmem>>
        %dma_wait3A_603 = arith.constant 0 : i32
        %dma_wait3A_604 = arith.constant 0 : i32
        %dma_wait3A_605 = tpu.memref_slice %arg7[%dma_wait3A_603, %dma_wait3A_604] : memref<16384x64xf32, #tpu.memory_space<vmem_shared>> -> memref<16384x64xf32, #tpu.memory_space<vmem_shared>>
        tpu.wait_indirect_dma semaphore(%run_scoped3A_593 : memref<!tpu.dma_semaphore, #tpu.memory_space<semaphore_mem>>) src(%arg13 : memref<128x64xf32, #tpu.memory_space<vmem>>) dst(%dma_wait3A_605 : memref<16384x64xf32, #tpu.memory_space<vmem_shared>>)
        tpu.yield
      }) : () -> ()
      %barrier3A_402 = arith.constant 0 : index
      tpu.barrier barrier_id(%barrier3A_402)
      %dma_start3A = arith.constant 0 : i32
      %dma_start3A_403 = arith.constant 0 : i32
      %dma_start3A_404 = tpu.memref_slice %arg8[%dma_start3A, %dma_start3A_403] : memref<8x128xi32, #tpu.memory_space<vmem>> -> memref<1x128xi32, #tpu.memory_space<vmem>>
      %dma_start3A_405 = tpu.memref_squeeze %dma_start3A_404 : memref<1x128xi32, #tpu.memory_space<vmem>> -> memref<128xi32, #tpu.memory_space<vmem>>
      %dma_start3A_406 = arith.constant 0 : i32
      %dma_start3A_407 = arith.constant 0 : i32
      %dma_start3A_408 = tpu.memref_slice %arg2[%dma_start3A_406, %dma_start3A_407] : memref<1000000x64xf32, #tpu.memory_space<hbm>> -> memref<1000000x64xf32, #tpu.memory_space<hbm>>
      tpu.enqueue_indirect_dma source(%dma_start3A_408 : memref<1000000x64xf32, #tpu.memory_space<hbm>>) target(%arg15 : memref<128x64xf32, #tpu.memory_space<vmem>>) offsets(%dma_start3A_405 : memref<128xi32, #tpu.memory_space<vmem>>) semaphore(%arg16 : memref<!tpu.dma_semaphore, #tpu.memory_space<semaphore_mem>>)
      %dma_wait3A = arith.constant 0 : i32
      %dma_wait3A_409 = arith.constant 0 : i32
      %dma_wait3A_410 = tpu.memref_slice %arg8[%dma_wait3A, %dma_wait3A_409] : memref<8x128xi32, #tpu.memory_space<vmem>> -> memref<1x128xi32, #tpu.memory_space<vmem>>
      %dma_wait3A_411 = tpu.memref_squeeze %dma_wait3A_410 : memref<1x128xi32, #tpu.memory_space<vmem>> -> memref<128xi32, #tpu.memory_space<vmem>>
      %dma_wait3A_412 = arith.constant 0 : i32
      %dma_wait3A_413 = arith.constant 0 : i32
      %dma_wait3A_414 = tpu.memref_slice %arg2[%dma_wait3A_412, %dma_wait3A_413] : memref<1000000x64xf32, #tpu.memory_space<hbm>> -> memref<1000000x64xf32, #tpu.memory_space<hbm>>
      tpu.wait_indirect_dma semaphore(%arg16 : memref<!tpu.dma_semaphore, #tpu.memory_space<semaphore_mem>>) src(%dma_wait3A_414 : memref<1000000x64xf32, #tpu.memory_space<hbm>>) dst(%arg15 : memref<128x64xf32, #tpu.memory_space<vmem>>)
      %run_scoped3A_415 = arith.constant 0 : i32
      "tpu.region"() ({
        %run_scoped3A_593 = tpu.sem_alloc : memref<!tpu.dma_semaphore, #tpu.memory_space<semaphore_mem>>
        %dma_start3A_594 = arith.constant 0 : i32
        %dma_start3A_595 = tpu.memref_slice %arg9[%run_scoped3A_415, %dma_start3A_594] : memref<8x128xi32, #tpu.memory_space<vmem>> -> memref<1x128xi32, #tpu.memory_space<vmem>>
        %dma_start3A_596 = tpu.memref_squeeze %dma_start3A_595 : memref<1x128xi32, #tpu.memory_space<vmem>> -> memref<128xi32, #tpu.memory_space<vmem>>
        %dma_start3A_597 = arith.constant 0 : i32
        %dma_start3A_598 = arith.constant 0 : i32
        %dma_start3A_599 = tpu.memref_slice %arg7[%dma_start3A_597, %dma_start3A_598] : memref<16384x64xf32, #tpu.memory_space<vmem_shared>> -> memref<16384x64xf32, #tpu.memory_space<vmem_shared>>
        tpu.enqueue_indirect_dma source(%dma_start3A_599 : memref<16384x64xf32, #tpu.memory_space<vmem_shared>>) target(%arg14 : memref<128x64xf32, #tpu.memory_space<vmem>>) offsets(%dma_start3A_596 : memref<128xi32, #tpu.memory_space<vmem>>) semaphore(%run_scoped3A_593 : memref<!tpu.dma_semaphore, #tpu.memory_space<semaphore_mem>>)
        %dma_wait3A_600 = arith.constant 0 : i32
        %dma_wait3A_601 = tpu.memref_slice %arg9[%run_scoped3A_415, %dma_wait3A_600] : memref<8x128xi32, #tpu.memory_space<vmem>> -> memref<1x128xi32, #tpu.memory_space<vmem>>
        %dma_wait3A_602 = tpu.memref_squeeze %dma_wait3A_601 : memref<1x128xi32, #tpu.memory_space<vmem>> -> memref<128xi32, #tpu.memory_space<vmem>>
        %dma_wait3A_603 = arith.constant 0 : i32
        %dma_wait3A_604 = arith.constant 0 : i32
        %dma_wait3A_605 = tpu.memref_slice %arg7[%dma_wait3A_603, %dma_wait3A_604] : memref<16384x64xf32, #tpu.memory_space<vmem_shared>> -> memref<16384x64xf32, #tpu.memory_space<vmem_shared>>
        tpu.wait_indirect_dma semaphore(%run_scoped3A_593 : memref<!tpu.dma_semaphore, #tpu.memory_space<semaphore_mem>>) src(%dma_wait3A_605 : memref<16384x64xf32, #tpu.memory_space<vmem_shared>>) dst(%arg14 : memref<128x64xf32, #tpu.memory_space<vmem>>)
        tpu.yield
      }) : () -> ()
      %scan3A_416 = arith.constant 0 : i32
      %scan3A_417 = arith.constant 0 : i32
      %scan3A_418 = arith.constant 128 : i32
      %scan3A_419 = arith.addi %scan3A_417, %scan3A_418 : i32
      %scan3A_420 = arith.constant 1 : i32
      %scan3A_421 = scf.for %scan3A_593 = %scan3A_417 to %scan3A_419 step %scan3A_420 iter_args(%scan3A_594 = %scan3A_416) -> (i32)  : i32 {
        %get3A = arith.index_cast %scan3A_593 : i32 to index
        %get3A_595 = arith.constant 0 : index
        %get3A_596 = tpu.vector_load %arg14[%get3A, %get3A_595] {strides = array<i32>} : memref<128x64xf32, #tpu.memory_space<vmem>>, vector<1x16xf32>,
        %get3A_597 = vector.shape_cast %get3A_596 : vector<1x16xf32> to vector<16xf32>
        %get3A_598 = arith.index_cast %scan3A_593 : i32 to index
        %get3A_599 = arith.constant 0 : index
        %get3A_600 = tpu.vector_load %arg15[%get3A_598, %get3A_599] {strides = array<i32>} : memref<128x64xf32, #tpu.memory_space<vmem>>, vector<1x16xf32>,
        %get3A_601 = vector.shape_cast %get3A_600 : vector<1x16xf32> to vector<16xf32>
        %add3A_602 = arith.addf %get3A_597, %get3A_601 : vector<16xf32>
        %swap3A = arith.index_cast %scan3A_593 : i32 to index
        %swap3A_603 = arith.constant 0 : index
        %swap3A_604 = tpu.vector_load %arg14[%swap3A, %swap3A_603] {strides = array<i32>} : memref<128x64xf32, #tpu.memory_space<vmem>>, vector<1x16xf32>,
        %swap3A_605 = vector.shape_cast %swap3A_604 : vector<1x16xf32> to vector<16xf32>
        %swap3A_606 = vector.shape_cast %add3A_602 : vector<16xf32> to vector<1x16xf32>
        tpu.vector_store %arg14[%swap3A, %swap3A_603], %swap3A_606 {strides = array<i32>} : memref<128x64xf32, #tpu.memory_space<vmem>>, vector<1x16xf32>,
        %get3A_607 = arith.index_cast %scan3A_593 : i32 to index
        %get3A_608 = arith.constant 16 : index
        %get3A_609 = tpu.vector_load %arg14[%get3A_607, %get3A_608] {strides = array<i32>} : memref<128x64xf32, #tpu.memory_space<vmem>>, vector<1x16xf32>,
        %get3A_610 = vector.shape_cast %get3A_609 : vector<1x16xf32> to vector<16xf32>
        %get3A_611 = arith.index_cast %scan3A_593 : i32 to index
        %get3A_612 = arith.constant 16 : index
        %get3A_613 = tpu.vector_load %arg15[%get3A_611, %get3A_612] {strides = array<i32>} : memref<128x64xf32, #tpu.memory_space<vmem>>, vector<1x16xf32>,
        %get3A_614 = vector.shape_cast %get3A_613 : vector<1x16xf32> to vector<16xf32>
        %add3A_615 = arith.addf %get3A_610, %get3A_614 : vector<16xf32>
        %swap3A_616 = arith.index_cast %scan3A_593 : i32 to index
        %swap3A_617 = arith.constant 16 : index
        %swap3A_618 = tpu.vector_load %arg14[%swap3A_616, %swap3A_617] {strides = array<i32>} : memref<128x64xf32, #tpu.memory_space<vmem>>, vector<1x16xf32>,
        %swap3A_619 = vector.shape_cast %swap3A_618 : vector<1x16xf32> to vector<16xf32>
        %swap3A_620 = vector.shape_cast %add3A_615 : vector<16xf32> to vector<1x16xf32>
        tpu.vector_store %arg14[%swap3A_616, %swap3A_617], %swap3A_620 {strides = array<i32>} : memref<128x64xf32, #tpu.memory_space<vmem>>, vector<1x16xf32>,
        %get3A_621 = arith.index_cast %scan3A_593 : i32 to index
        %get3A_622 = arith.constant 32 : index
        %get3A_623 = tpu.vector_load %arg14[%get3A_621, %get3A_622] {strides = array<i32>} : memref<128x64xf32, #tpu.memory_space<vmem>>, vector<1x16xf32>,
        %get3A_624 = vector.shape_cast %get3A_623 : vector<1x16xf32> to vector<16xf32>
        %get3A_625 = arith.index_cast %scan3A_593 : i32 to index
        %get3A_626 = arith.constant 32 : index
        %get3A_627 = tpu.vector_load %arg15[%get3A_625, %get3A_626] {strides = array<i32>} : memref<128x64xf32, #tpu.memory_space<vmem>>, vector<1x16xf32>,
        %get3A_628 = vector.shape_cast %get3A_627 : vector<1x16xf32> to vector<16xf32>
        %add3A_629 = arith.addf %get3A_624, %get3A_628 : vector<16xf32>
        %swap3A_630 = arith.index_cast %scan3A_593 : i32 to index
        %swap3A_631 = arith.constant 32 : index
        %swap3A_632 = tpu.vector_load %arg14[%swap3A_630, %swap3A_631] {strides = array<i32>} : memref<128x64xf32, #tpu.memory_space<vmem>>, vector<1x16xf32>,
        %swap3A_633 = vector.shape_cast %swap3A_632 : vector<1x16xf32> to vector<16xf32>
        %swap3A_634 = vector.shape_cast %add3A_629 : vector<16xf32> to vector<1x16xf32>
        tpu.vector_store %arg14[%swap3A_630, %swap3A_631], %swap3A_634 {strides = array<i32>} : memref<128x64xf32, #tpu.memory_space<vmem>>, vector<1x16xf32>,
        %get3A_635 = arith.index_cast %scan3A_593 : i32 to index
        %get3A_636 = arith.constant 48 : index
        %get3A_637 = tpu.vector_load %arg14[%get3A_635, %get3A_636] {strides = array<i32>} : memref<128x64xf32, #tpu.memory_space<vmem>>, vector<1x16xf32>,
        %get3A_638 = vector.shape_cast %get3A_637 : vector<1x16xf32> to vector<16xf32>
        %get3A_639 = arith.index_cast %scan3A_593 : i32 to index
        %get3A_640 = arith.constant 48 : index
        %get3A_641 = tpu.vector_load %arg15[%get3A_639, %get3A_640] {strides = array<i32>} : memref<128x64xf32, #tpu.memory_space<vmem>>, vector<1x16xf32>,
        %get3A_642 = vector.shape_cast %get3A_641 : vector<1x16xf32> to vector<16xf32>
        %add3A_643 = arith.addf %get3A_638, %get3A_642 : vector<16xf32>
        %swap3A_644 = arith.index_cast %scan3A_593 : i32 to index
        %swap3A_645 = arith.constant 48 : index
        %swap3A_646 = tpu.vector_load %arg14[%swap3A_644, %swap3A_645] {strides = array<i32>} : memref<128x64xf32, #tpu.memory_space<vmem>>, vector<1x16xf32>,
        %swap3A_647 = vector.shape_cast %swap3A_646 : vector<1x16xf32> to vector<16xf32>
        %swap3A_648 = vector.shape_cast %add3A_643 : vector<16xf32> to vector<1x16xf32>
        tpu.vector_store %arg14[%swap3A_644, %swap3A_645], %swap3A_648 {strides = array<i32>} : memref<128x64xf32, #tpu.memory_space<vmem>>, vector<1x16xf32>,
        %scan3A_649 = arith.constant 0 : i32
        scf.yield %scan3A_649 : i32
      }
      %scan3A_422 = arith.constant 128 : i32
      %add3A_423 = arith.constant 0 : i32
      %add3A_424 = arith.addi %mul3A_2, %add3A_423 : i32
      "tpu.region"() ({
        %run_scoped3A_593 = tpu.sem_alloc : memref<!tpu.dma_semaphore, #tpu.memory_space<semaphore_mem>>
        %dma_start3A_594 = arith.constant 0 : i32
        %dma_start3A_595 = tpu.memref_slice %arg5[%add3A_424, %dma_start3A_594] : memref<16384x64xf32, #tpu.memory_space<hbm>> -> memref<128x64xf32, #tpu.memory_space<hbm>>
        %dma_start3A_596 = arith.constant 0 : i32
        %dma_start3A_597 = tpu.memref_slice %arg5[%add3A_424, %dma_start3A_596] : memref<16384x64xf32, #tpu.memory_space<hbm>> -> memref<128x64xf32, #tpu.memory_space<hbm>>
        tpu.enqueue_dma source(%arg14 : memref<128x64xf32, #tpu.memory_space<vmem>>) target(%dma_start3A_597 : memref<128x64xf32, #tpu.memory_space<hbm>>) target_semaphore(%run_scoped3A_593 : memref<!tpu.dma_semaphore, #tpu.memory_space<semaphore_mem>>)
        %dma_wait3A_598 = arith.constant 0 : i32
        %dma_wait3A_599 = tpu.memref_slice %arg5[%add3A_424, %dma_wait3A_598] : memref<16384x64xf32, #tpu.memory_space<hbm>> -> memref<128x64xf32, #tpu.memory_space<hbm>>
        %dma_wait3A_600 = arith.constant 0 : i32
        %dma_wait3A_601 = tpu.memref_slice %arg5[%add3A_424, %dma_wait3A_600] : memref<16384x64xf32, #tpu.memory_space<hbm>> -> memref<128x64xf32, #tpu.memory_space<hbm>>
        tpu.wait_dma2 semaphore(%run_scoped3A_593 : memref<!tpu.dma_semaphore, #tpu.memory_space<semaphore_mem>>) src(%arg14 : memref<128x64xf32, #tpu.memory_space<vmem>>) dst(%dma_wait3A_601 : memref<128x64xf32, #tpu.memory_space<hbm>>)
        tpu.yield
      }) : () -> ()
      %dma_start3A_425 = arith.constant 1 : i32
      %dma_start3A_426 = arith.constant 0 : i32
      %dma_start3A_427 = tpu.memref_slice %arg8[%dma_start3A_425, %dma_start3A_426] : memref<8x128xi32, #tpu.memory_space<vmem>> -> memref<1x128xi32, #tpu.memory_space<vmem>>
      %dma_start3A_428 = tpu.memref_squeeze %dma_start3A_427 : memref<1x128xi32, #tpu.memory_space<vmem>> -> memref<128xi32, #tpu.memory_space<vmem>>
      %dma_start3A_429 = arith.constant 0 : i32
      %dma_start3A_430 = arith.constant 0 : i32
      %dma_start3A_431 = tpu.memref_slice %arg2[%dma_start3A_429, %dma_start3A_430] : memref<1000000x64xf32, #tpu.memory_space<hbm>> -> memref<1000000x64xf32, #tpu.memory_space<hbm>>
      tpu.enqueue_indirect_dma source(%dma_start3A_431 : memref<1000000x64xf32, #tpu.memory_space<hbm>>) target(%arg15 : memref<128x64xf32, #tpu.memory_space<vmem>>) offsets(%dma_start3A_428 : memref<128xi32, #tpu.memory_space<vmem>>) semaphore(%arg16 : memref<!tpu.dma_semaphore, #tpu.memory_space<semaphore_mem>>)
      %dma_wait3A_432 = arith.constant 1 : i32
      %dma_wait3A_433 = arith.constant 0 : i32
      %dma_wait3A_434 = tpu.memref_slice %arg8[%dma_wait3A_432, %dma_wait3A_433] : memref<8x128xi32, #tpu.memory_space<vmem>> -> memref<1x128xi32, #tpu.memory_space<vmem>>
      %dma_wait3A_435 = tpu.memref_squeeze %dma_wait3A_434 : memref<1x128xi32, #tpu.memory_space<vmem>> -> memref<128xi32, #tpu.memory_space<vmem>>
      %dma_wait3A_436 = arith.constant 0 : i32
      %dma_wait3A_437 = arith.constant 0 : i32
      %dma_wait3A_438 = tpu.memref_slice %arg2[%dma_wait3A_436, %dma_wait3A_437] : memref<1000000x64xf32, #tpu.memory_space<hbm>> -> memref<1000000x64xf32, #tpu.memory_space<hbm>>
      tpu.wait_indirect_dma semaphore(%arg16 : memref<!tpu.dma_semaphore, #tpu.memory_space<semaphore_mem>>) src(%dma_wait3A_438 : memref<1000000x64xf32, #tpu.memory_space<hbm>>) dst(%arg15 : memref<128x64xf32, #tpu.memory_space<vmem>>)
      %run_scoped3A_439 = arith.constant 1 : i32
      "tpu.region"() ({
        %run_scoped3A_593 = tpu.sem_alloc : memref<!tpu.dma_semaphore, #tpu.memory_space<semaphore_mem>>
        %dma_start3A_594 = arith.constant 0 : i32
        %dma_start3A_595 = tpu.memref_slice %arg9[%run_scoped3A_439, %dma_start3A_594] : memref<8x128xi32, #tpu.memory_space<vmem>> -> memref<1x128xi32, #tpu.memory_space<vmem>>
        %dma_start3A_596 = tpu.memref_squeeze %dma_start3A_595 : memref<1x128xi32, #tpu.memory_space<vmem>> -> memref<128xi32, #tpu.memory_space<vmem>>
        %dma_start3A_597 = arith.constant 0 : i32
        %dma_start3A_598 = arith.constant 0 : i32
        %dma_start3A_599 = tpu.memref_slice %arg7[%dma_start3A_597, %dma_start3A_598] : memref<16384x64xf32, #tpu.memory_space<vmem_shared>> -> memref<16384x64xf32, #tpu.memory_space<vmem_shared>>
        tpu.enqueue_indirect_dma source(%dma_start3A_599 : memref<16384x64xf32, #tpu.memory_space<vmem_shared>>) target(%arg14 : memref<128x64xf32, #tpu.memory_space<vmem>>) offsets(%dma_start3A_596 : memref<128xi32, #tpu.memory_space<vmem>>) semaphore(%run_scoped3A_593 : memref<!tpu.dma_semaphore, #tpu.memory_space<semaphore_mem>>)
        %dma_wait3A_600 = arith.constant 0 : i32
        %dma_wait3A_601 = tpu.memref_slice %arg9[%run_scoped3A_439, %dma_wait3A_600] : memref<8x128xi32, #tpu.memory_space<vmem>> -> memref<1x128xi32, #tpu.memory_space<vmem>>
        %dma_wait3A_602 = tpu.memref_squeeze %dma_wait3A_601 : memref<1x128xi32, #tpu.memory_space<vmem>> -> memref<128xi32, #tpu.memory_space<vmem>>
        %dma_wait3A_603 = arith.constant 0 : i32
        %dma_wait3A_604 = arith.constant 0 : i32
        %dma_wait3A_605 = tpu.memref_slice %arg7[%dma_wait3A_603, %dma_wait3A_604] : memref<16384x64xf32, #tpu.memory_space<vmem_shared>> -> memref<16384x64xf32, #tpu.memory_space<vmem_shared>>
        tpu.wait_indirect_dma semaphore(%run_scoped3A_593 : memref<!tpu.dma_semaphore, #tpu.memory_space<semaphore_mem>>) src(%dma_wait3A_605 : memref<16384x64xf32, #tpu.memory_space<vmem_shared>>) dst(%arg14 : memref<128x64xf32, #tpu.memory_space<vmem>>)
        tpu.yield
      }) : () -> ()
      %scan3A_440 = arith.constant 0 : i32
      %scan3A_441 = arith.constant 0 : i32
      %scan3A_442 = arith.constant 128 : i32
      %scan3A_443 = arith.addi %scan3A_441, %scan3A_442 : i32
      %scan3A_444 = arith.constant 1 : i32
      %scan3A_445 = scf.for %scan3A_593 = %scan3A_441 to %scan3A_443 step %scan3A_444 iter_args(%scan3A_594 = %scan3A_440) -> (i32)  : i32 {
        %get3A = arith.index_cast %scan3A_593 : i32 to index
        %get3A_595 = arith.constant 0 : index
        %get3A_596 = tpu.vector_load %arg14[%get3A, %get3A_595] {strides = array<i32>} : memref<128x64xf32, #tpu.memory_space<vmem>>, vector<1x16xf32>,
        %get3A_597 = vector.shape_cast %get3A_596 : vector<1x16xf32> to vector<16xf32>
        %get3A_598 = arith.index_cast %scan3A_593 : i32 to index
        %get3A_599 = arith.constant 0 : index
        %get3A_600 = tpu.vector_load %arg15[%get3A_598, %get3A_599] {strides = array<i32>} : memref<128x64xf32, #tpu.memory_space<vmem>>, vector<1x16xf32>,
        %get3A_601 = vector.shape_cast %get3A_600 : vector<1x16xf32> to vector<16xf32>
        %add3A_602 = arith.addf %get3A_597, %get3A_601 : vector<16xf32>
        %swap3A = arith.index_cast %scan3A_593 : i32 to index
        %swap3A_603 = arith.constant 0 : index
        %swap3A_604 = tpu.vector_load %arg14[%swap3A, %swap3A_603] {strides = array<i32>} : memref<128x64xf32, #tpu.memory_space<vmem>>, vector<1x16xf32>,
        %swap3A_605 = vector.shape_cast %swap3A_604 : vector<1x16xf32> to vector<16xf32>
        %swap3A_606 = vector.shape_cast %add3A_602 : vector<16xf32> to vector<1x16xf32>
        tpu.vector_store %arg14[%swap3A, %swap3A_603], %swap3A_606 {strides = array<i32>} : memref<128x64xf32, #tpu.memory_space<vmem>>, vector<1x16xf32>,
        %get3A_607 = arith.index_cast %scan3A_593 : i32 to index
        %get3A_608 = arith.constant 16 : index
        %get3A_609 = tpu.vector_load %arg14[%get3A_607, %get3A_608] {strides = array<i32>} : memref<128x64xf32, #tpu.memory_space<vmem>>, vector<1x16xf32>,
        %get3A_610 = vector.shape_cast %get3A_609 : vector<1x16xf32> to vector<16xf32>
        %get3A_611 = arith.index_cast %scan3A_593 : i32 to index
        %get3A_612 = arith.constant 16 : index
        %get3A_613 = tpu.vector_load %arg15[%get3A_611, %get3A_612] {strides = array<i32>} : memref<128x64xf32, #tpu.memory_space<vmem>>, vector<1x16xf32>,
        %get3A_614 = vector.shape_cast %get3A_613 : vector<1x16xf32> to vector<16xf32>
        %add3A_615 = arith.addf %get3A_610, %get3A_614 : vector<16xf32>
        %swap3A_616 = arith.index_cast %scan3A_593 : i32 to index
        %swap3A_617 = arith.constant 16 : index
        %swap3A_618 = tpu.vector_load %arg14[%swap3A_616, %swap3A_617] {strides = array<i32>} : memref<128x64xf32, #tpu.memory_space<vmem>>, vector<1x16xf32>,
        %swap3A_619 = vector.shape_cast %swap3A_618 : vector<1x16xf32> to vector<16xf32>
        %swap3A_620 = vector.shape_cast %add3A_615 : vector<16xf32> to vector<1x16xf32>
        tpu.vector_store %arg14[%swap3A_616, %swap3A_617], %swap3A_620 {strides = array<i32>} : memref<128x64xf32, #tpu.memory_space<vmem>>, vector<1x16xf32>,
        %get3A_621 = arith.index_cast %scan3A_593 : i32 to index
        %get3A_622 = arith.constant 32 : index
        %get3A_623 = tpu.vector_load %arg14[%get3A_621, %get3A_622] {strides = array<i32>} : memref<128x64xf32, #tpu.memory_space<vmem>>, vector<1x16xf32>,
        %get3A_624 = vector.shape_cast %get3A_623 : vector<1x16xf32> to vector<16xf32>
        %get3A_625 = arith.index_cast %scan3A_593 : i32 to index
        %get3A_626 = arith.constant 32 : index
        %get3A_627 = tpu.vector_load %arg15[%get3A_625, %get3A_626] {strides = array<i32>} : memref<128x64xf32, #tpu.memory_space<vmem>>, vector<1x16xf32>,
        %get3A_628 = vector.shape_cast %get3A_627 : vector<1x16xf32> to vector<16xf32>
        %add3A_629 = arith.addf %get3A_624, %get3A_628 : vector<16xf32>
        %swap3A_630 = arith.index_cast %scan3A_593 : i32 to index
        %swap3A_631 = arith.constant 32 : index
        %swap3A_632 = tpu.vector_load %arg14[%swap3A_630, %swap3A_631] {strides = array<i32>} : memref<128x64xf32, #tpu.memory_space<vmem>>, vector<1x16xf32>,
        %swap3A_633 = vector.shape_cast %swap3A_632 : vector<1x16xf32> to vector<16xf32>
        %swap3A_634 = vector.shape_cast %add3A_629 : vector<16xf32> to vector<1x16xf32>
        tpu.vector_store %arg14[%swap3A_630, %swap3A_631], %swap3A_634 {strides = array<i32>} : memref<128x64xf32, #tpu.memory_space<vmem>>, vector<1x16xf32>,
        %get3A_635 = arith.index_cast %scan3A_593 : i32 to index
        %get3A_636 = arith.constant 48 : index
        %get3A_637 = tpu.vector_load %arg14[%get3A_635, %get3A_636] {strides = array<i32>} : memref<128x64xf32, #tpu.memory_space<vmem>>, vector<1x16xf32>,
        %get3A_638 = vector.shape_cast %get3A_637 : vector<1x16xf32> to vector<16xf32>
        %get3A_639 = arith.index_cast %scan3A_593 : i32 to index
        %get3A_640 = arith.constant 48 : index
        %get3A_641 = tpu.vector_load %arg15[%get3A_639, %get3A_640] {strides = array<i32>} : memref<128x64xf32, #tpu.memory_space<vmem>>, vector<1x16xf32>,
        %get3A_642 = vector.shape_cast %get3A_641 : vector<1x16xf32> to vector<16xf32>
        %add3A_643 = arith.addf %get3A_638, %get3A_642 : vector<16xf32>
        %swap3A_644 = arith.index_cast %scan3A_593 : i32 to index
        %swap3A_645 = arith.constant 48 : index
        %swap3A_646 = tpu.vector_load %arg14[%swap3A_644, %swap3A_645] {strides = array<i32>} : memref<128x64xf32, #tpu.memory_space<vmem>>, vector<1x16xf32>,
        %swap3A_647 = vector.shape_cast %swap3A_646 : vector<1x16xf32> to vector<16xf32>
        %swap3A_648 = vector.shape_cast %add3A_643 : vector<16xf32> to vector<1x16xf32>
        tpu.vector_store %arg14[%swap3A_644, %swap3A_645], %swap3A_648 {strides = array<i32>} : memref<128x64xf32, #tpu.memory_space<vmem>>, vector<1x16xf32>,
        %scan3A_649 = arith.constant 0 : i32
        scf.yield %scan3A_649 : i32
      }
      %scan3A_446 = arith.constant 128 : i32
      %add3A_447 = arith.constant 128 : i32
      %add3A_448 = arith.addi %mul3A_2, %add3A_447 : i32
      "tpu.region"() ({
        %run_scoped3A_593 = tpu.sem_alloc : memref<!tpu.dma_semaphore, #tpu.memory_space<semaphore_mem>>
        %dma_start3A_594 = arith.constant 0 : i32
        %dma_start3A_595 = tpu.memref_slice %arg5[%add3A_448, %dma_start3A_594] : memref<16384x64xf32, #tpu.memory_space<hbm>> -> memref<128x64xf32, #tpu.memory_space<hbm>>
        %dma_start3A_596 = arith.constant 0 : i32
        %dma_start3A_597 = tpu.memref_slice %arg5[%add3A_448, %dma_start3A_596] : memref<16384x64xf32, #tpu.memory_space<hbm>> -> memref<128x64xf32, #tpu.memory_space<hbm>>
        tpu.enqueue_dma source(%arg14 : memref<128x64xf32, #tpu.memory_space<vmem>>) target(%dma_start3A_597 : memref<128x64xf32, #tpu.memory_space<hbm>>) target_semaphore(%run_scoped3A_593 : memref<!tpu.dma_semaphore, #tpu.memory_space<semaphore_mem>>)
        %dma_wait3A_598 = arith.constant 0 : i32
        %dma_wait3A_599 = tpu.memref_slice %arg5[%add3A_448, %dma_wait3A_598] : memref<16384x64xf32, #tpu.memory_space<hbm>> -> memref<128x64xf32, #tpu.memory_space<hbm>>
        %dma_wait3A_600 = arith.constant 0 : i32
        %dma_wait3A_601 = tpu.memref_slice %arg5[%add3A_448, %dma_wait3A_600] : memref<16384x64xf32, #tpu.memory_space<hbm>> -> memref<128x64xf32, #tpu.memory_space<hbm>>
        tpu.wait_dma2 semaphore(%run_scoped3A_593 : memref<!tpu.dma_semaphore, #tpu.memory_space<semaphore_mem>>) src(%arg14 : memref<128x64xf32, #tpu.memory_space<vmem>>) dst(%dma_wait3A_601 : memref<128x64xf32, #tpu.memory_space<hbm>>)
        tpu.yield
      }) : () -> ()
      %dma_start3A_449 = arith.constant 2 : i32
      %dma_start3A_450 = arith.constant 0 : i32
      %dma_start3A_451 = tpu.memref_slice %arg8[%dma_start3A_449, %dma_start3A_450] : memref<8x128xi32, #tpu.memory_space<vmem>> -> memref<1x128xi32, #tpu.memory_space<vmem>>
      %dma_start3A_452 = tpu.memref_squeeze %dma_start3A_451 : memref<1x128xi32, #tpu.memory_space<vmem>> -> memref<128xi32, #tpu.memory_space<vmem>>
      %dma_start3A_453 = arith.constant 0 : i32
      %dma_start3A_454 = arith.constant 0 : i32
      %dma_start3A_455 = tpu.memref_slice %arg2[%dma_start3A_453, %dma_start3A_454] : memref<1000000x64xf32, #tpu.memory_space<hbm>> -> memref<1000000x64xf32, #tpu.memory_space<hbm>>
      tpu.enqueue_indirect_dma source(%dma_start3A_455 : memref<1000000x64xf32, #tpu.memory_space<hbm>>) target(%arg15 : memref<128x64xf32, #tpu.memory_space<vmem>>) offsets(%dma_start3A_452 : memref<128xi32, #tpu.memory_space<vmem>>) semaphore(%arg16 : memref<!tpu.dma_semaphore, #tpu.memory_space<semaphore_mem>>)
      %dma_wait3A_456 = arith.constant 2 : i32
      %dma_wait3A_457 = arith.constant 0 : i32
      %dma_wait3A_458 = tpu.memref_slice %arg8[%dma_wait3A_456, %dma_wait3A_457] : memref<8x128xi32, #tpu.memory_space<vmem>> -> memref<1x128xi32, #tpu.memory_space<vmem>>
      %dma_wait3A_459 = tpu.memref_squeeze %dma_wait3A_458 : memref<1x128xi32, #tpu.memory_space<vmem>> -> memref<128xi32, #tpu.memory_space<vmem>>
      %dma_wait3A_460 = arith.constant 0 : i32
      %dma_wait3A_461 = arith.constant 0 : i32
      %dma_wait3A_462 = tpu.memref_slice %arg2[%dma_wait3A_460, %dma_wait3A_461] : memref<1000000x64xf32, #tpu.memory_space<hbm>> -> memref<1000000x64xf32, #tpu.memory_space<hbm>>
      tpu.wait_indirect_dma semaphore(%arg16 : memref<!tpu.dma_semaphore, #tpu.memory_space<semaphore_mem>>) src(%dma_wait3A_462 : memref<1000000x64xf32, #tpu.memory_space<hbm>>) dst(%arg15 : memref<128x64xf32, #tpu.memory_space<vmem>>)
      %run_scoped3A_463 = arith.constant 2 : i32
      "tpu.region"() ({
        %run_scoped3A_593 = tpu.sem_alloc : memref<!tpu.dma_semaphore, #tpu.memory_space<semaphore_mem>>
        %dma_start3A_594 = arith.constant 0 : i32
        %dma_start3A_595 = tpu.memref_slice %arg9[%run_scoped3A_463, %dma_start3A_594] : memref<8x128xi32, #tpu.memory_space<vmem>> -> memref<1x128xi32, #tpu.memory_space<vmem>>
        %dma_start3A_596 = tpu.memref_squeeze %dma_start3A_595 : memref<1x128xi32, #tpu.memory_space<vmem>> -> memref<128xi32, #tpu.memory_space<vmem>>
        %dma_start3A_597 = arith.constant 0 : i32
        %dma_start3A_598 = arith.constant 0 : i32
        %dma_start3A_599 = tpu.memref_slice %arg7[%dma_start3A_597, %dma_start3A_598] : memref<16384x64xf32, #tpu.memory_space<vmem_shared>> -> memref<16384x64xf32, #tpu.memory_space<vmem_shared>>
        tpu.enqueue_indirect_dma source(%dma_start3A_599 : memref<16384x64xf32, #tpu.memory_space<vmem_shared>>) target(%arg14 : memref<128x64xf32, #tpu.memory_space<vmem>>) offsets(%dma_start3A_596 : memref<128xi32, #tpu.memory_space<vmem>>) semaphore(%run_scoped3A_593 : memref<!tpu.dma_semaphore, #tpu.memory_space<semaphore_mem>>)
        %dma_wait3A_600 = arith.constant 0 : i32
        %dma_wait3A_601 = tpu.memref_slice %arg9[%run_scoped3A_463, %dma_wait3A_600] : memref<8x128xi32, #tpu.memory_space<vmem>> -> memref<1x128xi32, #tpu.memory_space<vmem>>
        %dma_wait3A_602 = tpu.memref_squeeze %dma_wait3A_601 : memref<1x128xi32, #tpu.memory_space<vmem>> -> memref<128xi32, #tpu.memory_space<vmem>>
        %dma_wait3A_603 = arith.constant 0 : i32
        %dma_wait3A_604 = arith.constant 0 : i32
        %dma_wait3A_605 = tpu.memref_slice %arg7[%dma_wait3A_603, %dma_wait3A_604] : memref<16384x64xf32, #tpu.memory_space<vmem_shared>> -> memref<16384x64xf32, #tpu.memory_space<vmem_shared>>
        tpu.wait_indirect_dma semaphore(%run_scoped3A_593 : memref<!tpu.dma_semaphore, #tpu.memory_space<semaphore_mem>>) src(%dma_wait3A_605 : memref<16384x64xf32, #tpu.memory_space<vmem_shared>>) dst(%arg14 : memref<128x64xf32, #tpu.memory_space<vmem>>)
        tpu.yield
      }) : () -> ()
      %scan3A_464 = arith.constant 0 : i32
      %scan3A_465 = arith.constant 0 : i32
      %scan3A_466 = arith.constant 128 : i32
      %scan3A_467 = arith.addi %scan3A_465, %scan3A_466 : i32
      %scan3A_468 = arith.constant 1 : i32
      %scan3A_469 = scf.for %scan3A_593 = %scan3A_465 to %scan3A_467 step %scan3A_468 iter_args(%scan3A_594 = %scan3A_464) -> (i32)  : i32 {
        %get3A = arith.index_cast %scan3A_593 : i32 to index
        %get3A_595 = arith.constant 0 : index
        %get3A_596 = tpu.vector_load %arg14[%get3A, %get3A_595] {strides = array<i32>} : memref<128x64xf32, #tpu.memory_space<vmem>>, vector<1x16xf32>,
        %get3A_597 = vector.shape_cast %get3A_596 : vector<1x16xf32> to vector<16xf32>
        %get3A_598 = arith.index_cast %scan3A_593 : i32 to index
        %get3A_599 = arith.constant 0 : index
        %get3A_600 = tpu.vector_load %arg15[%get3A_598, %get3A_599] {strides = array<i32>} : memref<128x64xf32, #tpu.memory_space<vmem>>, vector<1x16xf32>,
        %get3A_601 = vector.shape_cast %get3A_600 : vector<1x16xf32> to vector<16xf32>
        %add3A_602 = arith.addf %get3A_597, %get3A_601 : vector<16xf32>
        %swap3A = arith.index_cast %scan3A_593 : i32 to index
        %swap3A_603 = arith.constant 0 : index
        %swap3A_604 = tpu.vector_load %arg14[%swap3A, %swap3A_603] {strides = array<i32>} : memref<128x64xf32, #tpu.memory_space<vmem>>, vector<1x16xf32>,
        %swap3A_605 = vector.shape_cast %swap3A_604 : vector<1x16xf32> to vector<16xf32>
        %swap3A_606 = vector.shape_cast %add3A_602 : vector<16xf32> to vector<1x16xf32>
        tpu.vector_store %arg14[%swap3A, %swap3A_603], %swap3A_606 {strides = array<i32>} : memref<128x64xf32, #tpu.memory_space<vmem>>, vector<1x16xf32>,
        %get3A_607 = arith.index_cast %scan3A_593 : i32 to index
        %get3A_608 = arith.constant 16 : index
        %get3A_609 = tpu.vector_load %arg14[%get3A_607, %get3A_608] {strides = array<i32>} : memref<128x64xf32, #tpu.memory_space<vmem>>, vector<1x16xf32>,
        %get3A_610 = vector.shape_cast %get3A_609 : vector<1x16xf32> to vector<16xf32>
        %get3A_611 = arith.index_cast %scan3A_593 : i32 to index
        %get3A_612 = arith.constant 16 : index
        %get3A_613 = tpu.vector_load %arg15[%get3A_611, %get3A_612] {strides = array<i32>} : memref<128x64xf32, #tpu.memory_space<vmem>>, vector<1x16xf32>,
        %get3A_614 = vector.shape_cast %get3A_613 : vector<1x16xf32> to vector<16xf32>
        %add3A_615 = arith.addf %get3A_610, %get3A_614 : vector<16xf32>
        %swap3A_616 = arith.index_cast %scan3A_593 : i32 to index
        %swap3A_617 = arith.constant 16 : index
        %swap3A_618 = tpu.vector_load %arg14[%swap3A_616, %swap3A_617] {strides = array<i32>} : memref<128x64xf32, #tpu.memory_space<vmem>>, vector<1x16xf32>,
        %swap3A_619 = vector.shape_cast %swap3A_618 : vector<1x16xf32> to vector<16xf32>
        %swap3A_620 = vector.shape_cast %add3A_615 : vector<16xf32> to vector<1x16xf32>
        tpu.vector_store %arg14[%swap3A_616, %swap3A_617], %swap3A_620 {strides = array<i32>} : memref<128x64xf32, #tpu.memory_space<vmem>>, vector<1x16xf32>,
        %get3A_621 = arith.index_cast %scan3A_593 : i32 to index
        %get3A_622 = arith.constant 32 : index
        %get3A_623 = tpu.vector_load %arg14[%get3A_621, %get3A_622] {strides = array<i32>} : memref<128x64xf32, #tpu.memory_space<vmem>>, vector<1x16xf32>,
        %get3A_624 = vector.shape_cast %get3A_623 : vector<1x16xf32> to vector<16xf32>
        %get3A_625 = arith.index_cast %scan3A_593 : i32 to index
        %get3A_626 = arith.constant 32 : index
        %get3A_627 = tpu.vector_load %arg15[%get3A_625, %get3A_626] {strides = array<i32>} : memref<128x64xf32, #tpu.memory_space<vmem>>, vector<1x16xf32>,
        %get3A_628 = vector.shape_cast %get3A_627 : vector<1x16xf32> to vector<16xf32>
        %add3A_629 = arith.addf %get3A_624, %get3A_628 : vector<16xf32>
        %swap3A_630 = arith.index_cast %scan3A_593 : i32 to index
        %swap3A_631 = arith.constant 32 : index
        %swap3A_632 = tpu.vector_load %arg14[%swap3A_630, %swap3A_631] {strides = array<i32>} : memref<128x64xf32, #tpu.memory_space<vmem>>, vector<1x16xf32>,
        %swap3A_633 = vector.shape_cast %swap3A_632 : vector<1x16xf32> to vector<16xf32>
        %swap3A_634 = vector.shape_cast %add3A_629 : vector<16xf32> to vector<1x16xf32>
        tpu.vector_store %arg14[%swap3A_630, %swap3A_631], %swap3A_634 {strides = array<i32>} : memref<128x64xf32, #tpu.memory_space<vmem>>, vector<1x16xf32>,
        %get3A_635 = arith.index_cast %scan3A_593 : i32 to index
        %get3A_636 = arith.constant 48 : index
        %get3A_637 = tpu.vector_load %arg14[%get3A_635, %get3A_636] {strides = array<i32>} : memref<128x64xf32, #tpu.memory_space<vmem>>, vector<1x16xf32>,
        %get3A_638 = vector.shape_cast %get3A_637 : vector<1x16xf32> to vector<16xf32>
        %get3A_639 = arith.index_cast %scan3A_593 : i32 to index
        %get3A_640 = arith.constant 48 : index
        %get3A_641 = tpu.vector_load %arg15[%get3A_639, %get3A_640] {strides = array<i32>} : memref<128x64xf32, #tpu.memory_space<vmem>>, vector<1x16xf32>,
        %get3A_642 = vector.shape_cast %get3A_641 : vector<1x16xf32> to vector<16xf32>
        %add3A_643 = arith.addf %get3A_638, %get3A_642 : vector<16xf32>
        %swap3A_644 = arith.index_cast %scan3A_593 : i32 to index
        %swap3A_645 = arith.constant 48 : index
        %swap3A_646 = tpu.vector_load %arg14[%swap3A_644, %swap3A_645] {strides = array<i32>} : memref<128x64xf32, #tpu.memory_space<vmem>>, vector<1x16xf32>,
        %swap3A_647 = vector.shape_cast %swap3A_646 : vector<1x16xf32> to vector<16xf32>
        %swap3A_648 = vector.shape_cast %add3A_643 : vector<16xf32> to vector<1x16xf32>
        tpu.vector_store %arg14[%swap3A_644, %swap3A_645], %swap3A_648 {strides = array<i32>} : memref<128x64xf32, #tpu.memory_space<vmem>>, vector<1x16xf32>,
        %scan3A_649 = arith.constant 0 : i32
        scf.yield %scan3A_649 : i32
      }
      %scan3A_470 = arith.constant 128 : i32
      %add3A_471 = arith.constant 256 : i32
      %add3A_472 = arith.addi %mul3A_2, %add3A_471 : i32
      "tpu.region"() ({
        %run_scoped3A_593 = tpu.sem_alloc : memref<!tpu.dma_semaphore, #tpu.memory_space<semaphore_mem>>
        %dma_start3A_594 = arith.constant 0 : i32
        %dma_start3A_595 = tpu.memref_slice %arg5[%add3A_472, %dma_start3A_594] : memref<16384x64xf32, #tpu.memory_space<hbm>> -> memref<128x64xf32, #tpu.memory_space<hbm>>
        %dma_start3A_596 = arith.constant 0 : i32
        %dma_start3A_597 = tpu.memref_slice %arg5[%add3A_472, %dma_start3A_596] : memref<16384x64xf32, #tpu.memory_space<hbm>> -> memref<128x64xf32, #tpu.memory_space<hbm>>
        tpu.enqueue_dma source(%arg14 : memref<128x64xf32, #tpu.memory_space<vmem>>) target(%dma_start3A_597 : memref<128x64xf32, #tpu.memory_space<hbm>>) target_semaphore(%run_scoped3A_593 : memref<!tpu.dma_semaphore, #tpu.memory_space<semaphore_mem>>)
        %dma_wait3A_598 = arith.constant 0 : i32
        %dma_wait3A_599 = tpu.memref_slice %arg5[%add3A_472, %dma_wait3A_598] : memref<16384x64xf32, #tpu.memory_space<hbm>> -> memref<128x64xf32, #tpu.memory_space<hbm>>
        %dma_wait3A_600 = arith.constant 0 : i32
        %dma_wait3A_601 = tpu.memref_slice %arg5[%add3A_472, %dma_wait3A_600] : memref<16384x64xf32, #tpu.memory_space<hbm>> -> memref<128x64xf32, #tpu.memory_space<hbm>>
        tpu.wait_dma2 semaphore(%run_scoped3A_593 : memref<!tpu.dma_semaphore, #tpu.memory_space<semaphore_mem>>) src(%arg14 : memref<128x64xf32, #tpu.memory_space<vmem>>) dst(%dma_wait3A_601 : memref<128x64xf32, #tpu.memory_space<hbm>>)
        tpu.yield
      }) : () -> ()
      %dma_start3A_473 = arith.constant 3 : i32
      %dma_start3A_474 = arith.constant 0 : i32
      %dma_start3A_475 = tpu.memref_slice %arg8[%dma_start3A_473, %dma_start3A_474] : memref<8x128xi32, #tpu.memory_space<vmem>> -> memref<1x128xi32, #tpu.memory_space<vmem>>
      %dma_start3A_476 = tpu.memref_squeeze %dma_start3A_475 : memref<1x128xi32, #tpu.memory_space<vmem>> -> memref<128xi32, #tpu.memory_space<vmem>>
      %dma_start3A_477 = arith.constant 0 : i32
      %dma_start3A_478 = arith.constant 0 : i32
      %dma_start3A_479 = tpu.memref_slice %arg2[%dma_start3A_477, %dma_start3A_478] : memref<1000000x64xf32, #tpu.memory_space<hbm>> -> memref<1000000x64xf32, #tpu.memory_space<hbm>>
      tpu.enqueue_indirect_dma source(%dma_start3A_479 : memref<1000000x64xf32, #tpu.memory_space<hbm>>) target(%arg15 : memref<128x64xf32, #tpu.memory_space<vmem>>) offsets(%dma_start3A_476 : memref<128xi32, #tpu.memory_space<vmem>>) semaphore(%arg16 : memref<!tpu.dma_semaphore, #tpu.memory_space<semaphore_mem>>)
      %dma_wait3A_480 = arith.constant 3 : i32
      %dma_wait3A_481 = arith.constant 0 : i32
      %dma_wait3A_482 = tpu.memref_slice %arg8[%dma_wait3A_480, %dma_wait3A_481] : memref<8x128xi32, #tpu.memory_space<vmem>> -> memref<1x128xi32, #tpu.memory_space<vmem>>
      %dma_wait3A_483 = tpu.memref_squeeze %dma_wait3A_482 : memref<1x128xi32, #tpu.memory_space<vmem>> -> memref<128xi32, #tpu.memory_space<vmem>>
      %dma_wait3A_484 = arith.constant 0 : i32
      %dma_wait3A_485 = arith.constant 0 : i32
      %dma_wait3A_486 = tpu.memref_slice %arg2[%dma_wait3A_484, %dma_wait3A_485] : memref<1000000x64xf32, #tpu.memory_space<hbm>> -> memref<1000000x64xf32, #tpu.memory_space<hbm>>
      tpu.wait_indirect_dma semaphore(%arg16 : memref<!tpu.dma_semaphore, #tpu.memory_space<semaphore_mem>>) src(%dma_wait3A_486 : memref<1000000x64xf32, #tpu.memory_space<hbm>>) dst(%arg15 : memref<128x64xf32, #tpu.memory_space<vmem>>)
      %run_scoped3A_487 = arith.constant 3 : i32
      "tpu.region"() ({
        %run_scoped3A_593 = tpu.sem_alloc : memref<!tpu.dma_semaphore, #tpu.memory_space<semaphore_mem>>
        %dma_start3A_594 = arith.constant 0 : i32
        %dma_start3A_595 = tpu.memref_slice %arg9[%run_scoped3A_487, %dma_start3A_594] : memref<8x128xi32, #tpu.memory_space<vmem>> -> memref<1x128xi32, #tpu.memory_space<vmem>>
        %dma_start3A_596 = tpu.memref_squeeze %dma_start3A_595 : memref<1x128xi32, #tpu.memory_space<vmem>> -> memref<128xi32, #tpu.memory_space<vmem>>
        %dma_start3A_597 = arith.constant 0 : i32
        %dma_start3A_598 = arith.constant 0 : i32
        %dma_start3A_599 = tpu.memref_slice %arg7[%dma_start3A_597, %dma_start3A_598] : memref<16384x64xf32, #tpu.memory_space<vmem_shared>> -> memref<16384x64xf32, #tpu.memory_space<vmem_shared>>
        tpu.enqueue_indirect_dma source(%dma_start3A_599 : memref<16384x64xf32, #tpu.memory_space<vmem_shared>>) target(%arg14 : memref<128x64xf32, #tpu.memory_space<vmem>>) offsets(%dma_start3A_596 : memref<128xi32, #tpu.memory_space<vmem>>) semaphore(%run_scoped3A_593 : memref<!tpu.dma_semaphore, #tpu.memory_space<semaphore_mem>>)
        %dma_wait3A_600 = arith.constant 0 : i32
        %dma_wait3A_601 = tpu.memref_slice %arg9[%run_scoped3A_487, %dma_wait3A_600] : memref<8x128xi32, #tpu.memory_space<vmem>> -> memref<1x128xi32, #tpu.memory_space<vmem>>
        %dma_wait3A_602 = tpu.memref_squeeze %dma_wait3A_601 : memref<1x128xi32, #tpu.memory_space<vmem>> -> memref<128xi32, #tpu.memory_space<vmem>>
        %dma_wait3A_603 = arith.constant 0 : i32
        %dma_wait3A_604 = arith.constant 0 : i32
        %dma_wait3A_605 = tpu.memref_slice %arg7[%dma_wait3A_603, %dma_wait3A_604] : memref<16384x64xf32, #tpu.memory_space<vmem_shared>> -> memref<16384x64xf32, #tpu.memory_space<vmem_shared>>
        tpu.wait_indirect_dma semaphore(%run_scoped3A_593 : memref<!tpu.dma_semaphore, #tpu.memory_space<semaphore_mem>>) src(%dma_wait3A_605 : memref<16384x64xf32, #tpu.memory_space<vmem_shared>>) dst(%arg14 : memref<128x64xf32, #tpu.memory_space<vmem>>)
        tpu.yield
      }) : () -> ()
      %scan3A_488 = arith.constant 0 : i32
      %scan3A_489 = arith.constant 0 : i32
      %scan3A_490 = arith.constant 128 : i32
      %scan3A_491 = arith.addi %scan3A_489, %scan3A_490 : i32
      %scan3A_492 = arith.constant 1 : i32
      %scan3A_493 = scf.for %scan3A_593 = %scan3A_489 to %scan3A_491 step %scan3A_492 iter_args(%scan3A_594 = %scan3A_488) -> (i32)  : i32 {
        %get3A = arith.index_cast %scan3A_593 : i32 to index
        %get3A_595 = arith.constant 0 : index
        %get3A_596 = tpu.vector_load %arg14[%get3A, %get3A_595] {strides = array<i32>} : memref<128x64xf32, #tpu.memory_space<vmem>>, vector<1x16xf32>,
        %get3A_597 = vector.shape_cast %get3A_596 : vector<1x16xf32> to vector<16xf32>
        %get3A_598 = arith.index_cast %scan3A_593 : i32 to index
        %get3A_599 = arith.constant 0 : index
        %get3A_600 = tpu.vector_load %arg15[%get3A_598, %get3A_599] {strides = array<i32>} : memref<128x64xf32, #tpu.memory_space<vmem>>, vector<1x16xf32>,
        %get3A_601 = vector.shape_cast %get3A_600 : vector<1x16xf32> to vector<16xf32>
        %add3A_602 = arith.addf %get3A_597, %get3A_601 : vector<16xf32>
        %swap3A = arith.index_cast %scan3A_593 : i32 to index
        %swap3A_603 = arith.constant 0 : index
        %swap3A_604 = tpu.vector_load %arg14[%swap3A, %swap3A_603] {strides = array<i32>} : memref<128x64xf32, #tpu.memory_space<vmem>>, vector<1x16xf32>,
        %swap3A_605 = vector.shape_cast %swap3A_604 : vector<1x16xf32> to vector<16xf32>
        %swap3A_606 = vector.shape_cast %add3A_602 : vector<16xf32> to vector<1x16xf32>
        tpu.vector_store %arg14[%swap3A, %swap3A_603], %swap3A_606 {strides = array<i32>} : memref<128x64xf32, #tpu.memory_space<vmem>>, vector<1x16xf32>,
        %get3A_607 = arith.index_cast %scan3A_593 : i32 to index
        %get3A_608 = arith.constant 16 : index
        %get3A_609 = tpu.vector_load %arg14[%get3A_607, %get3A_608] {strides = array<i32>} : memref<128x64xf32, #tpu.memory_space<vmem>>, vector<1x16xf32>,
        %get3A_610 = vector.shape_cast %get3A_609 : vector<1x16xf32> to vector<16xf32>
        %get3A_611 = arith.index_cast %scan3A_593 : i32 to index
        %get3A_612 = arith.constant 16 : index
        %get3A_613 = tpu.vector_load %arg15[%get3A_611, %get3A_612] {strides = array<i32>} : memref<128x64xf32, #tpu.memory_space<vmem>>, vector<1x16xf32>,
        %get3A_614 = vector.shape_cast %get3A_613 : vector<1x16xf32> to vector<16xf32>
        %add3A_615 = arith.addf %get3A_610, %get3A_614 : vector<16xf32>
        %swap3A_616 = arith.index_cast %scan3A_593 : i32 to index
        %swap3A_617 = arith.constant 16 : index
        %swap3A_618 = tpu.vector_load %arg14[%swap3A_616, %swap3A_617] {strides = array<i32>} : memref<128x64xf32, #tpu.memory_space<vmem>>, vector<1x16xf32>,
        %swap3A_619 = vector.shape_cast %swap3A_618 : vector<1x16xf32> to vector<16xf32>
        %swap3A_620 = vector.shape_cast %add3A_615 : vector<16xf32> to vector<1x16xf32>
        tpu.vector_store %arg14[%swap3A_616, %swap3A_617], %swap3A_620 {strides = array<i32>} : memref<128x64xf32, #tpu.memory_space<vmem>>, vector<1x16xf32>,
        %get3A_621 = arith.index_cast %scan3A_593 : i32 to index
        %get3A_622 = arith.constant 32 : index
        %get3A_623 = tpu.vector_load %arg14[%get3A_621, %get3A_622] {strides = array<i32>} : memref<128x64xf32, #tpu.memory_space<vmem>>, vector<1x16xf32>,
        %get3A_624 = vector.shape_cast %get3A_623 : vector<1x16xf32> to vector<16xf32>
        %get3A_625 = arith.index_cast %scan3A_593 : i32 to index
        %get3A_626 = arith.constant 32 : index
        %get3A_627 = tpu.vector_load %arg15[%get3A_625, %get3A_626] {strides = array<i32>} : memref<128x64xf32, #tpu.memory_space<vmem>>, vector<1x16xf32>,
        %get3A_628 = vector.shape_cast %get3A_627 : vector<1x16xf32> to vector<16xf32>
        %add3A_629 = arith.addf %get3A_624, %get3A_628 : vector<16xf32>
        %swap3A_630 = arith.index_cast %scan3A_593 : i32 to index
        %swap3A_631 = arith.constant 32 : index
        %swap3A_632 = tpu.vector_load %arg14[%swap3A_630, %swap3A_631] {strides = array<i32>} : memref<128x64xf32, #tpu.memory_space<vmem>>, vector<1x16xf32>,
        %swap3A_633 = vector.shape_cast %swap3A_632 : vector<1x16xf32> to vector<16xf32>
        %swap3A_634 = vector.shape_cast %add3A_629 : vector<16xf32> to vector<1x16xf32>
        tpu.vector_store %arg14[%swap3A_630, %swap3A_631], %swap3A_634 {strides = array<i32>} : memref<128x64xf32, #tpu.memory_space<vmem>>, vector<1x16xf32>,
        %get3A_635 = arith.index_cast %scan3A_593 : i32 to index
        %get3A_636 = arith.constant 48 : index
        %get3A_637 = tpu.vector_load %arg14[%get3A_635, %get3A_636] {strides = array<i32>} : memref<128x64xf32, #tpu.memory_space<vmem>>, vector<1x16xf32>,
        %get3A_638 = vector.shape_cast %get3A_637 : vector<1x16xf32> to vector<16xf32>
        %get3A_639 = arith.index_cast %scan3A_593 : i32 to index
        %get3A_640 = arith.constant 48 : index
        %get3A_641 = tpu.vector_load %arg15[%get3A_639, %get3A_640] {strides = array<i32>} : memref<128x64xf32, #tpu.memory_space<vmem>>, vector<1x16xf32>,
        %get3A_642 = vector.shape_cast %get3A_641 : vector<1x16xf32> to vector<16xf32>
        %add3A_643 = arith.addf %get3A_638, %get3A_642 : vector<16xf32>
        %swap3A_644 = arith.index_cast %scan3A_593 : i32 to index
        %swap3A_645 = arith.constant 48 : index
        %swap3A_646 = tpu.vector_load %arg14[%swap3A_644, %swap3A_645] {strides = array<i32>} : memref<128x64xf32, #tpu.memory_space<vmem>>, vector<1x16xf32>,
        %swap3A_647 = vector.shape_cast %swap3A_646 : vector<1x16xf32> to vector<16xf32>
        %swap3A_648 = vector.shape_cast %add3A_643 : vector<16xf32> to vector<1x16xf32>
        tpu.vector_store %arg14[%swap3A_644, %swap3A_645], %swap3A_648 {strides = array<i32>} : memref<128x64xf32, #tpu.memory_space<vmem>>, vector<1x16xf32>,
        %scan3A_649 = arith.constant 0 : i32
        scf.yield %scan3A_649 : i32
      }
      %scan3A_494 = arith.constant 128 : i32
      %add3A_495 = arith.constant 384 : i32
      %add3A_496 = arith.addi %mul3A_2, %add3A_495 : i32
      "tpu.region"() ({
        %run_scoped3A_593 = tpu.sem_alloc : memref<!tpu.dma_semaphore, #tpu.memory_space<semaphore_mem>>
        %dma_start3A_594 = arith.constant 0 : i32
        %dma_start3A_595 = tpu.memref_slice %arg5[%add3A_496, %dma_start3A_594] : memref<16384x64xf32, #tpu.memory_space<hbm>> -> memref<128x64xf32, #tpu.memory_space<hbm>>
        %dma_start3A_596 = arith.constant 0 : i32
        %dma_start3A_597 = tpu.memref_slice %arg5[%add3A_496, %dma_start3A_596] : memref<16384x64xf32, #tpu.memory_space<hbm>> -> memref<128x64xf32, #tpu.memory_space<hbm>>
        tpu.enqueue_dma source(%arg14 : memref<128x64xf32, #tpu.memory_space<vmem>>) target(%dma_start3A_597 : memref<128x64xf32, #tpu.memory_space<hbm>>) target_semaphore(%run_scoped3A_593 : memref<!tpu.dma_semaphore, #tpu.memory_space<semaphore_mem>>)
        %dma_wait3A_598 = arith.constant 0 : i32
        %dma_wait3A_599 = tpu.memref_slice %arg5[%add3A_496, %dma_wait3A_598] : memref<16384x64xf32, #tpu.memory_space<hbm>> -> memref<128x64xf32, #tpu.memory_space<hbm>>
        %dma_wait3A_600 = arith.constant 0 : i32
        %dma_wait3A_601 = tpu.memref_slice %arg5[%add3A_496, %dma_wait3A_600] : memref<16384x64xf32, #tpu.memory_space<hbm>> -> memref<128x64xf32, #tpu.memory_space<hbm>>
        tpu.wait_dma2 semaphore(%run_scoped3A_593 : memref<!tpu.dma_semaphore, #tpu.memory_space<semaphore_mem>>) src(%arg14 : memref<128x64xf32, #tpu.memory_space<vmem>>) dst(%dma_wait3A_601 : memref<128x64xf32, #tpu.memory_space<hbm>>)
        tpu.yield
      }) : () -> ()
      %dma_start3A_497 = arith.constant 4 : i32
      %dma_start3A_498 = arith.constant 0 : i32
      %dma_start3A_499 = tpu.memref_slice %arg8[%dma_start3A_497, %dma_start3A_498] : memref<8x128xi32, #tpu.memory_space<vmem>> -> memref<1x128xi32, #tpu.memory_space<vmem>>
      %dma_start3A_500 = tpu.memref_squeeze %dma_start3A_499 : memref<1x128xi32, #tpu.memory_space<vmem>> -> memref<128xi32, #tpu.memory_space<vmem>>
      %dma_start3A_501 = arith.constant 0 : i32
      %dma_start3A_502 = arith.constant 0 : i32
      %dma_start3A_503 = tpu.memref_slice %arg2[%dma_start3A_501, %dma_start3A_502] : memref<1000000x64xf32, #tpu.memory_space<hbm>> -> memref<1000000x64xf32, #tpu.memory_space<hbm>>
      tpu.enqueue_indirect_dma source(%dma_start3A_503 : memref<1000000x64xf32, #tpu.memory_space<hbm>>) target(%arg15 : memref<128x64xf32, #tpu.memory_space<vmem>>) offsets(%dma_start3A_500 : memref<128xi32, #tpu.memory_space<vmem>>) semaphore(%arg16 : memref<!tpu.dma_semaphore, #tpu.memory_space<semaphore_mem>>)
      %dma_wait3A_504 = arith.constant 4 : i32
      %dma_wait3A_505 = arith.constant 0 : i32
      %dma_wait3A_506 = tpu.memref_slice %arg8[%dma_wait3A_504, %dma_wait3A_505] : memref<8x128xi32, #tpu.memory_space<vmem>> -> memref<1x128xi32, #tpu.memory_space<vmem>>
      %dma_wait3A_507 = tpu.memref_squeeze %dma_wait3A_506 : memref<1x128xi32, #tpu.memory_space<vmem>> -> memref<128xi32, #tpu.memory_space<vmem>>
      %dma_wait3A_508 = arith.constant 0 : i32
      %dma_wait3A_509 = arith.constant 0 : i32
      %dma_wait3A_510 = tpu.memref_slice %arg2[%dma_wait3A_508, %dma_wait3A_509] : memref<1000000x64xf32, #tpu.memory_space<hbm>> -> memref<1000000x64xf32, #tpu.memory_space<hbm>>
      tpu.wait_indirect_dma semaphore(%arg16 : memref<!tpu.dma_semaphore, #tpu.memory_space<semaphore_mem>>) src(%dma_wait3A_510 : memref<1000000x64xf32, #tpu.memory_space<hbm>>) dst(%arg15 : memref<128x64xf32, #tpu.memory_space<vmem>>)
      %run_scoped3A_511 = arith.constant 4 : i32
      "tpu.region"() ({
        %run_scoped3A_593 = tpu.sem_alloc : memref<!tpu.dma_semaphore, #tpu.memory_space<semaphore_mem>>
        %dma_start3A_594 = arith.constant 0 : i32
        %dma_start3A_595 = tpu.memref_slice %arg9[%run_scoped3A_511, %dma_start3A_594] : memref<8x128xi32, #tpu.memory_space<vmem>> -> memref<1x128xi32, #tpu.memory_space<vmem>>
        %dma_start3A_596 = tpu.memref_squeeze %dma_start3A_595 : memref<1x128xi32, #tpu.memory_space<vmem>> -> memref<128xi32, #tpu.memory_space<vmem>>
        %dma_start3A_597 = arith.constant 0 : i32
        %dma_start3A_598 = arith.constant 0 : i32
        %dma_start3A_599 = tpu.memref_slice %arg7[%dma_start3A_597, %dma_start3A_598] : memref<16384x64xf32, #tpu.memory_space<vmem_shared>> -> memref<16384x64xf32, #tpu.memory_space<vmem_shared>>
        tpu.enqueue_indirect_dma source(%dma_start3A_599 : memref<16384x64xf32, #tpu.memory_space<vmem_shared>>) target(%arg14 : memref<128x64xf32, #tpu.memory_space<vmem>>) offsets(%dma_start3A_596 : memref<128xi32, #tpu.memory_space<vmem>>) semaphore(%run_scoped3A_593 : memref<!tpu.dma_semaphore, #tpu.memory_space<semaphore_mem>>)
        %dma_wait3A_600 = arith.constant 0 : i32
        %dma_wait3A_601 = tpu.memref_slice %arg9[%run_scoped3A_511, %dma_wait3A_600] : memref<8x128xi32, #tpu.memory_space<vmem>> -> memref<1x128xi32, #tpu.memory_space<vmem>>
        %dma_wait3A_602 = tpu.memref_squeeze %dma_wait3A_601 : memref<1x128xi32, #tpu.memory_space<vmem>> -> memref<128xi32, #tpu.memory_space<vmem>>
        %dma_wait3A_603 = arith.constant 0 : i32
        %dma_wait3A_604 = arith.constant 0 : i32
        %dma_wait3A_605 = tpu.memref_slice %arg7[%dma_wait3A_603, %dma_wait3A_604] : memref<16384x64xf32, #tpu.memory_space<vmem_shared>> -> memref<16384x64xf32, #tpu.memory_space<vmem_shared>>
        tpu.wait_indirect_dma semaphore(%run_scoped3A_593 : memref<!tpu.dma_semaphore, #tpu.memory_space<semaphore_mem>>) src(%dma_wait3A_605 : memref<16384x64xf32, #tpu.memory_space<vmem_shared>>) dst(%arg14 : memref<128x64xf32, #tpu.memory_space<vmem>>)
        tpu.yield
      }) : () -> ()
      %scan3A_512 = arith.constant 0 : i32
      %scan3A_513 = arith.constant 0 : i32
      %scan3A_514 = arith.constant 128 : i32
      %scan3A_515 = arith.addi %scan3A_513, %scan3A_514 : i32
      %scan3A_516 = arith.constant 1 : i32
      %scan3A_517 = scf.for %scan3A_593 = %scan3A_513 to %scan3A_515 step %scan3A_516 iter_args(%scan3A_594 = %scan3A_512) -> (i32)  : i32 {
        %get3A = arith.index_cast %scan3A_593 : i32 to index
        %get3A_595 = arith.constant 0 : index
        %get3A_596 = tpu.vector_load %arg14[%get3A, %get3A_595] {strides = array<i32>} : memref<128x64xf32, #tpu.memory_space<vmem>>, vector<1x16xf32>,
        %get3A_597 = vector.shape_cast %get3A_596 : vector<1x16xf32> to vector<16xf32>
        %get3A_598 = arith.index_cast %scan3A_593 : i32 to index
        %get3A_599 = arith.constant 0 : index
        %get3A_600 = tpu.vector_load %arg15[%get3A_598, %get3A_599] {strides = array<i32>} : memref<128x64xf32, #tpu.memory_space<vmem>>, vector<1x16xf32>,
        %get3A_601 = vector.shape_cast %get3A_600 : vector<1x16xf32> to vector<16xf32>
        %add3A_602 = arith.addf %get3A_597, %get3A_601 : vector<16xf32>
        %swap3A = arith.index_cast %scan3A_593 : i32 to index
        %swap3A_603 = arith.constant 0 : index
        %swap3A_604 = tpu.vector_load %arg14[%swap3A, %swap3A_603] {strides = array<i32>} : memref<128x64xf32, #tpu.memory_space<vmem>>, vector<1x16xf32>,
        %swap3A_605 = vector.shape_cast %swap3A_604 : vector<1x16xf32> to vector<16xf32>
        %swap3A_606 = vector.shape_cast %add3A_602 : vector<16xf32> to vector<1x16xf32>
        tpu.vector_store %arg14[%swap3A, %swap3A_603], %swap3A_606 {strides = array<i32>} : memref<128x64xf32, #tpu.memory_space<vmem>>, vector<1x16xf32>,
        %get3A_607 = arith.index_cast %scan3A_593 : i32 to index
        %get3A_608 = arith.constant 16 : index
        %get3A_609 = tpu.vector_load %arg14[%get3A_607, %get3A_608] {strides = array<i32>} : memref<128x64xf32, #tpu.memory_space<vmem>>, vector<1x16xf32>,
        %get3A_610 = vector.shape_cast %get3A_609 : vector<1x16xf32> to vector<16xf32>
        %get3A_611 = arith.index_cast %scan3A_593 : i32 to index
        %get3A_612 = arith.constant 16 : index
        %get3A_613 = tpu.vector_load %arg15[%get3A_611, %get3A_612] {strides = array<i32>} : memref<128x64xf32, #tpu.memory_space<vmem>>, vector<1x16xf32>,
        %get3A_614 = vector.shape_cast %get3A_613 : vector<1x16xf32> to vector<16xf32>
        %add3A_615 = arith.addf %get3A_610, %get3A_614 : vector<16xf32>
        %swap3A_616 = arith.index_cast %scan3A_593 : i32 to index
        %swap3A_617 = arith.constant 16 : index
        %swap3A_618 = tpu.vector_load %arg14[%swap3A_616, %swap3A_617] {strides = array<i32>} : memref<128x64xf32, #tpu.memory_space<vmem>>, vector<1x16xf32>,
        %swap3A_619 = vector.shape_cast %swap3A_618 : vector<1x16xf32> to vector<16xf32>
        %swap3A_620 = vector.shape_cast %add3A_615 : vector<16xf32> to vector<1x16xf32>
        tpu.vector_store %arg14[%swap3A_616, %swap3A_617], %swap3A_620 {strides = array<i32>} : memref<128x64xf32, #tpu.memory_space<vmem>>, vector<1x16xf32>,
        %get3A_621 = arith.index_cast %scan3A_593 : i32 to index
        %get3A_622 = arith.constant 32 : index
        %get3A_623 = tpu.vector_load %arg14[%get3A_621, %get3A_622] {strides = array<i32>} : memref<128x64xf32, #tpu.memory_space<vmem>>, vector<1x16xf32>,
        %get3A_624 = vector.shape_cast %get3A_623 : vector<1x16xf32> to vector<16xf32>
        %get3A_625 = arith.index_cast %scan3A_593 : i32 to index
        %get3A_626 = arith.constant 32 : index
        %get3A_627 = tpu.vector_load %arg15[%get3A_625, %get3A_626] {strides = array<i32>} : memref<128x64xf32, #tpu.memory_space<vmem>>, vector<1x16xf32>,
        %get3A_628 = vector.shape_cast %get3A_627 : vector<1x16xf32> to vector<16xf32>
        %add3A_629 = arith.addf %get3A_624, %get3A_628 : vector<16xf32>
        %swap3A_630 = arith.index_cast %scan3A_593 : i32 to index
        %swap3A_631 = arith.constant 32 : index
        %swap3A_632 = tpu.vector_load %arg14[%swap3A_630, %swap3A_631] {strides = array<i32>} : memref<128x64xf32, #tpu.memory_space<vmem>>, vector<1x16xf32>,
        %swap3A_633 = vector.shape_cast %swap3A_632 : vector<1x16xf32> to vector<16xf32>
        %swap3A_634 = vector.shape_cast %add3A_629 : vector<16xf32> to vector<1x16xf32>
        tpu.vector_store %arg14[%swap3A_630, %swap3A_631], %swap3A_634 {strides = array<i32>} : memref<128x64xf32, #tpu.memory_space<vmem>>, vector<1x16xf32>,
        %get3A_635 = arith.index_cast %scan3A_593 : i32 to index
        %get3A_636 = arith.constant 48 : index
        %get3A_637 = tpu.vector_load %arg14[%get3A_635, %get3A_636] {strides = array<i32>} : memref<128x64xf32, #tpu.memory_space<vmem>>, vector<1x16xf32>,
        %get3A_638 = vector.shape_cast %get3A_637 : vector<1x16xf32> to vector<16xf32>
        %get3A_639 = arith.index_cast %scan3A_593 : i32 to index
        %get3A_640 = arith.constant 48 : index
        %get3A_641 = tpu.vector_load %arg15[%get3A_639, %get3A_640] {strides = array<i32>} : memref<128x64xf32, #tpu.memory_space<vmem>>, vector<1x16xf32>,
        %get3A_642 = vector.shape_cast %get3A_641 : vector<1x16xf32> to vector<16xf32>
        %add3A_643 = arith.addf %get3A_638, %get3A_642 : vector<16xf32>
        %swap3A_644 = arith.index_cast %scan3A_593 : i32 to index
        %swap3A_645 = arith.constant 48 : index
        %swap3A_646 = tpu.vector_load %arg14[%swap3A_644, %swap3A_645] {strides = array<i32>} : memref<128x64xf32, #tpu.memory_space<vmem>>, vector<1x16xf32>,
        %swap3A_647 = vector.shape_cast %swap3A_646 : vector<1x16xf32> to vector<16xf32>
        %swap3A_648 = vector.shape_cast %add3A_643 : vector<16xf32> to vector<1x16xf32>
        tpu.vector_store %arg14[%swap3A_644, %swap3A_645], %swap3A_648 {strides = array<i32>} : memref<128x64xf32, #tpu.memory_space<vmem>>, vector<1x16xf32>,
        %scan3A_649 = arith.constant 0 : i32
        scf.yield %scan3A_649 : i32
      }
      %scan3A_518 = arith.constant 128 : i32
      %add3A_519 = arith.constant 512 : i32
      %add3A_520 = arith.addi %mul3A_2, %add3A_519 : i32
      "tpu.region"() ({
        %run_scoped3A_593 = tpu.sem_alloc : memref<!tpu.dma_semaphore, #tpu.memory_space<semaphore_mem>>
        %dma_start3A_594 = arith.constant 0 : i32
        %dma_start3A_595 = tpu.memref_slice %arg5[%add3A_520, %dma_start3A_594] : memref<16384x64xf32, #tpu.memory_space<hbm>> -> memref<128x64xf32, #tpu.memory_space<hbm>>
        %dma_start3A_596 = arith.constant 0 : i32
        %dma_start3A_597 = tpu.memref_slice %arg5[%add3A_520, %dma_start3A_596] : memref<16384x64xf32, #tpu.memory_space<hbm>> -> memref<128x64xf32, #tpu.memory_space<hbm>>
        tpu.enqueue_dma source(%arg14 : memref<128x64xf32, #tpu.memory_space<vmem>>) target(%dma_start3A_597 : memref<128x64xf32, #tpu.memory_space<hbm>>) target_semaphore(%run_scoped3A_593 : memref<!tpu.dma_semaphore, #tpu.memory_space<semaphore_mem>>)
        %dma_wait3A_598 = arith.constant 0 : i32
        %dma_wait3A_599 = tpu.memref_slice %arg5[%add3A_520, %dma_wait3A_598] : memref<16384x64xf32, #tpu.memory_space<hbm>> -> memref<128x64xf32, #tpu.memory_space<hbm>>
        %dma_wait3A_600 = arith.constant 0 : i32
        %dma_wait3A_601 = tpu.memref_slice %arg5[%add3A_520, %dma_wait3A_600] : memref<16384x64xf32, #tpu.memory_space<hbm>> -> memref<128x64xf32, #tpu.memory_space<hbm>>
        tpu.wait_dma2 semaphore(%run_scoped3A_593 : memref<!tpu.dma_semaphore, #tpu.memory_space<semaphore_mem>>) src(%arg14 : memref<128x64xf32, #tpu.memory_space<vmem>>) dst(%dma_wait3A_601 : memref<128x64xf32, #tpu.memory_space<hbm>>)
        tpu.yield
      }) : () -> ()
      %dma_start3A_521 = arith.constant 5 : i32
      %dma_start3A_522 = arith.constant 0 : i32
      %dma_start3A_523 = tpu.memref_slice %arg8[%dma_start3A_521, %dma_start3A_522] : memref<8x128xi32, #tpu.memory_space<vmem>> -> memref<1x128xi32, #tpu.memory_space<vmem>>
      %dma_start3A_524 = tpu.memref_squeeze %dma_start3A_523 : memref<1x128xi32, #tpu.memory_space<vmem>> -> memref<128xi32, #tpu.memory_space<vmem>>
      %dma_start3A_525 = arith.constant 0 : i32
      %dma_start3A_526 = arith.constant 0 : i32
      %dma_start3A_527 = tpu.memref_slice %arg2[%dma_start3A_525, %dma_start3A_526] : memref<1000000x64xf32, #tpu.memory_space<hbm>> -> memref<1000000x64xf32, #tpu.memory_space<hbm>>
      tpu.enqueue_indirect_dma source(%dma_start3A_527 : memref<1000000x64xf32, #tpu.memory_space<hbm>>) target(%arg15 : memref<128x64xf32, #tpu.memory_space<vmem>>) offsets(%dma_start3A_524 : memref<128xi32, #tpu.memory_space<vmem>>) semaphore(%arg16 : memref<!tpu.dma_semaphore, #tpu.memory_space<semaphore_mem>>)
      %dma_wait3A_528 = arith.constant 5 : i32
      %dma_wait3A_529 = arith.constant 0 : i32
      %dma_wait3A_530 = tpu.memref_slice %arg8[%dma_wait3A_528, %dma_wait3A_529] : memref<8x128xi32, #tpu.memory_space<vmem>> -> memref<1x128xi32, #tpu.memory_space<vmem>>
      %dma_wait3A_531 = tpu.memref_squeeze %dma_wait3A_530 : memref<1x128xi32, #tpu.memory_space<vmem>> -> memref<128xi32, #tpu.memory_space<vmem>>
      %dma_wait3A_532 = arith.constant 0 : i32
      %dma_wait3A_533 = arith.constant 0 : i32
      %dma_wait3A_534 = tpu.memref_slice %arg2[%dma_wait3A_532, %dma_wait3A_533] : memref<1000000x64xf32, #tpu.memory_space<hbm>> -> memref<1000000x64xf32, #tpu.memory_space<hbm>>
      tpu.wait_indirect_dma semaphore(%arg16 : memref<!tpu.dma_semaphore, #tpu.memory_space<semaphore_mem>>) src(%dma_wait3A_534 : memref<1000000x64xf32, #tpu.memory_space<hbm>>) dst(%arg15 : memref<128x64xf32, #tpu.memory_space<vmem>>)
      %run_scoped3A_535 = arith.constant 5 : i32
      "tpu.region"() ({
        %run_scoped3A_593 = tpu.sem_alloc : memref<!tpu.dma_semaphore, #tpu.memory_space<semaphore_mem>>
        %dma_start3A_594 = arith.constant 0 : i32
        %dma_start3A_595 = tpu.memref_slice %arg9[%run_scoped3A_535, %dma_start3A_594] : memref<8x128xi32, #tpu.memory_space<vmem>> -> memref<1x128xi32, #tpu.memory_space<vmem>>
        %dma_start3A_596 = tpu.memref_squeeze %dma_start3A_595 : memref<1x128xi32, #tpu.memory_space<vmem>> -> memref<128xi32, #tpu.memory_space<vmem>>
        %dma_start3A_597 = arith.constant 0 : i32
        %dma_start3A_598 = arith.constant 0 : i32
        %dma_start3A_599 = tpu.memref_slice %arg7[%dma_start3A_597, %dma_start3A_598] : memref<16384x64xf32, #tpu.memory_space<vmem_shared>> -> memref<16384x64xf32, #tpu.memory_space<vmem_shared>>
        tpu.enqueue_indirect_dma source(%dma_start3A_599 : memref<16384x64xf32, #tpu.memory_space<vmem_shared>>) target(%arg14 : memref<128x64xf32, #tpu.memory_space<vmem>>) offsets(%dma_start3A_596 : memref<128xi32, #tpu.memory_space<vmem>>) semaphore(%run_scoped3A_593 : memref<!tpu.dma_semaphore, #tpu.memory_space<semaphore_mem>>)
        %dma_wait3A_600 = arith.constant 0 : i32
        %dma_wait3A_601 = tpu.memref_slice %arg9[%run_scoped3A_535, %dma_wait3A_600] : memref<8x128xi32, #tpu.memory_space<vmem>> -> memref<1x128xi32, #tpu.memory_space<vmem>>
        %dma_wait3A_602 = tpu.memref_squeeze %dma_wait3A_601 : memref<1x128xi32, #tpu.memory_space<vmem>> -> memref<128xi32, #tpu.memory_space<vmem>>
        %dma_wait3A_603 = arith.constant 0 : i32
        %dma_wait3A_604 = arith.constant 0 : i32
        %dma_wait3A_605 = tpu.memref_slice %arg7[%dma_wait3A_603, %dma_wait3A_604] : memref<16384x64xf32, #tpu.memory_space<vmem_shared>> -> memref<16384x64xf32, #tpu.memory_space<vmem_shared>>
        tpu.wait_indirect_dma semaphore(%run_scoped3A_593 : memref<!tpu.dma_semaphore, #tpu.memory_space<semaphore_mem>>) src(%dma_wait3A_605 : memref<16384x64xf32, #tpu.memory_space<vmem_shared>>) dst(%arg14 : memref<128x64xf32, #tpu.memory_space<vmem>>)
        tpu.yield
      }) : () -> ()
      %scan3A_536 = arith.constant 0 : i32
      %scan3A_537 = arith.constant 0 : i32
      %scan3A_538 = arith.constant 128 : i32
      %scan3A_539 = arith.addi %scan3A_537, %scan3A_538 : i32
      %scan3A_540 = arith.constant 1 : i32
      %scan3A_541 = scf.for %scan3A_593 = %scan3A_537 to %scan3A_539 step %scan3A_540 iter_args(%scan3A_594 = %scan3A_536) -> (i32)  : i32 {
        %get3A = arith.index_cast %scan3A_593 : i32 to index
        %get3A_595 = arith.constant 0 : index
        %get3A_596 = tpu.vector_load %arg14[%get3A, %get3A_595] {strides = array<i32>} : memref<128x64xf32, #tpu.memory_space<vmem>>, vector<1x16xf32>,
        %get3A_597 = vector.shape_cast %get3A_596 : vector<1x16xf32> to vector<16xf32>
        %get3A_598 = arith.index_cast %scan3A_593 : i32 to index
        %get3A_599 = arith.constant 0 : index
        %get3A_600 = tpu.vector_load %arg15[%get3A_598, %get3A_599] {strides = array<i32>} : memref<128x64xf32, #tpu.memory_space<vmem>>, vector<1x16xf32>,
        %get3A_601 = vector.shape_cast %get3A_600 : vector<1x16xf32> to vector<16xf32>
        %add3A_602 = arith.addf %get3A_597, %get3A_601 : vector<16xf32>
        %swap3A = arith.index_cast %scan3A_593 : i32 to index
        %swap3A_603 = arith.constant 0 : index
        %swap3A_604 = tpu.vector_load %arg14[%swap3A, %swap3A_603] {strides = array<i32>} : memref<128x64xf32, #tpu.memory_space<vmem>>, vector<1x16xf32>,
        %swap3A_605 = vector.shape_cast %swap3A_604 : vector<1x16xf32> to vector<16xf32>
        %swap3A_606 = vector.shape_cast %add3A_602 : vector<16xf32> to vector<1x16xf32>
        tpu.vector_store %arg14[%swap3A, %swap3A_603], %swap3A_606 {strides = array<i32>} : memref<128x64xf32, #tpu.memory_space<vmem>>, vector<1x16xf32>,
        %get3A_607 = arith.index_cast %scan3A_593 : i32 to index
        %get3A_608 = arith.constant 16 : index
        %get3A_609 = tpu.vector_load %arg14[%get3A_607, %get3A_608] {strides = array<i32>} : memref<128x64xf32, #tpu.memory_space<vmem>>, vector<1x16xf32>,
        %get3A_610 = vector.shape_cast %get3A_609 : vector<1x16xf32> to vector<16xf32>
        %get3A_611 = arith.index_cast %scan3A_593 : i32 to index
        %get3A_612 = arith.constant 16 : index
        %get3A_613 = tpu.vector_load %arg15[%get3A_611, %get3A_612] {strides = array<i32>} : memref<128x64xf32, #tpu.memory_space<vmem>>, vector<1x16xf32>,
        %get3A_614 = vector.shape_cast %get3A_613 : vector<1x16xf32> to vector<16xf32>
        %add3A_615 = arith.addf %get3A_610, %get3A_614 : vector<16xf32>
        %swap3A_616 = arith.index_cast %scan3A_593 : i32 to index
        %swap3A_617 = arith.constant 16 : index
        %swap3A_618 = tpu.vector_load %arg14[%swap3A_616, %swap3A_617] {strides = array<i32>} : memref<128x64xf32, #tpu.memory_space<vmem>>, vector<1x16xf32>,
        %swap3A_619 = vector.shape_cast %swap3A_618 : vector<1x16xf32> to vector<16xf32>
        %swap3A_620 = vector.shape_cast %add3A_615 : vector<16xf32> to vector<1x16xf32>
        tpu.vector_store %arg14[%swap3A_616, %swap3A_617], %swap3A_620 {strides = array<i32>} : memref<128x64xf32, #tpu.memory_space<vmem>>, vector<1x16xf32>,
        %get3A_621 = arith.index_cast %scan3A_593 : i32 to index
        %get3A_622 = arith.constant 32 : index
        %get3A_623 = tpu.vector_load %arg14[%get3A_621, %get3A_622] {strides = array<i32>} : memref<128x64xf32, #tpu.memory_space<vmem>>, vector<1x16xf32>,
        %get3A_624 = vector.shape_cast %get3A_623 : vector<1x16xf32> to vector<16xf32>
        %get3A_625 = arith.index_cast %scan3A_593 : i32 to index
        %get3A_626 = arith.constant 32 : index
        %get3A_627 = tpu.vector_load %arg15[%get3A_625, %get3A_626] {strides = array<i32>} : memref<128x64xf32, #tpu.memory_space<vmem>>, vector<1x16xf32>,
        %get3A_628 = vector.shape_cast %get3A_627 : vector<1x16xf32> to vector<16xf32>
        %add3A_629 = arith.addf %get3A_624, %get3A_628 : vector<16xf32>
        %swap3A_630 = arith.index_cast %scan3A_593 : i32 to index
        %swap3A_631 = arith.constant 32 : index
        %swap3A_632 = tpu.vector_load %arg14[%swap3A_630, %swap3A_631] {strides = array<i32>} : memref<128x64xf32, #tpu.memory_space<vmem>>, vector<1x16xf32>,
        %swap3A_633 = vector.shape_cast %swap3A_632 : vector<1x16xf32> to vector<16xf32>
        %swap3A_634 = vector.shape_cast %add3A_629 : vector<16xf32> to vector<1x16xf32>
        tpu.vector_store %arg14[%swap3A_630, %swap3A_631], %swap3A_634 {strides = array<i32>} : memref<128x64xf32, #tpu.memory_space<vmem>>, vector<1x16xf32>,
        %get3A_635 = arith.index_cast %scan3A_593 : i32 to index
        %get3A_636 = arith.constant 48 : index
        %get3A_637 = tpu.vector_load %arg14[%get3A_635, %get3A_636] {strides = array<i32>} : memref<128x64xf32, #tpu.memory_space<vmem>>, vector<1x16xf32>,
        %get3A_638 = vector.shape_cast %get3A_637 : vector<1x16xf32> to vector<16xf32>
        %get3A_639 = arith.index_cast %scan3A_593 : i32 to index
        %get3A_640 = arith.constant 48 : index
        %get3A_641 = tpu.vector_load %arg15[%get3A_639, %get3A_640] {strides = array<i32>} : memref<128x64xf32, #tpu.memory_space<vmem>>, vector<1x16xf32>,
        %get3A_642 = vector.shape_cast %get3A_641 : vector<1x16xf32> to vector<16xf32>
        %add3A_643 = arith.addf %get3A_638, %get3A_642 : vector<16xf32>
        %swap3A_644 = arith.index_cast %scan3A_593 : i32 to index
        %swap3A_645 = arith.constant 48 : index
        %swap3A_646 = tpu.vector_load %arg14[%swap3A_644, %swap3A_645] {strides = array<i32>} : memref<128x64xf32, #tpu.memory_space<vmem>>, vector<1x16xf32>,
        %swap3A_647 = vector.shape_cast %swap3A_646 : vector<1x16xf32> to vector<16xf32>
        %swap3A_648 = vector.shape_cast %add3A_643 : vector<16xf32> to vector<1x16xf32>
        tpu.vector_store %arg14[%swap3A_644, %swap3A_645], %swap3A_648 {strides = array<i32>} : memref<128x64xf32, #tpu.memory_space<vmem>>, vector<1x16xf32>,
        %scan3A_649 = arith.constant 0 : i32
        scf.yield %scan3A_649 : i32
      }
      %scan3A_542 = arith.constant 128 : i32
      %add3A_543 = arith.constant 640 : i32
      %add3A_544 = arith.addi %mul3A_2, %add3A_543 : i32
      "tpu.region"() ({
        %run_scoped3A_593 = tpu.sem_alloc : memref<!tpu.dma_semaphore, #tpu.memory_space<semaphore_mem>>
        %dma_start3A_594 = arith.constant 0 : i32
        %dma_start3A_595 = tpu.memref_slice %arg5[%add3A_544, %dma_start3A_594] : memref<16384x64xf32, #tpu.memory_space<hbm>> -> memref<128x64xf32, #tpu.memory_space<hbm>>
        %dma_start3A_596 = arith.constant 0 : i32
        %dma_start3A_597 = tpu.memref_slice %arg5[%add3A_544, %dma_start3A_596] : memref<16384x64xf32, #tpu.memory_space<hbm>> -> memref<128x64xf32, #tpu.memory_space<hbm>>
        tpu.enqueue_dma source(%arg14 : memref<128x64xf32, #tpu.memory_space<vmem>>) target(%dma_start3A_597 : memref<128x64xf32, #tpu.memory_space<hbm>>) target_semaphore(%run_scoped3A_593 : memref<!tpu.dma_semaphore, #tpu.memory_space<semaphore_mem>>)
        %dma_wait3A_598 = arith.constant 0 : i32
        %dma_wait3A_599 = tpu.memref_slice %arg5[%add3A_544, %dma_wait3A_598] : memref<16384x64xf32, #tpu.memory_space<hbm>> -> memref<128x64xf32, #tpu.memory_space<hbm>>
        %dma_wait3A_600 = arith.constant 0 : i32
        %dma_wait3A_601 = tpu.memref_slice %arg5[%add3A_544, %dma_wait3A_600] : memref<16384x64xf32, #tpu.memory_space<hbm>> -> memref<128x64xf32, #tpu.memory_space<hbm>>
        tpu.wait_dma2 semaphore(%run_scoped3A_593 : memref<!tpu.dma_semaphore, #tpu.memory_space<semaphore_mem>>) src(%arg14 : memref<128x64xf32, #tpu.memory_space<vmem>>) dst(%dma_wait3A_601 : memref<128x64xf32, #tpu.memory_space<hbm>>)
        tpu.yield
      }) : () -> ()
      %dma_start3A_545 = arith.constant 6 : i32
      %dma_start3A_546 = arith.constant 0 : i32
      %dma_start3A_547 = tpu.memref_slice %arg8[%dma_start3A_545, %dma_start3A_546] : memref<8x128xi32, #tpu.memory_space<vmem>> -> memref<1x128xi32, #tpu.memory_space<vmem>>
      %dma_start3A_548 = tpu.memref_squeeze %dma_start3A_547 : memref<1x128xi32, #tpu.memory_space<vmem>> -> memref<128xi32, #tpu.memory_space<vmem>>
      %dma_start3A_549 = arith.constant 0 : i32
      %dma_start3A_550 = arith.constant 0 : i32
      %dma_start3A_551 = tpu.memref_slice %arg2[%dma_start3A_549, %dma_start3A_550] : memref<1000000x64xf32, #tpu.memory_space<hbm>> -> memref<1000000x64xf32, #tpu.memory_space<hbm>>
      tpu.enqueue_indirect_dma source(%dma_start3A_551 : memref<1000000x64xf32, #tpu.memory_space<hbm>>) target(%arg15 : memref<128x64xf32, #tpu.memory_space<vmem>>) offsets(%dma_start3A_548 : memref<128xi32, #tpu.memory_space<vmem>>) semaphore(%arg16 : memref<!tpu.dma_semaphore, #tpu.memory_space<semaphore_mem>>)
      %dma_wait3A_552 = arith.constant 6 : i32
      %dma_wait3A_553 = arith.constant 0 : i32
      %dma_wait3A_554 = tpu.memref_slice %arg8[%dma_wait3A_552, %dma_wait3A_553] : memref<8x128xi32, #tpu.memory_space<vmem>> -> memref<1x128xi32, #tpu.memory_space<vmem>>
      %dma_wait3A_555 = tpu.memref_squeeze %dma_wait3A_554 : memref<1x128xi32, #tpu.memory_space<vmem>> -> memref<128xi32, #tpu.memory_space<vmem>>
      %dma_wait3A_556 = arith.constant 0 : i32
      %dma_wait3A_557 = arith.constant 0 : i32
      %dma_wait3A_558 = tpu.memref_slice %arg2[%dma_wait3A_556, %dma_wait3A_557] : memref<1000000x64xf32, #tpu.memory_space<hbm>> -> memref<1000000x64xf32, #tpu.memory_space<hbm>>
      tpu.wait_indirect_dma semaphore(%arg16 : memref<!tpu.dma_semaphore, #tpu.memory_space<semaphore_mem>>) src(%dma_wait3A_558 : memref<1000000x64xf32, #tpu.memory_space<hbm>>) dst(%arg15 : memref<128x64xf32, #tpu.memory_space<vmem>>)
      %run_scoped3A_559 = arith.constant 6 : i32
      "tpu.region"() ({
        %run_scoped3A_593 = tpu.sem_alloc : memref<!tpu.dma_semaphore, #tpu.memory_space<semaphore_mem>>
        %dma_start3A_594 = arith.constant 0 : i32
        %dma_start3A_595 = tpu.memref_slice %arg9[%run_scoped3A_559, %dma_start3A_594] : memref<8x128xi32, #tpu.memory_space<vmem>> -> memref<1x128xi32, #tpu.memory_space<vmem>>
        %dma_start3A_596 = tpu.memref_squeeze %dma_start3A_595 : memref<1x128xi32, #tpu.memory_space<vmem>> -> memref<128xi32, #tpu.memory_space<vmem>>
        %dma_start3A_597 = arith.constant 0 : i32
        %dma_start3A_598 = arith.constant 0 : i32
        %dma_start3A_599 = tpu.memref_slice %arg7[%dma_start3A_597, %dma_start3A_598] : memref<16384x64xf32, #tpu.memory_space<vmem_shared>> -> memref<16384x64xf32, #tpu.memory_space<vmem_shared>>
        tpu.enqueue_indirect_dma source(%dma_start3A_599 : memref<16384x64xf32, #tpu.memory_space<vmem_shared>>) target(%arg14 : memref<128x64xf32, #tpu.memory_space<vmem>>) offsets(%dma_start3A_596 : memref<128xi32, #tpu.memory_space<vmem>>) semaphore(%run_scoped3A_593 : memref<!tpu.dma_semaphore, #tpu.memory_space<semaphore_mem>>)
        %dma_wait3A_600 = arith.constant 0 : i32
        %dma_wait3A_601 = tpu.memref_slice %arg9[%run_scoped3A_559, %dma_wait3A_600] : memref<8x128xi32, #tpu.memory_space<vmem>> -> memref<1x128xi32, #tpu.memory_space<vmem>>
        %dma_wait3A_602 = tpu.memref_squeeze %dma_wait3A_601 : memref<1x128xi32, #tpu.memory_space<vmem>> -> memref<128xi32, #tpu.memory_space<vmem>>
        %dma_wait3A_603 = arith.constant 0 : i32
        %dma_wait3A_604 = arith.constant 0 : i32
        %dma_wait3A_605 = tpu.memref_slice %arg7[%dma_wait3A_603, %dma_wait3A_604] : memref<16384x64xf32, #tpu.memory_space<vmem_shared>> -> memref<16384x64xf32, #tpu.memory_space<vmem_shared>>
        tpu.wait_indirect_dma semaphore(%run_scoped3A_593 : memref<!tpu.dma_semaphore, #tpu.memory_space<semaphore_mem>>) src(%dma_wait3A_605 : memref<16384x64xf32, #tpu.memory_space<vmem_shared>>) dst(%arg14 : memref<128x64xf32, #tpu.memory_space<vmem>>)
        tpu.yield
      }) : () -> ()
      %scan3A_560 = arith.constant 0 : i32
      %scan3A_561 = arith.constant 0 : i32
      %scan3A_562 = arith.constant 128 : i32
      %scan3A_563 = arith.addi %scan3A_561, %scan3A_562 : i32
      %scan3A_564 = arith.constant 1 : i32
      %scan3A_565 = scf.for %scan3A_593 = %scan3A_561 to %scan3A_563 step %scan3A_564 iter_args(%scan3A_594 = %scan3A_560) -> (i32)  : i32 {
        %get3A = arith.index_cast %scan3A_593 : i32 to index
        %get3A_595 = arith.constant 0 : index
        %get3A_596 = tpu.vector_load %arg14[%get3A, %get3A_595] {strides = array<i32>} : memref<128x64xf32, #tpu.memory_space<vmem>>, vector<1x16xf32>,
        %get3A_597 = vector.shape_cast %get3A_596 : vector<1x16xf32> to vector<16xf32>
        %get3A_598 = arith.index_cast %scan3A_593 : i32 to index
        %get3A_599 = arith.constant 0 : index
        %get3A_600 = tpu.vector_load %arg15[%get3A_598, %get3A_599] {strides = array<i32>} : memref<128x64xf32, #tpu.memory_space<vmem>>, vector<1x16xf32>,
        %get3A_601 = vector.shape_cast %get3A_600 : vector<1x16xf32> to vector<16xf32>
        %add3A_602 = arith.addf %get3A_597, %get3A_601 : vector<16xf32>
        %swap3A = arith.index_cast %scan3A_593 : i32 to index
        %swap3A_603 = arith.constant 0 : index
        %swap3A_604 = tpu.vector_load %arg14[%swap3A, %swap3A_603] {strides = array<i32>} : memref<128x64xf32, #tpu.memory_space<vmem>>, vector<1x16xf32>,
        %swap3A_605 = vector.shape_cast %swap3A_604 : vector<1x16xf32> to vector<16xf32>
        %swap3A_606 = vector.shape_cast %add3A_602 : vector<16xf32> to vector<1x16xf32>
        tpu.vector_store %arg14[%swap3A, %swap3A_603], %swap3A_606 {strides = array<i32>} : memref<128x64xf32, #tpu.memory_space<vmem>>, vector<1x16xf32>,
        %get3A_607 = arith.index_cast %scan3A_593 : i32 to index
        %get3A_608 = arith.constant 16 : index
        %get3A_609 = tpu.vector_load %arg14[%get3A_607, %get3A_608] {strides = array<i32>} : memref<128x64xf32, #tpu.memory_space<vmem>>, vector<1x16xf32>,
        %get3A_610 = vector.shape_cast %get3A_609 : vector<1x16xf32> to vector<16xf32>
        %get3A_611 = arith.index_cast %scan3A_593 : i32 to index
        %get3A_612 = arith.constant 16 : index
        %get3A_613 = tpu.vector_load %arg15[%get3A_611, %get3A_612] {strides = array<i32>} : memref<128x64xf32, #tpu.memory_space<vmem>>, vector<1x16xf32>,
        %get3A_614 = vector.shape_cast %get3A_613 : vector<1x16xf32> to vector<16xf32>
        %add3A_615 = arith.addf %get3A_610, %get3A_614 : vector<16xf32>
        %swap3A_616 = arith.index_cast %scan3A_593 : i32 to index
        %swap3A_617 = arith.constant 16 : index
        %swap3A_618 = tpu.vector_load %arg14[%swap3A_616, %swap3A_617] {strides = array<i32>} : memref<128x64xf32, #tpu.memory_space<vmem>>, vector<1x16xf32>,
        %swap3A_619 = vector.shape_cast %swap3A_618 : vector<1x16xf32> to vector<16xf32>
        %swap3A_620 = vector.shape_cast %add3A_615 : vector<16xf32> to vector<1x16xf32>
        tpu.vector_store %arg14[%swap3A_616, %swap3A_617], %swap3A_620 {strides = array<i32>} : memref<128x64xf32, #tpu.memory_space<vmem>>, vector<1x16xf32>,
        %get3A_621 = arith.index_cast %scan3A_593 : i32 to index
        %get3A_622 = arith.constant 32 : index
        %get3A_623 = tpu.vector_load %arg14[%get3A_621, %get3A_622] {strides = array<i32>} : memref<128x64xf32, #tpu.memory_space<vmem>>, vector<1x16xf32>,
        %get3A_624 = vector.shape_cast %get3A_623 : vector<1x16xf32> to vector<16xf32>
        %get3A_625 = arith.index_cast %scan3A_593 : i32 to index
        %get3A_626 = arith.constant 32 : index
        %get3A_627 = tpu.vector_load %arg15[%get3A_625, %get3A_626] {strides = array<i32>} : memref<128x64xf32, #tpu.memory_space<vmem>>, vector<1x16xf32>,
        %get3A_628 = vector.shape_cast %get3A_627 : vector<1x16xf32> to vector<16xf32>
        %add3A_629 = arith.addf %get3A_624, %get3A_628 : vector<16xf32>
        %swap3A_630 = arith.index_cast %scan3A_593 : i32 to index
        %swap3A_631 = arith.constant 32 : index
        %swap3A_632 = tpu.vector_load %arg14[%swap3A_630, %swap3A_631] {strides = array<i32>} : memref<128x64xf32, #tpu.memory_space<vmem>>, vector<1x16xf32>,
        %swap3A_633 = vector.shape_cast %swap3A_632 : vector<1x16xf32> to vector<16xf32>
        %swap3A_634 = vector.shape_cast %add3A_629 : vector<16xf32> to vector<1x16xf32>
        tpu.vector_store %arg14[%swap3A_630, %swap3A_631], %swap3A_634 {strides = array<i32>} : memref<128x64xf32, #tpu.memory_space<vmem>>, vector<1x16xf32>,
        %get3A_635 = arith.index_cast %scan3A_593 : i32 to index
        %get3A_636 = arith.constant 48 : index
        %get3A_637 = tpu.vector_load %arg14[%get3A_635, %get3A_636] {strides = array<i32>} : memref<128x64xf32, #tpu.memory_space<vmem>>, vector<1x16xf32>,
        %get3A_638 = vector.shape_cast %get3A_637 : vector<1x16xf32> to vector<16xf32>
        %get3A_639 = arith.index_cast %scan3A_593 : i32 to index
        %get3A_640 = arith.constant 48 : index
        %get3A_641 = tpu.vector_load %arg15[%get3A_639, %get3A_640] {strides = array<i32>} : memref<128x64xf32, #tpu.memory_space<vmem>>, vector<1x16xf32>,
        %get3A_642 = vector.shape_cast %get3A_641 : vector<1x16xf32> to vector<16xf32>
        %add3A_643 = arith.addf %get3A_638, %get3A_642 : vector<16xf32>
        %swap3A_644 = arith.index_cast %scan3A_593 : i32 to index
        %swap3A_645 = arith.constant 48 : index
        %swap3A_646 = tpu.vector_load %arg14[%swap3A_644, %swap3A_645] {strides = array<i32>} : memref<128x64xf32, #tpu.memory_space<vmem>>, vector<1x16xf32>,
        %swap3A_647 = vector.shape_cast %swap3A_646 : vector<1x16xf32> to vector<16xf32>
        %swap3A_648 = vector.shape_cast %add3A_643 : vector<16xf32> to vector<1x16xf32>
        tpu.vector_store %arg14[%swap3A_644, %swap3A_645], %swap3A_648 {strides = array<i32>} : memref<128x64xf32, #tpu.memory_space<vmem>>, vector<1x16xf32>,
        %scan3A_649 = arith.constant 0 : i32
        scf.yield %scan3A_649 : i32
      }
      %scan3A_566 = arith.constant 128 : i32
      %add3A_567 = arith.constant 768 : i32
      %add3A_568 = arith.addi %mul3A_2, %add3A_567 : i32
      "tpu.region"() ({
        %run_scoped3A_593 = tpu.sem_alloc : memref<!tpu.dma_semaphore, #tpu.memory_space<semaphore_mem>>
        %dma_start3A_594 = arith.constant 0 : i32
        %dma_start3A_595 = tpu.memref_slice %arg5[%add3A_568, %dma_start3A_594] : memref<16384x64xf32, #tpu.memory_space<hbm>> -> memref<128x64xf32, #tpu.memory_space<hbm>>
        %dma_start3A_596 = arith.constant 0 : i32
        %dma_start3A_597 = tpu.memref_slice %arg5[%add3A_568, %dma_start3A_596] : memref<16384x64xf32, #tpu.memory_space<hbm>> -> memref<128x64xf32, #tpu.memory_space<hbm>>
        tpu.enqueue_dma source(%arg14 : memref<128x64xf32, #tpu.memory_space<vmem>>) target(%dma_start3A_597 : memref<128x64xf32, #tpu.memory_space<hbm>>) target_semaphore(%run_scoped3A_593 : memref<!tpu.dma_semaphore, #tpu.memory_space<semaphore_mem>>)
        %dma_wait3A_598 = arith.constant 0 : i32
        %dma_wait3A_599 = tpu.memref_slice %arg5[%add3A_568, %dma_wait3A_598] : memref<16384x64xf32, #tpu.memory_space<hbm>> -> memref<128x64xf32, #tpu.memory_space<hbm>>
        %dma_wait3A_600 = arith.constant 0 : i32
        %dma_wait3A_601 = tpu.memref_slice %arg5[%add3A_568, %dma_wait3A_600] : memref<16384x64xf32, #tpu.memory_space<hbm>> -> memref<128x64xf32, #tpu.memory_space<hbm>>
        tpu.wait_dma2 semaphore(%run_scoped3A_593 : memref<!tpu.dma_semaphore, #tpu.memory_space<semaphore_mem>>) src(%arg14 : memref<128x64xf32, #tpu.memory_space<vmem>>) dst(%dma_wait3A_601 : memref<128x64xf32, #tpu.memory_space<hbm>>)
        tpu.yield
      }) : () -> ()
      %dma_start3A_569 = arith.constant 7 : i32
      %dma_start3A_570 = arith.constant 0 : i32
      %dma_start3A_571 = tpu.memref_slice %arg8[%dma_start3A_569, %dma_start3A_570] : memref<8x128xi32, #tpu.memory_space<vmem>> -> memref<1x128xi32, #tpu.memory_space<vmem>>
      %dma_start3A_572 = tpu.memref_squeeze %dma_start3A_571 : memref<1x128xi32, #tpu.memory_space<vmem>> -> memref<128xi32, #tpu.memory_space<vmem>>
      %dma_start3A_573 = arith.constant 0 : i32
      %dma_start3A_574 = arith.constant 0 : i32
      %dma_start3A_575 = tpu.memref_slice %arg2[%dma_start3A_573, %dma_start3A_574] : memref<1000000x64xf32, #tpu.memory_space<hbm>> -> memref<1000000x64xf32, #tpu.memory_space<hbm>>
      tpu.enqueue_indirect_dma source(%dma_start3A_575 : memref<1000000x64xf32, #tpu.memory_space<hbm>>) target(%arg15 : memref<128x64xf32, #tpu.memory_space<vmem>>) offsets(%dma_start3A_572 : memref<128xi32, #tpu.memory_space<vmem>>) semaphore(%arg16 : memref<!tpu.dma_semaphore, #tpu.memory_space<semaphore_mem>>)
      %dma_wait3A_576 = arith.constant 7 : i32
      %dma_wait3A_577 = arith.constant 0 : i32
      %dma_wait3A_578 = tpu.memref_slice %arg8[%dma_wait3A_576, %dma_wait3A_577] : memref<8x128xi32, #tpu.memory_space<vmem>> -> memref<1x128xi32, #tpu.memory_space<vmem>>
      %dma_wait3A_579 = tpu.memref_squeeze %dma_wait3A_578 : memref<1x128xi32, #tpu.memory_space<vmem>> -> memref<128xi32, #tpu.memory_space<vmem>>
      %dma_wait3A_580 = arith.constant 0 : i32
      %dma_wait3A_581 = arith.constant 0 : i32
      %dma_wait3A_582 = tpu.memref_slice %arg2[%dma_wait3A_580, %dma_wait3A_581] : memref<1000000x64xf32, #tpu.memory_space<hbm>> -> memref<1000000x64xf32, #tpu.memory_space<hbm>>
      tpu.wait_indirect_dma semaphore(%arg16 : memref<!tpu.dma_semaphore, #tpu.memory_space<semaphore_mem>>) src(%dma_wait3A_582 : memref<1000000x64xf32, #tpu.memory_space<hbm>>) dst(%arg15 : memref<128x64xf32, #tpu.memory_space<vmem>>)
      %run_scoped3A_583 = arith.constant 7 : i32
      "tpu.region"() ({
        %run_scoped3A_593 = tpu.sem_alloc : memref<!tpu.dma_semaphore, #tpu.memory_space<semaphore_mem>>
        %dma_start3A_594 = arith.constant 0 : i32
        %dma_start3A_595 = tpu.memref_slice %arg9[%run_scoped3A_583, %dma_start3A_594] : memref<8x128xi32, #tpu.memory_space<vmem>> -> memref<1x128xi32, #tpu.memory_space<vmem>>
        %dma_start3A_596 = tpu.memref_squeeze %dma_start3A_595 : memref<1x128xi32, #tpu.memory_space<vmem>> -> memref<128xi32, #tpu.memory_space<vmem>>
        %dma_start3A_597 = arith.constant 0 : i32
        %dma_start3A_598 = arith.constant 0 : i32
        %dma_start3A_599 = tpu.memref_slice %arg7[%dma_start3A_597, %dma_start3A_598] : memref<16384x64xf32, #tpu.memory_space<vmem_shared>> -> memref<16384x64xf32, #tpu.memory_space<vmem_shared>>
        tpu.enqueue_indirect_dma source(%dma_start3A_599 : memref<16384x64xf32, #tpu.memory_space<vmem_shared>>) target(%arg14 : memref<128x64xf32, #tpu.memory_space<vmem>>) offsets(%dma_start3A_596 : memref<128xi32, #tpu.memory_space<vmem>>) semaphore(%run_scoped3A_593 : memref<!tpu.dma_semaphore, #tpu.memory_space<semaphore_mem>>)
        %dma_wait3A_600 = arith.constant 0 : i32
        %dma_wait3A_601 = tpu.memref_slice %arg9[%run_scoped3A_583, %dma_wait3A_600] : memref<8x128xi32, #tpu.memory_space<vmem>> -> memref<1x128xi32, #tpu.memory_space<vmem>>
        %dma_wait3A_602 = tpu.memref_squeeze %dma_wait3A_601 : memref<1x128xi32, #tpu.memory_space<vmem>> -> memref<128xi32, #tpu.memory_space<vmem>>
        %dma_wait3A_603 = arith.constant 0 : i32
        %dma_wait3A_604 = arith.constant 0 : i32
        %dma_wait3A_605 = tpu.memref_slice %arg7[%dma_wait3A_603, %dma_wait3A_604] : memref<16384x64xf32, #tpu.memory_space<vmem_shared>> -> memref<16384x64xf32, #tpu.memory_space<vmem_shared>>
        tpu.wait_indirect_dma semaphore(%run_scoped3A_593 : memref<!tpu.dma_semaphore, #tpu.memory_space<semaphore_mem>>) src(%dma_wait3A_605 : memref<16384x64xf32, #tpu.memory_space<vmem_shared>>) dst(%arg14 : memref<128x64xf32, #tpu.memory_space<vmem>>)
        tpu.yield
      }) : () -> ()
      %scan3A_584 = arith.constant 0 : i32
      %scan3A_585 = arith.constant 0 : i32
      %scan3A_586 = arith.constant 128 : i32
      %scan3A_587 = arith.addi %scan3A_585, %scan3A_586 : i32
      %scan3A_588 = arith.constant 1 : i32
      %scan3A_589 = scf.for %scan3A_593 = %scan3A_585 to %scan3A_587 step %scan3A_588 iter_args(%scan3A_594 = %scan3A_584) -> (i32)  : i32 {
        %get3A = arith.index_cast %scan3A_593 : i32 to index
        %get3A_595 = arith.constant 0 : index
        %get3A_596 = tpu.vector_load %arg14[%get3A, %get3A_595] {strides = array<i32>} : memref<128x64xf32, #tpu.memory_space<vmem>>, vector<1x16xf32>,
        %get3A_597 = vector.shape_cast %get3A_596 : vector<1x16xf32> to vector<16xf32>
        %get3A_598 = arith.index_cast %scan3A_593 : i32 to index
        %get3A_599 = arith.constant 0 : index
        %get3A_600 = tpu.vector_load %arg15[%get3A_598, %get3A_599] {strides = array<i32>} : memref<128x64xf32, #tpu.memory_space<vmem>>, vector<1x16xf32>,
        %get3A_601 = vector.shape_cast %get3A_600 : vector<1x16xf32> to vector<16xf32>
        %add3A_602 = arith.addf %get3A_597, %get3A_601 : vector<16xf32>
        %swap3A = arith.index_cast %scan3A_593 : i32 to index
        %swap3A_603 = arith.constant 0 : index
        %swap3A_604 = tpu.vector_load %arg14[%swap3A, %swap3A_603] {strides = array<i32>} : memref<128x64xf32, #tpu.memory_space<vmem>>, vector<1x16xf32>,
        %swap3A_605 = vector.shape_cast %swap3A_604 : vector<1x16xf32> to vector<16xf32>
        %swap3A_606 = vector.shape_cast %add3A_602 : vector<16xf32> to vector<1x16xf32>
        tpu.vector_store %arg14[%swap3A, %swap3A_603], %swap3A_606 {strides = array<i32>} : memref<128x64xf32, #tpu.memory_space<vmem>>, vector<1x16xf32>,
        %get3A_607 = arith.index_cast %scan3A_593 : i32 to index
        %get3A_608 = arith.constant 16 : index
        %get3A_609 = tpu.vector_load %arg14[%get3A_607, %get3A_608] {strides = array<i32>} : memref<128x64xf32, #tpu.memory_space<vmem>>, vector<1x16xf32>,
        %get3A_610 = vector.shape_cast %get3A_609 : vector<1x16xf32> to vector<16xf32>
        %get3A_611 = arith.index_cast %scan3A_593 : i32 to index
        %get3A_612 = arith.constant 16 : index
        %get3A_613 = tpu.vector_load %arg15[%get3A_611, %get3A_612] {strides = array<i32>} : memref<128x64xf32, #tpu.memory_space<vmem>>, vector<1x16xf32>,
        %get3A_614 = vector.shape_cast %get3A_613 : vector<1x16xf32> to vector<16xf32>
        %add3A_615 = arith.addf %get3A_610, %get3A_614 : vector<16xf32>
        %swap3A_616 = arith.index_cast %scan3A_593 : i32 to index
        %swap3A_617 = arith.constant 16 : index
        %swap3A_618 = tpu.vector_load %arg14[%swap3A_616, %swap3A_617] {strides = array<i32>} : memref<128x64xf32, #tpu.memory_space<vmem>>, vector<1x16xf32>,
        %swap3A_619 = vector.shape_cast %swap3A_618 : vector<1x16xf32> to vector<16xf32>
        %swap3A_620 = vector.shape_cast %add3A_615 : vector<16xf32> to vector<1x16xf32>
        tpu.vector_store %arg14[%swap3A_616, %swap3A_617], %swap3A_620 {strides = array<i32>} : memref<128x64xf32, #tpu.memory_space<vmem>>, vector<1x16xf32>,
        %get3A_621 = arith.index_cast %scan3A_593 : i32 to index
        %get3A_622 = arith.constant 32 : index
        %get3A_623 = tpu.vector_load %arg14[%get3A_621, %get3A_622] {strides = array<i32>} : memref<128x64xf32, #tpu.memory_space<vmem>>, vector<1x16xf32>,
        %get3A_624 = vector.shape_cast %get3A_623 : vector<1x16xf32> to vector<16xf32>
        %get3A_625 = arith.index_cast %scan3A_593 : i32 to index
        %get3A_626 = arith.constant 32 : index
        %get3A_627 = tpu.vector_load %arg15[%get3A_625, %get3A_626] {strides = array<i32>} : memref<128x64xf32, #tpu.memory_space<vmem>>, vector<1x16xf32>,
        %get3A_628 = vector.shape_cast %get3A_627 : vector<1x16xf32> to vector<16xf32>
        %add3A_629 = arith.addf %get3A_624, %get3A_628 : vector<16xf32>
        %swap3A_630 = arith.index_cast %scan3A_593 : i32 to index
        %swap3A_631 = arith.constant 32 : index
        %swap3A_632 = tpu.vector_load %arg14[%swap3A_630, %swap3A_631] {strides = array<i32>} : memref<128x64xf32, #tpu.memory_space<vmem>>, vector<1x16xf32>,
        %swap3A_633 = vector.shape_cast %swap3A_632 : vector<1x16xf32> to vector<16xf32>
        %swap3A_634 = vector.shape_cast %add3A_629 : vector<16xf32> to vector<1x16xf32>
        tpu.vector_store %arg14[%swap3A_630, %swap3A_631], %swap3A_634 {strides = array<i32>} : memref<128x64xf32, #tpu.memory_space<vmem>>, vector<1x16xf32>,
        %get3A_635 = arith.index_cast %scan3A_593 : i32 to index
        %get3A_636 = arith.constant 48 : index
        %get3A_637 = tpu.vector_load %arg14[%get3A_635, %get3A_636] {strides = array<i32>} : memref<128x64xf32, #tpu.memory_space<vmem>>, vector<1x16xf32>,
        %get3A_638 = vector.shape_cast %get3A_637 : vector<1x16xf32> to vector<16xf32>
        %get3A_639 = arith.index_cast %scan3A_593 : i32 to index
        %get3A_640 = arith.constant 48 : index
        %get3A_641 = tpu.vector_load %arg15[%get3A_639, %get3A_640] {strides = array<i32>} : memref<128x64xf32, #tpu.memory_space<vmem>>, vector<1x16xf32>,
        %get3A_642 = vector.shape_cast %get3A_641 : vector<1x16xf32> to vector<16xf32>
        %add3A_643 = arith.addf %get3A_638, %get3A_642 : vector<16xf32>
        %swap3A_644 = arith.index_cast %scan3A_593 : i32 to index
        %swap3A_645 = arith.constant 48 : index
        %swap3A_646 = tpu.vector_load %arg14[%swap3A_644, %swap3A_645] {strides = array<i32>} : memref<128x64xf32, #tpu.memory_space<vmem>>, vector<1x16xf32>,
        %swap3A_647 = vector.shape_cast %swap3A_646 : vector<1x16xf32> to vector<16xf32>
        %swap3A_648 = vector.shape_cast %add3A_643 : vector<16xf32> to vector<1x16xf32>
        tpu.vector_store %arg14[%swap3A_644, %swap3A_645], %swap3A_648 {strides = array<i32>} : memref<128x64xf32, #tpu.memory_space<vmem>>, vector<1x16xf32>,
        %scan3A_649 = arith.constant 0 : i32
        scf.yield %scan3A_649 : i32
      }
      %scan3A_590 = arith.constant 128 : i32
      %add3A_591 = arith.constant 896 : i32
      %add3A_592 = arith.addi %mul3A_2, %add3A_591 : i32
      "tpu.region"() ({
        %run_scoped3A_593 = tpu.sem_alloc : memref<!tpu.dma_semaphore, #tpu.memory_space<semaphore_mem>>
        %dma_start3A_594 = arith.constant 0 : i32
        %dma_start3A_595 = tpu.memref_slice %arg5[%add3A_592, %dma_start3A_594] : memref<16384x64xf32, #tpu.memory_space<hbm>> -> memref<128x64xf32, #tpu.memory_space<hbm>>
        %dma_start3A_596 = arith.constant 0 : i32
        %dma_start3A_597 = tpu.memref_slice %arg5[%add3A_592, %dma_start3A_596] : memref<16384x64xf32, #tpu.memory_space<hbm>> -> memref<128x64xf32, #tpu.memory_space<hbm>>
        tpu.enqueue_dma source(%arg14 : memref<128x64xf32, #tpu.memory_space<vmem>>) target(%dma_start3A_597 : memref<128x64xf32, #tpu.memory_space<hbm>>) target_semaphore(%run_scoped3A_593 : memref<!tpu.dma_semaphore, #tpu.memory_space<semaphore_mem>>)
        %dma_wait3A_598 = arith.constant 0 : i32
        %dma_wait3A_599 = tpu.memref_slice %arg5[%add3A_592, %dma_wait3A_598] : memref<16384x64xf32, #tpu.memory_space<hbm>> -> memref<128x64xf32, #tpu.memory_space<hbm>>
        %dma_wait3A_600 = arith.constant 0 : i32
        %dma_wait3A_601 = tpu.memref_slice %arg5[%add3A_592, %dma_wait3A_600] : memref<16384x64xf32, #tpu.memory_space<hbm>> -> memref<128x64xf32, #tpu.memory_space<hbm>>
        tpu.wait_dma2 semaphore(%run_scoped3A_593 : memref<!tpu.dma_semaphore, #tpu.memory_space<semaphore_mem>>) src(%arg14 : memref<128x64xf32, #tpu.memory_space<vmem>>) dst(%dma_wait3A_601 : memref<128x64xf32, #tpu.memory_space<hbm>>)
        tpu.yield
      }) : () -> ()
    } else {
    }
    return
  }
}

</mosaic_0001>

<sc_bundles>
// kernel: kernel.3.cloned.1.call-start
scs
__scs_entry_jumppad:
0x0: {  	(pc) =	sbr.rel $0x88, $3  }
0x1: {  	(tag) =	ssettag $0x0;
	lr =	simm.s32 $0x1  }
0x2: {  	[smem:$0x3F9E] =	sst lr;
	_ =	strace $0xD0000000  }
0x3: {  	_ = 	snop  }
0x4: {  	_ = 	snop  }
0x5: {  	_ = 	snop  }
0x6: {  	_ = 	snop  }
0x7: {  	_ = 	snop  }
__scs_overlays_trampoline_lowered:
0x8: {  	[smem:$0x3FAD] =	sst s0  }
0x9: {  	[smem:$0x3FAE] =	sst s1  }
0xa: {  	[smem:$0x3FAF] =	sst s2  }
0xb: {  	[smem:$0x3FB0] =	sst s3  }
0xc: {  	[smem:$0x3FB1] =	sst s4  }
0xd: {  	[smem:$0x3FB2] =	sst s5  }
0xe: {  	[smem:$0x3FB3] =	sst s6  }
0xf: {  	[smem:$0x3FB4] =	sst s7  }
0x10: {  	[smem:$0x3FB5] =	sst s8  }
0x11: {  	[smem:$0x3FB6] =	sst s9;
	s0 =	simm.s32 @!p0 $0x0  }
0x12: {  	s1 =	sld [smem:$0x3F9C];
	s0 =	simm.s32 @p0 $0x1  }
0x13: {  	[smem:$0x3FB7] =	sst s0;
	s0 =	simm.s32 @!p1 $0x0  }
0x14: {  	s2 =	sld [smem:$0x3F9B];
	s0 =	simm.s32 @p1 $0x1  }
0x15: {  	[smem:$0x3FB8] =	sst s0;
	s0 =	simm.s32 @!p2 $0x0  }
0x16: {  	s3 =	sld [smem:$0x3FDB];
	s0 =	simm.s32 @p2 $0x1  }
0x17: {  	s4 =	simm.s32 $0x1BF5;
	[smem:$0x3FBA] =	sst s0  }
0x18: {  	s0 =	sld [smem:$0x3F9D];
	_ =	swait.ge [sflag:s4], $0x0  }
0x19: {  	s7 =	sld [smem:$0x3F9E]  }
0x1a: {  	s8 =	sadd.s32 $0xFFFFE003, lr  }
0x1b: {  	s9 =	sadd.s32 $0xFFFFFEF7, lr;
	s5 =	simm.s32 $0xFFFFFFFF;
	p2 =	slt.u32 s8, $0xFFFFF086  }
0x1c: {  	p1 =	slt.u32 s9, $0xF7A;
	s5 =	simm.s32 @!p2 $0x0  }
0x1d: {  	s5 =	simm.s32 @p1 $0x1;
	p0 =	seq.s32 s7, s2  }
0x1e: {  	s7 =	smul.u32 @!p0 $0xF7A, s2;
	p2 =	seq.s32 @!p0 s5, $0x0  }
0x1f: {  	s9 =	smul.u32 $0xF7A, s1;
	s8 =	simm.s32 @!p0 $0x1BF5;
	p2 =	por !p2, p0  }
0x20: {  	[sflag:s8] =	ssyncset.s32 @!p0 $0xFFFFF086;
	s6 =	sadd.s32 @!p0 s3, s7;
	s7 =	simm.s32 @!p0 $0x108  }
0x21: {  	s3 =	sadd.s32 s3, s9;
	s6 =	sadd.s32 @!p0 $0x88, s6;
	s7 =	simm.s32 @p2 $0x1082  }
0x22: {  	[simem:s7], [sflag:s8] =	dma.local @!p0 [hbm:s6], $0xF7A  }
0x23: {  	s9 =	sor.u32 $0xD0000000, s2;
	s6 =	simm.s32 $0x108;
	_ =	swait.ge @!p0 [sflag:s8], $0x0  }
0x24: {  	s3 =	sadd.s32 $0x88, s3;
	s6 =	simm.s32 @!p1 $0x1082;
	[sflag:s4] =	ssyncset.s32 $0xFFFFF086  }
0x25: {  	[simem:s6], [sflag:s4] =	dma.local [hbm:s3], $0xF7A  }
0x26: {  	[smem:$0x3F9E] =	sst s1;
	(tag) =	ssettag s2;
	_ =	strace s9  }
0x27: {  	s1 =	sld [smem:$0x3FAE]  }
0x28: {  	s2 =	sld [smem:$0x3FAF]  }
0x29: {  	s4 =	sld [smem:$0x3FB1]  }
0x2a: {  	p0 =	seq.s32 s5, $0x0;
	s5 =	sld [smem:$0x3FB2]  }
0x2b: {  	s6 =	sld [smem:$0x3FB3]  }
0x2c: {  	s7 =	sld [smem:$0x3FB4]  }
0x2d: {  	s3 =	simm.s32 $0x108;
	s8 =	sld [smem:$0x3FB5]  }
0x2e: {  	s3 =	simm.s32 @!p0 $0x1082;
	s9 =	sld [smem:$0x3FB6]  }
0x2f: {  	lr =	sadd.s32 s0, s3;
	s0 =	sld [smem:$0x3FAD]  }
0x30: {  	s3 =	sld [smem:$0x3FB0]  }
0x31: {  	[smem:$0x3FB9] =	sst s10  }
0x32: {  	s10 =	sld [smem:$0x3FB7];
	_ =	sdelay $0x3  }
0x33: {  	p0 =	seq.s32 s10, $0x1;
	s10 =	sld [smem:$0x3FB9];
	_ =	sdelay $0x3  }
0x34: {  	[smem:$0x3FB9] =	sst s10  }
0x35: {  	s10 =	sld [smem:$0x3FB8];
	_ =	sdelay $0x3  }
0x36: {  	p1 =	seq.s32 s10, $0x1;
	s10 =	sld [smem:$0x3FB9];
	_ =	sdelay $0x3  }
0x37: {  	[smem:$0x3FB9] =	sst s10  }
0x38: {  	s10 =	sld [smem:$0x3FBA]  }
0x39: {  	_ = 	snop;
	(pc) =	sbr.ind lr, $3  }
0x3a: {  	_ = 	snop  }
0x3b: {  	_ = 	snop  }
0x3c: {  	p2 =	seq.s32 s10, $0x1;
	s10 =	sld [smem:$0x3FB9]  }
0x3d: {  	_ =	shalt  }
0x3e: {  	_ =	shalt  }
0x3f: {  	_ =	shalt  }
0x40: {  	_ =	shalt  }
0x41: {  	_ =	shalt  }
0x42: {  	_ =	shalt  }
0x43: {  	_ =	shalt  }
0x44: {  	_ =	shalt  }
0x45: {  	_ =	shalt  }
0x46: {  	_ =	shalt  }
0x47: {  	_ =	shalt  }
0x48: {  	_ =	shalt  }
0x49: {  	_ =	shalt  }
0x4a: {  	_ =	shalt  }
0x4b: {  	_ =	shalt  }
0x4c: {  	_ =	shalt  }
0x4d: {  	_ =	shalt  }
0x4e: {  	_ =	shalt  }
0x4f: {  	_ =	shalt  }
0x50: {  	_ =	shalt  }
0x51: {  	_ =	shalt  }
0x52: {  	_ =	shalt  }
0x53: {  	_ =	shalt  }
0x54: {  	_ =	shalt  }
0x55: {  	_ =	shalt  }
0x56: {  	_ =	shalt  }
0x57: {  	_ =	shalt  }
0x58: {  	_ =	shalt  }
0x59: {  	_ =	shalt  }
0x5a: {  	_ =	shalt  }
0x5b: {  	_ =	shalt  }
0x5c: {  	_ =	shalt  }
0x5d: {  	_ =	shalt  }
0x5e: {  	_ =	shalt  }
0x5f: {  	_ =	shalt  }
0x60: {  	_ =	shalt  }
0x61: {  	_ =	shalt  }
0x62: {  	_ =	shalt  }
0x63: {  	_ =	shalt  }
0x64: {  	_ =	shalt  }
0x65: {  	_ =	shalt  }
0x66: {  	_ =	shalt  }
0x67: {  	_ =	shalt  }
0x68: {  	_ =	shalt  }
0x69: {  	_ =	shalt  }
0x6a: {  	_ =	shalt  }
0x6b: {  	_ =	shalt  }
0x6c: {  	_ =	shalt  }
0x6d: {  	_ =	shalt  }
0x6e: {  	_ =	shalt  }
0x6f: {  	_ =	shalt  }
0x70: {  	_ =	shalt  }
0x71: {  	_ =	shalt  }
0x72: {  	_ =	shalt  }
0x73: {  	_ =	shalt  }
0x74: {  	_ =	shalt  }
0x75: {  	_ =	shalt  }
0x76: {  	_ =	shalt  }
0x77: {  	_ =	shalt  }
0x78: {  	_ =	shalt  }
0x79: {  	_ =	shalt  }
0x7a: {  	_ =	shalt  }
0x7b: {  	_ =	shalt  }
0x7c: {  	_ =	shalt  }
0x7d: {  	_ =	shalt  }
0x7e: {  	_ =	shalt  }
0x7f: {  	_ =	shalt  }
0x80: {  	_ =	shalt  }
0x81: {  	_ =	shalt  }
0x82: {  	_ =	shalt  }
0x83: {  	_ =	shalt  }
0x84: {  	_ =	shalt  }
0x85: {  	_ =	shalt  }
0x86: {  	_ =	shalt  }
0x87: {  	_ =	shalt  }
.Lfunc_end0:
.L_simem_size_0:
called_computation_lowered:
.L_overlay_start_0:
0x88: {  	s2 =	sld [smem:$0x3FD9]  }
0x89: {  	s3 =	sld [smem:$0x3FFE];
	_ =	sdelay $0x1  }
0x8a: {  	s1 =	srdreg.scid  }
0x8b: {  	s0 =	sand.u32 $0x1, s1  }
0x8c: {  	s17 =	sshll.u32 s0, $0xA;
	s2 =	sadd.s32 s3, s2  }
0x8d: {  	s2 =	sadd.s32 s2, s17  }
0x8e: {  	[smem:$0x3FC5] =	sst s2  }
0x8f: {  	_ = 	snop  }
0x90: {  	s2 =	sld [smem:$0x3FC8]  }
0x91: {  	s18 =	sld [smem:$0x3FD0];
	(tm) =	ssettm $0x1  }
0x92: {  	s4 =	sld [smem:$0x3FFB];
	_ =	sdelay $0x3  }
0x93: {  	_ =	strace s4  }
0x94: {  	s4 =	sld [smem:$0x3FFC];
	_ =	sdelay $0x3  }
0x95: {  	_ =	strace s4  }
0x96: {  	s4 =	sld [smem:$0x3FFD];
	_ =	sdelay $0x3  }
0x97: {  	_ =	strace s4  }
0x98: {  	_ =	strace $0x8FFFFFFF  }
0x99: {  	s19 =	sld [smem:$0x3FDB];
	_ =	sdelay $0x1  }
0x9a: {  	s5 =	simm.s32 $_scs_section_size  }
0x9b: {  	s6 =	simm.s32 $_size__tile_overlayer_lowered;
	s7 =	simm.s32 $_tile_overlayer_lowered  }
0x9c: {  	s22 =	simm.s32 $0x1BFF;
	s21 =	sshll.u32 s7, $0x1;
	s4 =	sadd.s32 s5, s19  }
0x9d: {  	s8 =	simm.s32 $0x0;
	s20 =	sshll.u32 s6, $0x1;
	s6 =	sadd.s32 s21, s4  }
0x9e: {  	[timem:s8], [sflag:s22] =	dma.local [hbm:s6], s20  }
0x9f: {  	_ =	swait.ge [sflag:s22], s20  }
0xa0: {  	s5 =	ssub.s32 $0x0, s20;
	[sflag:s22] =	ssyncset.done $0x0  }
0xa1: {  	[sflag:s22] =	ssyncadd.s32 s5;
	_ =	sdelay $0x1  }
0xa2: {  	s23 =	simm.s32 $0x1B8B  }
0xa3: {  	_ =	swait.ge [sflag:s23], $0x1  }
0xa4: {  	[sflag:s23] =	ssyncset.done $0x0  }
0xa5: {  	s25 =	simm.s32 $0x1B8E;
	s24 =	sld [smem:$0x3FFE];
	[sflag:s23] =	ssyncadd.s32 $0xFFFFFFFF  }
0xa6: {  	s26 =	simm.s32 $execute0_lowered;
	[smem:$0x3FD2] =	sst s25  }
0xa7: {  	s6 =	sshll.u32 s26, $0x1;
	_ =	strace $0x80000046;
	[dreg:$0x1] =	wrdreg $0xFFFFFFFF  }
0xa8: {  	s28 =	simm.s32 $_size_execute0_lowered;
	s4 =	sadd.s32 s4, s6;
	[dreg:$0x0] =	wrdreg $0x0  }
0xa9: {  	s6 =	sshll.u32 s28, $0x1;
	[dreg:$0x2] =	wrdreg s4  }
0xaa: {  	[dreg:$0x3] =	wrdreg s6  }
0xab: {  	[dreg:$0x4] =	wrdreg $0xC0  }
0xac: {  	_ =	task [dreg:s8], $0x5FFFF  }
0xad: {  	[dreg:$0x1] =	wrdreg $0xFFFFFFFF  }
0xae: {  	[dreg:$0x0] =	wrdreg $0x60  }
0xaf: {  	[dreg:$0x2] =	wrdreg s24  }
0xb0: {  	[dreg:$0x3] =	wrdreg s2  }
0xb1: {  	[dreg:$0x4] =	wrdreg s18  }
0xb2: {  	[dreg:$0x5] =	wrdreg $0x7A180  }
0xb3: {  	[dreg:$0x6] =	wrdreg $0x0  }
0xb4: {  	[dreg:$0x7] =	wrdreg $0x9  }
0xb5: {  	_ =	task.clear_ibuf [dreg:s8], $0x8FFFF;
	_ =	strace $0x90000046  }
0xb6: {  	s29 =	simm.s32 $0x9;
	_ =	strace $0x80000048  }
0xb7: {  	_ =	swait.ge [sflag:s29], $0x1  }
0xb8: {  	[sflag:s29] =	ssyncadd.s32 $0xFFFFFFFF  }
0xb9: {  	_ =	strace $0x90000048  }
0xba: {  	_ =	sfence  }
0xbb: {  	s30 =	sld [smem:$0x0];
	_ =	sdelay $0x2  }
0xbc: {  	s31 =	sshll.u32 s1, $0xD;
	s1 =	sshrl.u32 s1, $0x2  }
0xbd: {  	s3 =	sand.u32 $0x4000, s31;
	s1 =	sadd.s32 s1, s30  }
0xbe: {  	s0 =	sor.u32 s3, s0;
	s1 =	sshll.u32 s1, $0x11  }
0xbf: {  	s0 =	sor.u32 s1, s0  }
0xc0: {  	s0 =	sadd.s32 $0x8F2B, s0  }
0xc1: {  	[sflag:s0] =	ssyncadd.remote.s32 $0x1  }
0xc2: {  	_ =	sfence.sel $0xFFFF  }
0xc3: {  	[dreg:$0x0] =	wrdreg $0xFFFFFFFF;
	(pc) =	sbr.abs _section_cstart, $3  }
0xc4: {  	[dreg:$0x1] =	wrdreg $0xFFFFFFFF  }
0xc5: {  	_ =	task.clear_ibuf [dreg:s8], $0x2FFFF;
	_ =	strace $0x9FFFFFFF  }
0xc6: {  	(tm) =	ssettm $0x7FFFFFFF  }
0xc7: {  	_ =	shalt  }
tec
execute0_lowered:
.L_overlay_start_1:
0x0: {  	(tag) =	ssettag $0x1  }
0x1: {  	s1 =	srdreg.scid  }
0x2: {  	s13 =	rddreg [dreg:$0x0];
	s1 =	sand.u32 $0x1, s1  }
0x3: {  	s3 =	rddreg [dreg:$0x1];
	p0 =	seq.s32 s1, $0x1  }
.Ltmp0:
0x4: {  	s0 =	rddreg [dreg:$0x2];
	(pc) =	sbr.rel @p0 .LBB2_20-.Ltmp0, $4  }
0x5: {  	s2 =	rddreg [dreg:$0x3]  }
0x6: {  	s10 =	rddreg [dreg:$0x4];
	s14 =	simm.s32 $0x0  }
0x7: {  	[smem:$0x7FF] =	sst s14  }
0x8: {  	s4 =	rddreg [dreg:$0x5];
	_ =	strace $0x80000047;
	s1 =	stileid.u32  }
0x9: {  	s4 =	sshll.u32 s1, $0x7  }
0xa: {  	s5 =	simm.s32 $0x17A18;
	s4 =	sadd.s32 s3, s4  }
0xb: {  	[tilespmem:s5], [sflag:$0x2] =	stream.linear.gather [hbm4b:s4+s14], $0x80, $0x38;
	[tilespmem:$0x1EA98] =	vst v63  }
0xc: {  	s15 =	simm.s32 $0x2;
	s4 =	sshll.u32 s1, $0xA  }
0xd: {  	s5 =	sor.u32 $0x80, s4;
	_ =	swait.ge [sflag:s15], $0x80  }
0xe: {  	s6 =	sshrl.u32 s5, $0x3;
	[sflag:s15] =	ssyncset.done $0x0  }
0xf: {  	s7 =	simm.s32 $0x17A98;
	s6 =	sadd.s32 s3, s6;
	[sflag:s15] =	ssyncadd.s32 $0xFFFFFF80  }
0x10: {  	[tilespmem:s7], [sflag:$0x2] =	stream.linear.gather [hbm4b:s6+s14], $0x80, $0x38;
	[tilespmem:$0x1EA98] =	vst v63  }
0x11: {  	s6 =	sor.u32 $0x100, s4;
	_ =	swait.ge [sflag:s15], $0x80  }
0x12: {  	s12 =	sshrl.u32 s6, $0x3;
	[sflag:s15] =	ssyncset.done $0x0  }
0x13: {  	s8 =	simm.s32 $0x17B18;
	s7 =	sadd.s32 s3, s12;
	[sflag:s15] =	ssyncadd.s32 $0xFFFFFF80  }
0x14: {  	[tilespmem:s8], [sflag:$0x2] =	stream.linear.gather [hbm4b:s7+s14], $0x80, $0x38;
	[tilespmem:$0x1EA98] =	vst v63  }
0x15: {  	s7 =	sor.u32 $0x180, s4;
	_ =	swait.ge [sflag:s15], $0x80  }
0x16: {  	s16 =	sshrl.u32 s7, $0x3;
	[sflag:s15] =	ssyncset.done $0x0  }
0x17: {  	s9 =	simm.s32 $0x17B98;
	s8 =	sadd.s32 s3, s16;
	[sflag:s15] =	ssyncadd.s32 $0xFFFFFF80  }
0x18: {  	[tilespmem:s9], [sflag:$0x2] =	stream.linear.gather [hbm4b:s8+s14], $0x80, $0x38;
	[tilespmem:$0x1EA98] =	vst v63  }
0x19: {  	s8 =	sor.u32 $0x200, s4;
	_ =	swait.ge [sflag:s15], $0x80  }
0x1a: {  	s17 =	sshrl.u32 s8, $0x3;
	[sflag:s15] =	ssyncset.done $0x0  }
0x1b: {  	s11 =	simm.s32 $0x17C18;
	s9 =	sadd.s32 s3, s17;
	[sflag:s15] =	ssyncadd.s32 $0xFFFFFF80  }
0x1c: {  	[tilespmem:s11], [sflag:$0x2] =	stream.linear.gather [hbm4b:s9+s14], $0x80, $0x38;
	[tilespmem:$0x1EA98] =	vst v63  }
0x1d: {  	s9 =	sor.u32 $0x280, s4;
	_ =	swait.ge [sflag:s15], $0x80  }
0x1e: {  	s18 =	sshrl.u32 s9, $0x3;
	[sflag:s15] =	ssyncset.done $0x0  }
0x1f: {  	s12 =	simm.s32 $0x17C98;
	s11 =	sadd.s32 s3, s18;
	[sflag:s15] =	ssyncadd.s32 $0xFFFFFF80  }
0x20: {  	[tilespmem:s12], [sflag:$0x2] =	stream.linear.gather [hbm4b:s11+s14], $0x80, $0x38;
	[tilespmem:$0x1EA98] =	vst v63  }
0x21: {  	s11 =	sor.u32 $0x300, s4;
	_ =	swait.ge [sflag:s15], $0x80  }
0x22: {  	s19 =	sshrl.u32 s11, $0x3;
	[sflag:s15] =	ssyncset.done $0x0  }
0x23: {  	s16 =	simm.s32 $0x17D18;
	s12 =	sadd.s32 s3, s19;
	[sflag:s15] =	ssyncadd.s32 $0xFFFFFF80  }
0x24: {  	[tilespmem:s16], [sflag:$0x2] =	stream.linear.gather [hbm4b:s12+s14], $0x80, $0x38;
	[tilespmem:$0x1EA98] =	vst v63  }
0x25: {  	s12 =	sor.u32 $0x380, s4;
	_ =	swait.ge [sflag:s15], $0x80  }
0x26: {  	s20 =	sshrl.u32 s12, $0x3;
	[sflag:s15] =	ssyncset.done $0x0  }
0x27: {  	s22 =	simm.s32 $0x17D98;
	s21 =	sadd.s32 s3, s20;
	[sflag:s15] =	ssyncadd.s32 $0xFFFFFF80  }
0x28: {  	[tilespmem:s22], [sflag:$0x2] =	stream.linear.gather [hbm4b:s21+s14], $0x80, $0x38;
	[tilespmem:$0x1EA98] =	vst v63  }
0x29: {  	_ =	swait.ge [sflag:s15], $0x80  }
0x2a: {  	v0 =	vlaneseq.u32;
	[sflag:s15] =	ssyncset.done $0x0  }
0x2b: {  	s23 =	sor.u32 $0x10, s4;
	v1 =	vor.u32 s4, v0;
	[sflag:s15] =	ssyncadd.s32 $0xFFFFFF80  }
0x2c: {  	s24 =	sor.u32 $0x20, s4;
	v2 =	vor.u32 s23, v0;
	[tilespmem:$0x18618] =	vst v1  }
0x2d: {  	s25 =	sor.u32 $0x30, s4;
	v1 =	vor.u32 s24, v0;
	[tilespmem:$0x18628] =	vst v2  }
0x2e: {  	s26 =	sor.u32 $0x40, s4;
	v2 =	vor.u32 s25, v0;
	[tilespmem:$0x18638] =	vst v1  }
0x2f: {  	s30 =	sor.u32 $0x50, s4;
	v1 =	vor.u32 s26, v0;
	[tilespmem:$0x18648] =	vst v2  }
0x30: {  	s31 =	sor.u32 $0x60, s4;
	v2 =	vor.u32 s30, v0;
	[tilespmem:$0x18658] =	vst v1  }
0x31: {  	s15 =	sor.u32 $0x70, s4;
	v1 =	vor.u32 s31, v0;
	[tilespmem:$0x18668] =	vst v2  }
0x32: {  	v2 =	vor.u32 s15, v0;
	[tilespmem:$0x18678] =	vst v1  }
0x33: {  	s16 =	sor.u32 $0x90, s4;
	v1 =	vor.u32 s5, v0;
	[tilespmem:$0x18688] =	vst v2  }
0x34: {  	s17 =	sor.u32 $0xA0, s4;
	v2 =	vor.u32 s16, v0;
	[tilespmem:$0x18698] =	vst v1  }
0x35: {  	s18 =	sor.u32 $0xB0, s4;
	v1 =	vor.u32 s17, v0;
	[tilespmem:$0x186A8] =	vst v2  }
0x36: {  	s19 =	sor.u32 $0xC0, s4;
	v2 =	vor.u32 s18, v0;
	[tilespmem:$0x186B8] =	vst v1  }
0x37: {  	s20 =	sor.u32 $0xD0, s4;
	v1 =	vor.u32 s19, v0;
	[tilespmem:$0x186C8] =	vst v2  }
0x38: {  	s21 =	sor.u32 $0xE0, s4;
	v2 =	vor.u32 s20, v0;
	[tilespmem:$0x186D8] =	vst v1  }
0x39: {  	s22 =	sor.u32 $0xF0, s4;
	v1 =	vor.u32 s21, v0;
	[tilespmem:$0x186E8] =	vst v2  }
0x3a: {  	v2 =	vor.u32 s22, v0;
	[tilespmem:$0x186F8] =	vst v1  }
0x3b: {  	s23 =	sor.u32 $0x110, s4;
	v1 =	vor.u32 s6, v0;
	[tilespmem:$0x18708] =	vst v2  }
0x3c: {  	s24 =	sor.u32 $0x120, s4;
	v2 =	vor.u32 s23, v0;
	[tilespmem:$0x18718] =	vst v1  }
0x3d: {  	s25 =	sor.u32 $0x130, s4;
	v1 =	vor.u32 s24, v0;
	[tilespmem:$0x18728] =	vst v2  }
0x3e: {  	s26 =	sor.u32 $0x140, s4;
	v2 =	vor.u32 s25, v0;
	[tilespmem:$0x18738] =	vst v1  }
0x3f: {  	s30 =	sor.u32 $0x150, s4;
	v1 =	vor.u32 s26, v0;
	[tilespmem:$0x18748] =	vst v2  }
0x40: {  	s31 =	sor.u32 $0x160, s4;
	v2 =	vor.u32 s30, v0;
	[tilespmem:$0x18758] =	vst v1  }
0x41: {  	s15 =	sor.u32 $0x170, s4;
	v1 =	vor.u32 s31, v0;
	[tilespmem:$0x18768] =	vst v2  }
0x42: {  	v2 =	vor.u32 s15, v0;
	[tilespmem:$0x18778] =	vst v1  }
0x43: {  	s16 =	sor.u32 $0x190, s4;
	v1 =	vor.u32 s7, v0;
	[tilespmem:$0x18788] =	vst v2  }
0x44: {  	s17 =	sor.u32 $0x1A0, s4;
	v2 =	vor.u32 s16, v0;
	[tilespmem:$0x18798] =	vst v1  }
0x45: {  	s18 =	sor.u32 $0x1B0, s4;
	v1 =	vor.u32 s17, v0;
	[tilespmem:$0x187A8] =	vst v2  }
0x46: {  	s19 =	sor.u32 $0x1C0, s4;
	v2 =	vor.u32 s18, v0;
	[tilespmem:$0x187B8] =	vst v1  }
0x47: {  	s20 =	sor.u32 $0x1D0, s4;
	v1 =	vor.u32 s19, v0;
	[tilespmem:$0x187C8] =	vst v2  }
0x48: {  	s21 =	sor.u32 $0x1E0, s4;
	v2 =	vor.u32 s20, v0;
	[tilespmem:$0x187D8] =	vst v1  }
0x49: {  	s22 =	sor.u32 $0x1F0, s4;
	v1 =	vor.u32 s21, v0;
	[tilespmem:$0x187E8] =	vst v2  }
0x4a: {  	v2 =	vor.u32 s22, v0;
	[tilespmem:$0x187F8] =	vst v1  }
0x4b: {  	s23 =	sor.u32 $0x210, s4;
	v1 =	vor.u32 s8, v0;
	[tilespmem:$0x18808] =	vst v2  }
0x4c: {  	s24 =	sor.u32 $0x220, s4;
	v2 =	vor.u32 s23, v0;
	[tilespmem:$0x18818] =	vst v1  }
0x4d: {  	s25 =	sor.u32 $0x230, s4;
	v1 =	vor.u32 s24, v0;
	[tilespmem:$0x18828] =	vst v2  }
0x4e: {  	s26 =	sor.u32 $0x240, s4;
	v2 =	vor.u32 s25, v0;
	[tilespmem:$0x18838] =	vst v1  }
0x4f: {  	s30 =	sor.u32 $0x250, s4;
	v1 =	vor.u32 s26, v0;
	[tilespmem:$0x18848] =	vst v2  }
0x50: {  	s31 =	sor.u32 $0x260, s4;
	v2 =	vor.u32 s30, v0;
	[tilespmem:$0x18858] =	vst v1  }
0x51: {  	s15 =	sor.u32 $0x270, s4;
	v1 =	vor.u32 s31, v0;
	[tilespmem:$0x18868] =	vst v2  }
0x52: {  	v2 =	vor.u32 s15, v0;
	[tilespmem:$0x18878] =	vst v1  }
0x53: {  	s16 =	sor.u32 $0x290, s4;
	v1 =	vor.u32 s9, v0;
	[tilespmem:$0x18888] =	vst v2  }
0x54: {  	s3 =	sadd.s32 $0xF42A00, s13;
	s17 =	sor.u32 $0x2A0, s4;
	v2 =	vor.u32 s16, v0;
	[tilespmem:$0x18898] =	vst v1  }
0x55: {  	s18 =	sor.u32 $0x2B0, s4;
	s19 =	sor.u32 $0x2C0, s4;
	s20 =	sor.u32 $0x2D0, s4;
	v1 =	vor.u32 s17, v0;
	[tilespmem:$0x188A8] =	vst v2  }
0x56: {  	s22 =	sadd.s32 $0x600, s13;
	s21 =	sshll.u32 s1, $0x10;
	s23 =	sor.u32 $0x2E0, s4;
	v2 =	vor.u32 s18, v0;
	[tilespmem:$0x188B8] =	vst v1  }
0x57: {  	s21 =	sadd.s32 s21, s2;
	s24 =	sshll.u32 s5, $0x6;
	s25 =	sshll.u32 s6, $0x6;
	v1 =	vor.u32 s19, v0;
	[tilespmem:$0x188C8] =	vst v2  }
0x58: {  	s5 =	sshll.u32 s5, $0x3;
	s6 =	sshll.u32 s6, $0x3;
	s24 =	sadd.s32 s24, s2;
	v2 =	vor.u32 s20, v0;
	[tilespmem:$0x188D8] =	vst v1  }
0x59: {  	s13 =	sadd.s32 s25, s2;
	s26 =	sshll.u32 s7, $0x6;
	s17 =	sor.u32 $0x2F0, s4;
	v1 =	vor.u32 s23, v0;
	[tilespmem:$0x188E8] =	vst v2  }
0x5a: {  	s30 =	sshll.u32 s8, $0x6;
	s7 =	sshll.u32 s7, $0x3;
	s8 =	sshll.u32 s8, $0x3;
	v2 =	vor.u32 s17, v0;
	[tilespmem:$0x188F8] =	vst v1  }
0x5b: {  	s31 =	sor.u32 $0x310, s4;
	s26 =	sadd.s32 s26, s2;
	s15 =	sor.u32 $0x320, s4;
	v1 =	vor.u32 s11, v0;
	[tilespmem:$0x18908] =	vst v2  }
0x5c: {  	s16 =	sshll.u32 s9, $0x6;
	s9 =	sshll.u32 s9, $0x3;
	s18 =	sor.u32 $0x330, s4;
	v2 =	vor.u32 s31, v0;
	[tilespmem:$0x18918] =	vst v1  }
0x5d: {  	s28 =	sadd.s32 s16, s2;
	s16 =	sadd.s32 s0, s8;
	s19 =	sor.u32 $0x340, s4;
	v1 =	vor.u32 s15, v0;
	[tilespmem:$0x18928] =	vst v2  }
0x5e: {  	s20 =	sshll.u32 s12, $0x6;
	s23 =	sadd.s32 s30, s2;
	s17 =	sshll.u32 s11, $0x6;
	v2 =	vor.u32 s18, v0;
	[tilespmem:$0x18938] =	vst v1  }
0x5f: {  	s30 =	sshll.u32 s1, $0xD;
	s29 =	sadd.s32 s20, s2;
	s31 =	sor.u32 $0x350, s4;
	v1 =	vor.u32 s19, v0;
	[tilespmem:$0x18948] =	vst v2  }
0x60: {  	s20 =	sadd.s32 s0, s5;
	s25 =	sadd.s32 s17, s2;
	s15 =	sor.u32 $0x360, s4;
	v2 =	vor.u32 s31, v0;
	[tilespmem:$0x18958] =	vst v1  }
0x61: {  	s17 =	sor.u32 $0x370, s4;
	s11 =	sshll.u32 s11, $0x3;
	s18 =	sadd.s32 s0, s6;
	v1 =	vor.u32 s15, v0;
	[tilespmem:$0x18968] =	vst v2  }
0x62: {  	s14 =	sadd.s32 s0, s11;
	s11 =	sadd.s32 s22, s11;
	s19 =	sadd.s32 s0, s30;
	v2 =	vor.u32 s17, v0;
	[tilespmem:$0x18978] =	vst v1  }
0x63: {  	s31 =	sor.u32 $0x390, s4;
	s30 =	sadd.s32 s22, s30;
	[dreg:$0x7] =	wrdreg s11;
	v1 =	vor.u32 s12, v0;
	[tilespmem:$0x18988] =	vst v2  }
0x64: {  	s15 =	sor.u32 $0x3A0, s4;
	[dreg:$0xd] =	wrdreg s30;
	v2 =	vor.u32 s31, v0;
	s31 =	sor.u32 $0x3B0, s4;
	[tilespmem:$0x18998] =	vst v1  }
0x65: {  	s30 =	sadd.s32 s22, s5;
	s12 =	sshll.u32 s12, $0x3;
	v1 =	vor.u32 s15, v0;
	[tilespmem:$0x189A8] =	vst v2;
	v2 =	vor.u32 s31, v0;
	s31 =	sor.u32 $0x3C0, s4  }
0x66: {  	[dreg:$0xc] =	wrdreg s30;
	s15 =	sadd.s32 s0, s9;
	[tilespmem:$0x189B8] =	vst v1;
	v1 =	vor.u32 s31, v0;
	s31 =	sadd.s32 s0, s12  }
0x67: {  	s9 =	sadd.s32 s22, s9;
	[dreg:$0xe] =	wrdreg s31;
	s31 =	sor.u32 $0x3D0, s4  }
0x68: {  	s5 =	sor.u32 $0x3E0, s4;
	[tilespmem:$0x189C8] =	vst v2;
	[dreg:$0x8] =	wrdreg s9;
	v2 =	vor.u32 s31, v0;
	s31 =	sadd.s32 s22, s6  }
0x69: {  	s17 =	sadd.s32 s0, s7;
	[tilespmem:$0x189D8] =	vst v1;
	v1 =	vor.u32 s5, v0;
	s6 =	sadd.s32 s22, s7;
	[dreg:$0xb] =	wrdreg s31  }
0x6a: {  	s7 =	sadd.s32 s22, s8;
	s8 =	sor.u32 $0x3F0, s4;
	[tilespmem:$0x189F8] =	vst v1;
	[dreg:$0xa] =	wrdreg s6  }
0x6b: {  	s30 =	sor.u32 $0x7A120, s1;
	[tilespmem:$0x189E8] =	vst v2;
	[dreg:$0x9] =	wrdreg s7;
	v2 =	vor.u32 s8, v0;
	s31 =	sadd.s32 s22, s12  }
0x6c: {  	s0 =	simm.s32 $0x0;
	v1 =	vimm.f32 $0.0e+00;
	s4 =	simm.s32 $0x100;
	v0 =	vmov s30;
	[dreg:$0x6] =	wrdreg s31;
	[tilespmem:$0x18A08] =	vst v2  }
.LBB2_2:
0x6d: {  	p0 =	sne.s32 s4, $0x7F00;
	[tilespmem:s0+$0x18AC8] =	vst v1;
	s5 =	smov.u32 s4;
	s4 =	sadd.s32 $0x100, s4  }
.Ltmp1:
0x6e: {  	[tilespmem:s0+$0x18AB8] =	vst v1;
	(pc) =	sbr.rel @p0 .LBB2_2-.Ltmp1, $3  }
0x6f: {  	[tilespmem:s0+$0x18A98] =	vst v1  }
0x70: {  	[tilespmem:s0+$0x18AA8] =	vst v1;
	_ =	sdelay $0x1  }
0x71: {  	s0 =	sshra.s32 s5, $0x2  }
0x72: {  	[tilespmem:s0+$0x18AC8] =	vst v1  }
0x73: {  	[tilespmem:s0+$0x18AB8] =	vst v1  }
0x74: {  	[tilespmem:s0+$0x18A98] =	vst v1  }
0x75: {  	[tilespmem:s0+$0x18AA8] =	vst v1;
	s22 =	simm.s32 $0x18A98  }
0x76: {  	[spmem:s21] =	stream.linear.scatter [tilespmem:s22], [sflag:$0x2], $0x2000, $0x38;
	[tilespmem:$0x1EA98] =	vst v63  }
0x77: {  	s21 =	simm.s32 $0x2  }
0x78: {  	_ =	swait.ge [sflag:s21], $0x2000  }
0x79: {  	[sflag:s21] =	ssyncset.done $0x0  }
0x7a: {  	[sflag:s21] =	ssyncadd.s32 $0xFFFFE000  }
0x7b: {  	[spmem:s24] =	stream.linear.scatter [tilespmem:s22], [sflag:$0x2], $0x2000, $0x38;
	[tilespmem:$0x1EA98] =	vst v63  }
0x7c: {  	_ =	swait.ge [sflag:s21], $0x2000  }
0x7d: {  	[sflag:s21] =	ssyncset.done $0x0  }
0x7e: {  	[sflag:s21] =	ssyncadd.s32 $0xFFFFE000  }
0x7f: {  	[spmem:s13] =	stream.linear.scatter [tilespmem:s22], [sflag:$0x2], $0x2000, $0x38;
	[tilespmem:$0x1EA98] =	vst v63  }
0x80: {  	_ =	swait.ge [sflag:s21], $0x2000  }
0x81: {  	[sflag:s21] =	ssyncset.done $0x0  }
0x82: {  	[sflag:s21] =	ssyncadd.s32 $0xFFFFE000  }
0x83: {  	[spmem:s26] =	stream.linear.scatter [tilespmem:s22], [sflag:$0x2], $0x2000, $0x38;
	[tilespmem:$0x1EA98] =	vst v63  }
0x84: {  	_ =	swait.ge [sflag:s21], $0x2000  }
0x85: {  	[sflag:s21] =	ssyncset.done $0x0  }
0x86: {  	[sflag:s21] =	ssyncadd.s32 $0xFFFFE000  }
0x87: {  	[spmem:s23] =	stream.linear.scatter [tilespmem:s22], [sflag:$0x2], $0x2000, $0x38;
	[tilespmem:$0x1EA98] =	vst v63  }
0x88: {  	_ =	swait.ge [sflag:s21], $0x2000  }
0x89: {  	[sflag:s21] =	ssyncset.done $0x0  }
0x8a: {  	[sflag:s21] =	ssyncadd.s32 $0xFFFFE000  }
0x8b: {  	[spmem:s28] =	stream.linear.scatter [tilespmem:s22], [sflag:$0x2], $0x2000, $0x38;
	[tilespmem:$0x1EA98] =	vst v63  }
0x8c: {  	_ =	swait.ge [sflag:s21], $0x2000  }
0x8d: {  	[sflag:s21] =	ssyncset.done $0x0  }
0x8e: {  	[sflag:s21] =	ssyncadd.s32 $0xFFFFE000  }
0x8f: {  	[spmem:s25] =	stream.linear.scatter [tilespmem:s22], [sflag:$0x2], $0x2000, $0x38;
	[tilespmem:$0x1EA98] =	vst v63  }
0x90: {  	_ =	swait.ge [sflag:s21], $0x2000  }
0x91: {  	[sflag:s21] =	ssyncset.done $0x0  }
0x92: {  	[sflag:s21] =	ssyncadd.s32 $0xFFFFE000  }
0x93: {  	[spmem:s29] =	stream.linear.scatter [tilespmem:s22], [sflag:$0x2], $0x2000, $0x38;
	[tilespmem:$0x1EA98] =	vst v63  }
0x94: {  	_ =	swait.ge [sflag:s21], $0x2000  }
0x95: {  	[sflag:s21] =	ssyncset.done $0x0  }
0x96: {  	[sflag:s21] =	ssyncadd.s32 $0xFFFFE000  }
0x97: {  	v1 =	vld [tilespmem:$0x17A18]  }
0x98: {  	v2 =	vld [tilespmem:$0x17A28]  }
0x99: {  	v3 =	vld [tilespmem:$0x17A38]  }
0x9a: {  	v4 =	vld [tilespmem:$0x17A48]  }
0x9b: {  	v5 =	vld [tilespmem:$0x17A58]  }
0x9c: {  	v6 =	vld [tilespmem:$0x17A68];
	vm0 =	vlt.u32 v1, $0x7A120  }
0x9d: {  	v7 =	vld [tilespmem:$0x17A78];
	vm13 =	vlt.u32 v2, $0x7A120;
	v1 =	vsel vm0, v1, v0  }
0x9e: {  	vm14 =	vlt.u32 v3, $0x7A120;
	[tilespmem:$0x18218] =	vst v1;
	v1 =	vsel vm13, v2, v0;
	v2 =	vld [tilespmem:$0x17A88]  }
0x9f: {  	vm15 =	vlt.u32 v4, $0x7A120;
	[tilespmem:$0x18228] =	vst v1;
	v1 =	vsel vm14, v3, v0  }
0xa0: {  	vm4 =	vlt.u32 v5, $0x7A120;
	[tilespmem:$0x18238] =	vst v1;
	v1 =	vsel vm15, v4, v0  }
0xa1: {  	vm5 =	vlt.u32 v6, $0x7A120;
	[tilespmem:$0x18248] =	vst v1;
	v1 =	vsel vm4, v5, v0  }
0xa2: {  	vm6 =	vlt.u32 v7, $0x7A120;
	[tilespmem:$0x18258] =	vst v1;
	v1 =	vsel vm5, v6, v0  }
0xa3: {  	[tilespmem:$0x18268] =	vst v1;
	v1 =	vsel vm6, v7, v0;
	vm7 =	vlt.u32 v2, $0x7A120  }
0xa4: {  	[tilespmem:$0x18278] =	vst v1;
	v1 =	vsel vm7, v2, v0  }
0xa5: {  	s4 =	simm.s32 $0x18218;
	s13 =	simm.s32 $0x18618;
	s23 =	simm.s32 $0x80;
	[tilespmem:$0x18288] =	vst v1  }
0xa6: {  	[spmem:s10] =	stream.indirect.scatter [tilespmem:s13], [sflag:$0x2], $0x1, s4, s23, $0xb8;
	[tilespmem:$0x1EA98] =	vst v63  }
0xa7: {  	_ =	swait.ge [sflag:s21], $0x80  }
0xa8: {  	[sflag:s21] =	ssyncset.done $0x0  }
0xa9: {  	[sflag:s21] =	ssyncadd.s32 $0xFFFFFF80  }
0xaa: {  	v1 =	vld [tilespmem:$0x17A98]  }
0xab: {  	v2 =	vld [tilespmem:$0x17AA8]  }
0xac: {  	v3 =	vld [tilespmem:$0x17AB8]  }
0xad: {  	v4 =	vld [tilespmem:$0x17AC8]  }
0xae: {  	v5 =	vld [tilespmem:$0x17AD8]  }
0xaf: {  	v6 =	vld [tilespmem:$0x17AE8];
	vm8 =	vlt.u32 v1, $0x7A120  }
0xb0: {  	v7 =	vld [tilespmem:$0x17AF8];
	vm9 =	vlt.u32 v2, $0x7A120;
	v1 =	vsel vm8, v1, v0  }
0xb1: {  	vm10 =	vlt.u32 v3, $0x7A120;
	[tilespmem:$0x18298] =	vst v1;
	v1 =	vsel vm9, v2, v0;
	v2 =	vld [tilespmem:$0x17B08]  }
0xb2: {  	vm11 =	vlt.u32 v4, $0x7A120;
	[tilespmem:$0x182A8] =	vst v1;
	v1 =	vsel vm10, v3, v0  }
0xb3: {  	vm12 =	vlt.u32 v5, $0x7A120;
	[tilespmem:$0x182B8] =	vst v1;
	v1 =	vsel vm11, v4, v0  }
0xb4: {  	vm13 =	vlt.u32 v6, $0x7A120;
	[tilespmem:$0x182C8] =	vst v1;
	v1 =	vsel vm12, v5, v0  }
0xb5: {  	vm14 =	vlt.u32 v7, $0x7A120;
	[tilespmem:$0x182D8] =	vst v1;
	v1 =	vsel vm13, v6, v0  }
0xb6: {  	[tilespmem:$0x182E8] =	vst v1;
	v1 =	vsel vm14, v7, v0;
	vm15 =	vlt.u32 v2, $0x7A120  }
0xb7: {  	[tilespmem:$0x182F8] =	vst v1;
	v1 =	vsel vm15, v2, v0  }
0xb8: {  	s0 =	simm.s32 $0x18298;
	s12 =	simm.s32 $0x18698;
	[tilespmem:$0x18308] =	vst v1  }
0xb9: {  	[spmem:s10] =	stream.indirect.scatter [tilespmem:s12], [sflag:$0x2], $0x1, s0, s23, $0xb8;
	[tilespmem:$0x1EA98] =	vst v63  }
0xba: {  	_ =	swait.ge [sflag:s21], $0x80  }
0xbb: {  	[sflag:s21] =	ssyncset.done $0x0  }
0xbc: {  	[sflag:s21] =	ssyncadd.s32 $0xFFFFFF80  }
0xbd: {  	v1 =	vld [tilespmem:$0x17B18]  }
0xbe: {  	v2 =	vld [tilespmem:$0x17B28]  }
0xbf: {  	v3 =	vld [tilespmem:$0x17B38]  }
0xc0: {  	v4 =	vld [tilespmem:$0x17B48]  }
0xc1: {  	v5 =	vld [tilespmem:$0x17B58]  }
0xc2: {  	v6 =	vld [tilespmem:$0x17B68];
	vm4 =	vlt.u32 v1, $0x7A120  }
0xc3: {  	v7 =	vld [tilespmem:$0x17B78];
	vm5 =	vlt.u32 v2, $0x7A120;
	v1 =	vsel vm4, v1, v0  }
0xc4: {  	vm6 =	vlt.u32 v3, $0x7A120;
	[tilespmem:$0x18318] =	vst v1;
	v1 =	vsel vm5, v2, v0;
	v2 =	vld [tilespmem:$0x17B88]  }
0xc5: {  	vm7 =	vlt.u32 v4, $0x7A120;
	[tilespmem:$0x18328] =	vst v1;
	v1 =	vsel vm6, v3, v0  }
0xc6: {  	vm8 =	vlt.u32 v5, $0x7A120;
	[tilespmem:$0x18338] =	vst v1;
	v1 =	vsel vm7, v4, v0  }
0xc7: {  	vm9 =	vlt.u32 v6, $0x7A120;
	[tilespmem:$0x18348] =	vst v1;
	v1 =	vsel vm8, v5, v0  }
0xc8: {  	vm10 =	vlt.u32 v7, $0x7A120;
	[tilespmem:$0x18358] =	vst v1;
	v1 =	vsel vm9, v6, v0  }
0xc9: {  	[tilespmem:$0x18368] =	vst v1;
	v1 =	vsel vm10, v7, v0;
	vm11 =	vlt.u32 v2, $0x7A120  }
0xca: {  	[tilespmem:$0x18378] =	vst v1;
	v1 =	vsel vm11, v2, v0  }
0xcb: {  	s31 =	simm.s32 $0x18318;
	s11 =	simm.s32 $0x18718;
	[tilespmem:$0x18388] =	vst v1  }
0xcc: {  	[spmem:s10] =	stream.indirect.scatter [tilespmem:s11], [sflag:$0x2], $0x1, s31, s23, $0xb8;
	[tilespmem:$0x1EA98] =	vst v63  }
0xcd: {  	_ =	swait.ge [sflag:s21], $0x80  }
0xce: {  	[sflag:s21] =	ssyncset.done $0x0  }
0xcf: {  	[sflag:s21] =	ssyncadd.s32 $0xFFFFFF80  }
0xd0: {  	v1 =	vld [tilespmem:$0x17B98]  }
0xd1: {  	v2 =	vld [tilespmem:$0x17BA8]  }
0xd2: {  	v3 =	vld [tilespmem:$0x17BB8]  }
0xd3: {  	v4 =	vld [tilespmem:$0x17BC8]  }
0xd4: {  	v5 =	vld [tilespmem:$0x17BD8]  }
0xd5: {  	v6 =	vld [tilespmem:$0x17BE8];
	vm12 =	vlt.u32 v1, $0x7A120  }
0xd6: {  	v7 =	vld [tilespmem:$0x17BF8];
	vm13 =	vlt.u32 v2, $0x7A120;
	v1 =	vsel vm12, v1, v0  }
0xd7: {  	vm14 =	vlt.u32 v3, $0x7A120;
	[tilespmem:$0x18398] =	vst v1;
	v1 =	vsel vm13, v2, v0;
	v2 =	vld [tilespmem:$0x17C08]  }
0xd8: {  	vm15 =	vlt.u32 v4, $0x7A120;
	[tilespmem:$0x183A8] =	vst v1;
	v1 =	vsel vm14, v3, v0  }
0xd9: {  	vm4 =	vlt.u32 v5, $0x7A120;
	[tilespmem:$0x183B8] =	vst v1;
	v1 =	vsel vm15, v4, v0  }
0xda: {  	vm5 =	vlt.u32 v6, $0x7A120;
	[tilespmem:$0x183C8] =	vst v1;
	v1 =	vsel vm4, v5, v0  }
0xdb: {  	vm6 =	vlt.u32 v7, $0x7A120;
	[tilespmem:$0x183D8] =	vst v1;
	v1 =	vsel vm5, v6, v0  }
0xdc: {  	[tilespmem:$0x183E8] =	vst v1;
	v1 =	vsel vm6, v7, v0;
	vm7 =	vlt.u32 v2, $0x7A120  }
0xdd: {  	[tilespmem:$0x183F8] =	vst v1;
	v1 =	vsel vm7, v2, v0  }
0xde: {  	s30 =	simm.s32 $0x18398;
	s9 =	simm.s32 $0x18798;
	[tilespmem:$0x18408] =	vst v1  }
0xdf: {  	[spmem:s10] =	stream.indirect.scatter [tilespmem:s9], [sflag:$0x2], $0x1, s30, s23, $0xb8;
	[tilespmem:$0x1EA98] =	vst v63  }
0xe0: {  	_ =	swait.ge [sflag:s21], $0x80  }
0xe1: {  	[sflag:s21] =	ssyncset.done $0x0  }
0xe2: {  	[sflag:s21] =	ssyncadd.s32 $0xFFFFFF80  }
0xe3: {  	v1 =	vld [tilespmem:$0x17C18]  }
0xe4: {  	v2 =	vld [tilespmem:$0x17C28]  }
0xe5: {  	v3 =	vld [tilespmem:$0x17C38]  }
0xe6: {  	v4 =	vld [tilespmem:$0x17C48]  }
0xe7: {  	v5 =	vld [tilespmem:$0x17C58]  }
0xe8: {  	v6 =	vld [tilespmem:$0x17C68];
	vm8 =	vlt.u32 v1, $0x7A120  }
0xe9: {  	v7 =	vld [tilespmem:$0x17C78];
	vm9 =	vlt.u32 v2, $0x7A120;
	v1 =	vsel vm8, v1, v0  }
0xea: {  	vm10 =	vlt.u32 v3, $0x7A120;
	[tilespmem:$0x18418] =	vst v1;
	v1 =	vsel vm9, v2, v0;
	v2 =	vld [tilespmem:$0x17C88]  }
0xeb: {  	vm11 =	vlt.u32 v4, $0x7A120;
	[tilespmem:$0x18428] =	vst v1;
	v1 =	vsel vm10, v3, v0  }
0xec: {  	vm12 =	vlt.u32 v5, $0x7A120;
	[tilespmem:$0x18438] =	vst v1;
	v1 =	vsel vm11, v4, v0  }
0xed: {  	vm13 =	vlt.u32 v6, $0x7A120;
	[tilespmem:$0x18448] =	vst v1;
	v1 =	vsel vm12, v5, v0  }
0xee: {  	vm14 =	vlt.u32 v7, $0x7A120;
	[tilespmem:$0x18458] =	vst v1;
	v1 =	vsel vm13, v6, v0  }
0xef: {  	[tilespmem:$0x18468] =	vst v1;
	v1 =	vsel vm14, v7, v0;
	vm15 =	vlt.u32 v2, $0x7A120  }
0xf0: {  	[tilespmem:$0x18478] =	vst v1;
	v1 =	vsel vm15, v2, v0  }
0xf1: {  	s8 =	simm.s32 $0x18818;
	s29 =	simm.s32 $0x18418;
	[tilespmem:$0x18488] =	vst v1  }
0xf2: {  	[spmem:s10] =	stream.indirect.scatter [tilespmem:s8], [sflag:$0x2], $0x1, s29, s23, $0xb8;
	[tilespmem:$0x1EA98] =	vst v63  }
0xf3: {  	_ =	swait.ge [sflag:s21], $0x80  }
0xf4: {  	[sflag:s21] =	ssyncset.done $0x0  }
0xf5: {  	[sflag:s21] =	ssyncadd.s32 $0xFFFFFF80  }
0xf6: {  	v1 =	vld [tilespmem:$0x17C98]  }
0xf7: {  	v2 =	vld [tilespmem:$0x17CA8]  }
0xf8: {  	v3 =	vld [tilespmem:$0x17CB8]  }
0xf9: {  	v4 =	vld [tilespmem:$0x17CC8]  }
0xfa: {  	v5 =	vld [tilespmem:$0x17CD8]  }
0xfb: {  	v6 =	vld [tilespmem:$0x17CE8];
	vm4 =	vlt.u32 v1, $0x7A120  }
0xfc: {  	v7 =	vld [tilespmem:$0x17CF8];
	vm5 =	vlt.u32 v2, $0x7A120;
	v1 =	vsel vm4, v1, v0  }
0xfd: {  	vm6 =	vlt.u32 v3, $0x7A120;
	[tilespmem:$0x18498] =	vst v1;
	v1 =	vsel vm5, v2, v0;
	v2 =	vld [tilespmem:$0x17D08]  }
0xfe: {  	vm7 =	vlt.u32 v4, $0x7A120;
	[tilespmem:$0x184A8] =	vst v1;
	v1 =	vsel vm6, v3, v0  }
0xff: {  	vm8 =	vlt.u32 v5, $0x7A120;
	[tilespmem:$0x184B8] =	vst v1;
	v1 =	vsel vm7, v4, v0  }
0x100: {  	vm9 =	vlt.u32 v6, $0x7A120;
	[tilespmem:$0x184C8] =	vst v1;
	v1 =	vsel vm8, v5, v0  }
0x101: {  	vm10 =	vlt.u32 v7, $0x7A120;
	[tilespmem:$0x184D8] =	vst v1;
	v1 =	vsel vm9, v6, v0  }
0x102: {  	[tilespmem:$0x184E8] =	vst v1;
	v1 =	vsel vm10, v7, v0;
	vm11 =	vlt.u32 v2, $0x7A120  }
0x103: {  	[tilespmem:$0x184F8] =	vst v1;
	v1 =	vsel vm11, v2, v0  }
0x104: {  	s7 =	simm.s32 $0x18898;
	s28 =	simm.s32 $0x18498;
	[tilespmem:$0x18508] =	vst v1  }
0x105: {  	[spmem:s10] =	stream.indirect.scatter [tilespmem:s7], [sflag:$0x2], $0x1, s28, s23, $0xb8;
	[tilespmem:$0x1EA98] =	vst v63  }
0x106: {  	_ =	swait.ge [sflag:s21], $0x80  }
0x107: {  	[sflag:s21] =	ssyncset.done $0x0  }
0x108: {  	[sflag:s21] =	ssyncadd.s32 $0xFFFFFF80  }
0x109: {  	v1 =	vld [tilespmem:$0x17D18]  }
0x10a: {  	v2 =	vld [tilespmem:$0x17D28]  }
0x10b: {  	v3 =	vld [tilespmem:$0x17D38]  }
0x10c: {  	v4 =	vld [tilespmem:$0x17D48]  }
0x10d: {  	v5 =	vld [tilespmem:$0x17D58]  }
0x10e: {  	v6 =	vld [tilespmem:$0x17D68];
	vm12 =	vlt.u32 v1, $0x7A120  }
0x10f: {  	v7 =	vld [tilespmem:$0x17D78];
	vm13 =	vlt.u32 v2, $0x7A120;
	v1 =	vsel vm12, v1, v0  }
0x110: {  	vm14 =	vlt.u32 v3, $0x7A120;
	[tilespmem:$0x18518] =	vst v1;
	v1 =	vsel vm13, v2, v0;
	v2 =	vld [tilespmem:$0x17D88]  }
0x111: {  	vm15 =	vlt.u32 v4, $0x7A120;
	[tilespmem:$0x18528] =	vst v1;
	v1 =	vsel vm14, v3, v0  }
0x112: {  	vm4 =	vlt.u32 v5, $0x7A120;
	[tilespmem:$0x18538] =	vst v1;
	v1 =	vsel vm15, v4, v0  }
0x113: {  	vm5 =	vlt.u32 v6, $0x7A120;
	[tilespmem:$0x18548] =	vst v1;
	v1 =	vsel vm4, v5, v0  }
0x114: {  	vm6 =	vlt.u32 v7, $0x7A120;
	[tilespmem:$0x18558] =	vst v1;
	v1 =	vsel vm5, v6, v0  }
0x115: {  	[tilespmem:$0x18568] =	vst v1;
	v1 =	vsel vm6, v7, v0;
	vm7 =	vlt.u32 v2, $0x7A120  }
0x116: {  	[tilespmem:$0x18578] =	vst v1;
	v1 =	vsel vm7, v2, v0  }
0x117: {  	s6 =	simm.s32 $0x18918;
	s26 =	simm.s32 $0x18518;
	[tilespmem:$0x18588] =	vst v1  }
0x118: {  	[spmem:s10] =	stream.indirect.scatter [tilespmem:s6], [sflag:$0x2], $0x1, s26, s23, $0xb8;
	[tilespmem:$0x1EA98] =	vst v63  }
0x119: {  	_ =	swait.ge [sflag:s21], $0x80  }
0x11a: {  	[sflag:s21] =	ssyncset.done $0x0  }
0x11b: {  	[sflag:s21] =	ssyncadd.s32 $0xFFFFFF80  }
0x11c: {  	v1 =	vld [tilespmem:$0x17D98]  }
0x11d: {  	v2 =	vld [tilespmem:$0x17DA8]  }
0x11e: {  	v3 =	vld [tilespmem:$0x17DB8]  }
0x11f: {  	v4 =	vld [tilespmem:$0x17DC8]  }
0x120: {  	v5 =	vld [tilespmem:$0x17DD8]  }
0x121: {  	v6 =	vld [tilespmem:$0x17DE8];
	vm8 =	vlt.u32 v1, $0x7A120  }
0x122: {  	v7 =	vld [tilespmem:$0x17DF8];
	vm9 =	vlt.u32 v2, $0x7A120;
	v1 =	vsel vm8, v1, v0  }
0x123: {  	vm10 =	vlt.u32 v3, $0x7A120;
	[tilespmem:$0x18598] =	vst v1;
	v1 =	vsel vm9, v2, v0;
	v2 =	vld [tilespmem:$0x17E08]  }
0x124: {  	vm11 =	vlt.u32 v4, $0x7A120;
	[tilespmem:$0x185A8] =	vst v1;
	v1 =	vsel vm10, v3, v0  }
0x125: {  	vm12 =	vlt.u32 v5, $0x7A120;
	[tilespmem:$0x185B8] =	vst v1;
	v1 =	vsel vm11, v4, v0  }
0x126: {  	vm13 =	vlt.u32 v6, $0x7A120;
	[tilespmem:$0x185C8] =	vst v1;
	v1 =	vsel vm12, v5, v0  }
0x127: {  	vm14 =	vlt.u32 v7, $0x7A120;
	[tilespmem:$0x185D8] =	vst v1;
	v1 =	vsel vm13, v6, v0  }
0x128: {  	[tilespmem:$0x185E8] =	vst v1;
	v1 =	vsel vm14, v7, v0;
	vm15 =	vlt.u32 v2, $0x7A120  }
0x129: {  	[tilespmem:$0x185F8] =	vst v1;
	v1 =	vsel vm15, v2, v0  }
0x12a: {  	s5 =	simm.s32 $0x18998;
	s24 =	simm.s32 $0x18598;
	[tilespmem:$0x18608] =	vst v1  }
0x12b: {  	[spmem:s10] =	stream.indirect.scatter [tilespmem:s5], [sflag:$0x2], $0x1, s24, s23, $0xb8;
	[tilespmem:$0x1EA98] =	vst v63  }
0x12c: {  	_ =	swait.ge [sflag:s21], $0x80  }
0x12d: {  	[sflag:s21] =	ssyncset.done $0x0  }
0x12e: {  	[sflag:s21] =	ssyncadd.s32 $0xFFFFFF80  }
0x12f: {  	s25 =	simm.s32 $0x18A18;
	[bflag:$0x0] =	sbarrier.arrive $0xFFFF  }
0x130: {  	[tilespmem:s25], [sflag:$0x2] =	stream.indirect.gather [spmem:s10], $0x1, s4, s23, $0xb8;
	[tilespmem:$0x1EA98] =	vst v63  }
0x131: {  	_ =	swait.ge [sflag:s21], $0x80  }
0x132: {  	[sflag:s21] =	ssyncset.done $0x0  }
0x133: {  	[sflag:s21] =	ssyncadd.s32 $0xFFFFFF80  }
0x134: {  	v1 =	vld [tilespmem:$0x17A18]  }
0x135: {  	v2 =	vld [tilespmem:$0x18A18]  }
0x136: {  	v3 =	vld [tilespmem:$0x17E18]  }
0x137: {  	v4 =	vld [tilespmem:$0x17A28]  }
0x138: {  	v5 =	vld [tilespmem:$0x18A28]  }
0x139: {  	v6 =	vld [tilespmem:$0x17E28]  }
0x13a: {  	v7 =	vld [tilespmem:$0x17A38]  }
0x13b: {  	v8 =	vld [tilespmem:$0x18A38]  }
0x13c: {  	v9 =	vld [tilespmem:$0x17E38]  }
0x13d: {  	v10 =	vld [tilespmem:$0x17A48]  }
0x13e: {  	v11 =	vld [tilespmem:$0x18A48]  }
0x13f: {  	v12 =	vld [tilespmem:$0x17E48]  }
0x140: {  	v13 =	vld [tilespmem:$0x17A58]  }
0x141: {  	v14 =	vld [tilespmem:$0x18A58]  }
0x142: {  	v15 =	vld [tilespmem:$0x17E58]  }
0x143: {  	v16 =	vld [tilespmem:$0x17A68]  }
0x144: {  	v17 =	vld [tilespmem:$0x18A68]  }
0x145: {  	v18 =	vld [tilespmem:$0x17E68]  }
0x146: {  	v19 =	vld [tilespmem:$0x17A78]  }
0x147: {  	v20 =	vld [tilespmem:$0x18A78]  }
0x148: {  	vm4 =	vlt.u32 v1, $0x7A120;
	v1 =	vld [tilespmem:$0x17E78]  }
0x149: {  	vm5 =	vlt.u32 v4, $0x7A120;
	v4 =	vld [tilespmem:$0x18A88];
	v2 =	vsel vm4, v2, v3  }
0x14a: {  	vm6 =	vlt.u32 v7, $0x7A120;
	v3 =	vld [tilespmem:$0x17A88];
	[tilespmem:$0x17E18] =	vst v2;
	v2 =	vsel vm5, v5, v6  }
0x14b: {  	vm7 =	vlt.u32 v10, $0x7A120;
	v5 =	vld [tilespmem:$0x17E88];
	[tilespmem:$0x17E28] =	vst v2;
	v2 =	vsel vm6, v8, v9  }
0x14c: {  	vm8 =	vlt.u32 v13, $0x7A120;
	[tilespmem:$0x17E38] =	vst v2;
	v2 =	vsel vm7, v11, v12  }
0x14d: {  	vm10 =	vlt.u32 v19, $0x7A120;
	[tilespmem:$0x17E48] =	vst v2;
	v2 =	vsel vm8, v14, v15  }
0x14e: {  	vm9 =	vlt.u32 v16, $0x7A120;
	v1 =	vsel vm10, v20, v1;
	[tilespmem:$0x17E58] =	vst v2  }
0x14f: {  	v2 =	vsel vm9, v17, v18;
	vm11 =	vlt.u32 v3, $0x7A120;
	[tilespmem:$0x17E78] =	vst v1  }
0x150: {  	[tilespmem:$0x17E68] =	vst v2;
	v1 =	vsel vm11, v4, v5  }
0x151: {  	[tilespmem:$0x17E88] =	vst v1  }
0x152: {  	[tilespmem:s25], [sflag:$0x2] =	stream.indirect.gather [spmem:s10], $0x1, s0, s23, $0xb8;
	[tilespmem:$0x1EA98] =	vst v63  }
0x153: {  	_ =	swait.ge [sflag:s21], $0x80  }
0x154: {  	[sflag:s21] =	ssyncset.done $0x0  }
0x155: {  	[sflag:s21] =	ssyncadd.s32 $0xFFFFFF80  }
0x156: {  	v1 =	vld [tilespmem:$0x17A98]  }
0x157: {  	v2 =	vld [tilespmem:$0x18A18]  }
0x158: {  	v3 =	vld [tilespmem:$0x17E98]  }
0x159: {  	v4 =	vld [tilespmem:$0x17AA8]  }
0x15a: {  	v5 =	vld [tilespmem:$0x18A28]  }
0x15b: {  	v6 =	vld [tilespmem:$0x17EA8]  }
0x15c: {  	v7 =	vld [tilespmem:$0x17AB8]  }
0x15d: {  	v8 =	vld [tilespmem:$0x18A38]  }
0x15e: {  	v62 =	vld [tilespmem:$0x17EB8]  }
0x15f: {  	v63 =	vld [tilespmem:$0x17AC8]  }
0x160: {  	v24 =	vld [tilespmem:$0x18A48]  }
0x161: {  	v25 =	vld [tilespmem:$0x17EC8]  }
0x162: {  	v26 =	vld [tilespmem:$0x17AD8]  }
0x163: {  	v27 =	vld [tilespmem:$0x18A58]  }
0x164: {  	v28 =	vld [tilespmem:$0x17ED8]  }
0x165: {  	v29 =	vld [tilespmem:$0x17AE8]  }
0x166: {  	v30 =	vld [tilespmem:$0x18A68]  }
0x167: {  	v31 =	vld [tilespmem:$0x17EE8]  }
0x168: {  	v32 =	vld [tilespmem:$0x17AF8]  }
0x169: {  	v33 =	vld [tilespmem:$0x18A78]  }
0x16a: {  	vm12 =	vlt.u32 v1, $0x7A120;
	v1 =	vld [tilespmem:$0x17EF8]  }
0x16b: {  	vm13 =	vlt.u32 v4, $0x7A120;
	v4 =	vld [tilespmem:$0x18A88];
	v2 =	vsel vm12, v2, v3  }
0x16c: {  	vm14 =	vlt.u32 v7, $0x7A120;
	v3 =	vld [tilespmem:$0x17B08];
	[tilespmem:$0x17E98] =	vst v2;
	v2 =	vsel vm13, v5, v6  }
0x16d: {  	vm15 =	vlt.u32 v63, $0x7A120;
	v5 =	vld [tilespmem:$0x17F08];
	[tilespmem:$0x17EA8] =	vst v2;
	v2 =	vsel vm14, v8, v62  }
0x16e: {  	vm4 =	vlt.u32 v26, $0x7A120;
	[tilespmem:$0x17EB8] =	vst v2;
	v2 =	vsel vm15, v24, v25  }
0x16f: {  	vm6 =	vlt.u32 v32, $0x7A120;
	[tilespmem:$0x17EC8] =	vst v2;
	v2 =	vsel vm4, v27, v28  }
0x170: {  	vm5 =	vlt.u32 v29, $0x7A120;
	v1 =	vsel vm6, v33, v1;
	[tilespmem:$0x17ED8] =	vst v2  }
0x171: {  	v2 =	vsel vm5, v30, v31;
	vm7 =	vlt.u32 v3, $0x7A120;
	[tilespmem:$0x17EF8] =	vst v1  }
0x172: {  	[tilespmem:$0x17EE8] =	vst v2;
	v1 =	vsel vm7, v4, v5  }
0x173: {  	[tilespmem:$0x17F08] =	vst v1  }
0x174: {  	[tilespmem:s25], [sflag:$0x2] =	stream.indirect.gather [spmem:s10], $0x1, s31, s23, $0xb8;
	[tilespmem:$0x1EA98] =	vst v63  }
0x175: {  	_ =	swait.ge [sflag:s21], $0x80  }
0x176: {  	[sflag:s21] =	ssyncset.done $0x0  }
0x177: {  	[sflag:s21] =	ssyncadd.s32 $0xFFFFFF80  }
0x178: {  	v1 =	vld [tilespmem:$0x17B18]  }
0x179: {  	v2 =	vld [tilespmem:$0x18A18]  }
0x17a: {  	v3 =	vld [tilespmem:$0x17F18]  }
0x17b: {  	v4 =	vld [tilespmem:$0x17B28]  }
0x17c: {  	v5 =	vld [tilespmem:$0x18A28]  }
0x17d: {  	v6 =	vld [tilespmem:$0x17F28]  }
0x17e: {  	v7 =	vld [tilespmem:$0x17B38]  }
0x17f: {  	v8 =	vld [tilespmem:$0x18A38]  }
0x180: {  	v34 =	vld [tilespmem:$0x17F38]  }
0x181: {  	v35 =	vld [tilespmem:$0x17B48]  }
0x182: {  	v36 =	vld [tilespmem:$0x18A48]  }
0x183: {  	v37 =	vld [tilespmem:$0x17F48]  }
0x184: {  	v38 =	vld [tilespmem:$0x17B58]  }
0x185: {  	v39 =	vld [tilespmem:$0x18A58]  }
0x186: {  	v40 =	vld [tilespmem:$0x17F58]  }
0x187: {  	v41 =	vld [tilespmem:$0x17B68]  }
0x188: {  	v42 =	vld [tilespmem:$0x18A68]  }
0x189: {  	v43 =	vld [tilespmem:$0x17F68]  }
0x18a: {  	v44 =	vld [tilespmem:$0x17B78]  }
0x18b: {  	v45 =	vld [tilespmem:$0x18A78]  }
0x18c: {  	vm8 =	vlt.u32 v1, $0x7A120;
	v1 =	vld [tilespmem:$0x17F78]  }
0x18d: {  	vm9 =	vlt.u32 v4, $0x7A120;
	v4 =	vld [tilespmem:$0x18A88];
	v2 =	vsel vm8, v2, v3  }
0x18e: {  	vm10 =	vlt.u32 v7, $0x7A120;
	v3 =	vld [tilespmem:$0x17B88];
	[tilespmem:$0x17F18] =	vst v2;
	v2 =	vsel vm9, v5, v6  }
0x18f: {  	vm11 =	vlt.u32 v35, $0x7A120;
	v5 =	vld [tilespmem:$0x17F88];
	[tilespmem:$0x17F28] =	vst v2;
	v2 =	vsel vm10, v8, v34  }
0x190: {  	vm12 =	vlt.u32 v38, $0x7A120;
	[tilespmem:$0x17F38] =	vst v2;
	v2 =	vsel vm11, v36, v37  }
0x191: {  	vm14 =	vlt.u32 v44, $0x7A120;
	[tilespmem:$0x17F48] =	vst v2;
	v2 =	vsel vm12, v39, v40  }
0x192: {  	vm13 =	vlt.u32 v41, $0x7A120;
	v1 =	vsel vm14, v45, v1;
	[tilespmem:$0x17F58] =	vst v2  }
0x193: {  	v2 =	vsel vm13, v42, v43;
	vm15 =	vlt.u32 v3, $0x7A120;
	[tilespmem:$0x17F78] =	vst v1  }
0x194: {  	[tilespmem:$0x17F68] =	vst v2;
	v1 =	vsel vm15, v4, v5  }
0x195: {  	[tilespmem:$0x17F88] =	vst v1  }
0x196: {  	[tilespmem:s25], [sflag:$0x2] =	stream.indirect.gather [spmem:s10], $0x1, s30, s23, $0xb8;
	[tilespmem:$0x1EA98] =	vst v63  }
0x197: {  	_ =	swait.ge [sflag:s21], $0x80  }
0x198: {  	[sflag:s21] =	ssyncset.done $0x0  }
0x199: {  	[sflag:s21] =	ssyncadd.s32 $0xFFFFFF80  }
0x19a: {  	v1 =	vld [tilespmem:$0x17B98]  }
0x19b: {  	v2 =	vld [tilespmem:$0x18A18]  }
0x19c: {  	v3 =	vld [tilespmem:$0x17F98]  }
0x19d: {  	v4 =	vld [tilespmem:$0x17BA8]  }
0x19e: {  	v5 =	vld [tilespmem:$0x18A28]  }
0x19f: {  	v6 =	vld [tilespmem:$0x17FA8]  }
0x1a0: {  	v7 =	vld [tilespmem:$0x17BB8]  }
0x1a1: {  	v8 =	vld [tilespmem:$0x18A38]  }
0x1a2: {  	v46 =	vld [tilespmem:$0x17FB8]  }
0x1a3: {  	v47 =	vld [tilespmem:$0x17BC8]  }
0x1a4: {  	v48 =	vld [tilespmem:$0x18A48]  }
0x1a5: {  	v49 =	vld [tilespmem:$0x17FC8]  }
0x1a6: {  	v50 =	vld [tilespmem:$0x17BD8]  }
0x1a7: {  	v51 =	vld [tilespmem:$0x18A58]  }
0x1a8: {  	v52 =	vld [tilespmem:$0x17FD8]  }
0x1a9: {  	v53 =	vld [tilespmem:$0x17BE8]  }
0x1aa: {  	v54 =	vld [tilespmem:$0x18A68]  }
0x1ab: {  	v55 =	vld [tilespmem:$0x17FE8]  }
0x1ac: {  	v56 =	vld [tilespmem:$0x17BF8]  }
0x1ad: {  	v57 =	vld [tilespmem:$0x18A78]  }
0x1ae: {  	vm4 =	vlt.u32 v1, $0x7A120;
	v1 =	vld [tilespmem:$0x17FF8]  }
0x1af: {  	vm5 =	vlt.u32 v4, $0x7A120;
	v4 =	vld [tilespmem:$0x18A88];
	v2 =	vsel vm4, v2, v3  }
0x1b0: {  	vm6 =	vlt.u32 v7, $0x7A120;
	v3 =	vld [tilespmem:$0x17C08];
	[tilespmem:$0x17F98] =	vst v2;
	v2 =	vsel vm5, v5, v6  }
0x1b1: {  	vm7 =	vlt.u32 v47, $0x7A120;
	v5 =	vld [tilespmem:$0x18008];
	[tilespmem:$0x17FA8] =	vst v2;
	v2 =	vsel vm6, v8, v46  }
0x1b2: {  	vm8 =	vlt.u32 v50, $0x7A120;
	[tilespmem:$0x17FB8] =	vst v2;
	v2 =	vsel vm7, v48, v49  }
0x1b3: {  	vm10 =	vlt.u32 v56, $0x7A120;
	[tilespmem:$0x17FC8] =	vst v2;
	v2 =	vsel vm8, v51, v52  }
0x1b4: {  	vm9 =	vlt.u32 v53, $0x7A120;
	v1 =	vsel vm10, v57, v1;
	[tilespmem:$0x17FD8] =	vst v2  }
0x1b5: {  	v2 =	vsel vm9, v54, v55;
	vm11 =	vlt.u32 v3, $0x7A120;
	[tilespmem:$0x17FF8] =	vst v1  }
0x1b6: {  	[tilespmem:$0x17FE8] =	vst v2;
	v1 =	vsel vm11, v4, v5  }
0x1b7: {  	[tilespmem:$0x18008] =	vst v1  }
0x1b8: {  	[tilespmem:s25], [sflag:$0x2] =	stream.indirect.gather [spmem:s10], $0x1, s29, s23, $0xb8;
	[tilespmem:$0x1EA98] =	vst v63  }
0x1b9: {  	_ =	swait.ge [sflag:s21], $0x80  }
0x1ba: {  	[sflag:s21] =	ssyncset.done $0x0  }
0x1bb: {  	[sflag:s21] =	ssyncadd.s32 $0xFFFFFF80  }
0x1bc: {  	v1 =	vld [tilespmem:$0x17C18]  }
0x1bd: {  	v2 =	vld [tilespmem:$0x18A18]  }
0x1be: {  	v3 =	vld [tilespmem:$0x18018]  }
0x1bf: {  	v4 =	vld [tilespmem:$0x17C28]  }
0x1c0: {  	v5 =	vld [tilespmem:$0x18A28]  }
0x1c1: {  	v6 =	vld [tilespmem:$0x18028]  }
0x1c2: {  	v7 =	vld [tilespmem:$0x17C38]  }
0x1c3: {  	v8 =	vld [tilespmem:$0x18A38]  }
0x1c4: {  	v58 =	vld [tilespmem:$0x18038]  }
0x1c5: {  	v59 =	vld [tilespmem:$0x17C48]  }
0x1c6: {  	v60 =	vld [tilespmem:$0x18A48]  }
0x1c7: {  	v61 =	vld [tilespmem:$0x18048]  }
0x1c8: {  	v62 =	vld [tilespmem:$0x17C58]  }
0x1c9: {  	v63 =	vld [tilespmem:$0x18A58]  }
0x1ca: {  	v24 =	vld [tilespmem:$0x18058]  }
0x1cb: {  	v25 =	vld [tilespmem:$0x17C68]  }
0x1cc: {  	v26 =	vld [tilespmem:$0x18A68]  }
0x1cd: {  	v27 =	vld [tilespmem:$0x18068]  }
0x1ce: {  	v28 =	vld [tilespmem:$0x17C78]  }
0x1cf: {  	v29 =	vld [tilespmem:$0x18A78]  }
0x1d0: {  	vm12 =	vlt.u32 v1, $0x7A120;
	v1 =	vld [tilespmem:$0x18078]  }
0x1d1: {  	vm13 =	vlt.u32 v4, $0x7A120;
	v4 =	vld [tilespmem:$0x18A88];
	v2 =	vsel vm12, v2, v3  }
0x1d2: {  	vm14 =	vlt.u32 v7, $0x7A120;
	v3 =	vld [tilespmem:$0x17C88];
	[tilespmem:$0x18018] =	vst v2;
	v2 =	vsel vm13, v5, v6  }
0x1d3: {  	vm15 =	vlt.u32 v59, $0x7A120;
	v5 =	vld [tilespmem:$0x18088];
	[tilespmem:$0x18028] =	vst v2;
	v2 =	vsel vm14, v8, v58  }
0x1d4: {  	vm4 =	vlt.u32 v62, $0x7A120;
	[tilespmem:$0x18038] =	vst v2;
	v2 =	vsel vm15, v60, v61  }
0x1d5: {  	vm6 =	vlt.u32 v28, $0x7A120;
	[tilespmem:$0x18048] =	vst v2;
	v2 =	vsel vm4, v63, v24  }
0x1d6: {  	vm5 =	vlt.u32 v25, $0x7A120;
	v1 =	vsel vm6, v29, v1;
	[tilespmem:$0x18058] =	vst v2  }
0x1d7: {  	v2 =	vsel vm5, v26, v27;
	vm7 =	vlt.u32 v3, $0x7A120;
	[tilespmem:$0x18078] =	vst v1  }
0x1d8: {  	[tilespmem:$0x18068] =	vst v2;
	v1 =	vsel vm7, v4, v5  }
0x1d9: {  	[tilespmem:$0x18088] =	vst v1  }
0x1da: {  	[tilespmem:s25], [sflag:$0x2] =	stream.indirect.gather [spmem:s10], $0x1, s28, s23, $0xb8;
	[tilespmem:$0x1EA98] =	vst v63  }
0x1db: {  	_ =	swait.ge [sflag:s21], $0x80  }
0x1dc: {  	[sflag:s21] =	ssyncset.done $0x0  }
0x1dd: {  	[sflag:s21] =	ssyncadd.s32 $0xFFFFFF80  }
0x1de: {  	v1 =	vld [tilespmem:$0x17C98]  }
0x1df: {  	v2 =	vld [tilespmem:$0x18A18]  }
0x1e0: {  	v3 =	vld [tilespmem:$0x18098]  }
0x1e1: {  	v4 =	vld [tilespmem:$0x17CA8]  }
0x1e2: {  	v5 =	vld [tilespmem:$0x18A28]  }
0x1e3: {  	v6 =	vld [tilespmem:$0x180A8]  }
0x1e4: {  	v7 =	vld [tilespmem:$0x17CB8]  }
0x1e5: {  	v8 =	vld [tilespmem:$0x18A38]  }
0x1e6: {  	v30 =	vld [tilespmem:$0x180B8]  }
0x1e7: {  	v31 =	vld [tilespmem:$0x17CC8]  }
0x1e8: {  	v32 =	vld [tilespmem:$0x18A48]  }
0x1e9: {  	v33 =	vld [tilespmem:$0x180C8]  }
0x1ea: {  	v34 =	vld [tilespmem:$0x17CD8]  }
0x1eb: {  	v35 =	vld [tilespmem:$0x18A58]  }
0x1ec: {  	v36 =	vld [tilespmem:$0x180D8]  }
0x1ed: {  	v37 =	vld [tilespmem:$0x17CE8]  }
0x1ee: {  	v38 =	vld [tilespmem:$0x18A68]  }
0x1ef: {  	v39 =	vld [tilespmem:$0x180E8]  }
0x1f0: {  	v40 =	vld [tilespmem:$0x17CF8]  }
0x1f1: {  	v41 =	vld [tilespmem:$0x18A78]  }
0x1f2: {  	vm8 =	vlt.u32 v1, $0x7A120;
	v1 =	vld [tilespmem:$0x180F8]  }
0x1f3: {  	vm9 =	vlt.u32 v4, $0x7A120;
	v4 =	vld [tilespmem:$0x18A88];
	v2 =	vsel vm8, v2, v3  }
0x1f4: {  	vm10 =	vlt.u32 v7, $0x7A120;
	v3 =	vld [tilespmem:$0x17D08];
	[tilespmem:$0x18098] =	vst v2;
	v2 =	vsel vm9, v5, v6  }
0x1f5: {  	vm11 =	vlt.u32 v31, $0x7A120;
	v5 =	vld [tilespmem:$0x18108];
	[tilespmem:$0x180A8] =	vst v2;
	v2 =	vsel vm10, v8, v30  }
0x1f6: {  	vm12 =	vlt.u32 v34, $0x7A120;
	[tilespmem:$0x180B8] =	vst v2;
	v2 =	vsel vm11, v32, v33  }
0x1f7: {  	vm14 =	vlt.u32 v40, $0x7A120;
	[tilespmem:$0x180C8] =	vst v2;
	v2 =	vsel vm12, v35, v36  }
0x1f8: {  	vm13 =	vlt.u32 v37, $0x7A120;
	v1 =	vsel vm14, v41, v1;
	[tilespmem:$0x180D8] =	vst v2  }
0x1f9: {  	v2 =	vsel vm13, v38, v39;
	vm15 =	vlt.u32 v3, $0x7A120;
	[tilespmem:$0x180F8] =	vst v1  }
0x1fa: {  	[tilespmem:$0x180E8] =	vst v2;
	v1 =	vsel vm15, v4, v5  }
0x1fb: {  	[tilespmem:$0x18108] =	vst v1  }
0x1fc: {  	[tilespmem:s25], [sflag:$0x2] =	stream.indirect.gather [spmem:s10], $0x1, s26, s23, $0xb8;
	[tilespmem:$0x1EA98] =	vst v63  }
0x1fd: {  	_ =	swait.ge [sflag:s21], $0x80  }
0x1fe: {  	[sflag:s21] =	ssyncset.done $0x0  }
0x1ff: {  	[sflag:s21] =	ssyncadd.s32 $0xFFFFFF80  }
0x200: {  	v1 =	vld [tilespmem:$0x17D18]  }
0x201: {  	v2 =	vld [tilespmem:$0x18A18]  }
0x202: {  	v3 =	vld [tilespmem:$0x18118]  }
0x203: {  	v4 =	vld [tilespmem:$0x17D28]  }
0x204: {  	v5 =	vld [tilespmem:$0x18A28]  }
0x205: {  	v6 =	vld [tilespmem:$0x18128]  }
0x206: {  	v7 =	vld [tilespmem:$0x17D38]  }
0x207: {  	v8 =	vld [tilespmem:$0x18A38]  }
0x208: {  	v42 =	vld [tilespmem:$0x18138]  }
0x209: {  	v43 =	vld [tilespmem:$0x17D48]  }
0x20a: {  	v44 =	vld [tilespmem:$0x18A48]  }
0x20b: {  	v45 =	vld [tilespmem:$0x18148]  }
0x20c: {  	v46 =	vld [tilespmem:$0x17D58]  }
0x20d: {  	v47 =	vld [tilespmem:$0x18A58]  }
0x20e: {  	v48 =	vld [tilespmem:$0x18158]  }
0x20f: {  	v49 =	vld [tilespmem:$0x17D68]  }
0x210: {  	v50 =	vld [tilespmem:$0x18A68]  }
0x211: {  	v51 =	vld [tilespmem:$0x18168]  }
0x212: {  	v52 =	vld [tilespmem:$0x17D78]  }
0x213: {  	v53 =	vld [tilespmem:$0x18A78]  }
0x214: {  	vm4 =	vlt.u32 v1, $0x7A120;
	v1 =	vld [tilespmem:$0x18178]  }
0x215: {  	vm5 =	vlt.u32 v4, $0x7A120;
	v4 =	vld [tilespmem:$0x18A88];
	v2 =	vsel vm4, v2, v3  }
0x216: {  	vm6 =	vlt.u32 v7, $0x7A120;
	v3 =	vld [tilespmem:$0x17D88];
	[tilespmem:$0x18118] =	vst v2;
	v2 =	vsel vm5, v5, v6  }
0x217: {  	vm7 =	vlt.u32 v43, $0x7A120;
	v5 =	vld [tilespmem:$0x18188];
	[tilespmem:$0x18128] =	vst v2;
	v2 =	vsel vm6, v8, v42  }
0x218: {  	vm8 =	vlt.u32 v46, $0x7A120;
	[tilespmem:$0x18138] =	vst v2;
	v2 =	vsel vm7, v44, v45  }
0x219: {  	vm10 =	vlt.u32 v52, $0x7A120;
	[tilespmem:$0x18148] =	vst v2;
	v2 =	vsel vm8, v47, v48  }
0x21a: {  	vm9 =	vlt.u32 v49, $0x7A120;
	v1 =	vsel vm10, v53, v1;
	[tilespmem:$0x18158] =	vst v2  }
0x21b: {  	v2 =	vsel vm9, v50, v51;
	vm11 =	vlt.u32 v3, $0x7A120;
	[tilespmem:$0x18178] =	vst v1  }
0x21c: {  	[tilespmem:$0x18168] =	vst v2;
	v1 =	vsel vm11, v4, v5  }
0x21d: {  	[tilespmem:$0x18188] =	vst v1  }
0x21e: {  	[tilespmem:s25], [sflag:$0x2] =	stream.indirect.gather [spmem:s10], $0x1, s24, s23, $0xb8;
	[tilespmem:$0x1EA98] =	vst v63  }
0x21f: {  	_ =	swait.ge [sflag:s21], $0x80  }
0x220: {  	[sflag:s21] =	ssyncset.done $0x0  }
0x221: {  	[sflag:s21] =	ssyncadd.s32 $0xFFFFFF80  }
0x222: {  	v1 =	vld [tilespmem:$0x17D98]  }
0x223: {  	v2 =	vld [tilespmem:$0x18A18]  }
0x224: {  	v3 =	vld [tilespmem:$0x18198]  }
0x225: {  	v4 =	vld [tilespmem:$0x17DA8]  }
0x226: {  	v5 =	vld [tilespmem:$0x18A28]  }
0x227: {  	v6 =	vld [tilespmem:$0x181A8]  }
0x228: {  	v7 =	vld [tilespmem:$0x17DB8]  }
0x229: {  	v8 =	vld [tilespmem:$0x18A38]  }
0x22a: {  	v54 =	vld [tilespmem:$0x181B8]  }
0x22b: {  	v55 =	vld [tilespmem:$0x17DC8]  }
0x22c: {  	v56 =	vld [tilespmem:$0x18A48]  }
0x22d: {  	v57 =	vld [tilespmem:$0x181C8]  }
0x22e: {  	v58 =	vld [tilespmem:$0x17DD8]  }
0x22f: {  	v59 =	vld [tilespmem:$0x18A58]  }
0x230: {  	v60 =	vld [tilespmem:$0x181D8]  }
0x231: {  	v61 =	vld [tilespmem:$0x17DE8]  }
0x232: {  	vm12 =	vlt.u32 v1, $0x7A120;
	v1 =	vld [tilespmem:$0x18A68]  }
0x233: {  	vm13 =	vlt.u32 v4, $0x7A120;
	v2 =	vsel vm12, v2, v3;
	v3 =	vld [tilespmem:$0x181E8]  }
0x234: {  	vm14 =	vlt.u32 v7, $0x7A120;
	[tilespmem:$0x18198] =	vst v2;
	v2 =	vsel vm13, v5, v6  }
0x235: {  	vm15 =	vlt.u32 v55, $0x7A120;
	[tilespmem:$0x181A8] =	vst v2;
	v2 =	vsel vm14, v8, v54  }
0x236: {  	vm4 =	vlt.u32 v58, $0x7A120;
	[tilespmem:$0x181B8] =	vst v2;
	v2 =	vsel vm15, v56, v57  }
0x237: {  	vm5 =	vlt.u32 v61, $0x7A120;
	[tilespmem:$0x181C8] =	vst v2;
	v2 =	vsel vm4, v59, v60  }
0x238: {  	[tilespmem:$0x181D8] =	vst v2;
	v1 =	vsel vm5, v1, v3;
	v2 =	vld [tilespmem:$0x18A78]  }
0x239: {  	[tilespmem:$0x181E8] =	vst v1;
	v1 =	vld [tilespmem:$0x17DF8]  }
0x23a: {  	v3 =	vld [tilespmem:$0x181F8]  }
0x23b: {  	v4 =	vld [tilespmem:$0x17E08]  }
0x23c: {  	v5 =	vld [tilespmem:$0x18A88]  }
0x23d: {  	v6 =	vld [tilespmem:$0x18208];
	_ =	sdelay $0x2  }
0x23e: {  	vm6 =	vlt.u32 v1, $0x7A120  }
0x23f: {  	v1 =	vsel vm6, v2, v3;
	vm7 =	vlt.u32 v4, $0x7A120  }
0x240: {  	[tilespmem:$0x181F8] =	vst v1;
	v1 =	vsel vm7, v5, v6  }
0x241: {  	[tilespmem:$0x18208] =	vst v1  }
0x242: {  	[bflag:$0x0] =	sbarrier.arrive $0xFFFF  }
0x243: {  	v1 =	vld [tilespmem:$0x17A18]  }
0x244: {  	v2 =	vld [tilespmem:$0x17A28]  }
0x245: {  	v3 =	vld [tilespmem:$0x17A38]  }
0x246: {  	v4 =	vld [tilespmem:$0x17A48]  }
0x247: {  	v5 =	vld [tilespmem:$0x17A58]  }
0x248: {  	v6 =	vld [tilespmem:$0x17A68];
	v1 =	vadd.s32 $0xFFF85EE0, v1  }
0x249: {  	v7 =	vld [tilespmem:$0x17A78];
	v2 =	vadd.s32 $0xFFF85EE0, v2;
	vm8 =	vlt.u32 v1, $0x7A120  }
0x24a: {  	v8 =	vld [tilespmem:$0x17A88];
	v3 =	vadd.s32 $0xFFF85EE0, v3;
	vm9 =	vlt.u32 v2, $0x7A120;
	v1 =	vsel vm8, v1, v0  }
0x24b: {  	vm10 =	vlt.u32 v3, $0x7A120;
	[tilespmem:$0x18218] =	vst v1;
	v1 =	vsel vm9, v2, v0;
	v2 =	vadd.s32 $0xFFF85EE0, v4  }
0x24c: {  	[tilespmem:$0x18228] =	vst v1;
	v1 =	vsel vm10, v3, v0;
	vm11 =	vlt.u32 v2, $0x7A120;
	v3 =	vadd.s32 $0xFFF85EE0, v5  }
0x24d: {  	[tilespmem:$0x18238] =	vst v1;
	v1 =	vsel vm11, v2, v0;
	vm12 =	vlt.u32 v3, $0x7A120;
	v2 =	vadd.s32 $0xFFF85EE0, v6  }
0x24e: {  	[tilespmem:$0x18248] =	vst v1;
	v1 =	vsel vm12, v3, v0;
	vm13 =	vlt.u32 v2, $0x7A120;
	v3 =	vadd.s32 $0xFFF85EE0, v7  }
0x24f: {  	[tilespmem:$0x18258] =	vst v1;
	v1 =	vsel vm13, v2, v0;
	vm14 =	vlt.u32 v3, $0x7A120;
	v2 =	vadd.s32 $0xFFF85EE0, v8  }
0x250: {  	[tilespmem:$0x18268] =	vst v1;
	v1 =	vsel vm14, v3, v0;
	vm15 =	vlt.u32 v2, $0x7A120  }
0x251: {  	[tilespmem:$0x18278] =	vst v1;
	v1 =	vsel vm15, v2, v0  }
0x252: {  	[tilespmem:$0x18288] =	vst v1  }
0x253: {  	[spmem:s10] =	stream.indirect.scatter [tilespmem:s13], [sflag:$0x2], $0x1, s4, s23, $0xb8;
	[tilespmem:$0x1EA98] =	vst v63  }
0x254: {  	_ =	swait.ge [sflag:s21], $0x80  }
0x255: {  	[sflag:s21] =	ssyncset.done $0x0  }
0x256: {  	[sflag:s21] =	ssyncadd.s32 $0xFFFFFF80  }
0x257: {  	v1 =	vld [tilespmem:$0x17A98]  }
0x258: {  	v2 =	vld [tilespmem:$0x17AA8]  }
0x259: {  	v3 =	vld [tilespmem:$0x17AB8]  }
0x25a: {  	v4 =	vld [tilespmem:$0x17AC8]  }
0x25b: {  	v5 =	vld [tilespmem:$0x17AD8]  }
0x25c: {  	v6 =	vld [tilespmem:$0x17AE8];
	v1 =	vadd.s32 $0xFFF85EE0, v1  }
0x25d: {  	v7 =	vld [tilespmem:$0x17AF8];
	v2 =	vadd.s32 $0xFFF85EE0, v2;
	vm4 =	vlt.u32 v1, $0x7A120  }
0x25e: {  	v8 =	vld [tilespmem:$0x17B08];
	v3 =	vadd.s32 $0xFFF85EE0, v3;
	vm5 =	vlt.u32 v2, $0x7A120;
	v1 =	vsel vm4, v1, v0  }
0x25f: {  	vm6 =	vlt.u32 v3, $0x7A120;
	[tilespmem:$0x18298] =	vst v1;
	v1 =	vsel vm5, v2, v0;
	v2 =	vadd.s32 $0xFFF85EE0, v4  }
0x260: {  	[tilespmem:$0x182A8] =	vst v1;
	v1 =	vsel vm6, v3, v0;
	vm7 =	vlt.u32 v2, $0x7A120;
	v3 =	vadd.s32 $0xFFF85EE0, v5  }
0x261: {  	[tilespmem:$0x182B8] =	vst v1;
	v1 =	vsel vm7, v2, v0;
	vm8 =	vlt.u32 v3, $0x7A120;
	v2 =	vadd.s32 $0xFFF85EE0, v6  }
0x262: {  	[tilespmem:$0x182C8] =	vst v1;
	v1 =	vsel vm8, v3, v0;
	vm9 =	vlt.u32 v2, $0x7A120;
	v3 =	vadd.s32 $0xFFF85EE0, v7  }
0x263: {  	[tilespmem:$0x182D8] =	vst v1;
	v1 =	vsel vm9, v2, v0;
	vm10 =	vlt.u32 v3, $0x7A120;
	v2 =	vadd.s32 $0xFFF85EE0, v8  }
0x264: {  	[tilespmem:$0x182E8] =	vst v1;
	v1 =	vsel vm10, v3, v0;
	vm11 =	vlt.u32 v2, $0x7A120  }
0x265: {  	[tilespmem:$0x182F8] =	vst v1;
	v1 =	vsel vm11, v2, v0  }
0x266: {  	[tilespmem:$0x18308] =	vst v1  }
0x267: {  	[spmem:s10] =	stream.indirect.scatter [tilespmem:s12], [sflag:$0x2], $0x1, s0, s23, $0xb8;
	[tilespmem:$0x1EA98] =	vst v63  }
0x268: {  	_ =	swait.ge [sflag:s21], $0x80  }
0x269: {  	[sflag:s21] =	ssyncset.done $0x0  }
0x26a: {  	[sflag:s21] =	ssyncadd.s32 $0xFFFFFF80  }
0x26b: {  	v1 =	vld [tilespmem:$0x17B18]  }
0x26c: {  	v2 =	vld [tilespmem:$0x17B28]  }
0x26d: {  	v3 =	vld [tilespmem:$0x17B38]  }
0x26e: {  	v4 =	vld [tilespmem:$0x17B48]  }
0x26f: {  	v5 =	vld [tilespmem:$0x17B58]  }
0x270: {  	v6 =	vld [tilespmem:$0x17B68];
	v1 =	vadd.s32 $0xFFF85EE0, v1  }
0x271: {  	v7 =	vld [tilespmem:$0x17B78];
	v2 =	vadd.s32 $0xFFF85EE0, v2;
	vm12 =	vlt.u32 v1, $0x7A120  }
0x272: {  	v8 =	vld [tilespmem:$0x17B88];
	v3 =	vadd.s32 $0xFFF85EE0, v3;
	vm13 =	vlt.u32 v2, $0x7A120;
	v1 =	vsel vm12, v1, v0  }
0x273: {  	vm14 =	vlt.u32 v3, $0x7A120;
	[tilespmem:$0x18318] =	vst v1;
	v1 =	vsel vm13, v2, v0;
	v2 =	vadd.s32 $0xFFF85EE0, v4  }
0x274: {  	[tilespmem:$0x18328] =	vst v1;
	v1 =	vsel vm14, v3, v0;
	vm15 =	vlt.u32 v2, $0x7A120;
	v3 =	vadd.s32 $0xFFF85EE0, v5  }
0x275: {  	[tilespmem:$0x18338] =	vst v1;
	v1 =	vsel vm15, v2, v0;
	vm4 =	vlt.u32 v3, $0x7A120;
	v2 =	vadd.s32 $0xFFF85EE0, v6  }
0x276: {  	[tilespmem:$0x18348] =	vst v1;
	v1 =	vsel vm4, v3, v0;
	vm5 =	vlt.u32 v2, $0x7A120;
	v3 =	vadd.s32 $0xFFF85EE0, v7  }
0x277: {  	[tilespmem:$0x18358] =	vst v1;
	v1 =	vsel vm5, v2, v0;
	vm6 =	vlt.u32 v3, $0x7A120;
	v2 =	vadd.s32 $0xFFF85EE0, v8  }
0x278: {  	[tilespmem:$0x18368] =	vst v1;
	v1 =	vsel vm6, v3, v0;
	vm7 =	vlt.u32 v2, $0x7A120  }
0x279: {  	[tilespmem:$0x18378] =	vst v1;
	v1 =	vsel vm7, v2, v0  }
0x27a: {  	[tilespmem:$0x18388] =	vst v1  }
0x27b: {  	[spmem:s10] =	stream.indirect.scatter [tilespmem:s11], [sflag:$0x2], $0x1, s31, s23, $0xb8;
	[tilespmem:$0x1EA98] =	vst v63  }
0x27c: {  	_ =	swait.ge [sflag:s21], $0x80  }
0x27d: {  	[sflag:s21] =	ssyncset.done $0x0  }
0x27e: {  	[sflag:s21] =	ssyncadd.s32 $0xFFFFFF80  }
0x27f: {  	v1 =	vld [tilespmem:$0x17B98]  }
0x280: {  	v2 =	vld [tilespmem:$0x17BA8]  }
0x281: {  	v3 =	vld [tilespmem:$0x17BB8]  }
0x282: {  	v4 =	vld [tilespmem:$0x17BC8]  }
0x283: {  	v5 =	vld [tilespmem:$0x17BD8]  }
0x284: {  	v6 =	vld [tilespmem:$0x17BE8];
	v1 =	vadd.s32 $0xFFF85EE0, v1  }
0x285: {  	v7 =	vld [tilespmem:$0x17BF8];
	v2 =	vadd.s32 $0xFFF85EE0, v2;
	vm8 =	vlt.u32 v1, $0x7A120  }
0x286: {  	v8 =	vld [tilespmem:$0x17C08];
	v3 =	vadd.s32 $0xFFF85EE0, v3;
	vm9 =	vlt.u32 v2, $0x7A120;
	v1 =	vsel vm8, v1, v0  }
0x287: {  	vm10 =	vlt.u32 v3, $0x7A120;
	[tilespmem:$0x18398] =	vst v1;
	v1 =	vsel vm9, v2, v0;
	v2 =	vadd.s32 $0xFFF85EE0, v4  }
0x288: {  	[tilespmem:$0x183A8] =	vst v1;
	v1 =	vsel vm10, v3, v0;
	vm11 =	vlt.u32 v2, $0x7A120;
	v3 =	vadd.s32 $0xFFF85EE0, v5  }
0x289: {  	[tilespmem:$0x183B8] =	vst v1;
	v1 =	vsel vm11, v2, v0;
	vm12 =	vlt.u32 v3, $0x7A120;
	v2 =	vadd.s32 $0xFFF85EE0, v6  }
0x28a: {  	[tilespmem:$0x183C8] =	vst v1;
	v1 =	vsel vm12, v3, v0;
	vm13 =	vlt.u32 v2, $0x7A120;
	v3 =	vadd.s32 $0xFFF85EE0, v7  }
0x28b: {  	[tilespmem:$0x183D8] =	vst v1;
	v1 =	vsel vm13, v2, v0;
	vm14 =	vlt.u32 v3, $0x7A120;
	v2 =	vadd.s32 $0xFFF85EE0, v8  }
0x28c: {  	[tilespmem:$0x183E8] =	vst v1;
	v1 =	vsel vm14, v3, v0;
	vm15 =	vlt.u32 v2, $0x7A120  }
0x28d: {  	[tilespmem:$0x183F8] =	vst v1;
	v1 =	vsel vm15, v2, v0  }
0x28e: {  	[tilespmem:$0x18408] =	vst v1  }
0x28f: {  	[spmem:s10] =	stream.indirect.scatter [tilespmem:s9], [sflag:$0x2], $0x1, s30, s23, $0xb8;
	[tilespmem:$0x1EA98] =	vst v63  }
0x290: {  	_ =	swait.ge [sflag:s21], $0x80  }
0x291: {  	[sflag:s21] =	ssyncset.done $0x0  }
0x292: {  	[sflag:s21] =	ssyncadd.s32 $0xFFFFFF80  }
0x293: {  	v1 =	vld [tilespmem:$0x17C18]  }
0x294: {  	v2 =	vld [tilespmem:$0x17C28]  }
0x295: {  	v3 =	vld [tilespmem:$0x17C38]  }
0x296: {  	v4 =	vld [tilespmem:$0x17C48]  }
0x297: {  	v5 =	vld [tilespmem:$0x17C58]  }
0x298: {  	v6 =	vld [tilespmem:$0x17C68];
	v1 =	vadd.s32 $0xFFF85EE0, v1  }
0x299: {  	v7 =	vld [tilespmem:$0x17C78];
	v2 =	vadd.s32 $0xFFF85EE0, v2;
	vm4 =	vlt.u32 v1, $0x7A120  }
0x29a: {  	v8 =	vld [tilespmem:$0x17C88];
	v3 =	vadd.s32 $0xFFF85EE0, v3;
	vm5 =	vlt.u32 v2, $0x7A120;
	v1 =	vsel vm4, v1, v0  }
0x29b: {  	vm6 =	vlt.u32 v3, $0x7A120;
	[tilespmem:$0x18418] =	vst v1;
	v1 =	vsel vm5, v2, v0;
	v2 =	vadd.s32 $0xFFF85EE0, v4  }
0x29c: {  	[tilespmem:$0x18428] =	vst v1;
	v1 =	vsel vm6, v3, v0;
	vm7 =	vlt.u32 v2, $0x7A120;
	v3 =	vadd.s32 $0xFFF85EE0, v5  }
0x29d: {  	[tilespmem:$0x18438] =	vst v1;
	v1 =	vsel vm7, v2, v0;
	vm8 =	vlt.u32 v3, $0x7A120;
	v2 =	vadd.s32 $0xFFF85EE0, v6  }
0x29e: {  	[tilespmem:$0x18448] =	vst v1;
	v1 =	vsel vm8, v3, v0;
	vm9 =	vlt.u32 v2, $0x7A120;
	v3 =	vadd.s32 $0xFFF85EE0, v7  }
0x29f: {  	[tilespmem:$0x18458] =	vst v1;
	v1 =	vsel vm9, v2, v0;
	vm10 =	vlt.u32 v3, $0x7A120;
	v2 =	vadd.s32 $0xFFF85EE0, v8  }
0x2a0: {  	[tilespmem:$0x18468] =	vst v1;
	v1 =	vsel vm10, v3, v0;
	vm11 =	vlt.u32 v2, $0x7A120  }
0x2a1: {  	[tilespmem:$0x18478] =	vst v1;
	v1 =	vsel vm11, v2, v0  }
0x2a2: {  	[tilespmem:$0x18488] =	vst v1  }
0x2a3: {  	[spmem:s10] =	stream.indirect.scatter [tilespmem:s8], [sflag:$0x2], $0x1, s29, s23, $0xb8;
	[tilespmem:$0x1EA98] =	vst v63  }
0x2a4: {  	_ =	swait.ge [sflag:s21], $0x80  }
0x2a5: {  	[sflag:s21] =	ssyncset.done $0x0  }
0x2a6: {  	[sflag:s21] =	ssyncadd.s32 $0xFFFFFF80  }
0x2a7: {  	v1 =	vld [tilespmem:$0x17C98]  }
0x2a8: {  	v2 =	vld [tilespmem:$0x17CA8]  }
0x2a9: {  	v3 =	vld [tilespmem:$0x17CB8]  }
0x2aa: {  	v4 =	vld [tilespmem:$0x17CC8]  }
0x2ab: {  	v5 =	vld [tilespmem:$0x17CD8]  }
0x2ac: {  	v6 =	vld [tilespmem:$0x17CE8];
	v1 =	vadd.s32 $0xFFF85EE0, v1  }
0x2ad: {  	v7 =	vld [tilespmem:$0x17CF8];
	v2 =	vadd.s32 $0xFFF85EE0, v2;
	vm12 =	vlt.u32 v1, $0x7A120  }
0x2ae: {  	v8 =	vld [tilespmem:$0x17D08];
	v3 =	vadd.s32 $0xFFF85EE0, v3;
	vm13 =	vlt.u32 v2, $0x7A120;
	v1 =	vsel vm12, v1, v0  }
0x2af: {  	vm14 =	vlt.u32 v3, $0x7A120;
	[tilespmem:$0x18498] =	vst v1;
	v1 =	vsel vm13, v2, v0;
	v2 =	vadd.s32 $0xFFF85EE0, v4  }
0x2b0: {  	[tilespmem:$0x184A8] =	vst v1;
	v1 =	vsel vm14, v3, v0;
	vm15 =	vlt.u32 v2, $0x7A120;
	v3 =	vadd.s32 $0xFFF85EE0, v5  }
0x2b1: {  	[tilespmem:$0x184B8] =	vst v1;
	v1 =	vsel vm15, v2, v0;
	vm4 =	vlt.u32 v3, $0x7A120;
	v2 =	vadd.s32 $0xFFF85EE0, v6  }
0x2b2: {  	[tilespmem:$0x184C8] =	vst v1;
	v1 =	vsel vm4, v3, v0;
	vm5 =	vlt.u32 v2, $0x7A120;
	v3 =	vadd.s32 $0xFFF85EE0, v7  }
0x2b3: {  	[tilespmem:$0x184D8] =	vst v1;
	v1 =	vsel vm5, v2, v0;
	vm6 =	vlt.u32 v3, $0x7A120;
	v2 =	vadd.s32 $0xFFF85EE0, v8  }
0x2b4: {  	[tilespmem:$0x184E8] =	vst v1;
	v1 =	vsel vm6, v3, v0;
	vm7 =	vlt.u32 v2, $0x7A120  }
0x2b5: {  	[tilespmem:$0x184F8] =	vst v1;
	v1 =	vsel vm7, v2, v0  }
0x2b6: {  	[tilespmem:$0x18508] =	vst v1  }
0x2b7: {  	[spmem:s10] =	stream.indirect.scatter [tilespmem:s7], [sflag:$0x2], $0x1, s28, s23, $0xb8;
	[tilespmem:$0x1EA98] =	vst v63  }
0x2b8: {  	_ =	swait.ge [sflag:s21], $0x80  }
0x2b9: {  	[sflag:s21] =	ssyncset.done $0x0  }
0x2ba: {  	[sflag:s21] =	ssyncadd.s32 $0xFFFFFF80  }
0x2bb: {  	v1 =	vld [tilespmem:$0x17D18]  }
0x2bc: {  	v2 =	vld [tilespmem:$0x17D28]  }
0x2bd: {  	v3 =	vld [tilespmem:$0x17D38]  }
0x2be: {  	v4 =	vld [tilespmem:$0x17D48]  }
0x2bf: {  	v5 =	vld [tilespmem:$0x17D58]  }
0x2c0: {  	v6 =	vld [tilespmem:$0x17D68];
	v1 =	vadd.s32 $0xFFF85EE0, v1  }
0x2c1: {  	v7 =	vld [tilespmem:$0x17D78];
	v2 =	vadd.s32 $0xFFF85EE0, v2;
	vm8 =	vlt.u32 v1, $0x7A120  }
0x2c2: {  	v8 =	vld [tilespmem:$0x17D88];
	v3 =	vadd.s32 $0xFFF85EE0, v3;
	vm9 =	vlt.u32 v2, $0x7A120;
	v1 =	vsel vm8, v1, v0  }
0x2c3: {  	vm10 =	vlt.u32 v3, $0x7A120;
	[tilespmem:$0x18518] =	vst v1;
	v1 =	vsel vm9, v2, v0;
	v2 =	vadd.s32 $0xFFF85EE0, v4  }
0x2c4: {  	[tilespmem:$0x18528] =	vst v1;
	v1 =	vsel vm10, v3, v0;
	vm11 =	vlt.u32 v2, $0x7A120;
	v3 =	vadd.s32 $0xFFF85EE0, v5  }
0x2c5: {  	[tilespmem:$0x18538] =	vst v1;
	v1 =	vsel vm11, v2, v0;
	vm12 =	vlt.u32 v3, $0x7A120;
	v2 =	vadd.s32 $0xFFF85EE0, v6  }
0x2c6: {  	[tilespmem:$0x18548] =	vst v1;
	v1 =	vsel vm12, v3, v0;
	vm13 =	vlt.u32 v2, $0x7A120;
	v3 =	vadd.s32 $0xFFF85EE0, v7  }
0x2c7: {  	[tilespmem:$0x18558] =	vst v1;
	v1 =	vsel vm13, v2, v0;
	vm14 =	vlt.u32 v3, $0x7A120;
	v2 =	vadd.s32 $0xFFF85EE0, v8  }
0x2c8: {  	[tilespmem:$0x18568] =	vst v1;
	v1 =	vsel vm14, v3, v0;
	vm15 =	vlt.u32 v2, $0x7A120  }
0x2c9: {  	[tilespmem:$0x18578] =	vst v1;
	v1 =	vsel vm15, v2, v0  }
0x2ca: {  	[tilespmem:$0x18588] =	vst v1  }
0x2cb: {  	[spmem:s10] =	stream.indirect.scatter [tilespmem:s6], [sflag:$0x2], $0x1, s26, s23, $0xb8;
	[tilespmem:$0x1EA98] =	vst v63  }
0x2cc: {  	_ =	swait.ge [sflag:s21], $0x80  }
0x2cd: {  	[sflag:s21] =	ssyncset.done $0x0  }
0x2ce: {  	[sflag:s21] =	ssyncadd.s32 $0xFFFFFF80  }
0x2cf: {  	v1 =	vld [tilespmem:$0x17D98]  }
0x2d0: {  	v2 =	vld [tilespmem:$0x17DA8]  }
0x2d1: {  	v3 =	vld [tilespmem:$0x17DB8]  }
0x2d2: {  	v4 =	vld [tilespmem:$0x17DC8]  }
0x2d3: {  	v5 =	vld [tilespmem:$0x17DD8]  }
0x2d4: {  	v6 =	vld [tilespmem:$0x17DE8];
	v1 =	vadd.s32 $0xFFF85EE0, v1  }
0x2d5: {  	v7 =	vld [tilespmem:$0x17DF8];
	v2 =	vadd.s32 $0xFFF85EE0, v2;
	vm4 =	vlt.u32 v1, $0x7A120  }
0x2d6: {  	v8 =	vld [tilespmem:$0x17E08];
	v3 =	vadd.s32 $0xFFF85EE0, v3;
	vm5 =	vlt.u32 v2, $0x7A120;
	v1 =	vsel vm4, v1, v0  }
0x2d7: {  	vm6 =	vlt.u32 v3, $0x7A120;
	[tilespmem:$0x18598] =	vst v1;
	v1 =	vsel vm5, v2, v0;
	v2 =	vadd.s32 $0xFFF85EE0, v4  }
0x2d8: {  	[tilespmem:$0x185A8] =	vst v1;
	v1 =	vsel vm6, v3, v0;
	vm7 =	vlt.u32 v2, $0x7A120;
	v3 =	vadd.s32 $0xFFF85EE0, v5  }
0x2d9: {  	[tilespmem:$0x185B8] =	vst v1;
	v1 =	vsel vm7, v2, v0;
	vm8 =	vlt.u32 v3, $0x7A120;
	v2 =	vadd.s32 $0xFFF85EE0, v6  }
0x2da: {  	[tilespmem:$0x185C8] =	vst v1;
	v1 =	vsel vm8, v3, v0;
	vm9 =	vlt.u32 v2, $0x7A120;
	v3 =	vadd.s32 $0xFFF85EE0, v7  }
0x2db: {  	[tilespmem:$0x185D8] =	vst v1;
	v1 =	vsel vm9, v2, v0;
	vm10 =	vlt.u32 v3, $0x7A120;
	v2 =	vadd.s32 $0xFFF85EE0, v8  }
0x2dc: {  	[tilespmem:$0x185E8] =	vst v1;
	v1 =	vsel vm10, v3, v0;
	vm11 =	vlt.u32 v2, $0x7A120  }
0x2dd: {  	[tilespmem:$0x185F8] =	vst v1;
	v0 =	vsel vm11, v2, v0  }
0x2de: {  	[tilespmem:$0x18608] =	vst v0  }
0x2df: {  	[spmem:s10] =	stream.indirect.scatter [tilespmem:s5], [sflag:$0x2], $0x1, s24, s23, $0xb8;
	[tilespmem:$0x1EA98] =	vst v63  }
0x2e0: {  	_ =	swait.ge [sflag:s21], $0x80  }
0x2e1: {  	[sflag:s21] =	ssyncset.done $0x0  }
0x2e2: {  	[sflag:s21] =	ssyncadd.s32 $0xFFFFFF80  }
0x2e3: {  	[bflag:$0x0] =	sbarrier.arrive $0xFFFF  }
0x2e4: {  	[tilespmem:s25], [sflag:$0x2] =	stream.indirect.gather [spmem:s10], $0x1, s4, s23, $0xb8;
	[tilespmem:$0x1EA98] =	vst v63  }
0x2e5: {  	_ =	swait.ge [sflag:s21], $0x80  }
0x2e6: {  	[sflag:s21] =	ssyncset.done $0x0  }
0x2e7: {  	[sflag:s21] =	ssyncadd.s32 $0xFFFFFF80  }
0x2e8: {  	v0 =	vld [tilespmem:$0x17A18]  }
0x2e9: {  	v1 =	vld [tilespmem:$0x18A18]  }
0x2ea: {  	v2 =	vld [tilespmem:$0x17E18]  }
0x2eb: {  	v3 =	vld [tilespmem:$0x17A28]  }
0x2ec: {  	v4 =	vld [tilespmem:$0x18A28]  }
0x2ed: {  	v5 =	vld [tilespmem:$0x17E28]  }
0x2ee: {  	v6 =	vld [tilespmem:$0x17A38]  }
0x2ef: {  	v7 =	vld [tilespmem:$0x18A38]  }
0x2f0: {  	v8 =	vld [tilespmem:$0x17E38]  }
0x2f1: {  	v62 =	vld [tilespmem:$0x17A48]  }
0x2f2: {  	v63 =	vld [tilespmem:$0x18A48]  }
0x2f3: {  	v21 =	vld [tilespmem:$0x17E48]  }
0x2f4: {  	v22 =	vld [tilespmem:$0x17A58]  }
0x2f5: {  	v23 =	vld [tilespmem:$0x18A58]  }
0x2f6: {  	v24 =	vld [tilespmem:$0x17E58]  }
0x2f7: {  	v25 =	vld [tilespmem:$0x17A68]  }
0x2f8: {  	v26 =	vld [tilespmem:$0x18A68]  }
0x2f9: {  	v27 =	vld [tilespmem:$0x17E68]  }
0x2fa: {  	v28 =	vld [tilespmem:$0x17A78]  }
0x2fb: {  	v29 =	vld [tilespmem:$0x18A78];
	v0 =	vadd.s32 $0xFFF85EE0, v0  }
0x2fc: {  	vm12 =	vlt.u32 v0, $0x7A120;
	v0 =	vadd.s32 $0xFFF85EE0, v3;
	v3 =	vld [tilespmem:$0x17E78]  }
0x2fd: {  	v1 =	vsel vm12, v1, v2;
	vm13 =	vlt.u32 v0, $0x7A120;
	v0 =	vadd.s32 $0xFFF85EE0, v6;
	v2 =	vld [tilespmem:$0x17A88]  }
0x2fe: {  	[tilespmem:$0x17E18] =	vst v1;
	v1 =	vsel vm13, v4, v5;
	vm14 =	vlt.u32 v0, $0x7A120;
	v0 =	vadd.s32 $0xFFF85EE0, v62;
	v4 =	vld [tilespmem:$0x18A88]  }
0x2ff: {  	v5 =	vld [tilespmem:$0x17E88];
	[tilespmem:$0x17E28] =	vst v1;
	v1 =	vsel vm14, v7, v8;
	vm15 =	vlt.u32 v0, $0x7A120;
	v0 =	vadd.s32 $0xFFF85EE0, v22  }
0x300: {  	[tilespmem:$0x17E38] =	vst v1;
	v1 =	vsel vm15, v63, v21;
	vm4 =	vlt.u32 v0, $0x7A120;
	v0 =	vadd.s32 $0xFFF85EE0, v25  }
0x301: {  	[tilespmem:$0x17E48] =	vst v1;
	v1 =	vsel vm4, v23, v24;
	vm5 =	vlt.u32 v0, $0x7A120;
	v0 =	vadd.s32 $0xFFF85EE0, v28  }
0x302: {  	[tilespmem:$0x17E58] =	vst v1;
	v1 =	vsel vm5, v26, v27;
	vm6 =	vlt.u32 v0, $0x7A120;
	v0 =	vadd.s32 $0xFFF85EE0, v2  }
0x303: {  	[tilespmem:$0x17E68] =	vst v1;
	v1 =	vsel vm6, v29, v3;
	vm7 =	vlt.u32 v0, $0x7A120  }
0x304: {  	[tilespmem:$0x17E78] =	vst v1;
	v0 =	vsel vm7, v4, v5  }
0x305: {  	[tilespmem:$0x17E88] =	vst v0  }
0x306: {  	[tilespmem:s25], [sflag:$0x2] =	stream.indirect.gather [spmem:s10], $0x1, s0, s23, $0xb8;
	[tilespmem:$0x1EA98] =	vst v63  }
0x307: {  	_ =	swait.ge [sflag:s21], $0x80  }
0x308: {  	[sflag:s21] =	ssyncset.done $0x0  }
0x309: {  	[sflag:s21] =	ssyncadd.s32 $0xFFFFFF80  }
0x30a: {  	v0 =	vld [tilespmem:$0x17A98]  }
0x30b: {  	v1 =	vld [tilespmem:$0x18A18]  }
0x30c: {  	v2 =	vld [tilespmem:$0x17E98]  }
0x30d: {  	v3 =	vld [tilespmem:$0x17AA8]  }
0x30e: {  	v4 =	vld [tilespmem:$0x18A28]  }
0x30f: {  	v5 =	vld [tilespmem:$0x17EA8]  }
0x310: {  	v6 =	vld [tilespmem:$0x17AB8]  }
0x311: {  	v7 =	vld [tilespmem:$0x18A38]  }
0x312: {  	v8 =	vld [tilespmem:$0x17EB8]  }
0x313: {  	v30 =	vld [tilespmem:$0x17AC8]  }
0x314: {  	v31 =	vld [tilespmem:$0x18A48]  }
0x315: {  	v32 =	vld [tilespmem:$0x17EC8]  }
0x316: {  	v33 =	vld [tilespmem:$0x17AD8]  }
0x317: {  	v34 =	vld [tilespmem:$0x18A58]  }
0x318: {  	v35 =	vld [tilespmem:$0x17ED8]  }
0x319: {  	v36 =	vld [tilespmem:$0x17AE8]  }
0x31a: {  	v37 =	vld [tilespmem:$0x18A68]  }
0x31b: {  	v38 =	vld [tilespmem:$0x17EE8]  }
0x31c: {  	v39 =	vld [tilespmem:$0x17AF8]  }
0x31d: {  	v40 =	vld [tilespmem:$0x18A78];
	v0 =	vadd.s32 $0xFFF85EE0, v0  }
0x31e: {  	vm8 =	vlt.u32 v0, $0x7A120;
	v0 =	vadd.s32 $0xFFF85EE0, v3;
	v3 =	vld [tilespmem:$0x17EF8]  }
0x31f: {  	v1 =	vsel vm8, v1, v2;
	vm9 =	vlt.u32 v0, $0x7A120;
	v0 =	vadd.s32 $0xFFF85EE0, v6;
	v2 =	vld [tilespmem:$0x17B08]  }
0x320: {  	[tilespmem:$0x17E98] =	vst v1;
	v1 =	vsel vm9, v4, v5;
	vm10 =	vlt.u32 v0, $0x7A120;
	v0 =	vadd.s32 $0xFFF85EE0, v30;
	v4 =	vld [tilespmem:$0x18A88]  }
0x321: {  	v5 =	vld [tilespmem:$0x17F08];
	[tilespmem:$0x17EA8] =	vst v1;
	v1 =	vsel vm10, v7, v8;
	vm11 =	vlt.u32 v0, $0x7A120;
	v0 =	vadd.s32 $0xFFF85EE0, v33  }
0x322: {  	[tilespmem:$0x17EB8] =	vst v1;
	v1 =	vsel vm11, v31, v32;
	vm12 =	vlt.u32 v0, $0x7A120;
	v0 =	vadd.s32 $0xFFF85EE0, v36  }
0x323: {  	[tilespmem:$0x17EC8] =	vst v1;
	v1 =	vsel vm12, v34, v35;
	vm13 =	vlt.u32 v0, $0x7A120;
	v0 =	vadd.s32 $0xFFF85EE0, v39  }
0x324: {  	[tilespmem:$0x17ED8] =	vst v1;
	v1 =	vsel vm13, v37, v38;
	vm14 =	vlt.u32 v0, $0x7A120;
	v0 =	vadd.s32 $0xFFF85EE0, v2  }
0x325: {  	[tilespmem:$0x17EE8] =	vst v1;
	v1 =	vsel vm14, v40, v3;
	vm15 =	vlt.u32 v0, $0x7A120  }
0x326: {  	[tilespmem:$0x17EF8] =	vst v1;
	v0 =	vsel vm15, v4, v5  }
0x327: {  	[tilespmem:$0x17F08] =	vst v0  }
0x328: {  	[tilespmem:s25], [sflag:$0x2] =	stream.indirect.gather [spmem:s10], $0x1, s31, s23, $0xb8;
	[tilespmem:$0x1EA98] =	vst v63  }
0x329: {  	_ =	swait.ge [sflag:s21], $0x80  }
0x32a: {  	[sflag:s21] =	ssyncset.done $0x0  }
0x32b: {  	[sflag:s21] =	ssyncadd.s32 $0xFFFFFF80  }
0x32c: {  	v0 =	vld [tilespmem:$0x17B18]  }
0x32d: {  	v1 =	vld [tilespmem:$0x18A18]  }
0x32e: {  	v2 =	vld [tilespmem:$0x17F18]  }
0x32f: {  	v3 =	vld [tilespmem:$0x17B28]  }
0x330: {  	v4 =	vld [tilespmem:$0x18A28]  }
0x331: {  	v5 =	vld [tilespmem:$0x17F28]  }
0x332: {  	v6 =	vld [tilespmem:$0x17B38]  }
0x333: {  	v7 =	vld [tilespmem:$0x18A38]  }
0x334: {  	v8 =	vld [tilespmem:$0x17F38]  }
0x335: {  	v41 =	vld [tilespmem:$0x17B48]  }
0x336: {  	v42 =	vld [tilespmem:$0x18A48]  }
0x337: {  	v43 =	vld [tilespmem:$0x17F48]  }
0x338: {  	v44 =	vld [tilespmem:$0x17B58]  }
0x339: {  	v45 =	vld [tilespmem:$0x18A58]  }
0x33a: {  	v46 =	vld [tilespmem:$0x17F58]  }
0x33b: {  	v47 =	vld [tilespmem:$0x17B68]  }
0x33c: {  	v48 =	vld [tilespmem:$0x18A68]  }
0x33d: {  	v49 =	vld [tilespmem:$0x17F68]  }
0x33e: {  	v50 =	vld [tilespmem:$0x17B78]  }
0x33f: {  	v51 =	vld [tilespmem:$0x18A78];
	v0 =	vadd.s32 $0xFFF85EE0, v0  }
0x340: {  	vm4 =	vlt.u32 v0, $0x7A120;
	v0 =	vadd.s32 $0xFFF85EE0, v3;
	v3 =	vld [tilespmem:$0x17F78]  }
0x341: {  	v1 =	vsel vm4, v1, v2;
	vm5 =	vlt.u32 v0, $0x7A120;
	v0 =	vadd.s32 $0xFFF85EE0, v6;
	v2 =	vld [tilespmem:$0x17B88]  }
0x342: {  	[tilespmem:$0x17F18] =	vst v1;
	v1 =	vsel vm5, v4, v5;
	vm6 =	vlt.u32 v0, $0x7A120;
	v0 =	vadd.s32 $0xFFF85EE0, v41;
	v4 =	vld [tilespmem:$0x18A88]  }
0x343: {  	v5 =	vld [tilespmem:$0x17F88];
	[tilespmem:$0x17F28] =	vst v1;
	v1 =	vsel vm6, v7, v8;
	vm7 =	vlt.u32 v0, $0x7A120;
	v0 =	vadd.s32 $0xFFF85EE0, v44  }
0x344: {  	[tilespmem:$0x17F38] =	vst v1;
	v1 =	vsel vm7, v42, v43;
	vm8 =	vlt.u32 v0, $0x7A120;
	v0 =	vadd.s32 $0xFFF85EE0, v47  }
0x345: {  	[tilespmem:$0x17F48] =	vst v1;
	v1 =	vsel vm8, v45, v46;
	vm9 =	vlt.u32 v0, $0x7A120;
	v0 =	vadd.s32 $0xFFF85EE0, v50  }
0x346: {  	[tilespmem:$0x17F58] =	vst v1;
	v1 =	vsel vm9, v48, v49;
	vm10 =	vlt.u32 v0, $0x7A120;
	v0 =	vadd.s32 $0xFFF85EE0, v2  }
0x347: {  	[tilespmem:$0x17F68] =	vst v1;
	v1 =	vsel vm10, v51, v3;
	vm11 =	vlt.u32 v0, $0x7A120  }
0x348: {  	[tilespmem:$0x17F78] =	vst v1;
	v0 =	vsel vm11, v4, v5  }
0x349: {  	[tilespmem:$0x17F88] =	vst v0  }
0x34a: {  	[tilespmem:s25], [sflag:$0x2] =	stream.indirect.gather [spmem:s10], $0x1, s30, s23, $0xb8;
	[tilespmem:$0x1EA98] =	vst v63  }
0x34b: {  	_ =	swait.ge [sflag:s21], $0x80  }
0x34c: {  	[sflag:s21] =	ssyncset.done $0x0  }
0x34d: {  	[sflag:s21] =	ssyncadd.s32 $0xFFFFFF80  }
0x34e: {  	v0 =	vld [tilespmem:$0x17B98]  }
0x34f: {  	v1 =	vld [tilespmem:$0x18A18]  }
0x350: {  	v2 =	vld [tilespmem:$0x17F98]  }
0x351: {  	v3 =	vld [tilespmem:$0x17BA8]  }
0x352: {  	v4 =	vld [tilespmem:$0x18A28]  }
0x353: {  	v5 =	vld [tilespmem:$0x17FA8]  }
0x354: {  	v6 =	vld [tilespmem:$0x17BB8]  }
0x355: {  	v7 =	vld [tilespmem:$0x18A38]  }
0x356: {  	v8 =	vld [tilespmem:$0x17FB8]  }
0x357: {  	v52 =	vld [tilespmem:$0x17BC8]  }
0x358: {  	v53 =	vld [tilespmem:$0x18A48]  }
0x359: {  	v54 =	vld [tilespmem:$0x17FC8]  }
0x35a: {  	v55 =	vld [tilespmem:$0x17BD8]  }
0x35b: {  	v56 =	vld [tilespmem:$0x18A58]  }
0x35c: {  	v57 =	vld [tilespmem:$0x17FD8]  }
0x35d: {  	v58 =	vld [tilespmem:$0x17BE8]  }
0x35e: {  	v59 =	vld [tilespmem:$0x18A68]  }
0x35f: {  	v60 =	vld [tilespmem:$0x17FE8]  }
0x360: {  	v61 =	vld [tilespmem:$0x17BF8]  }
0x361: {  	v62 =	vld [tilespmem:$0x18A78];
	v0 =	vadd.s32 $0xFFF85EE0, v0  }
0x362: {  	vm12 =	vlt.u32 v0, $0x7A120;
	v0 =	vadd.s32 $0xFFF85EE0, v3;
	v3 =	vld [tilespmem:$0x17FF8]  }
0x363: {  	v1 =	vsel vm12, v1, v2;
	vm13 =	vlt.u32 v0, $0x7A120;
	v0 =	vadd.s32 $0xFFF85EE0, v6;
	v2 =	vld [tilespmem:$0x17C08]  }
0x364: {  	[tilespmem:$0x17F98] =	vst v1;
	v1 =	vsel vm13, v4, v5;
	vm14 =	vlt.u32 v0, $0x7A120;
	v0 =	vadd.s32 $0xFFF85EE0, v52;
	v4 =	vld [tilespmem:$0x18A88]  }
0x365: {  	v5 =	vld [tilespmem:$0x18008];
	[tilespmem:$0x17FA8] =	vst v1;
	v1 =	vsel vm14, v7, v8;
	vm15 =	vlt.u32 v0, $0x7A120;
	v0 =	vadd.s32 $0xFFF85EE0, v55  }
0x366: {  	[tilespmem:$0x17FB8] =	vst v1;
	v1 =	vsel vm15, v53, v54;
	vm4 =	vlt.u32 v0, $0x7A120;
	v0 =	vadd.s32 $0xFFF85EE0, v58  }
0x367: {  	[tilespmem:$0x17FC8] =	vst v1;
	v1 =	vsel vm4, v56, v57;
	vm5 =	vlt.u32 v0, $0x7A120;
	v0 =	vadd.s32 $0xFFF85EE0, v61  }
0x368: {  	[tilespmem:$0x17FD8] =	vst v1;
	v1 =	vsel vm5, v59, v60;
	vm6 =	vlt.u32 v0, $0x7A120;
	v0 =	vadd.s32 $0xFFF85EE0, v2  }
0x369: {  	[tilespmem:$0x17FE8] =	vst v1;
	v1 =	vsel vm6, v62, v3;
	vm7 =	vlt.u32 v0, $0x7A120  }
0x36a: {  	[tilespmem:$0x17FF8] =	vst v1;
	v0 =	vsel vm7, v4, v5  }
0x36b: {  	[tilespmem:$0x18008] =	vst v0  }
0x36c: {  	[tilespmem:s25], [sflag:$0x2] =	stream.indirect.gather [spmem:s10], $0x1, s29, s23, $0xb8;
	[tilespmem:$0x1EA98] =	vst v63  }
0x36d: {  	_ =	swait.ge [sflag:s21], $0x80  }
0x36e: {  	[sflag:s21] =	ssyncset.done $0x0  }
0x36f: {  	[sflag:s21] =	ssyncadd.s32 $0xFFFFFF80  }
0x370: {  	v0 =	vld [tilespmem:$0x17C18]  }
0x371: {  	v1 =	vld [tilespmem:$0x18A18]  }
0x372: {  	v2 =	vld [tilespmem:$0x18018]  }
0x373: {  	v3 =	vld [tilespmem:$0x17C28]  }
0x374: {  	v4 =	vld [tilespmem:$0x18A28]  }
0x375: {  	v5 =	vld [tilespmem:$0x18028]  }
0x376: {  	v6 =	vld [tilespmem:$0x17C38]  }
0x377: {  	v7 =	vld [tilespmem:$0x18A38]  }
0x378: {  	v8 =	vld [tilespmem:$0x18038]  }
0x379: {  	v63 =	vld [tilespmem:$0x17C48]  }
0x37a: {  	v21 =	vld [tilespmem:$0x18A48]  }
0x37b: {  	v22 =	vld [tilespmem:$0x18048]  }
0x37c: {  	v23 =	vld [tilespmem:$0x17C58]  }
0x37d: {  	v24 =	vld [tilespmem:$0x18A58]  }
0x37e: {  	v25 =	vld [tilespmem:$0x18058]  }
0x37f: {  	v26 =	vld [tilespmem:$0x17C68]  }
0x380: {  	v27 =	vld [tilespmem:$0x18A68]  }
0x381: {  	v28 =	vld [tilespmem:$0x18068]  }
0x382: {  	v29 =	vld [tilespmem:$0x17C78]  }
0x383: {  	v30 =	vld [tilespmem:$0x18A78];
	v0 =	vadd.s32 $0xFFF85EE0, v0  }
0x384: {  	vm8 =	vlt.u32 v0, $0x7A120;
	v0 =	vadd.s32 $0xFFF85EE0, v3;
	v3 =	vld [tilespmem:$0x18078]  }
0x385: {  	v1 =	vsel vm8, v1, v2;
	vm9 =	vlt.u32 v0, $0x7A120;
	v0 =	vadd.s32 $0xFFF85EE0, v6;
	v2 =	vld [tilespmem:$0x17C88]  }
0x386: {  	[tilespmem:$0x18018] =	vst v1;
	v1 =	vsel vm9, v4, v5;
	vm10 =	vlt.u32 v0, $0x7A120;
	v0 =	vadd.s32 $0xFFF85EE0, v63;
	v4 =	vld [tilespmem:$0x18A88]  }
0x387: {  	v5 =	vld [tilespmem:$0x18088];
	[tilespmem:$0x18028] =	vst v1;
	v1 =	vsel vm10, v7, v8;
	vm11 =	vlt.u32 v0, $0x7A120;
	v0 =	vadd.s32 $0xFFF85EE0, v23  }
0x388: {  	[tilespmem:$0x18038] =	vst v1;
	v1 =	vsel vm11, v21, v22;
	vm12 =	vlt.u32 v0, $0x7A120;
	v0 =	vadd.s32 $0xFFF85EE0, v26  }
0x389: {  	[tilespmem:$0x18048] =	vst v1;
	v1 =	vsel vm12, v24, v25;
	vm13 =	vlt.u32 v0, $0x7A120;
	v0 =	vadd.s32 $0xFFF85EE0, v29  }
0x38a: {  	[tilespmem:$0x18058] =	vst v1;
	v1 =	vsel vm13, v27, v28;
	vm14 =	vlt.u32 v0, $0x7A120;
	v0 =	vadd.s32 $0xFFF85EE0, v2  }
0x38b: {  	[tilespmem:$0x18068] =	vst v1;
	v1 =	vsel vm14, v30, v3;
	vm15 =	vlt.u32 v0, $0x7A120  }
0x38c: {  	[tilespmem:$0x18078] =	vst v1;
	v0 =	vsel vm15, v4, v5  }
0x38d: {  	[tilespmem:$0x18088] =	vst v0  }
0x38e: {  	[tilespmem:s25], [sflag:$0x2] =	stream.indirect.gather [spmem:s10], $0x1, s28, s23, $0xb8;
	[tilespmem:$0x1EA98] =	vst v63  }
0x38f: {  	_ =	swait.ge [sflag:s21], $0x80  }
0x390: {  	[sflag:s21] =	ssyncset.done $0x0  }
0x391: {  	[sflag:s21] =	ssyncadd.s32 $0xFFFFFF80  }
0x392: {  	v0 =	vld [tilespmem:$0x17C98]  }
0x393: {  	v1 =	vld [tilespmem:$0x18A18]  }
0x394: {  	v2 =	vld [tilespmem:$0x18098]  }
0x395: {  	v3 =	vld [tilespmem:$0x17CA8]  }
0x396: {  	v4 =	vld [tilespmem:$0x18A28]  }
0x397: {  	v5 =	vld [tilespmem:$0x180A8]  }
0x398: {  	v6 =	vld [tilespmem:$0x17CB8]  }
0x399: {  	v7 =	vld [tilespmem:$0x18A38]  }
0x39a: {  	v8 =	vld [tilespmem:$0x180B8]  }
0x39b: {  	v31 =	vld [tilespmem:$0x17CC8]  }
0x39c: {  	v32 =	vld [tilespmem:$0x18A48]  }
0x39d: {  	v33 =	vld [tilespmem:$0x180C8]  }
0x39e: {  	v34 =	vld [tilespmem:$0x17CD8]  }
0x39f: {  	v35 =	vld [tilespmem:$0x18A58]  }
0x3a0: {  	v36 =	vld [tilespmem:$0x180D8]  }
0x3a1: {  	v37 =	vld [tilespmem:$0x17CE8]  }
0x3a2: {  	v38 =	vld [tilespmem:$0x18A68]  }
0x3a3: {  	v39 =	vld [tilespmem:$0x180E8]  }
0x3a4: {  	v40 =	vld [tilespmem:$0x17CF8]  }
0x3a5: {  	v41 =	vld [tilespmem:$0x18A78];
	v0 =	vadd.s32 $0xFFF85EE0, v0  }
0x3a6: {  	vm4 =	vlt.u32 v0, $0x7A120;
	v0 =	vadd.s32 $0xFFF85EE0, v3;
	v3 =	vld [tilespmem:$0x180F8]  }
0x3a7: {  	v1 =	vsel vm4, v1, v2;
	vm5 =	vlt.u32 v0, $0x7A120;
	v0 =	vadd.s32 $0xFFF85EE0, v6;
	v2 =	vld [tilespmem:$0x17D08]  }
0x3a8: {  	[tilespmem:$0x18098] =	vst v1;
	v1 =	vsel vm5, v4, v5;
	vm6 =	vlt.u32 v0, $0x7A120;
	v0 =	vadd.s32 $0xFFF85EE0, v31;
	v4 =	vld [tilespmem:$0x18A88]  }
0x3a9: {  	v5 =	vld [tilespmem:$0x18108];
	[tilespmem:$0x180A8] =	vst v1;
	v1 =	vsel vm6, v7, v8;
	vm7 =	vlt.u32 v0, $0x7A120;
	v0 =	vadd.s32 $0xFFF85EE0, v34  }
0x3aa: {  	[tilespmem:$0x180B8] =	vst v1;
	v1 =	vsel vm7, v32, v33;
	vm8 =	vlt.u32 v0, $0x7A120;
	v0 =	vadd.s32 $0xFFF85EE0, v37  }
0x3ab: {  	[tilespmem:$0x180C8] =	vst v1;
	v1 =	vsel vm8, v35, v36;
	vm9 =	vlt.u32 v0, $0x7A120;
	v0 =	vadd.s32 $0xFFF85EE0, v40  }
0x3ac: {  	[tilespmem:$0x180D8] =	vst v1;
	v1 =	vsel vm9, v38, v39;
	vm10 =	vlt.u32 v0, $0x7A120;
	v0 =	vadd.s32 $0xFFF85EE0, v2  }
0x3ad: {  	[tilespmem:$0x180E8] =	vst v1;
	v1 =	vsel vm10, v41, v3;
	vm11 =	vlt.u32 v0, $0x7A120  }
0x3ae: {  	[tilespmem:$0x180F8] =	vst v1;
	v0 =	vsel vm11, v4, v5  }
0x3af: {  	[tilespmem:$0x18108] =	vst v0  }
0x3b0: {  	[tilespmem:s25], [sflag:$0x2] =	stream.indirect.gather [spmem:s10], $0x1, s26, s23, $0xb8;
	[tilespmem:$0x1EA98] =	vst v63  }
0x3b1: {  	_ =	swait.ge [sflag:s21], $0x80  }
0x3b2: {  	[sflag:s21] =	ssyncset.done $0x0  }
0x3b3: {  	[sflag:s21] =	ssyncadd.s32 $0xFFFFFF80  }
0x3b4: {  	v0 =	vld [tilespmem:$0x17D18]  }
0x3b5: {  	v1 =	vld [tilespmem:$0x18A18]  }
0x3b6: {  	v2 =	vld [tilespmem:$0x18118]  }
0x3b7: {  	v3 =	vld [tilespmem:$0x17D28]  }
0x3b8: {  	v4 =	vld [tilespmem:$0x18A28]  }
0x3b9: {  	v5 =	vld [tilespmem:$0x18128]  }
0x3ba: {  	v6 =	vld [tilespmem:$0x17D38]  }
0x3bb: {  	v7 =	vld [tilespmem:$0x18A38]  }
0x3bc: {  	v8 =	vld [tilespmem:$0x18138]  }
0x3bd: {  	v42 =	vld [tilespmem:$0x17D48]  }
0x3be: {  	v43 =	vld [tilespmem:$0x18A48]  }
0x3bf: {  	v44 =	vld [tilespmem:$0x18148]  }
0x3c0: {  	v45 =	vld [tilespmem:$0x17D58]  }
0x3c1: {  	v46 =	vld [tilespmem:$0x18A58]  }
0x3c2: {  	v47 =	vld [tilespmem:$0x18158]  }
0x3c3: {  	v48 =	vld [tilespmem:$0x17D68]  }
0x3c4: {  	v49 =	vld [tilespmem:$0x18A68]  }
0x3c5: {  	v50 =	vld [tilespmem:$0x18168]  }
0x3c6: {  	v51 =	vld [tilespmem:$0x17D78]  }
0x3c7: {  	v52 =	vld [tilespmem:$0x18A78];
	v0 =	vadd.s32 $0xFFF85EE0, v0  }
0x3c8: {  	vm12 =	vlt.u32 v0, $0x7A120;
	v0 =	vadd.s32 $0xFFF85EE0, v3;
	v3 =	vld [tilespmem:$0x18178]  }
0x3c9: {  	v1 =	vsel vm12, v1, v2;
	vm13 =	vlt.u32 v0, $0x7A120;
	v0 =	vadd.s32 $0xFFF85EE0, v6;
	v2 =	vld [tilespmem:$0x17D88]  }
0x3ca: {  	[tilespmem:$0x18118] =	vst v1;
	v1 =	vsel vm13, v4, v5;
	vm14 =	vlt.u32 v0, $0x7A120;
	v0 =	vadd.s32 $0xFFF85EE0, v42;
	v4 =	vld [tilespmem:$0x18A88]  }
0x3cb: {  	v5 =	vld [tilespmem:$0x18188];
	[tilespmem:$0x18128] =	vst v1;
	v1 =	vsel vm14, v7, v8;
	vm15 =	vlt.u32 v0, $0x7A120;
	v0 =	vadd.s32 $0xFFF85EE0, v45  }
0x3cc: {  	[tilespmem:$0x18138] =	vst v1;
	v1 =	vsel vm15, v43, v44;
	vm4 =	vlt.u32 v0, $0x7A120;
	v0 =	vadd.s32 $0xFFF85EE0, v48  }
0x3cd: {  	[tilespmem:$0x18148] =	vst v1;
	v1 =	vsel vm4, v46, v47;
	vm5 =	vlt.u32 v0, $0x7A120;
	v0 =	vadd.s32 $0xFFF85EE0, v51  }
0x3ce: {  	[tilespmem:$0x18158] =	vst v1;
	v1 =	vsel vm5, v49, v50;
	vm6 =	vlt.u32 v0, $0x7A120;
	v0 =	vadd.s32 $0xFFF85EE0, v2  }
0x3cf: {  	[tilespmem:$0x18168] =	vst v1;
	v1 =	vsel vm6, v52, v3;
	vm7 =	vlt.u32 v0, $0x7A120  }
0x3d0: {  	[tilespmem:$0x18178] =	vst v1;
	v0 =	vsel vm7, v4, v5  }
0x3d1: {  	[tilespmem:$0x18188] =	vst v0  }
0x3d2: {  	[tilespmem:s25], [sflag:$0x2] =	stream.indirect.gather [spmem:s10], $0x1, s24, s23, $0xb8;
	[tilespmem:$0x1EA98] =	vst v63  }
0x3d3: {  	_ =	swait.ge [sflag:s21], $0x80  }
0x3d4: {  	[sflag:s21] =	ssyncset.done $0x0  }
0x3d5: {  	[sflag:s21] =	ssyncadd.s32 $0xFFFFFF80  }
0x3d6: {  	v0 =	vld [tilespmem:$0x17D98]  }
0x3d7: {  	v1 =	vld [tilespmem:$0x18A18]  }
0x3d8: {  	v2 =	vld [tilespmem:$0x18198]  }
0x3d9: {  	v3 =	vld [tilespmem:$0x17DA8]  }
0x3da: {  	v4 =	vld [tilespmem:$0x18A28]  }
0x3db: {  	v5 =	vld [tilespmem:$0x181A8]  }
0x3dc: {  	v6 =	vld [tilespmem:$0x17DB8]  }
0x3dd: {  	v7 =	vld [tilespmem:$0x18A38]  }
0x3de: {  	v8 =	vld [tilespmem:$0x181B8]  }
0x3df: {  	v53 =	vld [tilespmem:$0x17DC8]  }
0x3e0: {  	v54 =	vld [tilespmem:$0x18A48]  }
0x3e1: {  	v55 =	vld [tilespmem:$0x181C8]  }
0x3e2: {  	v56 =	vld [tilespmem:$0x17DD8]  }
0x3e3: {  	v57 =	vld [tilespmem:$0x18A58]  }
0x3e4: {  	v58 =	vld [tilespmem:$0x181D8]  }
0x3e5: {  	v59 =	vld [tilespmem:$0x17DE8]  }
0x3e6: {  	v60 =	vld [tilespmem:$0x18A68]  }
0x3e7: {  	v61 =	vld [tilespmem:$0x181E8]  }
0x3e8: {  	v62 =	vld [tilespmem:$0x17DF8]  }
0x3e9: {  	v63 =	vld [tilespmem:$0x18A78];
	v0 =	vadd.s32 $0xFFF85EE0, v0  }
0x3ea: {  	vm8 =	vlt.u32 v0, $0x7A120;
	v0 =	vadd.s32 $0xFFF85EE0, v3;
	v3 =	vld [tilespmem:$0x181F8]  }
0x3eb: {  	v1 =	vsel vm8, v1, v2;
	vm9 =	vlt.u32 v0, $0x7A120;
	v0 =	vadd.s32 $0xFFF85EE0, v6;
	v2 =	vld [tilespmem:$0x17E08]  }
0x3ec: {  	[tilespmem:$0x18198] =	vst v1;
	v1 =	vsel vm9, v4, v5;
	vm10 =	vlt.u32 v0, $0x7A120;
	v0 =	vadd.s32 $0xFFF85EE0, v53;
	v4 =	vld [tilespmem:$0x18A88]  }
0x3ed: {  	v5 =	vld [tilespmem:$0x18208];
	[tilespmem:$0x181A8] =	vst v1;
	v1 =	vsel vm10, v7, v8;
	vm11 =	vlt.u32 v0, $0x7A120;
	v0 =	vadd.s32 $0xFFF85EE0, v56  }
0x3ee: {  	[tilespmem:$0x181B8] =	vst v1;
	v1 =	vsel vm11, v54, v55;
	vm12 =	vlt.u32 v0, $0x7A120;
	v0 =	vadd.s32 $0xFFF85EE0, v59  }
0x3ef: {  	[tilespmem:$0x181C8] =	vst v1;
	v1 =	vsel vm12, v57, v58;
	vm13 =	vlt.u32 v0, $0x7A120;
	v0 =	vadd.s32 $0xFFF85EE0, v62  }
0x3f0: {  	[tilespmem:$0x181D8] =	vst v1;
	v1 =	vsel vm13, v60, v61;
	vm14 =	vlt.u32 v0, $0x7A120;
	v0 =	vadd.s32 $0xFFF85EE0, v2  }
0x3f1: {  	[tilespmem:$0x181E8] =	vst v1;
	v1 =	vsel vm14, v63, v3;
	vm15 =	vlt.u32 v0, $0x7A120  }
0x3f2: {  	[tilespmem:$0x181F8] =	vst v1;
	v0 =	vsel vm15, v4, v5  }
0x3f3: {  	[tilespmem:$0x18208] =	vst v0  }
0x3f4: {  	s10 =	simm.s32 $0x0;
	[bflag:$0x0] =	sbarrier.arrive $0xFFFF  }
0x3f5: {  	[tilespmem:s22], [sflag:$0x2] =	stream.linear.gather [hbm4b:s19+s10], $0x2000, $0x38;
	[tilespmem:$0x1EA98] =	vst v63  }
0x3f6: {  	_ =	swait.ge [sflag:s21], $0x2000  }
0x3f7: {  	[sflag:s21] =	ssyncset.done $0x0  }
0x3f8: {  	s11 =	simm.s32 $0x17E18;
	[sflag:s21] =	ssyncadd.s32 $0xFFFFE000  }
0x3f9: {  	[spmem:s2] =	stream.indirect.scatter.add.f32 [tilespmem:s22], [sflag:$0x2], $0x40, s11, s23, $0xb8;
	[tilespmem:$0x1EA98] =	vst v63  }
0x3fa: {  	_ =	swait.ge [sflag:s21], $0x2000  }
0x3fb: {  	[sflag:s21] =	ssyncset.done $0x0  }
0x3fc: {  	[sflag:s21] =	ssyncadd.s32 $0xFFFFE000  }
0x3fd: {  	[tilespmem:s22], [sflag:$0x2] =	stream.linear.gather [hbm4b:s20+s10], $0x2000, $0x38;
	[tilespmem:$0x1EA98] =	vst v63  }
0x3fe: {  	_ =	swait.ge [sflag:s21], $0x2000  }
0x3ff: {  	[sflag:s21] =	ssyncset.done $0x0  }
0x400: {  	s12 =	simm.s32 $0x17E98;
	[sflag:s21] =	ssyncadd.s32 $0xFFFFE000  }
0x401: {  	[spmem:s2] =	stream.indirect.scatter.add.f32 [tilespmem:s22], [sflag:$0x2], $0x40, s12, s23, $0xb8;
	[tilespmem:$0x1EA98] =	vst v63  }
0x402: {  	_ =	swait.ge [sflag:s21], $0x2000  }
0x403: {  	[sflag:s21] =	ssyncset.done $0x0  }
0x404: {  	[sflag:s21] =	ssyncadd.s32 $0xFFFFE000  }
0x405: {  	[tilespmem:s22], [sflag:$0x2] =	stream.linear.gather [hbm4b:s18+s10], $0x2000, $0x38;
	[tilespmem:$0x1EA98] =	vst v63  }
0x406: {  	_ =	swait.ge [sflag:s21], $0x2000  }
0x407: {  	[sflag:s21] =	ssyncset.done $0x0  }
0x408: {  	s13 =	simm.s32 $0x17F18;
	[sflag:s21] =	ssyncadd.s32 $0xFFFFE000  }
0x409: {  	[spmem:s2] =	stream.indirect.scatter.add.f32 [tilespmem:s22], [sflag:$0x2], $0x40, s13, s23, $0xb8;
	[tilespmem:$0x1EA98] =	vst v63  }
0x40a: {  	_ =	swait.ge [sflag:s21], $0x2000  }
0x40b: {  	[sflag:s21] =	ssyncset.done $0x0  }
0x40c: {  	[sflag:s21] =	ssyncadd.s32 $0xFFFFE000  }
0x40d: {  	[tilespmem:s22], [sflag:$0x2] =	stream.linear.gather [hbm4b:s17+s10], $0x2000, $0x38;
	[tilespmem:$0x1EA98] =	vst v63  }
0x40e: {  	_ =	swait.ge [sflag:s21], $0x2000  }
0x40f: {  	[sflag:s21] =	ssyncset.done $0x0  }
0x410: {  	s18 =	simm.s32 $0x17F98;
	[sflag:s21] =	ssyncadd.s32 $0xFFFFE000  }
0x411: {  	[spmem:s2] =	stream.indirect.scatter.add.f32 [tilespmem:s22], [sflag:$0x2], $0x40, s18, s23, $0xb8;
	[tilespmem:$0x1EA98] =	vst v63  }
0x412: {  	_ =	swait.ge [sflag:s21], $0x2000  }
0x413: {  	[sflag:s21] =	ssyncset.done $0x0  }
0x414: {  	[sflag:s21] =	ssyncadd.s32 $0xFFFFE000  }
0x415: {  	[tilespmem:s22], [sflag:$0x2] =	stream.linear.gather [hbm4b:s16+s10], $0x2000, $0x38;
	[tilespmem:$0x1EA98] =	vst v63  }
0x416: {  	_ =	swait.ge [sflag:s21], $0x2000  }
0x417: {  	[sflag:s21] =	ssyncset.done $0x0  }
0x418: {  	s19 =	simm.s32 $0x18018;
	[sflag:s21] =	ssyncadd.s32 $0xFFFFE000  }
0x419: {  	[spmem:s2] =	stream.indirect.scatter.add.f32 [tilespmem:s22], [sflag:$0x2], $0x40, s19, s23, $0xb8;
	[tilespmem:$0x1EA98] =	vst v63  }
0x41a: {  	_ =	swait.ge [sflag:s21], $0x2000  }
0x41b: {  	[sflag:s21] =	ssyncset.done $0x0  }
0x41c: {  	[sflag:s21] =	ssyncadd.s32 $0xFFFFE000  }
0x41d: {  	[tilespmem:s22], [sflag:$0x2] =	stream.linear.gather [hbm4b:s15+s10], $0x2000, $0x38;
	[tilespmem:$0x1EA98] =	vst v63  }
0x41e: {  	_ =	swait.ge [sflag:s21], $0x2000  }
0x41f: {  	[sflag:s21] =	ssyncset.done $0x0  }
0x420: {  	s20 =	simm.s32 $0x18098;
	[sflag:s21] =	ssyncadd.s32 $0xFFFFE000  }
0x421: {  	[spmem:s2] =	stream.indirect.scatter.add.f32 [tilespmem:s22], [sflag:$0x2], $0x40, s20, s23, $0xb8;
	[tilespmem:$0x1EA98] =	vst v63  }
0x422: {  	_ =	swait.ge [sflag:s21], $0x2000  }
0x423: {  	[sflag:s21] =	ssyncset.done $0x0  }
0x424: {  	[sflag:s21] =	ssyncadd.s32 $0xFFFFE000  }
0x425: {  	[tilespmem:s22], [sflag:$0x2] =	stream.linear.gather [hbm4b:s14+s10], $0x2000, $0x38;
	[tilespmem:$0x1EA98] =	vst v63  }
0x426: {  	_ =	swait.ge [sflag:s21], $0x2000  }
0x427: {  	[sflag:s21] =	ssyncset.done $0x0  }
0x428: {  	s24 =	simm.s32 $0x18118;
	[sflag:s21] =	ssyncadd.s32 $0xFFFFE000  }
0x429: {  	[spmem:s2] =	stream.indirect.scatter.add.f32 [tilespmem:s22], [sflag:$0x2], $0x40, s24, s23, $0xb8;
	[tilespmem:$0x1EA98] =	vst v63  }
0x42a: {  	_ =	swait.ge [sflag:s21], $0x2000  }
0x42b: {  	[sflag:s21] =	ssyncset.done $0x0  }
0x42c: {  	s25 =	rddreg [dreg:$0xe];
	[sflag:s21] =	ssyncadd.s32 $0xFFFFE000  }
0x42d: {  	[tilespmem:s22], [sflag:$0x2] =	stream.linear.gather [hbm4b:s25+s10], $0x2000, $0x38;
	[tilespmem:$0x1EA98] =	vst v63  }
0x42e: {  	_ =	swait.ge [sflag:s21], $0x2000  }
0x42f: {  	[sflag:s21] =	ssyncset.done $0x0  }
0x430: {  	s26 =	simm.s32 $0x18198;
	[sflag:s21] =	ssyncadd.s32 $0xFFFFE000  }
0x431: {  	[spmem:s2] =	stream.indirect.scatter.add.f32 [tilespmem:s22], [sflag:$0x2], $0x40, s26, s23, $0xb8;
	[tilespmem:$0x1EA98] =	vst v63  }
0x432: {  	_ =	swait.ge [sflag:s21], $0x2000  }
0x433: {  	[sflag:s21] =	ssyncset.done $0x0  }
0x434: {  	s30 =	simm.s32 $0x1;
	[sflag:s21] =	ssyncadd.s32 $0xFFFFE000  }
0x435: {  	s29 =	simm.s32 $0x1CA98;
	s28 =	simm.s32 $0x17A18;
	[bflag:$0x0] =	sbarrier.arrive $0xFFFF  }
0x436: {  	[tilespmem:s29], [sflag:$0x1] =	stream.indirect.gather [hbm4b:s3+s23], $0x40, s28, s23, $0xb8;
	[tilespmem:$0x1EA98] =	vst v63  }
0x437: {  	_ =	swait.ge [sflag:s30], $0x2000  }
0x438: {  	[sflag:s30] =	ssyncset.done $0x0  }
0x439: {  	s31 =	simm.s32 $0x1AA98;
	[sflag:s30] =	ssyncadd.s32 $0xFFFFE000  }
0x43a: {  	[tilespmem:s31], [sflag:$0x2] =	stream.indirect.gather [spmem:s2], $0x40, s11, s23, $0xb8;
	[tilespmem:$0x1EA98] =	vst v63  }
0x43b: {  	_ =	swait.ge [sflag:s21], $0x2000  }
0x43c: {  	[sflag:s21] =	ssyncset.done $0x0  }
0x43d: {  	s0 =	simm.s32 $0x0;
	[sflag:s21] =	ssyncadd.s32 $0xFFFFE000  }
0x43e: {  	v5 =	vld [tilespmem:s0+$0x1CA98]  }
0x43f: {  	v6 =	vld [tilespmem:s0+$0x1CAA8]  }
0x440: {  	v1 =	vld [tilespmem:s0+$0x1CAB8]  }
0x441: {  	v0 =	vld [tilespmem:s0+$0x1CAC8]  }
0x442: {  	v2 =	vld [tilespmem:s0+$0x1AA98]  }
0x443: {  	v4 =	vld [tilespmem:s0+$0x1AAA8]  }
0x444: {  	s4 =	simm.s32 $0x100;
	v3 =	vld [tilespmem:s0+$0x1AAB8]  }
.LBB2_4:
0x445: {  	s5 =	sshra.s32 s4, $0x2;
	p0 =	sne.s32 s4, $0x7F00;
	v7 =	vld [tilespmem:s0+$0x1AAC8];
	v8 =	vmov v1  }
0x446: {  	v9 =	vld [tilespmem:s5+$0x1CA98];
	v10 =	vmov v0  }
0x447: {  	v11 =	vld [tilespmem:s5+$0x1CAA8];
	v2 =	vadd.f32 v5, v2  }
.Ltmp2:
0x448: {  	v1 =	vld [tilespmem:s5+$0x1CAB8];
	v4 =	vadd.f32 v6, v4;
	(pc) =	sbr.rel @p0 .LBB2_4-.Ltmp2, $4  }
0x449: {  	v0 =	vld [tilespmem:s5+$0x1CAC8];
	[tilespmem:s0+$0x1AA98] =	vst v2;
	v3 =	vadd.f32 v8, v3  }
0x44a: {  	v2 =	vld [tilespmem:s5+$0x1AA98];
	[tilespmem:s0+$0x1AAA8] =	vst v4;
	v7 =	vadd.f32 v10, v7  }
0x44b: {  	v4 =	vld [tilespmem:s5+$0x1AAA8];
	[tilespmem:s0+$0x1AAB8] =	vst v3;
	v5 =	vmov v9  }
0x44c: {  	s4 =	sadd.s32 $0x100, s4;
	v3 =	vld [tilespmem:s5+$0x1AAB8];
	[tilespmem:s0+$0x1AAC8] =	vst v7;
	v6 =	vmov v11;
	s0 =	smov.u32 s5  }
0x44d: {  	v7 =	vld [tilespmem:s0+$0x1AAC8];
	_ =	sdelay $0x1  }
0x44e: {  	v2 =	vadd.f32 v5, v2  }
0x44f: {  	v4 =	vadd.f32 v6, v4  }
0x450: {  	[tilespmem:s0+$0x1AA98] =	vst v2;
	v1 =	vadd.f32 v1, v3  }
0x451: {  	[tilespmem:s0+$0x1AAA8] =	vst v4;
	v0 =	vadd.f32 v0, v7  }
0x452: {  	s26 =	simm.s32 $0x0;
	[tilespmem:s0+$0x1AAB8] =	vst v1  }
0x453: {  	s4 =	simm.s32 $0x1AA98;
	s5 =	rddreg [dreg:$0xd];
	s28 =	simm.s32 $0x2;
	[tilespmem:s0+$0x1AAC8] =	vst v0  }
0x454: {  	[hbm4b:s5+s26] =	stream.linear.scatter [tilespmem:s4], [sflag:$0x2], $0x2000, $0x38;
	[tilespmem:$0x1EA98] =	vst v63  }
0x455: {  	_ =	swait.ge [sflag:s28], $0x2000  }
0x456: {  	s29 =	simm.s32 $0x80;
	s6 =	simm.s32 $0x17A98;
	[sflag:s28] =	ssyncset.done $0x0  }
0x457: {  	s7 =	simm.s32 $0x1CA98;
	s30 =	simm.s32 $0x1;
	[sflag:s28] =	ssyncadd.s32 $0xFFFFE000  }
0x458: {  	[tilespmem:s7], [sflag:$0x1] =	stream.indirect.gather [hbm4b:s3+s29], $0x40, s6, s29, $0xb8;
	[tilespmem:$0x1EA98] =	vst v63  }
0x459: {  	_ =	swait.ge [sflag:s30], $0x2000  }
0x45a: {  	[sflag:s30] =	ssyncset.done $0x0  }
0x45b: {  	s31 =	simm.s32 $0x17E98;
	[sflag:s30] =	ssyncadd.s32 $0xFFFFE000  }
0x45c: {  	[tilespmem:s4], [sflag:$0x2] =	stream.indirect.gather [spmem:s2], $0x40, s31, s29, $0xb8;
	[tilespmem:$0x1EA98] =	vst v63  }
0x45d: {  	_ =	swait.ge [sflag:s28], $0x2000  }
0x45e: {  	[sflag:s28] =	ssyncset.done $0x0  }
0x45f: {  	s0 =	simm.s32 $0x0;
	[sflag:s28] =	ssyncadd.s32 $0xFFFFE000  }
0x460: {  	v5 =	vld [tilespmem:s0+$0x1CA98]  }
0x461: {  	v6 =	vld [tilespmem:s0+$0x1CAA8]  }
0x462: {  	v1 =	vld [tilespmem:s0+$0x1CAB8]  }
0x463: {  	v0 =	vld [tilespmem:s0+$0x1CAC8]  }
0x464: {  	v2 =	vld [tilespmem:s0+$0x1AA98]  }
0x465: {  	v4 =	vld [tilespmem:s0+$0x1AAA8]  }
0x466: {  	s4 =	simm.s32 $0x100;
	v3 =	vld [tilespmem:s0+$0x1AAB8]  }
.LBB2_6:
0x467: {  	s5 =	sshra.s32 s4, $0x2;
	p0 =	sne.s32 s4, $0x7F00;
	v7 =	vld [tilespmem:s0+$0x1AAC8];
	v8 =	vmov v1  }
0x468: {  	v9 =	vld [tilespmem:s5+$0x1CA98];
	v10 =	vmov v0  }
0x469: {  	v11 =	vld [tilespmem:s5+$0x1CAA8];
	v2 =	vadd.f32 v5, v2  }
.Ltmp3:
0x46a: {  	v1 =	vld [tilespmem:s5+$0x1CAB8];
	v4 =	vadd.f32 v6, v4;
	(pc) =	sbr.rel @p0 .LBB2_6-.Ltmp3, $4  }
0x46b: {  	v0 =	vld [tilespmem:s5+$0x1CAC8];
	[tilespmem:s0+$0x1AA98] =	vst v2;
	v3 =	vadd.f32 v8, v3  }
0x46c: {  	v2 =	vld [tilespmem:s5+$0x1AA98];
	[tilespmem:s0+$0x1AAA8] =	vst v4;
	v7 =	vadd.f32 v10, v7  }
0x46d: {  	v4 =	vld [tilespmem:s5+$0x1AAA8];
	[tilespmem:s0+$0x1AAB8] =	vst v3;
	v5 =	vmov v9  }
0x46e: {  	s4 =	sadd.s32 $0x100, s4;
	v3 =	vld [tilespmem:s5+$0x1AAB8];
	[tilespmem:s0+$0x1AAC8] =	vst v7;
	v6 =	vmov v11;
	s0 =	smov.u32 s5  }
0x46f: {  	v7 =	vld [tilespmem:s0+$0x1AAC8];
	_ =	sdelay $0x1  }
0x470: {  	v2 =	vadd.f32 v5, v2  }
0x471: {  	v4 =	vadd.f32 v6, v4  }
0x472: {  	[tilespmem:s0+$0x1AA98] =	vst v2;
	v1 =	vadd.f32 v1, v3  }
0x473: {  	[tilespmem:s0+$0x1AAA8] =	vst v4;
	v0 =	vadd.f32 v0, v7  }
0x474: {  	s26 =	simm.s32 $0x0;
	[tilespmem:s0+$0x1AAB8] =	vst v1  }
0x475: {  	s4 =	simm.s32 $0x1AA98;
	s5 =	rddreg [dreg:$0xc];
	s28 =	simm.s32 $0x2;
	[tilespmem:s0+$0x1AAC8] =	vst v0  }
0x476: {  	[hbm4b:s5+s26] =	stream.linear.scatter [tilespmem:s4], [sflag:$0x2], $0x2000, $0x38;
	[tilespmem:$0x1EA98] =	vst v63  }
0x477: {  	_ =	swait.ge [sflag:s28], $0x2000  }
0x478: {  	s29 =	simm.s32 $0x80;
	s6 =	simm.s32 $0x17B18;
	[sflag:s28] =	ssyncset.done $0x0  }
0x479: {  	s7 =	simm.s32 $0x1CA98;
	s30 =	simm.s32 $0x1;
	[sflag:s28] =	ssyncadd.s32 $0xFFFFE000  }
0x47a: {  	[tilespmem:s7], [sflag:$0x1] =	stream.indirect.gather [hbm4b:s3+s29], $0x40, s6, s29, $0xb8;
	[tilespmem:$0x1EA98] =	vst v63  }
0x47b: {  	_ =	swait.ge [sflag:s30], $0x2000  }
0x47c: {  	[sflag:s30] =	ssyncset.done $0x0  }
0x47d: {  	s31 =	simm.s32 $0x17F18;
	[sflag:s30] =	ssyncadd.s32 $0xFFFFE000  }
0x47e: {  	[tilespmem:s4], [sflag:$0x2] =	stream.indirect.gather [spmem:s2], $0x40, s31, s29, $0xb8;
	[tilespmem:$0x1EA98] =	vst v63  }
0x47f: {  	_ =	swait.ge [sflag:s28], $0x2000  }
0x480: {  	[sflag:s28] =	ssyncset.done $0x0  }
0x481: {  	s0 =	simm.s32 $0x0;
	[sflag:s28] =	ssyncadd.s32 $0xFFFFE000  }
0x482: {  	v5 =	vld [tilespmem:s0+$0x1CA98]  }
0x483: {  	v6 =	vld [tilespmem:s0+$0x1CAA8]  }
0x484: {  	v1 =	vld [tilespmem:s0+$0x1CAB8]  }
0x485: {  	v0 =	vld [tilespmem:s0+$0x1CAC8]  }
0x486: {  	v2 =	vld [tilespmem:s0+$0x1AA98]  }
0x487: {  	v4 =	vld [tilespmem:s0+$0x1AAA8]  }
0x488: {  	s4 =	simm.s32 $0x100;
	v3 =	vld [tilespmem:s0+$0x1AAB8]  }
.LBB2_8:
0x489: {  	s5 =	sshra.s32 s4, $0x2;
	p0 =	sne.s32 s4, $0x7F00;
	v7 =	vld [tilespmem:s0+$0x1AAC8];
	v8 =	vmov v1  }
0x48a: {  	v9 =	vld [tilespmem:s5+$0x1CA98];
	v10 =	vmov v0  }
0x48b: {  	v11 =	vld [tilespmem:s5+$0x1CAA8];
	v2 =	vadd.f32 v5, v2  }
.Ltmp4:
0x48c: {  	v1 =	vld [tilespmem:s5+$0x1CAB8];
	v4 =	vadd.f32 v6, v4;
	(pc) =	sbr.rel @p0 .LBB2_8-.Ltmp4, $4  }
0x48d: {  	v0 =	vld [tilespmem:s5+$0x1CAC8];
	[tilespmem:s0+$0x1AA98] =	vst v2;
	v3 =	vadd.f32 v8, v3  }
0x48e: {  	v2 =	vld [tilespmem:s5+$0x1AA98];
	[tilespmem:s0+$0x1AAA8] =	vst v4;
	v7 =	vadd.f32 v10, v7  }
0x48f: {  	v4 =	vld [tilespmem:s5+$0x1AAA8];
	[tilespmem:s0+$0x1AAB8] =	vst v3;
	v5 =	vmov v9  }
0x490: {  	s4 =	sadd.s32 $0x100, s4;
	v3 =	vld [tilespmem:s5+$0x1AAB8];
	[tilespmem:s0+$0x1AAC8] =	vst v7;
	v6 =	vmov v11;
	s0 =	smov.u32 s5  }
0x491: {  	v7 =	vld [tilespmem:s0+$0x1AAC8];
	_ =	sdelay $0x1  }
0x492: {  	v2 =	vadd.f32 v5, v2  }
0x493: {  	v4 =	vadd.f32 v6, v4  }
0x494: {  	[tilespmem:s0+$0x1AA98] =	vst v2;
	v1 =	vadd.f32 v1, v3  }
0x495: {  	[tilespmem:s0+$0x1AAA8] =	vst v4;
	v0 =	vadd.f32 v0, v7  }
0x496: {  	s26 =	simm.s32 $0x0;
	[tilespmem:s0+$0x1AAB8] =	vst v1  }
0x497: {  	s4 =	simm.s32 $0x1AA98;
	s5 =	rddreg [dreg:$0xb];
	s28 =	simm.s32 $0x2;
	[tilespmem:s0+$0x1AAC8] =	vst v0  }
0x498: {  	[hbm4b:s5+s26] =	stream.linear.scatter [tilespmem:s4], [sflag:$0x2], $0x2000, $0x38;
	[tilespmem:$0x1EA98] =	vst v63  }
0x499: {  	_ =	swait.ge [sflag:s28], $0x2000  }
0x49a: {  	s29 =	simm.s32 $0x80;
	s6 =	simm.s32 $0x17B98;
	[sflag:s28] =	ssyncset.done $0x0  }
0x49b: {  	s7 =	simm.s32 $0x1CA98;
	s30 =	simm.s32 $0x1;
	[sflag:s28] =	ssyncadd.s32 $0xFFFFE000  }
0x49c: {  	[tilespmem:s7], [sflag:$0x1] =	stream.indirect.gather [hbm4b:s3+s29], $0x40, s6, s29, $0xb8;
	[tilespmem:$0x1EA98] =	vst v63  }
0x49d: {  	_ =	swait.ge [sflag:s30], $0x2000  }
0x49e: {  	[sflag:s30] =	ssyncset.done $0x0  }
0x49f: {  	s31 =	simm.s32 $0x17F98;
	[sflag:s30] =	ssyncadd.s32 $0xFFFFE000  }
0x4a0: {  	[tilespmem:s4], [sflag:$0x2] =	stream.indirect.gather [spmem:s2], $0x40, s31, s29, $0xb8;
	[tilespmem:$0x1EA98] =	vst v63  }
0x4a1: {  	_ =	swait.ge [sflag:s28], $0x2000  }
0x4a2: {  	[sflag:s28] =	ssyncset.done $0x0  }
0x4a3: {  	s0 =	simm.s32 $0x0;
	[sflag:s28] =	ssyncadd.s32 $0xFFFFE000  }
0x4a4: {  	v5 =	vld [tilespmem:s0+$0x1CA98]  }
0x4a5: {  	v6 =	vld [tilespmem:s0+$0x1CAA8]  }
0x4a6: {  	v1 =	vld [tilespmem:s0+$0x1CAB8]  }
0x4a7: {  	v0 =	vld [tilespmem:s0+$0x1CAC8]  }
0x4a8: {  	v2 =	vld [tilespmem:s0+$0x1AA98]  }
0x4a9: {  	v4 =	vld [tilespmem:s0+$0x1AAA8]  }
0x4aa: {  	s4 =	simm.s32 $0x100;
	v3 =	vld [tilespmem:s0+$0x1AAB8]  }
.LBB2_10:
0x4ab: {  	s5 =	sshra.s32 s4, $0x2;
	p0 =	sne.s32 s4, $0x7F00;
	v7 =	vld [tilespmem:s0+$0x1AAC8];
	v8 =	vmov v1  }
0x4ac: {  	v9 =	vld [tilespmem:s5+$0x1CA98];
	v10 =	vmov v0  }
0x4ad: {  	v11 =	vld [tilespmem:s5+$0x1CAA8];
	v2 =	vadd.f32 v5, v2  }
.Ltmp5:
0x4ae: {  	v1 =	vld [tilespmem:s5+$0x1CAB8];
	v4 =	vadd.f32 v6, v4;
	(pc) =	sbr.rel @p0 .LBB2_10-.Ltmp5, $4  }
0x4af: {  	v0 =	vld [tilespmem:s5+$0x1CAC8];
	[tilespmem:s0+$0x1AA98] =	vst v2;
	v3 =	vadd.f32 v8, v3  }
0x4b0: {  	v2 =	vld [tilespmem:s5+$0x1AA98];
	[tilespmem:s0+$0x1AAA8] =	vst v4;
	v7 =	vadd.f32 v10, v7  }
0x4b1: {  	v4 =	vld [tilespmem:s5+$0x1AAA8];
	[tilespmem:s0+$0x1AAB8] =	vst v3;
	v5 =	vmov v9  }
0x4b2: {  	s4 =	sadd.s32 $0x100, s4;
	v3 =	vld [tilespmem:s5+$0x1AAB8];
	[tilespmem:s0+$0x1AAC8] =	vst v7;
	v6 =	vmov v11;
	s0 =	smov.u32 s5  }
0x4b3: {  	v7 =	vld [tilespmem:s0+$0x1AAC8];
	_ =	sdelay $0x1  }
0x4b4: {  	v2 =	vadd.f32 v5, v2  }
0x4b5: {  	v4 =	vadd.f32 v6, v4  }
0x4b6: {  	[tilespmem:s0+$0x1AA98] =	vst v2;
	v1 =	vadd.f32 v1, v3  }
0x4b7: {  	[tilespmem:s0+$0x1AAA8] =	vst v4;
	v0 =	vadd.f32 v0, v7  }
0x4b8: {  	s26 =	simm.s32 $0x0;
	[tilespmem:s0+$0x1AAB8] =	vst v1  }
0x4b9: {  	s4 =	simm.s32 $0x1AA98;
	s5 =	rddreg [dreg:$0xa];
	s28 =	simm.s32 $0x2;
	[tilespmem:s0+$0x1AAC8] =	vst v0  }
0x4ba: {  	[hbm4b:s5+s26] =	stream.linear.scatter [tilespmem:s4], [sflag:$0x2], $0x2000, $0x38;
	[tilespmem:$0x1EA98] =	vst v63  }
0x4bb: {  	_ =	swait.ge [sflag:s28], $0x2000  }
0x4bc: {  	s29 =	simm.s32 $0x80;
	s6 =	simm.s32 $0x17C18;
	[sflag:s28] =	ssyncset.done $0x0  }
0x4bd: {  	s7 =	simm.s32 $0x1CA98;
	s30 =	simm.s32 $0x1;
	[sflag:s28] =	ssyncadd.s32 $0xFFFFE000  }
0x4be: {  	[tilespmem:s7], [sflag:$0x1] =	stream.indirect.gather [hbm4b:s3+s29], $0x40, s6, s29, $0xb8;
	[tilespmem:$0x1EA98] =	vst v63  }
0x4bf: {  	_ =	swait.ge [sflag:s30], $0x2000  }
0x4c0: {  	[sflag:s30] =	ssyncset.done $0x0  }
0x4c1: {  	s31 =	simm.s32 $0x18018;
	[sflag:s30] =	ssyncadd.s32 $0xFFFFE000  }
0x4c2: {  	[tilespmem:s4], [sflag:$0x2] =	stream.indirect.gather [spmem:s2], $0x40, s31, s29, $0xb8;
	[tilespmem:$0x1EA98] =	vst v63  }
0x4c3: {  	_ =	swait.ge [sflag:s28], $0x2000  }
0x4c4: {  	[sflag:s28] =	ssyncset.done $0x0  }
0x4c5: {  	s0 =	simm.s32 $0x0;
	[sflag:s28] =	ssyncadd.s32 $0xFFFFE000  }
0x4c6: {  	v5 =	vld [tilespmem:s0+$0x1CA98]  }
0x4c7: {  	v6 =	vld [tilespmem:s0+$0x1CAA8]  }
0x4c8: {  	v1 =	vld [tilespmem:s0+$0x1CAB8]  }
0x4c9: {  	v0 =	vld [tilespmem:s0+$0x1CAC8]  }
0x4ca: {  	v2 =	vld [tilespmem:s0+$0x1AA98]  }
0x4cb: {  	v4 =	vld [tilespmem:s0+$0x1AAA8]  }
0x4cc: {  	s4 =	simm.s32 $0x100;
	v3 =	vld [tilespmem:s0+$0x1AAB8]  }
.LBB2_12:
0x4cd: {  	s5 =	sshra.s32 s4, $0x2;
	p0 =	sne.s32 s4, $0x7F00;
	v7 =	vld [tilespmem:s0+$0x1AAC8];
	v8 =	vmov v1  }
0x4ce: {  	v9 =	vld [tilespmem:s5+$0x1CA98];
	v10 =	vmov v0  }
0x4cf: {  	v11 =	vld [tilespmem:s5+$0x1CAA8];
	v2 =	vadd.f32 v5, v2  }
.Ltmp6:
0x4d0: {  	v1 =	vld [tilespmem:s5+$0x1CAB8];
	v4 =	vadd.f32 v6, v4;
	(pc) =	sbr.rel @p0 .LBB2_12-.Ltmp6, $4  }
0x4d1: {  	v0 =	vld [tilespmem:s5+$0x1CAC8];
	[tilespmem:s0+$0x1AA98] =	vst v2;
	v3 =	vadd.f32 v8, v3  }
0x4d2: {  	v2 =	vld [tilespmem:s5+$0x1AA98];
	[tilespmem:s0+$0x1AAA8] =	vst v4;
	v7 =	vadd.f32 v10, v7  }
0x4d3: {  	v4 =	vld [tilespmem:s5+$0x1AAA8];
	[tilespmem:s0+$0x1AAB8] =	vst v3;
	v5 =	vmov v9  }
0x4d4: {  	s4 =	sadd.s32 $0x100, s4;
	v3 =	vld [tilespmem:s5+$0x1AAB8];
	[tilespmem:s0+$0x1AAC8] =	vst v7;
	v6 =	vmov v11;
	s0 =	smov.u32 s5  }
0x4d5: {  	v7 =	vld [tilespmem:s0+$0x1AAC8];
	_ =	sdelay $0x1  }
0x4d6: {  	v2 =	vadd.f32 v5, v2  }
0x4d7: {  	v4 =	vadd.f32 v6, v4  }
0x4d8: {  	[tilespmem:s0+$0x1AA98] =	vst v2;
	v1 =	vadd.f32 v1, v3  }
0x4d9: {  	[tilespmem:s0+$0x1AAA8] =	vst v4;
	v0 =	vadd.f32 v0, v7  }
0x4da: {  	s26 =	simm.s32 $0x0;
	[tilespmem:s0+$0x1AAB8] =	vst v1  }
0x4db: {  	s4 =	simm.s32 $0x1AA98;
	s5 =	rddreg [dreg:$0x9];
	s28 =	simm.s32 $0x2;
	[tilespmem:s0+$0x1AAC8] =	vst v0  }
0x4dc: {  	[hbm4b:s5+s26] =	stream.linear.scatter [tilespmem:s4], [sflag:$0x2], $0x2000, $0x38;
	[tilespmem:$0x1EA98] =	vst v63  }
0x4dd: {  	_ =	swait.ge [sflag:s28], $0x2000  }
0x4de: {  	s29 =	simm.s32 $0x80;
	s6 =	simm.s32 $0x17C98;
	[sflag:s28] =	ssyncset.done $0x0  }
0x4df: {  	s7 =	simm.s32 $0x1CA98;
	s30 =	simm.s32 $0x1;
	[sflag:s28] =	ssyncadd.s32 $0xFFFFE000  }
0x4e0: {  	[tilespmem:s7], [sflag:$0x1] =	stream.indirect.gather [hbm4b:s3+s29], $0x40, s6, s29, $0xb8;
	[tilespmem:$0x1EA98] =	vst v63  }
0x4e1: {  	_ =	swait.ge [sflag:s30], $0x2000  }
0x4e2: {  	[sflag:s30] =	ssyncset.done $0x0  }
0x4e3: {  	s31 =	simm.s32 $0x18098;
	[sflag:s30] =	ssyncadd.s32 $0xFFFFE000  }
0x4e4: {  	[tilespmem:s4], [sflag:$0x2] =	stream.indirect.gather [spmem:s2], $0x40, s31, s29, $0xb8;
	[tilespmem:$0x1EA98] =	vst v63  }
0x4e5: {  	_ =	swait.ge [sflag:s28], $0x2000  }
0x4e6: {  	[sflag:s28] =	ssyncset.done $0x0  }
0x4e7: {  	s0 =	simm.s32 $0x0;
	[sflag:s28] =	ssyncadd.s32 $0xFFFFE000  }
0x4e8: {  	v5 =	vld [tilespmem:s0+$0x1CA98]  }
0x4e9: {  	v6 =	vld [tilespmem:s0+$0x1CAA8]  }
0x4ea: {  	v1 =	vld [tilespmem:s0+$0x1CAB8]  }
0x4eb: {  	v0 =	vld [tilespmem:s0+$0x1CAC8]  }
0x4ec: {  	v2 =	vld [tilespmem:s0+$0x1AA98]  }
0x4ed: {  	v4 =	vld [tilespmem:s0+$0x1AAA8]  }
0x4ee: {  	s4 =	simm.s32 $0x100;
	v3 =	vld [tilespmem:s0+$0x1AAB8]  }
.LBB2_14:
0x4ef: {  	s5 =	sshra.s32 s4, $0x2;
	p0 =	sne.s32 s4, $0x7F00;
	v7 =	vld [tilespmem:s0+$0x1AAC8];
	v8 =	vmov v1  }
0x4f0: {  	v9 =	vld [tilespmem:s5+$0x1CA98];
	v10 =	vmov v0  }
0x4f1: {  	v11 =	vld [tilespmem:s5+$0x1CAA8];
	v2 =	vadd.f32 v5, v2  }
.Ltmp7:
0x4f2: {  	v1 =	vld [tilespmem:s5+$0x1CAB8];
	v4 =	vadd.f32 v6, v4;
	(pc) =	sbr.rel @p0 .LBB2_14-.Ltmp7, $4  }
0x4f3: {  	v0 =	vld [tilespmem:s5+$0x1CAC8];
	[tilespmem:s0+$0x1AA98] =	vst v2;
	v3 =	vadd.f32 v8, v3  }
0x4f4: {  	v2 =	vld [tilespmem:s5+$0x1AA98];
	[tilespmem:s0+$0x1AAA8] =	vst v4;
	v7 =	vadd.f32 v10, v7  }
0x4f5: {  	v4 =	vld [tilespmem:s5+$0x1AAA8];
	[tilespmem:s0+$0x1AAB8] =	vst v3;
	v5 =	vmov v9  }
0x4f6: {  	s4 =	sadd.s32 $0x100, s4;
	v3 =	vld [tilespmem:s5+$0x1AAB8];
	[tilespmem:s0+$0x1AAC8] =	vst v7;
	v6 =	vmov v11;
	s0 =	smov.u32 s5  }
0x4f7: {  	v7 =	vld [tilespmem:s0+$0x1AAC8];
	_ =	sdelay $0x1  }
0x4f8: {  	v2 =	vadd.f32 v5, v2  }
0x4f9: {  	v4 =	vadd.f32 v6, v4  }
0x4fa: {  	[tilespmem:s0+$0x1AA98] =	vst v2;
	v1 =	vadd.f32 v1, v3  }
0x4fb: {  	[tilespmem:s0+$0x1AAA8] =	vst v4;
	v0 =	vadd.f32 v0, v7  }
0x4fc: {  	s26 =	simm.s32 $0x0;
	[tilespmem:s0+$0x1AAB8] =	vst v1  }
0x4fd: {  	s4 =	simm.s32 $0x1AA98;
	s5 =	rddreg [dreg:$0x8];
	s28 =	simm.s32 $0x2;
	[tilespmem:s0+$0x1AAC8] =	vst v0  }
0x4fe: {  	[hbm4b:s5+s26] =	stream.linear.scatter [tilespmem:s4], [sflag:$0x2], $0x2000, $0x38;
	[tilespmem:$0x1EA98] =	vst v63  }
0x4ff: {  	_ =	swait.ge [sflag:s28], $0x2000  }
0x500: {  	s29 =	simm.s32 $0x80;
	s6 =	simm.s32 $0x17D18;
	[sflag:s28] =	ssyncset.done $0x0  }
0x501: {  	s7 =	simm.s32 $0x1CA98;
	s30 =	simm.s32 $0x1;
	[sflag:s28] =	ssyncadd.s32 $0xFFFFE000  }
0x502: {  	[tilespmem:s7], [sflag:$0x1] =	stream.indirect.gather [hbm4b:s3+s29], $0x40, s6, s29, $0xb8;
	[tilespmem:$0x1EA98] =	vst v63  }
0x503: {  	_ =	swait.ge [sflag:s30], $0x2000  }
0x504: {  	[sflag:s30] =	ssyncset.done $0x0  }
0x505: {  	s31 =	simm.s32 $0x18118;
	[sflag:s30] =	ssyncadd.s32 $0xFFFFE000  }
0x506: {  	[tilespmem:s4], [sflag:$0x2] =	stream.indirect.gather [spmem:s2], $0x40, s31, s29, $0xb8;
	[tilespmem:$0x1EA98] =	vst v63  }
0x507: {  	_ =	swait.ge [sflag:s28], $0x2000  }
0x508: {  	[sflag:s28] =	ssyncset.done $0x0  }
0x509: {  	s0 =	simm.s32 $0x0;
	[sflag:s28] =	ssyncadd.s32 $0xFFFFE000  }
0x50a: {  	v5 =	vld [tilespmem:s0+$0x1CA98]  }
0x50b: {  	v6 =	vld [tilespmem:s0+$0x1CAA8]  }
0x50c: {  	v1 =	vld [tilespmem:s0+$0x1CAB8]  }
0x50d: {  	v0 =	vld [tilespmem:s0+$0x1CAC8]  }
0x50e: {  	v2 =	vld [tilespmem:s0+$0x1AA98]  }
0x50f: {  	v4 =	vld [tilespmem:s0+$0x1AAA8]  }
0x510: {  	s4 =	simm.s32 $0x100;
	v3 =	vld [tilespmem:s0+$0x1AAB8]  }
.LBB2_16:
0x511: {  	s5 =	sshra.s32 s4, $0x2;
	p0 =	sne.s32 s4, $0x7F00;
	v7 =	vld [tilespmem:s0+$0x1AAC8];
	v8 =	vmov v1  }
0x512: {  	v9 =	vld [tilespmem:s5+$0x1CA98];
	v10 =	vmov v0  }
0x513: {  	v11 =	vld [tilespmem:s5+$0x1CAA8];
	v2 =	vadd.f32 v5, v2  }
.Ltmp8:
0x514: {  	v1 =	vld [tilespmem:s5+$0x1CAB8];
	v4 =	vadd.f32 v6, v4;
	(pc) =	sbr.rel @p0 .LBB2_16-.Ltmp8, $4  }
0x515: {  	v0 =	vld [tilespmem:s5+$0x1CAC8];
	[tilespmem:s0+$0x1AA98] =	vst v2;
	v3 =	vadd.f32 v8, v3  }
0x516: {  	v2 =	vld [tilespmem:s5+$0x1AA98];
	[tilespmem:s0+$0x1AAA8] =	vst v4;
	v7 =	vadd.f32 v10, v7  }
0x517: {  	v4 =	vld [tilespmem:s5+$0x1AAA8];
	[tilespmem:s0+$0x1AAB8] =	vst v3;
	v5 =	vmov v9  }
0x518: {  	s4 =	sadd.s32 $0x100, s4;
	v3 =	vld [tilespmem:s5+$0x1AAB8];
	[tilespmem:s0+$0x1AAC8] =	vst v7;
	v6 =	vmov v11;
	s0 =	smov.u32 s5  }
0x519: {  	v7 =	vld [tilespmem:s0+$0x1AAC8];
	_ =	sdelay $0x1  }
0x51a: {  	v2 =	vadd.f32 v5, v2  }
0x51b: {  	v4 =	vadd.f32 v6, v4  }
0x51c: {  	[tilespmem:s0+$0x1AA98] =	vst v2;
	v1 =	vadd.f32 v1, v3  }
0x51d: {  	[tilespmem:s0+$0x1AAA8] =	vst v4;
	v0 =	vadd.f32 v0, v7  }
0x51e: {  	s26 =	simm.s32 $0x0;
	[tilespmem:s0+$0x1AAB8] =	vst v1  }
0x51f: {  	s4 =	simm.s32 $0x1AA98;
	s5 =	rddreg [dreg:$0x7];
	s28 =	simm.s32 $0x2;
	[tilespmem:s0+$0x1AAC8] =	vst v0  }
0x520: {  	[hbm4b:s5+s26] =	stream.linear.scatter [tilespmem:s4], [sflag:$0x2], $0x2000, $0x38;
	[tilespmem:$0x1EA98] =	vst v63  }
0x521: {  	_ =	swait.ge [sflag:s28], $0x2000  }
0x522: {  	s29 =	simm.s32 $0x80;
	s6 =	simm.s32 $0x17D98;
	[sflag:s28] =	ssyncset.done $0x0  }
0x523: {  	s7 =	simm.s32 $0x1CA98;
	s30 =	simm.s32 $0x1;
	[sflag:s28] =	ssyncadd.s32 $0xFFFFE000  }
0x524: {  	[tilespmem:s7], [sflag:$0x1] =	stream.indirect.gather [hbm4b:s3+s29], $0x40, s6, s29, $0xb8;
	[tilespmem:$0x1EA98] =	vst v63  }
0x525: {  	_ =	swait.ge [sflag:s30], $0x2000  }
0x526: {  	[sflag:s30] =	ssyncset.done $0x0  }
0x527: {  	s31 =	simm.s32 $0x18198;
	[sflag:s30] =	ssyncadd.s32 $0xFFFFE000  }
0x528: {  	[tilespmem:s4], [sflag:$0x2] =	stream.indirect.gather [spmem:s2], $0x40, s31, s29, $0xb8;
	[tilespmem:$0x1EA98] =	vst v63  }
0x529: {  	_ =	swait.ge [sflag:s28], $0x2000  }
0x52a: {  	[sflag:s28] =	ssyncset.done $0x0  }
0x52b: {  	s0 =	simm.s32 $0x0;
	[sflag:s28] =	ssyncadd.s32 $0xFFFFE000  }
0x52c: {  	v5 =	vld [tilespmem:s0+$0x1CA98]  }
0x52d: {  	v6 =	vld [tilespmem:s0+$0x1CAA8]  }
0x52e: {  	v1 =	vld [tilespmem:s0+$0x1CAB8]  }
0x52f: {  	v0 =	vld [tilespmem:s0+$0x1CAC8]  }
0x530: {  	v2 =	vld [tilespmem:s0+$0x1AA98]  }
0x531: {  	v4 =	vld [tilespmem:s0+$0x1AAA8]  }
0x532: {  	s2 =	simm.s32 $0x100;
	v3 =	vld [tilespmem:s0+$0x1AAB8]  }
.LBB2_18:
0x533: {  	s3 =	sshra.s32 s2, $0x2;
	p0 =	sne.s32 s2, $0x7F00;
	v7 =	vld [tilespmem:s0+$0x1AAC8];
	v8 =	vmov v1  }
0x534: {  	v9 =	vld [tilespmem:s3+$0x1CA98];
	v10 =	vmov v0  }
0x535: {  	v11 =	vld [tilespmem:s3+$0x1CAA8];
	v2 =	vadd.f32 v5, v2  }
.Ltmp9:
0x536: {  	v1 =	vld [tilespmem:s3+$0x1CAB8];
	v4 =	vadd.f32 v6, v4;
	(pc) =	sbr.rel @p0 .LBB2_18-.Ltmp9, $4  }
0x537: {  	v0 =	vld [tilespmem:s3+$0x1CAC8];
	[tilespmem:s0+$0x1AA98] =	vst v2;
	v3 =	vadd.f32 v8, v3  }
0x538: {  	v2 =	vld [tilespmem:s3+$0x1AA98];
	[tilespmem:s0+$0x1AAA8] =	vst v4;
	v7 =	vadd.f32 v10, v7  }
0x539: {  	v4 =	vld [tilespmem:s3+$0x1AAA8];
	[tilespmem:s0+$0x1AAB8] =	vst v3;
	v5 =	vmov v9  }
0x53a: {  	s2 =	sadd.s32 $0x100, s2;
	v3 =	vld [tilespmem:s3+$0x1AAB8];
	[tilespmem:s0+$0x1AAC8] =	vst v7;
	v6 =	vmov v11;
	s0 =	smov.u32 s3  }
0x53b: {  	v7 =	vld [tilespmem:s0+$0x1AAC8];
	_ =	sdelay $0x1  }
0x53c: {  	v2 =	vadd.f32 v5, v2  }
0x53d: {  	v4 =	vadd.f32 v6, v4  }
0x53e: {  	[tilespmem:s0+$0x1AA98] =	vst v2;
	v1 =	vadd.f32 v1, v3  }
0x53f: {  	[tilespmem:s0+$0x1AAA8] =	vst v4;
	v0 =	vadd.f32 v0, v7  }
0x540: {  	s30 =	simm.s32 $0x0;
	[tilespmem:s0+$0x1AAB8] =	vst v1  }
0x541: {  	s2 =	simm.s32 $0x1AA98;
	s3 =	rddreg [dreg:$0x6];
	s31 =	simm.s32 $0x2;
	[tilespmem:s0+$0x1AAC8] =	vst v0  }
0x542: {  	[hbm4b:s3+s30] =	stream.linear.scatter [tilespmem:s2], [sflag:$0x2], $0x2000, $0x38;
	[tilespmem:$0x1EA98] =	vst v63  }
0x543: {  	_ =	swait.ge [sflag:s31], $0x2000  }
0x544: {  	[sflag:s31] =	ssyncset.done $0x0  }
0x545: {  	[sflag:s31] =	ssyncadd.s32 $0xFFFFE000  }
0x546: {  	s4 =	rddreg [dreg:$0x5]  }
.LBB2_20:
0x547: {  	_ =	sfence.sel $0x180000  }
0x548: {  	[bflag:$0x0] =	sbarrier.arrive $0xFFFF  }
0x549: {  	p0 =	sne.s32 s1, $0x0;
	_ =	strace $0x90000047  }
0x54a: {  	s0 =	sadd.s32 @!p0 $0x100000, s4;
	[bflag:$0x2] =	sbarrier.arrive $0xFFFF  }
0x54b: {  	[sflag:s0] =	ssyncadd.tile.s32 @!p0 $0x1;
	_ =	shalt  }
.Lfunc_end2:
_tile_overlayer_lowered:
.L_overlay_start_2:
0x54c: {  	(tag) =	ssettag $0x2  }
0x54d: {  	s0 =	rddreg [dreg:$0x0];
	s2 =	stileid.u32  }
0x54e: {  	s1 =	rddreg [dreg:$0x1];
	p0 =	sne.s32 s2, $0x0  }
0x54f: {  	s3 =	rddreg [dreg:$0x2];
	[bflag:$0x3] =	sbarrier.arrive $0xFFFF;
	s2 =	simm.s32 @!p0 $0x1C02  }
0x550: {  	[timem:s3], [sflag:s2] =	dma.local @!p0 [hbm:s0], s1  }
0x551: {  	s0 =	simm.s32 @!p0 $0x2  }
0x552: {  	_ =	swait.ge @!p0 [sflag:s0], s1  }
0x553: {  	s1 =	ssub.s32 @!p0 $0x0, s1;
	[sflag:s0] =	ssyncset.done @!p0 $0x0  }
0x554: {  	[sflag:s0] =	ssyncadd.s32 @!p0 s1  }
0x555: {  	[bflag:$0x3] =	sbarrier.arrive $0xFFFF  }
0x556: {  	_ =	shalt  }

</sc_bundles>
